<compile_context>
chip_gen: v7x
topology: tpu7x:2x2x1
jax: 0.10.2.dev20260603
libtpu: 0.0.44.dev20260713+nightly
codegen_flags: <defaults>
</compile_context>

<pallas_src>
import functools

import jax
import jax.numpy as jnp
from jax import lax
from jax.experimental import pallas as pl
from jax.experimental.pallas import tpu as pltpu
from jax.experimental.pallas import tpu_sc as plsc

_B = 64
_C = 3
_H = 176
_K = 32
_S = 16
_NH = 10
_NW = 10
_N = _NH * _NW
_NT = _C * _NH * 2


def _sc_patchify(x, pe):
    mesh = plsc.VectorSubcoreMesh(core_axis_name="c", subcore_axis_name="s")

    @functools.partial(
        pl.kernel,
        mesh=mesh,
        out_type=jax.ShapeDtypeStruct((_B, _N, _C, 8, 128), jnp.float32),
        scratch_types=[
            pltpu.VMEM((2, _K, _H), jnp.float32),
            pltpu.VMEM((2, _NW, 1, 8, 128), jnp.float32),
            pltpu.VMEM((2, _NW, 1, 8, 128), jnp.float32),
            pltpu.SemaphoreType.DMA((2,)),
            pltpu.SemaphoreType.DMA((2,)),
            pltpu.SemaphoreType.DMA((2,)),
        ],
    )
    def k(x_hbm, pe_hbm, out_hbm, xband, pev, outv, sem_in, sem_pe, sem_out):
        wid = lax.axis_index("s") * 2 + lax.axis_index("c")

        def fire_in(t):
            q = t // 2
            b = 2 * wid + (t % 2)
            ci = q // _NH
            ii = q % _NH
            pltpu.async_copy(
                x_hbm.at[b, ci, pl.ds(_S * ii, _K), :],
                xband.at[t % 2], sem_in.at[t % 2])

        def fire_pe(q):
            ci = q // _NH
            ii = q % _NH
            pltpu.async_copy(
                pe_hbm.at[pl.ds(_NW * ii, _NW), pl.ds(ci, 1)],
                pev.at[q % 2], sem_pe.at[q % 2])

        def wait_in(t):
            pltpu.make_async_copy(
                x_hbm.at[0, 0, pl.ds(0, _K), :],
                xband.at[t % 2], sem_in.at[t % 2]).wait()

        def wait_pe(q):
            pltpu.make_async_copy(
                pe_hbm.at[pl.ds(0, _NW), pl.ds(0, 1)],
                pev.at[q % 2], sem_pe.at[q % 2]).wait()

        def wait_out(t):
            pltpu.make_async_copy(
                outv.at[t % 2],
                out_hbm.at[0, pl.ds(0, _NW), pl.ds(0, 1)],
                sem_out.at[t % 2]).wait()

        fire_pe(0)
        fire_in(0)

        def body(t, carry):
            pl.when(t < _NT - 1)(lambda: fire_in(t + 1))
            pl.when(jnp.logical_and(t % 2 == 1, t < _NT - 1))(
                lambda: fire_pe((t + 1) // 2))
            wait_in(t)
            pl.when(t % 2 == 0)(lambda: wait_pe(t // 2))
            pl.when(t >= 2)(lambda: wait_out(t - 2))

            slot = t % 2
            peslot = (t // 2) % 2

            @plsc.parallel_loop(0, 8, unroll=2)
            def q_body(qq):
                for j in range(_NW):
                    for m in range(8):
                        kh = qq * 4 + (m // 2)
                        half = m % 2
                        outv[slot, j, 0, qq, pl.ds(16 * m, 16)] = (
                            xband[slot, kh, pl.ds(_S * (j + half), _S)]
                            + pev[peslot, j, 0, qq, pl.ds(16 * m, 16)]
                        )

            q = t // 2
            b = 2 * wid + (t % 2)
            ci = q // _NH
            ii = q % _NH
            pltpu.async_copy(
                outv.at[slot],
                out_hbm.at[b, pl.ds(_NW * ii, _NW), pl.ds(ci, 1)],
                sem_out.at[slot])
            return carry

        lax.fori_loop(0, _NT, body, 0)
        wait_out(_NT - 2)
        wait_out(_NT - 1)

    return k(x, pe)


def kernel(x, position_embedding):
    pe = position_embedding.reshape(_N, _C, 8, 128)
    out = _sc_patchify(x, pe)
    return out.reshape(_B, _N, _C, _K, _K)

# --- scband reference (transcript-rebuilt; emitter-appended) ---
"""Pipeline reference for scband-patch-operations-40922448396796 (READ-ONLY COPY).

The authoritative reference and input builder live on the scoring server;
editing this copy changes nothing except your own understanding.
"""

import jax, jax.numpy as jnp
import numpy as np

PATCH = 32
STRIDE = 16

def setup_inputs(seed: int = 0) -> dict:
    key = jax.random.key(seed)
    k1, k2 = jax.random.split(key)
    x = jax.random.normal(k1, (64, 3, 176, 176), dtype=jnp.float32)
    position_embedding = jax.random.normal(k2, (1, 100, PATCH * PATCH * 3), dtype=jnp.float32) * 0.02
    return {"x": x, "position_embedding": position_embedding}

def reference(x, position_embedding):
    # Faithful translation of PatchOperations.patchify (shuffle=False)
    B, C, H, W = x.shape
    k, s = PATCH, STRIDE
    pad_h = (s - (H - k) % s) % s
    pad_w = (s - (W - k) % s) % s
    if pad_h > 0 or pad_w > 0:
        x = jnp.pad(x, ((0, 0), (0, 0), (0, pad_h), (0, pad_w)))
        H, W = x.shape[2], x.shape[3]
    nh = (H - k) // s + 1
    nw = (W - k) // s + 1
    N = nh * nw
    # Overlapping-patch extraction via gather (equivalent to nn.Unfold)
    ii = (jnp.arange(nh) * s)[:, None] + jnp.arange(k)[None, :]  # [nh, k]
    jj = (jnp.arange(nw) * s)[:, None] + jnp.arange(k)[None, :]  # [nw, k]
    p = x[:, :, ii, :]          # [B, C, nh, k, W]
    p = p[:, :, :, :, jj]       # [B, C, nh, k, nw, k]
    # torch Unfold ordering: channel dim flattened as (C, kh, kw), L = nh*nw row-major
    p = jnp.transpose(p, (0, 2, 4, 1, 3, 5)).reshape(B, N, C * k * k)
    if N <= position_embedding.shape[1]:
        p = p + position_embedding[:, :N, :]
    patches = p.reshape(B, N, C, k, k)
    return patches

if __name__ == "__main__":
    import jax
    _d = setup_inputs()
    print(jax.jit(kernel)(*tuple(_d.values())))

</pallas_src>

<mosaic_0001>
#map = affine_map<(d0, d1) -> (0, 0, 0, 0)>
#map1 = affine_map<(d0, d1) -> (0, 0, 0, 0, 0)>
module attributes {stable_mosaic.version = 14 : i64} {
  func.func @k(%arg0: i32, %arg1: i32, %arg2: memref<64x3x176x176xf32, #tpu.memory_space<hbm>>, %arg3: memref<100x3x8x128xf32, #tpu.memory_space<hbm>>, %arg4: memref<64x100x3x8x128xf32, #tpu.memory_space<hbm>>, %arg5: memref<2x32x176xf32, #tpu.memory_space<vmem>>, %arg6: memref<2x10x1x8x128xf32, #tpu.memory_space<vmem>>, %arg7: memref<2x10x1x8x128xf32, #tpu.memory_space<vmem>>, %arg8: memref<2x!tpu.dma_semaphore, #tpu.memory_space<semaphore_mem>>, %arg9: memref<2x!tpu.dma_semaphore, #tpu.memory_space<semaphore_mem>>, %arg10: memref<2x!tpu.dma_semaphore, #tpu.memory_space<semaphore_mem>>) attributes {dimension_semantics = [#tpu.dimension_semantics<core_parallel>, #tpu.dimension_semantics<subcore_parallel>], iteration_bounds = array<i64: 2, 16>, scalar_prefetch = 0 : i64, scratch_operands = 6 : i64, tpu.core_type = #tpu.core_type<sc_vector_subcore>, window_params = [{transform_indices = #map}, {transform_indices = #map}, {transform_indices = #map1}]} {
    %mul3A = arith.constant 2 : i32
    %mul3A_0 = arith.muli %arg1, %mul3A : i32
    %add3A = arith.addi %mul3A_0, %arg0 : i32
    %dma_start3A = arith.constant 0 : i32
    %dma_start3A_1 = arith.constant 0 : i32
    %dma_start3A_2 = arith.constant 0 : i32
    %dma_start3A_3 = arith.constant 0 : i32
    %dma_start3A_4 = arith.constant 0 : i32
    %dma_start3A_5 = arith.constant 0 : i32
    %dma_start3A_6 = tpu.memref_slice %arg6[%dma_start3A, %dma_start3A_2, %dma_start3A_3, %dma_start3A_4, %dma_start3A_5] : memref<2x10x1x8x128xf32, #tpu.memory_space<vmem>> -> memref<1x10x1x8x128xf32, #tpu.memory_space<vmem>>
    %dma_start3A_7 = tpu.memref_squeeze %dma_start3A_6 : memref<1x10x1x8x128xf32, #tpu.memory_space<vmem>> -> memref<10x1x8x128xf32, #tpu.memory_space<vmem>>
    %dma_start3A_8 = arith.constant 0 : i32
    %dma_start3A_9 = arith.constant 0 : i32
    %dma_start3A_10 = arith.constant 0 : i32
    %dma_start3A_11 = arith.constant 0 : i32
    %dma_start3A_12 = tpu.memref_slice %arg3[%dma_start3A_8, %dma_start3A_9, %dma_start3A_10, %dma_start3A_11] : memref<100x3x8x128xf32, #tpu.memory_space<hbm>> -> memref<10x1x8x128xf32, #tpu.memory_space<hbm>>
    %dma_start3A_13 = tpu.memref_slice %arg9[%dma_start3A_1] : memref<2x!tpu.dma_semaphore, #tpu.memory_space<semaphore_mem>> -> memref<1x!tpu.dma_semaphore, #tpu.memory_space<semaphore_mem>>
    %dma_start3A_14 = tpu.memref_squeeze %dma_start3A_13 : memref<1x!tpu.dma_semaphore, #tpu.memory_space<semaphore_mem>> -> memref<!tpu.dma_semaphore, #tpu.memory_space<semaphore_mem>>
    %dma_start3A_15 = arith.constant 0 : i32
    %dma_start3A_16 = arith.constant 0 : i32
    %dma_start3A_17 = arith.constant 0 : i32
    %dma_start3A_18 = arith.constant 0 : i32
    %dma_start3A_19 = tpu.memref_slice %arg6[%dma_start3A, %dma_start3A_15, %dma_start3A_16, %dma_start3A_17, %dma_start3A_18] : memref<2x10x1x8x128xf32, #tpu.memory_space<vmem>> -> memref<1x10x1x8x128xf32, #tpu.memory_space<vmem>>
    %dma_start3A_20 = tpu.memref_squeeze %dma_start3A_19 : memref<1x10x1x8x128xf32, #tpu.memory_space<vmem>> -> memref<10x1x8x128xf32, #tpu.memory_space<vmem>>
    %dma_start3A_21 = arith.constant 0 : i32
    %dma_start3A_22 = arith.constant 0 : i32
    %dma_start3A_23 = arith.constant 0 : i32
    %dma_start3A_24 = arith.constant 0 : i32
    %dma_start3A_25 = tpu.memref_slice %arg3[%dma_start3A_21, %dma_start3A_22, %dma_start3A_23, %dma_start3A_24] : memref<100x3x8x128xf32, #tpu.memory_space<hbm>> -> memref<10x1x8x128xf32, #tpu.memory_space<hbm>>
    tpu.enqueue_dma source(%dma_start3A_25 : memref<10x1x8x128xf32, #tpu.memory_space<hbm>>) target(%dma_start3A_20 : memref<10x1x8x128xf32, #tpu.memory_space<vmem>>) target_semaphore(%dma_start3A_14 : memref<!tpu.dma_semaphore, #tpu.memory_space<semaphore_mem>>)
    %mul3A_26 = arith.constant 2 : i32
    %mul3A_27 = arith.muli %mul3A_26, %add3A : i32
    %add3A_28 = arith.constant 0 : i32
    %add3A_29 = arith.addi %mul3A_27, %add3A_28 : i32
    %dma_start3A_30 = arith.constant 0 : i32
    %dma_start3A_31 = arith.constant 0 : i32
    %dma_start3A_32 = arith.constant 0 : i32
    %dma_start3A_33 = arith.constant 0 : i32
    %dma_start3A_34 = arith.constant 0 : i32
    %dma_start3A_35 = tpu.memref_slice %arg5[%dma_start3A_31, %dma_start3A_33, %dma_start3A_34] : memref<2x32x176xf32, #tpu.memory_space<vmem>> -> memref<1x32x176xf32, #tpu.memory_space<vmem>>
    %dma_start3A_36 = tpu.memref_squeeze %dma_start3A_35 : memref<1x32x176xf32, #tpu.memory_space<vmem>> -> memref<32x176xf32, #tpu.memory_space<vmem>>
    %dma_start3A_37 = arith.constant 0 : i32
    %dma_start3A_38 = arith.constant 0 : i32
    %dma_start3A_39 = tpu.memref_slice %arg2[%add3A_29, %dma_start3A_30, %dma_start3A_37, %dma_start3A_38] : memref<64x3x176x176xf32, #tpu.memory_space<hbm>> -> memref<1x1x32x176xf32, #tpu.memory_space<hbm>>
    %dma_start3A_40 = tpu.memref_squeeze %dma_start3A_39 : memref<1x1x32x176xf32, #tpu.memory_space<hbm>> -> memref<32x176xf32, #tpu.memory_space<hbm>>
    %dma_start3A_41 = tpu.memref_slice %arg8[%dma_start3A_32] : memref<2x!tpu.dma_semaphore, #tpu.memory_space<semaphore_mem>> -> memref<1x!tpu.dma_semaphore, #tpu.memory_space<semaphore_mem>>
    %dma_start3A_42 = tpu.memref_squeeze %dma_start3A_41 : memref<1x!tpu.dma_semaphore, #tpu.memory_space<semaphore_mem>> -> memref<!tpu.dma_semaphore, #tpu.memory_space<semaphore_mem>>
    %dma_start3A_43 = arith.constant 0 : i32
    %dma_start3A_44 = arith.constant 0 : i32
    %dma_start3A_45 = tpu.memref_slice %arg5[%dma_start3A_31, %dma_start3A_43, %dma_start3A_44] : memref<2x32x176xf32, #tpu.memory_space<vmem>> -> memref<1x32x176xf32, #tpu.memory_space<vmem>>
    %dma_start3A_46 = tpu.memref_squeeze %dma_start3A_45 : memref<1x32x176xf32, #tpu.memory_space<vmem>> -> memref<32x176xf32, #tpu.memory_space<vmem>>
    %dma_start3A_47 = arith.constant 0 : i32
    %dma_start3A_48 = arith.constant 0 : i32
    %dma_start3A_49 = tpu.memref_slice %arg2[%add3A_29, %dma_start3A_30, %dma_start3A_47, %dma_start3A_48] : memref<64x3x176x176xf32, #tpu.memory_space<hbm>> -> memref<1x1x32x176xf32, #tpu.memory_space<hbm>>
    %dma_start3A_50 = tpu.memref_squeeze %dma_start3A_49 : memref<1x1x32x176xf32, #tpu.memory_space<hbm>> -> memref<32x176xf32, #tpu.memory_space<hbm>>
    tpu.enqueue_dma source(%dma_start3A_50 : memref<32x176xf32, #tpu.memory_space<hbm>>) target(%dma_start3A_46 : memref<32x176xf32, #tpu.memory_space<vmem>>) target_semaphore(%dma_start3A_42 : memref<!tpu.dma_semaphore, #tpu.memory_space<semaphore_mem>>)
    %scan3A = arith.constant 0 : i32
    %scan3A_51 = arith.constant 0 : i32
    %scan3A_52 = arith.constant 60 : i32
    %scan3A_53 = arith.addi %scan3A_51, %scan3A_52 : i32
    %scan3A_54 = arith.constant 1 : i32
    scf.for %scan3A_113 = %scan3A_51 to %scan3A_53 step %scan3A_54  : i32 {
      %lt3A = arith.constant 59 : i32
      %lt3A_114 = arith.cmpi slt, %scan3A_113, %lt3A : i32
      %convert_element_type3A = arith.extui %lt3A_114 : i1 to i32
      %cond3A = arith.constant 0 : i32
      %cond3A_115 = arith.cmpi ne, %convert_element_type3A, %cond3A : i32
      scf.if %cond3A_115 {
        %add3A_373 = arith.constant 1 : i32
        %add3A_374 = arith.addi %scan3A_113, %add3A_373 : i32
        %jit3A_375 = arith.constant 2 : i32
        %div3A_376 = arith.divsi %add3A_374, %jit3A_375 : i32
        %sign3A_377 = arith.constant 0 : i32
        %sign3A_378 = arith.cmpi sgt, %add3A_374, %sign3A_377 : i32
        %sign3A_379 = arith.extui %sign3A_378 : i1 to i32
        %sign3A_380 = arith.constant 0 : i32
        %sign3A_381 = arith.cmpi slt, %add3A_374, %sign3A_380 : i32
        %sign3A_382 = arith.extui %sign3A_381 : i1 to i32
        %sign3A_383 = arith.subi %sign3A_379, %sign3A_382 : i32
        %sign3A_384 = arith.constant 0 : i32
        %sign3A_385 = arith.cmpi sgt, %jit3A_375, %sign3A_384 : i32
        %sign3A_386 = arith.extui %sign3A_385 : i1 to i32
        %sign3A_387 = arith.constant 0 : i32
        %sign3A_388 = arith.cmpi slt, %jit3A_375, %sign3A_387 : i32
        %sign3A_389 = arith.extui %sign3A_388 : i1 to i32
        %sign3A_390 = arith.subi %sign3A_386, %sign3A_389 : i32
        %ne3A_391 = arith.cmpi ne, %sign3A_383, %sign3A_390 : i32
        %rem3A_392 = arith.remsi %add3A_374, %jit3A_375 : i32
        %ne3A_393 = arith.constant 0 : i32
        %ne3A_394 = arith.cmpi ne, %rem3A_392, %ne3A_393 : i32
        %and3A_395 = arith.andi %ne3A_391, %ne3A_394 : i1
        %sub3A_396 = arith.constant 1 : i32
        %sub3A_397 = arith.subi %div3A_376, %sub3A_396 : i32
        %select_n3A_398 = arith.select %and3A_395, %sub3A_397, %div3A_376 : i32
        %mul3A_399 = arith.constant 2 : i32
        %mul3A_400 = arith.muli %mul3A_399, %add3A : i32
        %jit3A_401 = arith.constant 2 : i32
        %eq3A_402 = arith.constant 0 : i32
        %eq3A_403 = arith.cmpi eq, %jit3A_401, %eq3A_402 : i32
        %jit3A_404 = arith.constant 1 : i32
        %select_n3A_405 = arith.select %eq3A_403, %jit3A_404, %jit3A_401 : i32
        %rem3A_406 = arith.remsi %add3A_374, %select_n3A_405 : i32
        %ne3A_407 = arith.constant 0 : i32
        %ne3A_408 = arith.cmpi ne, %rem3A_406, %ne3A_407 : i32
        %lt3A_409 = arith.constant 0 : i32
        %lt3A_410 = arith.cmpi slt, %rem3A_406, %lt3A_409 : i32
        %lt3A_411 = arith.constant 0 : i32
        %lt3A_412 = arith.cmpi slt, %select_n3A_405, %lt3A_411 : i32
        %ne3A_413 = arith.xori %lt3A_410, %lt3A_412 : i1
        %and3A_414 = arith.andi %ne3A_413, %ne3A_408 : i1
        %add3A_415 = arith.addi %rem3A_406, %select_n3A_405 : i32
        %select_n3A_416 = arith.select %and3A_414, %add3A_415, %rem3A_406 : i32
        %add3A_417 = arith.addi %mul3A_400, %select_n3A_416 : i32
        %jit3A_418 = arith.constant 10 : i32
        %div3A_419 = arith.divsi %select_n3A_398, %jit3A_418 : i32
        %sign3A_420 = arith.constant 0 : i32
        %sign3A_421 = arith.cmpi sgt, %select_n3A_398, %sign3A_420 : i32
        %sign3A_422 = arith.extui %sign3A_421 : i1 to i32
        %sign3A_423 = arith.constant 0 : i32
        %sign3A_424 = arith.cmpi slt, %select_n3A_398, %sign3A_423 : i32
        %sign3A_425 = arith.extui %sign3A_424 : i1 to i32
        %sign3A_426 = arith.subi %sign3A_422, %sign3A_425 : i32
        %sign3A_427 = arith.constant 0 : i32
        %sign3A_428 = arith.cmpi sgt, %jit3A_418, %sign3A_427 : i32
        %sign3A_429 = arith.extui %sign3A_428 : i1 to i32
        %sign3A_430 = arith.constant 0 : i32
        %sign3A_431 = arith.cmpi slt, %jit3A_418, %sign3A_430 : i32
        %sign3A_432 = arith.extui %sign3A_431 : i1 to i32
        %sign3A_433 = arith.subi %sign3A_429, %sign3A_432 : i32
        %ne3A_434 = arith.cmpi ne, %sign3A_426, %sign3A_433 : i32
        %rem3A_435 = arith.remsi %select_n3A_398, %jit3A_418 : i32
        %ne3A_436 = arith.constant 0 : i32
        %ne3A_437 = arith.cmpi ne, %rem3A_435, %ne3A_436 : i32
        %and3A_438 = arith.andi %ne3A_434, %ne3A_437 : i1
        %sub3A_439 = arith.constant 1 : i32
        %sub3A_440 = arith.subi %div3A_419, %sub3A_439 : i32
        %select_n3A_441 = arith.select %and3A_438, %sub3A_440, %div3A_419 : i32
        %jit3A_442 = arith.constant 10 : i32
        %eq3A_443 = arith.constant 0 : i32
        %eq3A_444 = arith.cmpi eq, %jit3A_442, %eq3A_443 : i32
        %jit3A_445 = arith.constant 1 : i32
        %select_n3A_446 = arith.select %eq3A_444, %jit3A_445, %jit3A_442 : i32
        %rem3A_447 = arith.remsi %select_n3A_398, %select_n3A_446 : i32
        %ne3A_448 = arith.constant 0 : i32
        %ne3A_449 = arith.cmpi ne, %rem3A_447, %ne3A_448 : i32
        %lt3A_450 = arith.constant 0 : i32
        %lt3A_451 = arith.cmpi slt, %rem3A_447, %lt3A_450 : i32
        %lt3A_452 = arith.constant 0 : i32
        %lt3A_453 = arith.cmpi slt, %select_n3A_446, %lt3A_452 : i32
        %ne3A_454 = arith.xori %lt3A_451, %lt3A_453 : i1
        %and3A_455 = arith.andi %ne3A_454, %ne3A_449 : i1
        %add3A_456 = arith.addi %rem3A_447, %select_n3A_446 : i32
        %select_n3A_457 = arith.select %and3A_455, %add3A_456, %rem3A_447 : i32
        %mul3A_458 = arith.constant 16 : i32
        %mul3A_459 = arith.muli %mul3A_458, %select_n3A_457 : i32
        %jit3A_460 = arith.constant 2 : i32
        %eq3A_461 = arith.constant 0 : i32
        %eq3A_462 = arith.cmpi eq, %jit3A_460, %eq3A_461 : i32
        %jit3A_463 = arith.constant 1 : i32
        %select_n3A_464 = arith.select %eq3A_462, %jit3A_463, %jit3A_460 : i32
        %rem3A_465 = arith.remsi %add3A_374, %select_n3A_464 : i32
        %ne3A_466 = arith.constant 0 : i32
        %ne3A_467 = arith.cmpi ne, %rem3A_465, %ne3A_466 : i32
        %lt3A_468 = arith.constant 0 : i32
        %lt3A_469 = arith.cmpi slt, %rem3A_465, %lt3A_468 : i32
        %lt3A_470 = arith.constant 0 : i32
        %lt3A_471 = arith.cmpi slt, %select_n3A_464, %lt3A_470 : i32
        %ne3A_472 = arith.xori %lt3A_469, %lt3A_471 : i1
        %and3A_473 = arith.andi %ne3A_472, %ne3A_467 : i1
        %add3A_474 = arith.addi %rem3A_465, %select_n3A_464 : i32
        %select_n3A_475 = arith.select %and3A_473, %add3A_474, %rem3A_465 : i32
        %jit3A_476 = arith.constant 2 : i32
        %eq3A_477 = arith.constant 0 : i32
        %eq3A_478 = arith.cmpi eq, %jit3A_476, %eq3A_477 : i32
        %jit3A_479 = arith.constant 1 : i32
        %select_n3A_480 = arith.select %eq3A_478, %jit3A_479, %jit3A_476 : i32
        %rem3A_481 = arith.remsi %add3A_374, %select_n3A_480 : i32
        %ne3A_482 = arith.constant 0 : i32
        %ne3A_483 = arith.cmpi ne, %rem3A_481, %ne3A_482 : i32
        %lt3A_484 = arith.constant 0 : i32
        %lt3A_485 = arith.cmpi slt, %rem3A_481, %lt3A_484 : i32
        %lt3A_486 = arith.constant 0 : i32
        %lt3A_487 = arith.cmpi slt, %select_n3A_480, %lt3A_486 : i32
        %ne3A_488 = arith.xori %lt3A_485, %lt3A_487 : i1
        %and3A_489 = arith.andi %ne3A_488, %ne3A_483 : i1
        %add3A_490 = arith.addi %rem3A_481, %select_n3A_480 : i32
        %select_n3A_491 = arith.select %and3A_489, %add3A_490, %rem3A_481 : i32
        %dma_start3A_492 = arith.constant 0 : i32
        %dma_start3A_493 = arith.constant 0 : i32
        %dma_start3A_494 = tpu.memref_slice %arg5[%select_n3A_475, %dma_start3A_492, %dma_start3A_493] : memref<2x32x176xf32, #tpu.memory_space<vmem>> -> memref<1x32x176xf32, #tpu.memory_space<vmem>>
        %dma_start3A_495 = tpu.memref_squeeze %dma_start3A_494 : memref<1x32x176xf32, #tpu.memory_space<vmem>> -> memref<32x176xf32, #tpu.memory_space<vmem>>
        %dma_start3A_496 = arith.constant 0 : i32
        %dma_start3A_497 = tpu.memref_slice %arg2[%add3A_417, %select_n3A_441, %mul3A_459, %dma_start3A_496] : memref<64x3x176x176xf32, #tpu.memory_space<hbm>> -> memref<1x1x32x176xf32, #tpu.memory_space<hbm>>
        %dma_start3A_498 = tpu.memref_squeeze %dma_start3A_497 : memref<1x1x32x176xf32, #tpu.memory_space<hbm>> -> memref<32x176xf32, #tpu.memory_space<hbm>>
        %dma_start3A_499 = tpu.memref_slice %arg8[%select_n3A_491] : memref<2x!tpu.dma_semaphore, #tpu.memory_space<semaphore_mem>> -> memref<1x!tpu.dma_semaphore, #tpu.memory_space<semaphore_mem>>
        %dma_start3A_500 = tpu.memref_squeeze %dma_start3A_499 : memref<1x!tpu.dma_semaphore, #tpu.memory_space<semaphore_mem>> -> memref<!tpu.dma_semaphore, #tpu.memory_space<semaphore_mem>>
        %dma_start3A_501 = arith.constant 0 : i32
        %dma_start3A_502 = arith.constant 0 : i32
        %dma_start3A_503 = tpu.memref_slice %arg5[%select_n3A_475, %dma_start3A_501, %dma_start3A_502] : memref<2x32x176xf32, #tpu.memory_space<vmem>> -> memref<1x32x176xf32, #tpu.memory_space<vmem>>
        %dma_start3A_504 = tpu.memref_squeeze %dma_start3A_503 : memref<1x32x176xf32, #tpu.memory_space<vmem>> -> memref<32x176xf32, #tpu.memory_space<vmem>>
        %dma_start3A_505 = arith.constant 0 : i32
        %dma_start3A_506 = tpu.memref_slice %arg2[%add3A_417, %select_n3A_441, %mul3A_459, %dma_start3A_505] : memref<64x3x176x176xf32, #tpu.memory_space<hbm>> -> memref<1x1x32x176xf32, #tpu.memory_space<hbm>>
        %dma_start3A_507 = tpu.memref_squeeze %dma_start3A_506 : memref<1x1x32x176xf32, #tpu.memory_space<hbm>> -> memref<32x176xf32, #tpu.memory_space<hbm>>
        tpu.enqueue_dma source(%dma_start3A_507 : memref<32x176xf32, #tpu.memory_space<hbm>>) target(%dma_start3A_504 : memref<32x176xf32, #tpu.memory_space<vmem>>) target_semaphore(%dma_start3A_500 : memref<!tpu.dma_semaphore, #tpu.memory_space<semaphore_mem>>)
      } else {
      }
      %jit3A = arith.constant 2 : i32
      %eq3A = arith.constant 0 : i32
      %eq3A_116 = arith.cmpi eq, %jit3A, %eq3A : i32
      %jit3A_117 = arith.constant 1 : i32
      %select_n3A = arith.select %eq3A_116, %jit3A_117, %jit3A : i32
      %rem3A = arith.remsi %scan3A_113, %select_n3A : i32
      %ne3A = arith.constant 0 : i32
      %ne3A_118 = arith.cmpi ne, %rem3A, %ne3A : i32
      %lt3A_119 = arith.constant 0 : i32
      %lt3A_120 = arith.cmpi slt, %rem3A, %lt3A_119 : i32
      %lt3A_121 = arith.constant 0 : i32
      %lt3A_122 = arith.cmpi slt, %select_n3A, %lt3A_121 : i32
      %ne3A_123 = arith.xori %lt3A_120, %lt3A_122 : i1
      %and3A = arith.andi %ne3A_123, %ne3A_118 : i1
      %add3A_124 = arith.addi %rem3A, %select_n3A : i32
      %select_n3A_125 = arith.select %and3A, %add3A_124, %rem3A : i32
      %eq3A_126 = arith.constant 1 : i32
      %eq3A_127 = arith.cmpi eq, %select_n3A_125, %eq3A_126 : i32
      %lt3A_128 = arith.constant 59 : i32
      %lt3A_129 = arith.cmpi slt, %scan3A_113, %lt3A_128 : i32
      %and3A_130 = arith.andi %eq3A_127, %lt3A_129 : i1
      %convert_element_type3A_131 = arith.extui %and3A_130 : i1 to i32
      %cond3A_132 = arith.constant 0 : i32
      %cond3A_133 = arith.cmpi ne, %convert_element_type3A_131, %cond3A_132 : i32
      scf.if %cond3A_133 {
        %add3A_373 = arith.constant 1 : i32
        %add3A_374 = arith.addi %scan3A_113, %add3A_373 : i32
        %jit3A_375 = arith.constant 2 : i32
        %div3A_376 = arith.divsi %add3A_374, %jit3A_375 : i32
        %sign3A_377 = arith.constant 0 : i32
        %sign3A_378 = arith.cmpi sgt, %add3A_374, %sign3A_377 : i32
        %sign3A_379 = arith.extui %sign3A_378 : i1 to i32
        %sign3A_380 = arith.constant 0 : i32
        %sign3A_381 = arith.cmpi slt, %add3A_374, %sign3A_380 : i32
        %sign3A_382 = arith.extui %sign3A_381 : i1 to i32
        %sign3A_383 = arith.subi %sign3A_379, %sign3A_382 : i32
        %sign3A_384 = arith.constant 0 : i32
        %sign3A_385 = arith.cmpi sgt, %jit3A_375, %sign3A_384 : i32
        %sign3A_386 = arith.extui %sign3A_385 : i1 to i32
        %sign3A_387 = arith.constant 0 : i32
        %sign3A_388 = arith.cmpi slt, %jit3A_375, %sign3A_387 : i32
        %sign3A_389 = arith.extui %sign3A_388 : i1 to i32
        %sign3A_390 = arith.subi %sign3A_386, %sign3A_389 : i32
        %ne3A_391 = arith.cmpi ne, %sign3A_383, %sign3A_390 : i32
        %rem3A_392 = arith.remsi %add3A_374, %jit3A_375 : i32
        %ne3A_393 = arith.constant 0 : i32
        %ne3A_394 = arith.cmpi ne, %rem3A_392, %ne3A_393 : i32
        %and3A_395 = arith.andi %ne3A_391, %ne3A_394 : i1
        %sub3A_396 = arith.constant 1 : i32
        %sub3A_397 = arith.subi %div3A_376, %sub3A_396 : i32
        %select_n3A_398 = arith.select %and3A_395, %sub3A_397, %div3A_376 : i32
        %jit3A_399 = arith.constant 10 : i32
        %div3A_400 = arith.divsi %select_n3A_398, %jit3A_399 : i32
        %sign3A_401 = arith.constant 0 : i32
        %sign3A_402 = arith.cmpi sgt, %select_n3A_398, %sign3A_401 : i32
        %sign3A_403 = arith.extui %sign3A_402 : i1 to i32
        %sign3A_404 = arith.constant 0 : i32
        %sign3A_405 = arith.cmpi slt, %select_n3A_398, %sign3A_404 : i32
        %sign3A_406 = arith.extui %sign3A_405 : i1 to i32
        %sign3A_407 = arith.subi %sign3A_403, %sign3A_406 : i32
        %sign3A_408 = arith.constant 0 : i32
        %sign3A_409 = arith.cmpi sgt, %jit3A_399, %sign3A_408 : i32
        %sign3A_410 = arith.extui %sign3A_409 : i1 to i32
        %sign3A_411 = arith.constant 0 : i32
        %sign3A_412 = arith.cmpi slt, %jit3A_399, %sign3A_411 : i32
        %sign3A_413 = arith.extui %sign3A_412 : i1 to i32
        %sign3A_414 = arith.subi %sign3A_410, %sign3A_413 : i32
        %ne3A_415 = arith.cmpi ne, %sign3A_407, %sign3A_414 : i32
        %rem3A_416 = arith.remsi %select_n3A_398, %jit3A_399 : i32
        %ne3A_417 = arith.constant 0 : i32
        %ne3A_418 = arith.cmpi ne, %rem3A_416, %ne3A_417 : i32
        %and3A_419 = arith.andi %ne3A_415, %ne3A_418 : i1
        %sub3A_420 = arith.constant 1 : i32
        %sub3A_421 = arith.subi %div3A_400, %sub3A_420 : i32
        %select_n3A_422 = arith.select %and3A_419, %sub3A_421, %div3A_400 : i32
        %jit3A_423 = arith.constant 10 : i32
        %eq3A_424 = arith.constant 0 : i32
        %eq3A_425 = arith.cmpi eq, %jit3A_423, %eq3A_424 : i32
        %jit3A_426 = arith.constant 1 : i32
        %select_n3A_427 = arith.select %eq3A_425, %jit3A_426, %jit3A_423 : i32
        %rem3A_428 = arith.remsi %select_n3A_398, %select_n3A_427 : i32
        %ne3A_429 = arith.constant 0 : i32
        %ne3A_430 = arith.cmpi ne, %rem3A_428, %ne3A_429 : i32
        %lt3A_431 = arith.constant 0 : i32
        %lt3A_432 = arith.cmpi slt, %rem3A_428, %lt3A_431 : i32
        %lt3A_433 = arith.constant 0 : i32
        %lt3A_434 = arith.cmpi slt, %select_n3A_427, %lt3A_433 : i32
        %ne3A_435 = arith.xori %lt3A_432, %lt3A_434 : i1
        %and3A_436 = arith.andi %ne3A_435, %ne3A_430 : i1
        %add3A_437 = arith.addi %rem3A_428, %select_n3A_427 : i32
        %select_n3A_438 = arith.select %and3A_436, %add3A_437, %rem3A_428 : i32
        %mul3A_439 = arith.constant 10 : i32
        %mul3A_440 = arith.muli %mul3A_439, %select_n3A_438 : i32
        %jit3A_441 = arith.constant 2 : i32
        %eq3A_442 = arith.constant 0 : i32
        %eq3A_443 = arith.cmpi eq, %jit3A_441, %eq3A_442 : i32
        %jit3A_444 = arith.constant 1 : i32
        %select_n3A_445 = arith.select %eq3A_443, %jit3A_444, %jit3A_441 : i32
        %rem3A_446 = arith.remsi %select_n3A_398, %select_n3A_445 : i32
        %ne3A_447 = arith.constant 0 : i32
        %ne3A_448 = arith.cmpi ne, %rem3A_446, %ne3A_447 : i32
        %lt3A_449 = arith.constant 0 : i32
        %lt3A_450 = arith.cmpi slt, %rem3A_446, %lt3A_449 : i32
        %lt3A_451 = arith.constant 0 : i32
        %lt3A_452 = arith.cmpi slt, %select_n3A_445, %lt3A_451 : i32
        %ne3A_453 = arith.xori %lt3A_450, %lt3A_452 : i1
        %and3A_454 = arith.andi %ne3A_453, %ne3A_448 : i1
        %add3A_455 = arith.addi %rem3A_446, %select_n3A_445 : i32
        %select_n3A_456 = arith.select %and3A_454, %add3A_455, %rem3A_446 : i32
        %jit3A_457 = arith.constant 2 : i32
        %eq3A_458 = arith.constant 0 : i32
        %eq3A_459 = arith.cmpi eq, %jit3A_457, %eq3A_458 : i32
        %jit3A_460 = arith.constant 1 : i32
        %select_n3A_461 = arith.select %eq3A_459, %jit3A_460, %jit3A_457 : i32
        %rem3A_462 = arith.remsi %select_n3A_398, %select_n3A_461 : i32
        %ne3A_463 = arith.constant 0 : i32
        %ne3A_464 = arith.cmpi ne, %rem3A_462, %ne3A_463 : i32
        %lt3A_465 = arith.constant 0 : i32
        %lt3A_466 = arith.cmpi slt, %rem3A_462, %lt3A_465 : i32
        %lt3A_467 = arith.constant 0 : i32
        %lt3A_468 = arith.cmpi slt, %select_n3A_461, %lt3A_467 : i32
        %ne3A_469 = arith.xori %lt3A_466, %lt3A_468 : i1
        %and3A_470 = arith.andi %ne3A_469, %ne3A_464 : i1
        %add3A_471 = arith.addi %rem3A_462, %select_n3A_461 : i32
        %select_n3A_472 = arith.select %and3A_470, %add3A_471, %rem3A_462 : i32
        %dma_start3A_473 = arith.constant 0 : i32
        %dma_start3A_474 = arith.constant 0 : i32
        %dma_start3A_475 = arith.constant 0 : i32
        %dma_start3A_476 = arith.constant 0 : i32
        %dma_start3A_477 = tpu.memref_slice %arg6[%select_n3A_456, %dma_start3A_473, %dma_start3A_474, %dma_start3A_475, %dma_start3A_476] : memref<2x10x1x8x128xf32, #tpu.memory_space<vmem>> -> memref<1x10x1x8x128xf32, #tpu.memory_space<vmem>>
        %dma_start3A_478 = tpu.memref_squeeze %dma_start3A_477 : memref<1x10x1x8x128xf32, #tpu.memory_space<vmem>> -> memref<10x1x8x128xf32, #tpu.memory_space<vmem>>
        %dma_start3A_479 = arith.constant 0 : i32
        %dma_start3A_480 = arith.constant 0 : i32
        %dma_start3A_481 = tpu.memref_slice %arg3[%mul3A_440, %select_n3A_422, %dma_start3A_479, %dma_start3A_480] : memref<100x3x8x128xf32, #tpu.memory_space<hbm>> -> memref<10x1x8x128xf32, #tpu.memory_space<hbm>>
        %dma_start3A_482 = tpu.memref_slice %arg9[%select_n3A_472] : memref<2x!tpu.dma_semaphore, #tpu.memory_space<semaphore_mem>> -> memref<1x!tpu.dma_semaphore, #tpu.memory_space<semaphore_mem>>
        %dma_start3A_483 = tpu.memref_squeeze %dma_start3A_482 : memref<1x!tpu.dma_semaphore, #tpu.memory_space<semaphore_mem>> -> memref<!tpu.dma_semaphore, #tpu.memory_space<semaphore_mem>>
        %dma_start3A_484 = arith.constant 0 : i32
        %dma_start3A_485 = arith.constant 0 : i32
        %dma_start3A_486 = arith.constant 0 : i32
        %dma_start3A_487 = arith.constant 0 : i32
        %dma_start3A_488 = tpu.memref_slice %arg6[%select_n3A_456, %dma_start3A_484, %dma_start3A_485, %dma_start3A_486, %dma_start3A_487] : memref<2x10x1x8x128xf32, #tpu.memory_space<vmem>> -> memref<1x10x1x8x128xf32, #tpu.memory_space<vmem>>
        %dma_start3A_489 = tpu.memref_squeeze %dma_start3A_488 : memref<1x10x1x8x128xf32, #tpu.memory_space<vmem>> -> memref<10x1x8x128xf32, #tpu.memory_space<vmem>>
        %dma_start3A_490 = arith.constant 0 : i32
        %dma_start3A_491 = arith.constant 0 : i32
        %dma_start3A_492 = tpu.memref_slice %arg3[%mul3A_440, %select_n3A_422, %dma_start3A_490, %dma_start3A_491] : memref<100x3x8x128xf32, #tpu.memory_space<hbm>> -> memref<10x1x8x128xf32, #tpu.memory_space<hbm>>
        tpu.enqueue_dma source(%dma_start3A_492 : memref<10x1x8x128xf32, #tpu.memory_space<hbm>>) target(%dma_start3A_489 : memref<10x1x8x128xf32, #tpu.memory_space<vmem>>) target_semaphore(%dma_start3A_483 : memref<!tpu.dma_semaphore, #tpu.memory_space<semaphore_mem>>)
      } else {
      }
      %jit3A_134 = arith.constant 2 : i32
      %eq3A_135 = arith.constant 0 : i32
      %eq3A_136 = arith.cmpi eq, %jit3A_134, %eq3A_135 : i32
      %jit3A_137 = arith.constant 1 : i32
      %select_n3A_138 = arith.select %eq3A_136, %jit3A_137, %jit3A_134 : i32
      %rem3A_139 = arith.remsi %scan3A_113, %select_n3A_138 : i32
      %ne3A_140 = arith.constant 0 : i32
      %ne3A_141 = arith.cmpi ne, %rem3A_139, %ne3A_140 : i32
      %lt3A_142 = arith.constant 0 : i32
      %lt3A_143 = arith.cmpi slt, %rem3A_139, %lt3A_142 : i32
      %lt3A_144 = arith.constant 0 : i32
      %lt3A_145 = arith.cmpi slt, %select_n3A_138, %lt3A_144 : i32
      %ne3A_146 = arith.xori %lt3A_143, %lt3A_145 : i1
      %and3A_147 = arith.andi %ne3A_146, %ne3A_141 : i1
      %add3A_148 = arith.addi %rem3A_139, %select_n3A_138 : i32
      %select_n3A_149 = arith.select %and3A_147, %add3A_148, %rem3A_139 : i32
      %jit3A_150 = arith.constant 2 : i32
      %eq3A_151 = arith.constant 0 : i32
      %eq3A_152 = arith.cmpi eq, %jit3A_150, %eq3A_151 : i32
      %jit3A_153 = arith.constant 1 : i32
      %select_n3A_154 = arith.select %eq3A_152, %jit3A_153, %jit3A_150 : i32
      %rem3A_155 = arith.remsi %scan3A_113, %select_n3A_154 : i32
      %ne3A_156 = arith.constant 0 : i32
      %ne3A_157 = arith.cmpi ne, %rem3A_155, %ne3A_156 : i32
      %lt3A_158 = arith.constant 0 : i32
      %lt3A_159 = arith.cmpi slt, %rem3A_155, %lt3A_158 : i32
      %lt3A_160 = arith.constant 0 : i32
      %lt3A_161 = arith.cmpi slt, %select_n3A_154, %lt3A_160 : i32
      %ne3A_162 = arith.xori %lt3A_159, %lt3A_161 : i1
      %and3A_163 = arith.andi %ne3A_162, %ne3A_157 : i1
      %add3A_164 = arith.addi %rem3A_155, %select_n3A_154 : i32
      %select_n3A_165 = arith.select %and3A_163, %add3A_164, %rem3A_155 : i32
      %dma_wait3A_166 = arith.constant 0 : i32
      %dma_wait3A_167 = arith.constant 0 : i32
      %dma_wait3A_168 = arith.constant 0 : i32
      %dma_wait3A_169 = arith.constant 0 : i32
      %dma_wait3A_170 = tpu.memref_slice %arg5[%select_n3A_149, %dma_wait3A_168, %dma_wait3A_169] : memref<2x32x176xf32, #tpu.memory_space<vmem>> -> memref<1x32x176xf32, #tpu.memory_space<vmem>>
      %dma_wait3A_171 = tpu.memref_squeeze %dma_wait3A_170 : memref<1x32x176xf32, #tpu.memory_space<vmem>> -> memref<32x176xf32, #tpu.memory_space<vmem>>
      %dma_wait3A_172 = arith.constant 0 : i32
      %dma_wait3A_173 = arith.constant 0 : i32
      %dma_wait3A_174 = tpu.memref_slice %arg2[%dma_wait3A_166, %dma_wait3A_167, %dma_wait3A_172, %dma_wait3A_173] : memref<64x3x176x176xf32, #tpu.memory_space<hbm>> -> memref<1x1x32x176xf32, #tpu.memory_space<hbm>>
      %dma_wait3A_175 = tpu.memref_squeeze %dma_wait3A_174 : memref<1x1x32x176xf32, #tpu.memory_space<hbm>> -> memref<32x176xf32, #tpu.memory_space<hbm>>
      %dma_wait3A_176 = tpu.memref_slice %arg8[%select_n3A_165] : memref<2x!tpu.dma_semaphore, #tpu.memory_space<semaphore_mem>> -> memref<1x!tpu.dma_semaphore, #tpu.memory_space<semaphore_mem>>
      %dma_wait3A_177 = tpu.memref_squeeze %dma_wait3A_176 : memref<1x!tpu.dma_semaphore, #tpu.memory_space<semaphore_mem>> -> memref<!tpu.dma_semaphore, #tpu.memory_space<semaphore_mem>>
      %dma_wait3A_178 = arith.constant 0 : i32
      %dma_wait3A_179 = arith.constant 0 : i32
      %dma_wait3A_180 = tpu.memref_slice %arg5[%select_n3A_149, %dma_wait3A_178, %dma_wait3A_179] : memref<2x32x176xf32, #tpu.memory_space<vmem>> -> memref<1x32x176xf32, #tpu.memory_space<vmem>>
      %dma_wait3A_181 = tpu.memref_squeeze %dma_wait3A_180 : memref<1x32x176xf32, #tpu.memory_space<vmem>> -> memref<32x176xf32, #tpu.memory_space<vmem>>
      %dma_wait3A_182 = arith.constant 0 : i32
      %dma_wait3A_183 = arith.constant 0 : i32
      %dma_wait3A_184 = tpu.memref_slice %arg2[%dma_wait3A_166, %dma_wait3A_167, %dma_wait3A_182, %dma_wait3A_183] : memref<64x3x176x176xf32, #tpu.memory_space<hbm>> -> memref<1x1x32x176xf32, #tpu.memory_space<hbm>>
      %dma_wait3A_185 = tpu.memref_squeeze %dma_wait3A_184 : memref<1x1x32x176xf32, #tpu.memory_space<hbm>> -> memref<32x176xf32, #tpu.memory_space<hbm>>
      tpu.wait_dma2 semaphore(%dma_wait3A_177 : memref<!tpu.dma_semaphore, #tpu.memory_space<semaphore_mem>>) src(%dma_wait3A_185 : memref<32x176xf32, #tpu.memory_space<hbm>>) dst(%dma_wait3A_181 : memref<32x176xf32, #tpu.memory_space<vmem>>)
      %jit3A_186 = arith.constant 2 : i32
      %eq3A_187 = arith.constant 0 : i32
      %eq3A_188 = arith.cmpi eq, %jit3A_186, %eq3A_187 : i32
      %jit3A_189 = arith.constant 1 : i32
      %select_n3A_190 = arith.select %eq3A_188, %jit3A_189, %jit3A_186 : i32
      %rem3A_191 = arith.remsi %scan3A_113, %select_n3A_190 : i32
      %ne3A_192 = arith.constant 0 : i32
      %ne3A_193 = arith.cmpi ne, %rem3A_191, %ne3A_192 : i32
      %lt3A_194 = arith.constant 0 : i32
      %lt3A_195 = arith.cmpi slt, %rem3A_191, %lt3A_194 : i32
      %lt3A_196 = arith.constant 0 : i32
      %lt3A_197 = arith.cmpi slt, %select_n3A_190, %lt3A_196 : i32
      %ne3A_198 = arith.xori %lt3A_195, %lt3A_197 : i1
      %and3A_199 = arith.andi %ne3A_198, %ne3A_193 : i1
      %add3A_200 = arith.addi %rem3A_191, %select_n3A_190 : i32
      %select_n3A_201 = arith.select %and3A_199, %add3A_200, %rem3A_191 : i32
      %eq3A_202 = arith.constant 0 : i32
      %eq3A_203 = arith.cmpi eq, %select_n3A_201, %eq3A_202 : i32
      %convert_element_type3A_204 = arith.extui %eq3A_203 : i1 to i32
      %cond3A_205 = arith.constant 0 : i32
      %cond3A_206 = arith.cmpi ne, %convert_element_type3A_204, %cond3A_205 : i32
      scf.if %cond3A_206 {
        %jit3A_373 = arith.constant 2 : i32
        %div3A_374 = arith.divsi %scan3A_113, %jit3A_373 : i32
        %sign3A_375 = arith.constant 0 : i32
        %sign3A_376 = arith.cmpi sgt, %scan3A_113, %sign3A_375 : i32
        %sign3A_377 = arith.extui %sign3A_376 : i1 to i32
        %sign3A_378 = arith.constant 0 : i32
        %sign3A_379 = arith.cmpi slt, %scan3A_113, %sign3A_378 : i32
        %sign3A_380 = arith.extui %sign3A_379 : i1 to i32
        %sign3A_381 = arith.subi %sign3A_377, %sign3A_380 : i32
        %sign3A_382 = arith.constant 0 : i32
        %sign3A_383 = arith.cmpi sgt, %jit3A_373, %sign3A_382 : i32
        %sign3A_384 = arith.extui %sign3A_383 : i1 to i32
        %sign3A_385 = arith.constant 0 : i32
        %sign3A_386 = arith.cmpi slt, %jit3A_373, %sign3A_385 : i32
        %sign3A_387 = arith.extui %sign3A_386 : i1 to i32
        %sign3A_388 = arith.subi %sign3A_384, %sign3A_387 : i32
        %ne3A_389 = arith.cmpi ne, %sign3A_381, %sign3A_388 : i32
        %rem3A_390 = arith.remsi %scan3A_113, %jit3A_373 : i32
        %ne3A_391 = arith.constant 0 : i32
        %ne3A_392 = arith.cmpi ne, %rem3A_390, %ne3A_391 : i32
        %and3A_393 = arith.andi %ne3A_389, %ne3A_392 : i1
        %sub3A_394 = arith.constant 1 : i32
        %sub3A_395 = arith.subi %div3A_374, %sub3A_394 : i32
        %select_n3A_396 = arith.select %and3A_393, %sub3A_395, %div3A_374 : i32
        %jit3A_397 = arith.constant 2 : i32
        %eq3A_398 = arith.constant 0 : i32
        %eq3A_399 = arith.cmpi eq, %jit3A_397, %eq3A_398 : i32
        %jit3A_400 = arith.constant 1 : i32
        %select_n3A_401 = arith.select %eq3A_399, %jit3A_400, %jit3A_397 : i32
        %rem3A_402 = arith.remsi %select_n3A_396, %select_n3A_401 : i32
        %ne3A_403 = arith.constant 0 : i32
        %ne3A_404 = arith.cmpi ne, %rem3A_402, %ne3A_403 : i32
        %lt3A_405 = arith.constant 0 : i32
        %lt3A_406 = arith.cmpi slt, %rem3A_402, %lt3A_405 : i32
        %lt3A_407 = arith.constant 0 : i32
        %lt3A_408 = arith.cmpi slt, %select_n3A_401, %lt3A_407 : i32
        %ne3A_409 = arith.xori %lt3A_406, %lt3A_408 : i1
        %and3A_410 = arith.andi %ne3A_409, %ne3A_404 : i1
        %add3A_411 = arith.addi %rem3A_402, %select_n3A_401 : i32
        %select_n3A_412 = arith.select %and3A_410, %add3A_411, %rem3A_402 : i32
        %jit3A_413 = arith.constant 2 : i32
        %eq3A_414 = arith.constant 0 : i32
        %eq3A_415 = arith.cmpi eq, %jit3A_413, %eq3A_414 : i32
        %jit3A_416 = arith.constant 1 : i32
        %select_n3A_417 = arith.select %eq3A_415, %jit3A_416, %jit3A_413 : i32
        %rem3A_418 = arith.remsi %select_n3A_396, %select_n3A_417 : i32
        %ne3A_419 = arith.constant 0 : i32
        %ne3A_420 = arith.cmpi ne, %rem3A_418, %ne3A_419 : i32
        %lt3A_421 = arith.constant 0 : i32
        %lt3A_422 = arith.cmpi slt, %rem3A_418, %lt3A_421 : i32
        %lt3A_423 = arith.constant 0 : i32
        %lt3A_424 = arith.cmpi slt, %select_n3A_417, %lt3A_423 : i32
        %ne3A_425 = arith.xori %lt3A_422, %lt3A_424 : i1
        %and3A_426 = arith.andi %ne3A_425, %ne3A_420 : i1
        %add3A_427 = arith.addi %rem3A_418, %select_n3A_417 : i32
        %select_n3A_428 = arith.select %and3A_426, %add3A_427, %rem3A_418 : i32
        %dma_wait3A_429 = arith.constant 0 : i32
        %dma_wait3A_430 = arith.constant 0 : i32
        %dma_wait3A_431 = arith.constant 0 : i32
        %dma_wait3A_432 = arith.constant 0 : i32
        %dma_wait3A_433 = tpu.memref_slice %arg6[%select_n3A_412, %dma_wait3A_429, %dma_wait3A_430, %dma_wait3A_431, %dma_wait3A_432] : memref<2x10x1x8x128xf32, #tpu.memory_space<vmem>> -> memref<1x10x1x8x128xf32, #tpu.memory_space<vmem>>
        %dma_wait3A_434 = tpu.memref_squeeze %dma_wait3A_433 : memref<1x10x1x8x128xf32, #tpu.memory_space<vmem>> -> memref<10x1x8x128xf32, #tpu.memory_space<vmem>>
        %dma_wait3A_435 = arith.constant 0 : i32
        %dma_wait3A_436 = arith.constant 0 : i32
        %dma_wait3A_437 = arith.constant 0 : i32
        %dma_wait3A_438 = arith.constant 0 : i32
        %dma_wait3A_439 = tpu.memref_slice %arg3[%dma_wait3A_435, %dma_wait3A_436, %dma_wait3A_437, %dma_wait3A_438] : memref<100x3x8x128xf32, #tpu.memory_space<hbm>> -> memref<10x1x8x128xf32, #tpu.memory_space<hbm>>
        %dma_wait3A_440 = tpu.memref_slice %arg9[%select_n3A_428] : memref<2x!tpu.dma_semaphore, #tpu.memory_space<semaphore_mem>> -> memref<1x!tpu.dma_semaphore, #tpu.memory_space<semaphore_mem>>
        %dma_wait3A_441 = tpu.memref_squeeze %dma_wait3A_440 : memref<1x!tpu.dma_semaphore, #tpu.memory_space<semaphore_mem>> -> memref<!tpu.dma_semaphore, #tpu.memory_space<semaphore_mem>>
        %dma_wait3A_442 = arith.constant 0 : i32
        %dma_wait3A_443 = arith.constant 0 : i32
        %dma_wait3A_444 = arith.constant 0 : i32
        %dma_wait3A_445 = arith.constant 0 : i32
        %dma_wait3A_446 = tpu.memref_slice %arg6[%select_n3A_412, %dma_wait3A_442, %dma_wait3A_443, %dma_wait3A_444, %dma_wait3A_445] : memref<2x10x1x8x128xf32, #tpu.memory_space<vmem>> -> memref<1x10x1x8x128xf32, #tpu.memory_space<vmem>>
        %dma_wait3A_447 = tpu.memref_squeeze %dma_wait3A_446 : memref<1x10x1x8x128xf32, #tpu.memory_space<vmem>> -> memref<10x1x8x128xf32, #tpu.memory_space<vmem>>
        %dma_wait3A_448 = arith.constant 0 : i32
        %dma_wait3A_449 = arith.constant 0 : i32
        %dma_wait3A_450 = arith.constant 0 : i32
        %dma_wait3A_451 = arith.constant 0 : i32
        %dma_wait3A_452 = tpu.memref_slice %arg3[%dma_wait3A_448, %dma_wait3A_449, %dma_wait3A_450, %dma_wait3A_451] : memref<100x3x8x128xf32, #tpu.memory_space<hbm>> -> memref<10x1x8x128xf32, #tpu.memory_space<hbm>>
        tpu.wait_dma2 semaphore(%dma_wait3A_441 : memref<!tpu.dma_semaphore, #tpu.memory_space<semaphore_mem>>) src(%dma_wait3A_452 : memref<10x1x8x128xf32, #tpu.memory_space<hbm>>) dst(%dma_wait3A_447 : memref<10x1x8x128xf32, #tpu.memory_space<vmem>>)
      } else {
      }
      %ge3A = arith.constant 2 : i32
      %ge3A_207 = arith.cmpi sge, %scan3A_113, %ge3A : i32
      %convert_element_type3A_208 = arith.extui %ge3A_207 : i1 to i32
      %cond3A_209 = arith.constant 0 : i32
      %cond3A_210 = arith.cmpi ne, %convert_element_type3A_208, %cond3A_209 : i32
      scf.if %cond3A_210 {
        %sub3A_373 = arith.constant 2 : i32
        %sub3A_374 = arith.subi %scan3A_113, %sub3A_373 : i32
        %jit3A_375 = arith.constant 2 : i32
        %eq3A_376 = arith.constant 0 : i32
        %eq3A_377 = arith.cmpi eq, %jit3A_375, %eq3A_376 : i32
        %jit3A_378 = arith.constant 1 : i32
        %select_n3A_379 = arith.select %eq3A_377, %jit3A_378, %jit3A_375 : i32
        %rem3A_380 = arith.remsi %sub3A_374, %select_n3A_379 : i32
        %ne3A_381 = arith.constant 0 : i32
        %ne3A_382 = arith.cmpi ne, %rem3A_380, %ne3A_381 : i32
        %lt3A_383 = arith.constant 0 : i32
        %lt3A_384 = arith.cmpi slt, %rem3A_380, %lt3A_383 : i32
        %lt3A_385 = arith.constant 0 : i32
        %lt3A_386 = arith.cmpi slt, %select_n3A_379, %lt3A_385 : i32
        %ne3A_387 = arith.xori %lt3A_384, %lt3A_386 : i1
        %and3A_388 = arith.andi %ne3A_387, %ne3A_382 : i1
        %add3A_389 = arith.addi %rem3A_380, %select_n3A_379 : i32
        %select_n3A_390 = arith.select %and3A_388, %add3A_389, %rem3A_380 : i32
        %jit3A_391 = arith.constant 2 : i32
        %eq3A_392 = arith.constant 0 : i32
        %eq3A_393 = arith.cmpi eq, %jit3A_391, %eq3A_392 : i32
        %jit3A_394 = arith.constant 1 : i32
        %select_n3A_395 = arith.select %eq3A_393, %jit3A_394, %jit3A_391 : i32
        %rem3A_396 = arith.remsi %sub3A_374, %select_n3A_395 : i32
        %ne3A_397 = arith.constant 0 : i32
        %ne3A_398 = arith.cmpi ne, %rem3A_396, %ne3A_397 : i32
        %lt3A_399 = arith.constant 0 : i32
        %lt3A_400 = arith.cmpi slt, %rem3A_396, %lt3A_399 : i32
        %lt3A_401 = arith.constant 0 : i32
        %lt3A_402 = arith.cmpi slt, %select_n3A_395, %lt3A_401 : i32
        %ne3A_403 = arith.xori %lt3A_400, %lt3A_402 : i1
        %and3A_404 = arith.andi %ne3A_403, %ne3A_398 : i1
        %add3A_405 = arith.addi %rem3A_396, %select_n3A_395 : i32
        %select_n3A_406 = arith.select %and3A_404, %add3A_405, %rem3A_396 : i32
        %dma_wait3A_407 = arith.constant 0 : i32
        %dma_wait3A_408 = arith.constant 0 : i32
        %dma_wait3A_409 = arith.constant 0 : i32
        %dma_wait3A_410 = arith.constant 0 : i32
        %dma_wait3A_411 = arith.constant 0 : i32
        %dma_wait3A_412 = tpu.memref_slice %arg7[%select_n3A_390, %dma_wait3A_408, %dma_wait3A_409, %dma_wait3A_410, %dma_wait3A_411] : memref<2x10x1x8x128xf32, #tpu.memory_space<vmem>> -> memref<1x10x1x8x128xf32, #tpu.memory_space<vmem>>
        %dma_wait3A_413 = tpu.memref_squeeze %dma_wait3A_412 : memref<1x10x1x8x128xf32, #tpu.memory_space<vmem>> -> memref<10x1x8x128xf32, #tpu.memory_space<vmem>>
        %dma_wait3A_414 = arith.constant 0 : i32
        %dma_wait3A_415 = arith.constant 0 : i32
        %dma_wait3A_416 = arith.constant 0 : i32
        %dma_wait3A_417 = arith.constant 0 : i32
        %dma_wait3A_418 = tpu.memref_slice %arg4[%dma_wait3A_407, %dma_wait3A_414, %dma_wait3A_415, %dma_wait3A_416, %dma_wait3A_417] : memref<64x100x3x8x128xf32, #tpu.memory_space<hbm>> -> memref<1x10x1x8x128xf32, #tpu.memory_space<hbm>>
        %dma_wait3A_419 = tpu.memref_squeeze %dma_wait3A_418 : memref<1x10x1x8x128xf32, #tpu.memory_space<hbm>> -> memref<10x1x8x128xf32, #tpu.memory_space<hbm>>
        %dma_wait3A_420 = tpu.memref_slice %arg10[%select_n3A_406] : memref<2x!tpu.dma_semaphore, #tpu.memory_space<semaphore_mem>> -> memref<1x!tpu.dma_semaphore, #tpu.memory_space<semaphore_mem>>
        %dma_wait3A_421 = tpu.memref_squeeze %dma_wait3A_420 : memref<1x!tpu.dma_semaphore, #tpu.memory_space<semaphore_mem>> -> memref<!tpu.dma_semaphore, #tpu.memory_space<semaphore_mem>>
        %dma_wait3A_422 = arith.constant 0 : i32
        %dma_wait3A_423 = arith.constant 0 : i32
        %dma_wait3A_424 = arith.constant 0 : i32
        %dma_wait3A_425 = arith.constant 0 : i32
        %dma_wait3A_426 = tpu.memref_slice %arg4[%dma_wait3A_407, %dma_wait3A_422, %dma_wait3A_423, %dma_wait3A_424, %dma_wait3A_425] : memref<64x100x3x8x128xf32, #tpu.memory_space<hbm>> -> memref<1x10x1x8x128xf32, #tpu.memory_space<hbm>>
        %dma_wait3A_427 = tpu.memref_squeeze %dma_wait3A_426 : memref<1x10x1x8x128xf32, #tpu.memory_space<hbm>> -> memref<10x1x8x128xf32, #tpu.memory_space<hbm>>
        %dma_wait3A_428 = arith.constant 0 : i32
        %dma_wait3A_429 = arith.constant 0 : i32
        %dma_wait3A_430 = arith.constant 0 : i32
        %dma_wait3A_431 = arith.constant 0 : i32
        %dma_wait3A_432 = tpu.memref_slice %arg7[%select_n3A_390, %dma_wait3A_428, %dma_wait3A_429, %dma_wait3A_430, %dma_wait3A_431] : memref<2x10x1x8x128xf32, #tpu.memory_space<vmem>> -> memref<1x10x1x8x128xf32, #tpu.memory_space<vmem>>
        %dma_wait3A_433 = tpu.memref_squeeze %dma_wait3A_432 : memref<1x10x1x8x128xf32, #tpu.memory_space<vmem>> -> memref<10x1x8x128xf32, #tpu.memory_space<vmem>>
        tpu.wait_dma2 semaphore(%dma_wait3A_421 : memref<!tpu.dma_semaphore, #tpu.memory_space<semaphore_mem>>) src(%dma_wait3A_433 : memref<10x1x8x128xf32, #tpu.memory_space<vmem>>) dst(%dma_wait3A_427 : memref<10x1x8x128xf32, #tpu.memory_space<hbm>>)
      } else {
      }
      %jit3A_211 = arith.constant 2 : i32
      %eq3A_212 = arith.constant 0 : i32
      %eq3A_213 = arith.cmpi eq, %jit3A_211, %eq3A_212 : i32
      %jit3A_214 = arith.constant 1 : i32
      %select_n3A_215 = arith.select %eq3A_213, %jit3A_214, %jit3A_211 : i32
      %rem3A_216 = arith.remsi %scan3A_113, %select_n3A_215 : i32
      %ne3A_217 = arith.constant 0 : i32
      %ne3A_218 = arith.cmpi ne, %rem3A_216, %ne3A_217 : i32
      %lt3A_219 = arith.constant 0 : i32
      %lt3A_220 = arith.cmpi slt, %rem3A_216, %lt3A_219 : i32
      %lt3A_221 = arith.constant 0 : i32
      %lt3A_222 = arith.cmpi slt, %select_n3A_215, %lt3A_221 : i32
      %ne3A_223 = arith.xori %lt3A_220, %lt3A_222 : i1
      %and3A_224 = arith.andi %ne3A_223, %ne3A_218 : i1
      %add3A_225 = arith.addi %rem3A_216, %select_n3A_215 : i32
      %select_n3A_226 = arith.select %and3A_224, %add3A_225, %rem3A_216 : i32
      %jit3A_227 = arith.constant 2 : i32
      %div3A = arith.divsi %scan3A_113, %jit3A_227 : i32
      %sign3A = arith.constant 0 : i32
      %sign3A_228 = arith.cmpi sgt, %scan3A_113, %sign3A : i32
      %sign3A_229 = arith.extui %sign3A_228 : i1 to i32
      %sign3A_230 = arith.constant 0 : i32
      %sign3A_231 = arith.cmpi slt, %scan3A_113, %sign3A_230 : i32
      %sign3A_232 = arith.extui %sign3A_231 : i1 to i32
      %sign3A_233 = arith.subi %sign3A_229, %sign3A_232 : i32
      %sign3A_234 = arith.constant 0 : i32
      %sign3A_235 = arith.cmpi sgt, %jit3A_227, %sign3A_234 : i32
      %sign3A_236 = arith.extui %sign3A_235 : i1 to i32
      %sign3A_237 = arith.constant 0 : i32
      %sign3A_238 = arith.cmpi slt, %jit3A_227, %sign3A_237 : i32
      %sign3A_239 = arith.extui %sign3A_238 : i1 to i32
      %sign3A_240 = arith.subi %sign3A_236, %sign3A_239 : i32
      %ne3A_241 = arith.cmpi ne, %sign3A_233, %sign3A_240 : i32
      %rem3A_242 = arith.remsi %scan3A_113, %jit3A_227 : i32
      %ne3A_243 = arith.constant 0 : i32
      %ne3A_244 = arith.cmpi ne, %rem3A_242, %ne3A_243 : i32
      %and3A_245 = arith.andi %ne3A_241, %ne3A_244 : i1
      %sub3A = arith.constant 1 : i32
      %sub3A_246 = arith.subi %div3A, %sub3A : i32
      %select_n3A_247 = arith.select %and3A_245, %sub3A_246, %div3A : i32
      %jit3A_248 = arith.constant 2 : i32
      %eq3A_249 = arith.constant 0 : i32
      %eq3A_250 = arith.cmpi eq, %jit3A_248, %eq3A_249 : i32
      %jit3A_251 = arith.constant 1 : i32
      %select_n3A_252 = arith.select %eq3A_250, %jit3A_251, %jit3A_248 : i32
      %rem3A_253 = arith.remsi %select_n3A_247, %select_n3A_252 : i32
      %ne3A_254 = arith.constant 0 : i32
      %ne3A_255 = arith.cmpi ne, %rem3A_253, %ne3A_254 : i32
      %lt3A_256 = arith.constant 0 : i32
      %lt3A_257 = arith.cmpi slt, %rem3A_253, %lt3A_256 : i32
      %lt3A_258 = arith.constant 0 : i32
      %lt3A_259 = arith.cmpi slt, %select_n3A_252, %lt3A_258 : i32
      %ne3A_260 = arith.xori %lt3A_257, %lt3A_259 : i1
      %and3A_261 = arith.andi %ne3A_260, %ne3A_255 : i1
      %add3A_262 = arith.addi %rem3A_253, %select_n3A_252 : i32
      %select_n3A_263 = arith.select %and3A_261, %add3A_262, %rem3A_253 : i32
      %parallel_loop3A = arith.constant 0 : i32
      %parallel_loop3A_264 = arith.constant 8 : i32
      %parallel_loop3A_265 = arith.constant 1 : i32
      scf.for %parallel_loop3A_373 = %parallel_loop3A to %parallel_loop3A_264 step %parallel_loop3A_265  : i32 {
        %parallel_loop3A_374 = arith.constant 4 : i32
        %parallel_loop3A_375 = arith.muli %parallel_loop3A_373, %parallel_loop3A_374 : i32
        %parallel_loop3A_376 = arith.constant 0 : i32
        %parallel_loop3A_377 = arith.addi %parallel_loop3A_375, %parallel_loop3A_376 : i32
        %parallel_loop3A_378 = arith.index_cast %select_n3A_226 : i32 to index
        %parallel_loop3A_379 = arith.index_cast %parallel_loop3A_377 : i32 to index
        %parallel_loop3A_380 = arith.constant 0 : index
        %parallel_loop3A_381 = tpu.vector_load %arg5[%parallel_loop3A_378, %parallel_loop3A_379, %parallel_loop3A_380] {strides = array<i32>} : memref<2x32x176xf32, #tpu.memory_space<vmem>>, vector<1x1x16xf32>,
        %parallel_loop3A_382 = vector.shape_cast %parallel_loop3A_381 : vector<1x1x16xf32> to vector<16xf32>
        %parallel_loop3A_383 = arith.constant 0 : i32
        %parallel_loop3A_384 = arith.constant 0 : i32
        %parallel_loop3A_385 = arith.index_cast %select_n3A_263 : i32 to index
        %parallel_loop3A_386 = arith.index_cast %parallel_loop3A_383 : i32 to index
        %parallel_loop3A_387 = arith.index_cast %parallel_loop3A_384 : i32 to index
        %parallel_loop3A_388 = arith.index_cast %parallel_loop3A_373 : i32 to index
        %parallel_loop3A_389 = arith.constant 0 : index
        %parallel_loop3A_390 = tpu.vector_load %arg6[%parallel_loop3A_385, %parallel_loop3A_386, %parallel_loop3A_387, %parallel_loop3A_388, %parallel_loop3A_389] {strides = array<i32>} : memref<2x10x1x8x128xf32, #tpu.memory_space<vmem>>, vector<1x1x1x1x16xf32>,
        %parallel_loop3A_391 = vector.shape_cast %parallel_loop3A_390 : vector<1x1x1x1x16xf32> to vector<16xf32>
        %parallel_loop3A_392 = arith.addf %parallel_loop3A_382, %parallel_loop3A_391 : vector<16xf32>
        %parallel_loop3A_393 = arith.constant 0 : i32
        %parallel_loop3A_394 = arith.constant 0 : i32
        %parallel_loop3A_395 = arith.index_cast %select_n3A_226 : i32 to index
        %parallel_loop3A_396 = arith.index_cast %parallel_loop3A_393 : i32 to index
        %parallel_loop3A_397 = arith.index_cast %parallel_loop3A_394 : i32 to index
        %parallel_loop3A_398 = arith.index_cast %parallel_loop3A_373 : i32 to index
        %parallel_loop3A_399 = arith.constant 0 : index
        %parallel_loop3A_400 = tpu.vector_load %arg7[%parallel_loop3A_395, %parallel_loop3A_396, %parallel_loop3A_397, %parallel_loop3A_398, %parallel_loop3A_399] {strides = array<i32>} : memref<2x10x1x8x128xf32, #tpu.memory_space<vmem>>, vector<1x1x1x1x16xf32>,
        %parallel_loop3A_401 = vector.shape_cast %parallel_loop3A_400 : vector<1x1x1x1x16xf32> to vector<16xf32>
        %parallel_loop3A_402 = vector.shape_cast %parallel_loop3A_392 : vector<16xf32> to vector<1x1x1x1x16xf32>
        tpu.vector_store %arg7[%parallel_loop3A_395, %parallel_loop3A_396, %parallel_loop3A_397, %parallel_loop3A_398, %parallel_loop3A_399], %parallel_loop3A_402 {strides = array<i32>} : memref<2x10x1x8x128xf32, #tpu.memory_space<vmem>>, vector<1x1x1x1x16xf32>,
        %parallel_loop3A_403 = arith.constant 4 : i32
        %parallel_loop3A_404 = arith.muli %parallel_loop3A_373, %parallel_loop3A_403 : i32
        %parallel_loop3A_405 = arith.constant 0 : i32
        %parallel_loop3A_406 = arith.addi %parallel_loop3A_404, %parallel_loop3A_405 : i32
        %parallel_loop3A_407 = arith.index_cast %select_n3A_226 : i32 to index
        %parallel_loop3A_408 = arith.index_cast %parallel_loop3A_406 : i32 to index
        %parallel_loop3A_409 = arith.constant 16 : index
        %parallel_loop3A_410 = tpu.vector_load %arg5[%parallel_loop3A_407, %parallel_loop3A_408, %parallel_loop3A_409] {strides = array<i32>} : memref<2x32x176xf32, #tpu.memory_space<vmem>>, vector<1x1x16xf32>,
        %parallel_loop3A_411 = vector.shape_cast %parallel_loop3A_410 : vector<1x1x16xf32> to vector<16xf32>
        %parallel_loop3A_412 = arith.constant 0 : i32
        %parallel_loop3A_413 = arith.constant 0 : i32
        %parallel_loop3A_414 = arith.index_cast %select_n3A_263 : i32 to index
        %parallel_loop3A_415 = arith.index_cast %parallel_loop3A_412 : i32 to index
        %parallel_loop3A_416 = arith.index_cast %parallel_loop3A_413 : i32 to index
        %parallel_loop3A_417 = arith.index_cast %parallel_loop3A_373 : i32 to index
        %parallel_loop3A_418 = arith.constant 16 : index
        %parallel_loop3A_419 = tpu.vector_load %arg6[%parallel_loop3A_414, %parallel_loop3A_415, %parallel_loop3A_416, %parallel_loop3A_417, %parallel_loop3A_418] {strides = array<i32>} : memref<2x10x1x8x128xf32, #tpu.memory_space<vmem>>, vector<1x1x1x1x16xf32>,
        %parallel_loop3A_420 = vector.shape_cast %parallel_loop3A_419 : vector<1x1x1x1x16xf32> to vector<16xf32>
        %parallel_loop3A_421 = arith.addf %parallel_loop3A_411, %parallel_loop3A_420 : vector<16xf32>
        %parallel_loop3A_422 = arith.constant 0 : i32
        %parallel_loop3A_423 = arith.constant 0 : i32
        %parallel_loop3A_424 = arith.index_cast %select_n3A_226 : i32 to index
        %parallel_loop3A_425 = arith.index_cast %parallel_loop3A_422 : i32 to index
        %parallel_loop3A_426 = arith.index_cast %parallel_loop3A_423 : i32 to index
        %parallel_loop3A_427 = arith.index_cast %parallel_loop3A_373 : i32 to index
        %parallel_loop3A_428 = arith.constant 16 : index
        %parallel_loop3A_429 = tpu.vector_load %arg7[%parallel_loop3A_424, %parallel_loop3A_425, %parallel_loop3A_426, %parallel_loop3A_427, %parallel_loop3A_428] {strides = array<i32>} : memref<2x10x1x8x128xf32, #tpu.memory_space<vmem>>, vector<1x1x1x1x16xf32>,
        %parallel_loop3A_430 = vector.shape_cast %parallel_loop3A_429 : vector<1x1x1x1x16xf32> to vector<16xf32>
        %parallel_loop3A_431 = vector.shape_cast %parallel_loop3A_421 : vector<16xf32> to vector<1x1x1x1x16xf32>
        tpu.vector_store %arg7[%parallel_loop3A_424, %parallel_loop3A_425, %parallel_loop3A_426, %parallel_loop3A_427, %parallel_loop3A_428], %parallel_loop3A_431 {strides = array<i32>} : memref<2x10x1x8x128xf32, #tpu.memory_space<vmem>>, vector<1x1x1x1x16xf32>,
        %parallel_loop3A_432 = arith.constant 4 : i32
        %parallel_loop3A_433 = arith.muli %parallel_loop3A_373, %parallel_loop3A_432 : i32
        %parallel_loop3A_434 = arith.constant 1 : i32
        %parallel_loop3A_435 = arith.addi %parallel_loop3A_433, %parallel_loop3A_434 : i32
        %parallel_loop3A_436 = arith.index_cast %select_n3A_226 : i32 to index
        %parallel_loop3A_437 = arith.index_cast %parallel_loop3A_435 : i32 to index
        %parallel_loop3A_438 = arith.constant 0 : index
        %parallel_loop3A_439 = tpu.vector_load %arg5[%parallel_loop3A_436, %parallel_loop3A_437, %parallel_loop3A_438] {strides = array<i32>} : memref<2x32x176xf32, #tpu.memory_space<vmem>>, vector<1x1x16xf32>,
        %parallel_loop3A_440 = vector.shape_cast %parallel_loop3A_439 : vector<1x1x16xf32> to vector<16xf32>
        %parallel_loop3A_441 = arith.constant 0 : i32
        %parallel_loop3A_442 = arith.constant 0 : i32
        %parallel_loop3A_443 = arith.index_cast %select_n3A_263 : i32 to index
        %parallel_loop3A_444 = arith.index_cast %parallel_loop3A_441 : i32 to index
        %parallel_loop3A_445 = arith.index_cast %parallel_loop3A_442 : i32 to index
        %parallel_loop3A_446 = arith.index_cast %parallel_loop3A_373 : i32 to index
        %parallel_loop3A_447 = arith.constant 32 : index
        %parallel_loop3A_448 = tpu.vector_load %arg6[%parallel_loop3A_443, %parallel_loop3A_444, %parallel_loop3A_445, %parallel_loop3A_446, %parallel_loop3A_447] {strides = array<i32>} : memref<2x10x1x8x128xf32, #tpu.memory_space<vmem>>, vector<1x1x1x1x16xf32>,
        %parallel_loop3A_449 = vector.shape_cast %parallel_loop3A_448 : vector<1x1x1x1x16xf32> to vector<16xf32>
        %parallel_loop3A_450 = arith.addf %parallel_loop3A_440, %parallel_loop3A_449 : vector<16xf32>
        %parallel_loop3A_451 = arith.constant 0 : i32
        %parallel_loop3A_452 = arith.constant 0 : i32
        %parallel_loop3A_453 = arith.index_cast %select_n3A_226 : i32 to index
        %parallel_loop3A_454 = arith.index_cast %parallel_loop3A_451 : i32 to index
        %parallel_loop3A_455 = arith.index_cast %parallel_loop3A_452 : i32 to index
        %parallel_loop3A_456 = arith.index_cast %parallel_loop3A_373 : i32 to index
        %parallel_loop3A_457 = arith.constant 32 : index
        %parallel_loop3A_458 = tpu.vector_load %arg7[%parallel_loop3A_453, %parallel_loop3A_454, %parallel_loop3A_455, %parallel_loop3A_456, %parallel_loop3A_457] {strides = array<i32>} : memref<2x10x1x8x128xf32, #tpu.memory_space<vmem>>, vector<1x1x1x1x16xf32>,
        %parallel_loop3A_459 = vector.shape_cast %parallel_loop3A_458 : vector<1x1x1x1x16xf32> to vector<16xf32>
        %parallel_loop3A_460 = vector.shape_cast %parallel_loop3A_450 : vector<16xf32> to vector<1x1x1x1x16xf32>
        tpu.vector_store %arg7[%parallel_loop3A_453, %parallel_loop3A_454, %parallel_loop3A_455, %parallel_loop3A_456, %parallel_loop3A_457], %parallel_loop3A_460 {strides = array<i32>} : memref<2x10x1x8x128xf32, #tpu.memory_space<vmem>>, vector<1x1x1x1x16xf32>,
        %parallel_loop3A_461 = arith.constant 4 : i32
        %parallel_loop3A_462 = arith.muli %parallel_loop3A_373, %parallel_loop3A_461 : i32
        %parallel_loop3A_463 = arith.constant 1 : i32
        %parallel_loop3A_464 = arith.addi %parallel_loop3A_462, %parallel_loop3A_463 : i32
        %parallel_loop3A_465 = arith.index_cast %select_n3A_226 : i32 to index
        %parallel_loop3A_466 = arith.index_cast %parallel_loop3A_464 : i32 to index
        %parallel_loop3A_467 = arith.constant 16 : index
        %parallel_loop3A_468 = tpu.vector_load %arg5[%parallel_loop3A_465, %parallel_loop3A_466, %parallel_loop3A_467] {strides = array<i32>} : memref<2x32x176xf32, #tpu.memory_space<vmem>>, vector<1x1x16xf32>,
        %parallel_loop3A_469 = vector.shape_cast %parallel_loop3A_468 : vector<1x1x16xf32> to vector<16xf32>
        %parallel_loop3A_470 = arith.constant 0 : i32
        %parallel_loop3A_471 = arith.constant 0 : i32
        %parallel_loop3A_472 = arith.index_cast %select_n3A_263 : i32 to index
        %parallel_loop3A_473 = arith.index_cast %parallel_loop3A_470 : i32 to index
        %parallel_loop3A_474 = arith.index_cast %parallel_loop3A_471 : i32 to index
        %parallel_loop3A_475 = arith.index_cast %parallel_loop3A_373 : i32 to index
        %parallel_loop3A_476 = arith.constant 48 : index
        %parallel_loop3A_477 = tpu.vector_load %arg6[%parallel_loop3A_472, %parallel_loop3A_473, %parallel_loop3A_474, %parallel_loop3A_475, %parallel_loop3A_476] {strides = array<i32>} : memref<2x10x1x8x128xf32, #tpu.memory_space<vmem>>, vector<1x1x1x1x16xf32>,
        %parallel_loop3A_478 = vector.shape_cast %parallel_loop3A_477 : vector<1x1x1x1x16xf32> to vector<16xf32>
        %parallel_loop3A_479 = arith.addf %parallel_loop3A_469, %parallel_loop3A_478 : vector<16xf32>
        %parallel_loop3A_480 = arith.constant 0 : i32
        %parallel_loop3A_481 = arith.constant 0 : i32
        %parallel_loop3A_482 = arith.index_cast %select_n3A_226 : i32 to index
        %parallel_loop3A_483 = arith.index_cast %parallel_loop3A_480 : i32 to index
        %parallel_loop3A_484 = arith.index_cast %parallel_loop3A_481 : i32 to index
        %parallel_loop3A_485 = arith.index_cast %parallel_loop3A_373 : i32 to index
        %parallel_loop3A_486 = arith.constant 48 : index
        %parallel_loop3A_487 = tpu.vector_load %arg7[%parallel_loop3A_482, %parallel_loop3A_483, %parallel_loop3A_484, %parallel_loop3A_485, %parallel_loop3A_486] {strides = array<i32>} : memref<2x10x1x8x128xf32, #tpu.memory_space<vmem>>, vector<1x1x1x1x16xf32>,
        %parallel_loop3A_488 = vector.shape_cast %parallel_loop3A_487 : vector<1x1x1x1x16xf32> to vector<16xf32>
        %parallel_loop3A_489 = vector.shape_cast %parallel_loop3A_479 : vector<16xf32> to vector<1x1x1x1x16xf32>
        tpu.vector_store %arg7[%parallel_loop3A_482, %parallel_loop3A_483, %parallel_loop3A_484, %parallel_loop3A_485, %parallel_loop3A_486], %parallel_loop3A_489 {strides = array<i32>} : memref<2x10x1x8x128xf32, #tpu.memory_space<vmem>>, vector<1x1x1x1x16xf32>,
        %parallel_loop3A_490 = arith.constant 4 : i32
        %parallel_loop3A_491 = arith.muli %parallel_loop3A_373, %parallel_loop3A_490 : i32
        %parallel_loop3A_492 = arith.constant 2 : i32
        %parallel_loop3A_493 = arith.addi %parallel_loop3A_491, %parallel_loop3A_492 : i32
        %parallel_loop3A_494 = arith.index_cast %select_n3A_226 : i32 to index
        %parallel_loop3A_495 = arith.index_cast %parallel_loop3A_493 : i32 to index
        %parallel_loop3A_496 = arith.constant 0 : index
        %parallel_loop3A_497 = tpu.vector_load %arg5[%parallel_loop3A_494, %parallel_loop3A_495, %parallel_loop3A_496] {strides = array<i32>} : memref<2x32x176xf32, #tpu.memory_space<vmem>>, vector<1x1x16xf32>,
        %parallel_loop3A_498 = vector.shape_cast %parallel_loop3A_497 : vector<1x1x16xf32> to vector<16xf32>
        %parallel_loop3A_499 = arith.constant 0 : i32
        %parallel_loop3A_500 = arith.constant 0 : i32
        %parallel_loop3A_501 = arith.index_cast %select_n3A_263 : i32 to index
        %parallel_loop3A_502 = arith.index_cast %parallel_loop3A_499 : i32 to index
        %parallel_loop3A_503 = arith.index_cast %parallel_loop3A_500 : i32 to index
        %parallel_loop3A_504 = arith.index_cast %parallel_loop3A_373 : i32 to index
        %parallel_loop3A_505 = arith.constant 64 : index
        %parallel_loop3A_506 = tpu.vector_load %arg6[%parallel_loop3A_501, %parallel_loop3A_502, %parallel_loop3A_503, %parallel_loop3A_504, %parallel_loop3A_505] {strides = array<i32>} : memref<2x10x1x8x128xf32, #tpu.memory_space<vmem>>, vector<1x1x1x1x16xf32>,
        %parallel_loop3A_507 = vector.shape_cast %parallel_loop3A_506 : vector<1x1x1x1x16xf32> to vector<16xf32>
        %parallel_loop3A_508 = arith.addf %parallel_loop3A_498, %parallel_loop3A_507 : vector<16xf32>
        %parallel_loop3A_509 = arith.constant 0 : i32
        %parallel_loop3A_510 = arith.constant 0 : i32
        %parallel_loop3A_511 = arith.index_cast %select_n3A_226 : i32 to index
        %parallel_loop3A_512 = arith.index_cast %parallel_loop3A_509 : i32 to index
        %parallel_loop3A_513 = arith.index_cast %parallel_loop3A_510 : i32 to index
        %parallel_loop3A_514 = arith.index_cast %parallel_loop3A_373 : i32 to index
        %parallel_loop3A_515 = arith.constant 64 : index
        %parallel_loop3A_516 = tpu.vector_load %arg7[%parallel_loop3A_511, %parallel_loop3A_512, %parallel_loop3A_513, %parallel_loop3A_514, %parallel_loop3A_515] {strides = array<i32>} : memref<2x10x1x8x128xf32, #tpu.memory_space<vmem>>, vector<1x1x1x1x16xf32>,
        %parallel_loop3A_517 = vector.shape_cast %parallel_loop3A_516 : vector<1x1x1x1x16xf32> to vector<16xf32>
        %parallel_loop3A_518 = vector.shape_cast %parallel_loop3A_508 : vector<16xf32> to vector<1x1x1x1x16xf32>
        tpu.vector_store %arg7[%parallel_loop3A_511, %parallel_loop3A_512, %parallel_loop3A_513, %parallel_loop3A_514, %parallel_loop3A_515], %parallel_loop3A_518 {strides = array<i32>} : memref<2x10x1x8x128xf32, #tpu.memory_space<vmem>>, vector<1x1x1x1x16xf32>,
        %parallel_loop3A_519 = arith.constant 4 : i32
        %parallel_loop3A_520 = arith.muli %parallel_loop3A_373, %parallel_loop3A_519 : i32
        %parallel_loop3A_521 = arith.constant 2 : i32
        %parallel_loop3A_522 = arith.addi %parallel_loop3A_520, %parallel_loop3A_521 : i32
        %parallel_loop3A_523 = arith.index_cast %select_n3A_226 : i32 to index
        %parallel_loop3A_524 = arith.index_cast %parallel_loop3A_522 : i32 to index
        %parallel_loop3A_525 = arith.constant 16 : index
        %parallel_loop3A_526 = tpu.vector_load %arg5[%parallel_loop3A_523, %parallel_loop3A_524, %parallel_loop3A_525] {strides = array<i32>} : memref<2x32x176xf32, #tpu.memory_space<vmem>>, vector<1x1x16xf32>,
        %parallel_loop3A_527 = vector.shape_cast %parallel_loop3A_526 : vector<1x1x16xf32> to vector<16xf32>
        %parallel_loop3A_528 = arith.constant 0 : i32
        %parallel_loop3A_529 = arith.constant 0 : i32
        %parallel_loop3A_530 = arith.index_cast %select_n3A_263 : i32 to index
        %parallel_loop3A_531 = arith.index_cast %parallel_loop3A_528 : i32 to index
        %parallel_loop3A_532 = arith.index_cast %parallel_loop3A_529 : i32 to index
        %parallel_loop3A_533 = arith.index_cast %parallel_loop3A_373 : i32 to index
        %parallel_loop3A_534 = arith.constant 80 : index
        %parallel_loop3A_535 = tpu.vector_load %arg6[%parallel_loop3A_530, %parallel_loop3A_531, %parallel_loop3A_532, %parallel_loop3A_533, %parallel_loop3A_534] {strides = array<i32>} : memref<2x10x1x8x128xf32, #tpu.memory_space<vmem>>, vector<1x1x1x1x16xf32>,
        %parallel_loop3A_536 = vector.shape_cast %parallel_loop3A_535 : vector<1x1x1x1x16xf32> to vector<16xf32>
        %parallel_loop3A_537 = arith.addf %parallel_loop3A_527, %parallel_loop3A_536 : vector<16xf32>
        %parallel_loop3A_538 = arith.constant 0 : i32
        %parallel_loop3A_539 = arith.constant 0 : i32
        %parallel_loop3A_540 = arith.index_cast %select_n3A_226 : i32 to index
        %parallel_loop3A_541 = arith.index_cast %parallel_loop3A_538 : i32 to index
        %parallel_loop3A_542 = arith.index_cast %parallel_loop3A_539 : i32 to index
        %parallel_loop3A_543 = arith.index_cast %parallel_loop3A_373 : i32 to index
        %parallel_loop3A_544 = arith.constant 80 : index
        %parallel_loop3A_545 = tpu.vector_load %arg7[%parallel_loop3A_540, %parallel_loop3A_541, %parallel_loop3A_542, %parallel_loop3A_543, %parallel_loop3A_544] {strides = array<i32>} : memref<2x10x1x8x128xf32, #tpu.memory_space<vmem>>, vector<1x1x1x1x16xf32>,
        %parallel_loop3A_546 = vector.shape_cast %parallel_loop3A_545 : vector<1x1x1x1x16xf32> to vector<16xf32>
        %parallel_loop3A_547 = vector.shape_cast %parallel_loop3A_537 : vector<16xf32> to vector<1x1x1x1x16xf32>
        tpu.vector_store %arg7[%parallel_loop3A_540, %parallel_loop3A_541, %parallel_loop3A_542, %parallel_loop3A_543, %parallel_loop3A_544], %parallel_loop3A_547 {strides = array<i32>} : memref<2x10x1x8x128xf32, #tpu.memory_space<vmem>>, vector<1x1x1x1x16xf32>,
        %parallel_loop3A_548 = arith.constant 4 : i32
        %parallel_loop3A_549 = arith.muli %parallel_loop3A_373, %parallel_loop3A_548 : i32
        %parallel_loop3A_550 = arith.constant 3 : i32
        %parallel_loop3A_551 = arith.addi %parallel_loop3A_549, %parallel_loop3A_550 : i32
        %parallel_loop3A_552 = arith.index_cast %select_n3A_226 : i32 to index
        %parallel_loop3A_553 = arith.index_cast %parallel_loop3A_551 : i32 to index
        %parallel_loop3A_554 = arith.constant 0 : index
        %parallel_loop3A_555 = tpu.vector_load %arg5[%parallel_loop3A_552, %parallel_loop3A_553, %parallel_loop3A_554] {strides = array<i32>} : memref<2x32x176xf32, #tpu.memory_space<vmem>>, vector<1x1x16xf32>,
        %parallel_loop3A_556 = vector.shape_cast %parallel_loop3A_555 : vector<1x1x16xf32> to vector<16xf32>
        %parallel_loop3A_557 = arith.constant 0 : i32
        %parallel_loop3A_558 = arith.constant 0 : i32
        %parallel_loop3A_559 = arith.index_cast %select_n3A_263 : i32 to index
        %parallel_loop3A_560 = arith.index_cast %parallel_loop3A_557 : i32 to index
        %parallel_loop3A_561 = arith.index_cast %parallel_loop3A_558 : i32 to index
        %parallel_loop3A_562 = arith.index_cast %parallel_loop3A_373 : i32 to index
        %parallel_loop3A_563 = arith.constant 96 : index
        %parallel_loop3A_564 = tpu.vector_load %arg6[%parallel_loop3A_559, %parallel_loop3A_560, %parallel_loop3A_561, %parallel_loop3A_562, %parallel_loop3A_563] {strides = array<i32>} : memref<2x10x1x8x128xf32, #tpu.memory_space<vmem>>, vector<1x1x1x1x16xf32>,
        %parallel_loop3A_565 = vector.shape_cast %parallel_loop3A_564 : vector<1x1x1x1x16xf32> to vector<16xf32>
        %parallel_loop3A_566 = arith.addf %parallel_loop3A_556, %parallel_loop3A_565 : vector<16xf32>
        %parallel_loop3A_567 = arith.constant 0 : i32
        %parallel_loop3A_568 = arith.constant 0 : i32
        %parallel_loop3A_569 = arith.index_cast %select_n3A_226 : i32 to index
        %parallel_loop3A_570 = arith.index_cast %parallel_loop3A_567 : i32 to index
        %parallel_loop3A_571 = arith.index_cast %parallel_loop3A_568 : i32 to index
        %parallel_loop3A_572 = arith.index_cast %parallel_loop3A_373 : i32 to index
        %parallel_loop3A_573 = arith.constant 96 : index
        %parallel_loop3A_574 = tpu.vector_load %arg7[%parallel_loop3A_569, %parallel_loop3A_570, %parallel_loop3A_571, %parallel_loop3A_572, %parallel_loop3A_573] {strides = array<i32>} : memref<2x10x1x8x128xf32, #tpu.memory_space<vmem>>, vector<1x1x1x1x16xf32>,
        %parallel_loop3A_575 = vector.shape_cast %parallel_loop3A_574 : vector<1x1x1x1x16xf32> to vector<16xf32>
        %parallel_loop3A_576 = vector.shape_cast %parallel_loop3A_566 : vector<16xf32> to vector<1x1x1x1x16xf32>
        tpu.vector_store %arg7[%parallel_loop3A_569, %parallel_loop3A_570, %parallel_loop3A_571, %parallel_loop3A_572, %parallel_loop3A_573], %parallel_loop3A_576 {strides = array<i32>} : memref<2x10x1x8x128xf32, #tpu.memory_space<vmem>>, vector<1x1x1x1x16xf32>,
        %parallel_loop3A_577 = arith.constant 4 : i32
        %parallel_loop3A_578 = arith.muli %parallel_loop3A_373, %parallel_loop3A_577 : i32
        %parallel_loop3A_579 = arith.constant 3 : i32
        %parallel_loop3A_580 = arith.addi %parallel_loop3A_578, %parallel_loop3A_579 : i32
        %parallel_loop3A_581 = arith.index_cast %select_n3A_226 : i32 to index
        %parallel_loop3A_582 = arith.index_cast %parallel_loop3A_580 : i32 to index
        %parallel_loop3A_583 = arith.constant 16 : index
        %parallel_loop3A_584 = tpu.vector_load %arg5[%parallel_loop3A_581, %parallel_loop3A_582, %parallel_loop3A_583] {strides = array<i32>} : memref<2x32x176xf32, #tpu.memory_space<vmem>>, vector<1x1x16xf32>,
        %parallel_loop3A_585 = vector.shape_cast %parallel_loop3A_584 : vector<1x1x16xf32> to vector<16xf32>
        %parallel_loop3A_586 = arith.constant 0 : i32
        %parallel_loop3A_587 = arith.constant 0 : i32
        %parallel_loop3A_588 = arith.index_cast %select_n3A_263 : i32 to index
        %parallel_loop3A_589 = arith.index_cast %parallel_loop3A_586 : i32 to index
        %parallel_loop3A_590 = arith.index_cast %parallel_loop3A_587 : i32 to index
        %parallel_loop3A_591 = arith.index_cast %parallel_loop3A_373 : i32 to index
        %parallel_loop3A_592 = arith.constant 112 : index
        %parallel_loop3A_593 = tpu.vector_load %arg6[%parallel_loop3A_588, %parallel_loop3A_589, %parallel_loop3A_590, %parallel_loop3A_591, %parallel_loop3A_592] {strides = array<i32>} : memref<2x10x1x8x128xf32, #tpu.memory_space<vmem>>, vector<1x1x1x1x16xf32>,
        %parallel_loop3A_594 = vector.shape_cast %parallel_loop3A_593 : vector<1x1x1x1x16xf32> to vector<16xf32>
        %parallel_loop3A_595 = arith.addf %parallel_loop3A_585, %parallel_loop3A_594 : vector<16xf32>
        %parallel_loop3A_596 = arith.constant 0 : i32
        %parallel_loop3A_597 = arith.constant 0 : i32
        %parallel_loop3A_598 = arith.index_cast %select_n3A_226 : i32 to index
        %parallel_loop3A_599 = arith.index_cast %parallel_loop3A_596 : i32 to index
        %parallel_loop3A_600 = arith.index_cast %parallel_loop3A_597 : i32 to index
        %parallel_loop3A_601 = arith.index_cast %parallel_loop3A_373 : i32 to index
        %parallel_loop3A_602 = arith.constant 112 : index
        %parallel_loop3A_603 = tpu.vector_load %arg7[%parallel_loop3A_598, %parallel_loop3A_599, %parallel_loop3A_600, %parallel_loop3A_601, %parallel_loop3A_602] {strides = array<i32>} : memref<2x10x1x8x128xf32, #tpu.memory_space<vmem>>, vector<1x1x1x1x16xf32>,
        %parallel_loop3A_604 = vector.shape_cast %parallel_loop3A_603 : vector<1x1x1x1x16xf32> to vector<16xf32>
        %parallel_loop3A_605 = vector.shape_cast %parallel_loop3A_595 : vector<16xf32> to vector<1x1x1x1x16xf32>
        tpu.vector_store %arg7[%parallel_loop3A_598, %parallel_loop3A_599, %parallel_loop3A_600, %parallel_loop3A_601, %parallel_loop3A_602], %parallel_loop3A_605 {strides = array<i32>} : memref<2x10x1x8x128xf32, #tpu.memory_space<vmem>>, vector<1x1x1x1x16xf32>,
        %parallel_loop3A_606 = arith.constant 4 : i32
        %parallel_loop3A_607 = arith.muli %parallel_loop3A_373, %parallel_loop3A_606 : i32
        %parallel_loop3A_608 = arith.constant 0 : i32
        %parallel_loop3A_609 = arith.addi %parallel_loop3A_607, %parallel_loop3A_608 : i32
        %parallel_loop3A_610 = arith.index_cast %select_n3A_226 : i32 to index
        %parallel_loop3A_611 = arith.index_cast %parallel_loop3A_609 : i32 to index
        %parallel_loop3A_612 = arith.constant 16 : index
        %parallel_loop3A_613 = tpu.vector_load %arg5[%parallel_loop3A_610, %parallel_loop3A_611, %parallel_loop3A_612] {strides = array<i32>} : memref<2x32x176xf32, #tpu.memory_space<vmem>>, vector<1x1x16xf32>,
        %parallel_loop3A_614 = vector.shape_cast %parallel_loop3A_613 : vector<1x1x16xf32> to vector<16xf32>
        %parallel_loop3A_615 = arith.constant 1 : i32
        %parallel_loop3A_616 = arith.constant 0 : i32
        %parallel_loop3A_617 = arith.index_cast %select_n3A_263 : i32 to index
        %parallel_loop3A_618 = arith.index_cast %parallel_loop3A_615 : i32 to index
        %parallel_loop3A_619 = arith.index_cast %parallel_loop3A_616 : i32 to index
        %parallel_loop3A_620 = arith.index_cast %parallel_loop3A_373 : i32 to index
        %parallel_loop3A_621 = arith.constant 0 : index
        %parallel_loop3A_622 = tpu.vector_load %arg6[%parallel_loop3A_617, %parallel_loop3A_618, %parallel_loop3A_619, %parallel_loop3A_620, %parallel_loop3A_621] {strides = array<i32>} : memref<2x10x1x8x128xf32, #tpu.memory_space<vmem>>, vector<1x1x1x1x16xf32>,
        %parallel_loop3A_623 = vector.shape_cast %parallel_loop3A_622 : vector<1x1x1x1x16xf32> to vector<16xf32>
        %parallel_loop3A_624 = arith.addf %parallel_loop3A_614, %parallel_loop3A_623 : vector<16xf32>
        %parallel_loop3A_625 = arith.constant 1 : i32
        %parallel_loop3A_626 = arith.constant 0 : i32
        %parallel_loop3A_627 = arith.index_cast %select_n3A_226 : i32 to index
        %parallel_loop3A_628 = arith.index_cast %parallel_loop3A_625 : i32 to index
        %parallel_loop3A_629 = arith.index_cast %parallel_loop3A_626 : i32 to index
        %parallel_loop3A_630 = arith.index_cast %parallel_loop3A_373 : i32 to index
        %parallel_loop3A_631 = arith.constant 0 : index
        %parallel_loop3A_632 = tpu.vector_load %arg7[%parallel_loop3A_627, %parallel_loop3A_628, %parallel_loop3A_629, %parallel_loop3A_630, %parallel_loop3A_631] {strides = array<i32>} : memref<2x10x1x8x128xf32, #tpu.memory_space<vmem>>, vector<1x1x1x1x16xf32>,
        %parallel_loop3A_633 = vector.shape_cast %parallel_loop3A_632 : vector<1x1x1x1x16xf32> to vector<16xf32>
        %parallel_loop3A_634 = vector.shape_cast %parallel_loop3A_624 : vector<16xf32> to vector<1x1x1x1x16xf32>
        tpu.vector_store %arg7[%parallel_loop3A_627, %parallel_loop3A_628, %parallel_loop3A_629, %parallel_loop3A_630, %parallel_loop3A_631], %parallel_loop3A_634 {strides = array<i32>} : memref<2x10x1x8x128xf32, #tpu.memory_space<vmem>>, vector<1x1x1x1x16xf32>,
        %parallel_loop3A_635 = arith.constant 4 : i32
        %parallel_loop3A_636 = arith.muli %parallel_loop3A_373, %parallel_loop3A_635 : i32
        %parallel_loop3A_637 = arith.constant 0 : i32
        %parallel_loop3A_638 = arith.addi %parallel_loop3A_636, %parallel_loop3A_637 : i32
        %parallel_loop3A_639 = arith.index_cast %select_n3A_226 : i32 to index
        %parallel_loop3A_640 = arith.index_cast %parallel_loop3A_638 : i32 to index
        %parallel_loop3A_641 = arith.constant 32 : index
        %parallel_loop3A_642 = tpu.vector_load %arg5[%parallel_loop3A_639, %parallel_loop3A_640, %parallel_loop3A_641] {strides = array<i32>} : memref<2x32x176xf32, #tpu.memory_space<vmem>>, vector<1x1x16xf32>,
        %parallel_loop3A_643 = vector.shape_cast %parallel_loop3A_642 : vector<1x1x16xf32> to vector<16xf32>
        %parallel_loop3A_644 = arith.constant 1 : i32
        %parallel_loop3A_645 = arith.constant 0 : i32
        %parallel_loop3A_646 = arith.index_cast %select_n3A_263 : i32 to index
        %parallel_loop3A_647 = arith.index_cast %parallel_loop3A_644 : i32 to index
        %parallel_loop3A_648 = arith.index_cast %parallel_loop3A_645 : i32 to index
        %parallel_loop3A_649 = arith.index_cast %parallel_loop3A_373 : i32 to index
        %parallel_loop3A_650 = arith.constant 16 : index
        %parallel_loop3A_651 = tpu.vector_load %arg6[%parallel_loop3A_646, %parallel_loop3A_647, %parallel_loop3A_648, %parallel_loop3A_649, %parallel_loop3A_650] {strides = array<i32>} : memref<2x10x1x8x128xf32, #tpu.memory_space<vmem>>, vector<1x1x1x1x16xf32>,
        %parallel_loop3A_652 = vector.shape_cast %parallel_loop3A_651 : vector<1x1x1x1x16xf32> to vector<16xf32>
        %parallel_loop3A_653 = arith.addf %parallel_loop3A_643, %parallel_loop3A_652 : vector<16xf32>
        %parallel_loop3A_654 = arith.constant 1 : i32
        %parallel_loop3A_655 = arith.constant 0 : i32
        %parallel_loop3A_656 = arith.index_cast %select_n3A_226 : i32 to index
        %parallel_loop3A_657 = arith.index_cast %parallel_loop3A_654 : i32 to index
        %parallel_loop3A_658 = arith.index_cast %parallel_loop3A_655 : i32 to index
        %parallel_loop3A_659 = arith.index_cast %parallel_loop3A_373 : i32 to index
        %parallel_loop3A_660 = arith.constant 16 : index
        %parallel_loop3A_661 = tpu.vector_load %arg7[%parallel_loop3A_656, %parallel_loop3A_657, %parallel_loop3A_658, %parallel_loop3A_659, %parallel_loop3A_660] {strides = array<i32>} : memref<2x10x1x8x128xf32, #tpu.memory_space<vmem>>, vector<1x1x1x1x16xf32>,
        %parallel_loop3A_662 = vector.shape_cast %parallel_loop3A_661 : vector<1x1x1x1x16xf32> to vector<16xf32>
        %parallel_loop3A_663 = vector.shape_cast %parallel_loop3A_653 : vector<16xf32> to vector<1x1x1x1x16xf32>
        tpu.vector_store %arg7[%parallel_loop3A_656, %parallel_loop3A_657, %parallel_loop3A_658, %parallel_loop3A_659, %parallel_loop3A_660], %parallel_loop3A_663 {strides = array<i32>} : memref<2x10x1x8x128xf32, #tpu.memory_space<vmem>>, vector<1x1x1x1x16xf32>,
        %parallel_loop3A_664 = arith.constant 4 : i32
        %parallel_loop3A_665 = arith.muli %parallel_loop3A_373, %parallel_loop3A_664 : i32
        %parallel_loop3A_666 = arith.constant 1 : i32
        %parallel_loop3A_667 = arith.addi %parallel_loop3A_665, %parallel_loop3A_666 : i32
        %parallel_loop3A_668 = arith.index_cast %select_n3A_226 : i32 to index
        %parallel_loop3A_669 = arith.index_cast %parallel_loop3A_667 : i32 to index
        %parallel_loop3A_670 = arith.constant 16 : index
        %parallel_loop3A_671 = tpu.vector_load %arg5[%parallel_loop3A_668, %parallel_loop3A_669, %parallel_loop3A_670] {strides = array<i32>} : memref<2x32x176xf32, #tpu.memory_space<vmem>>, vector<1x1x16xf32>,
        %parallel_loop3A_672 = vector.shape_cast %parallel_loop3A_671 : vector<1x1x16xf32> to vector<16xf32>
        %parallel_loop3A_673 = arith.constant 1 : i32
        %parallel_loop3A_674 = arith.constant 0 : i32
        %parallel_loop3A_675 = arith.index_cast %select_n3A_263 : i32 to index
        %parallel_loop3A_676 = arith.index_cast %parallel_loop3A_673 : i32 to index
        %parallel_loop3A_677 = arith.index_cast %parallel_loop3A_674 : i32 to index
        %parallel_loop3A_678 = arith.index_cast %parallel_loop3A_373 : i32 to index
        %parallel_loop3A_679 = arith.constant 32 : index
        %parallel_loop3A_680 = tpu.vector_load %arg6[%parallel_loop3A_675, %parallel_loop3A_676, %parallel_loop3A_677, %parallel_loop3A_678, %parallel_loop3A_679] {strides = array<i32>} : memref<2x10x1x8x128xf32, #tpu.memory_space<vmem>>, vector<1x1x1x1x16xf32>,
        %parallel_loop3A_681 = vector.shape_cast %parallel_loop3A_680 : vector<1x1x1x1x16xf32> to vector<16xf32>
        %parallel_loop3A_682 = arith.addf %parallel_loop3A_672, %parallel_loop3A_681 : vector<16xf32>
        %parallel_loop3A_683 = arith.constant 1 : i32
        %parallel_loop3A_684 = arith.constant 0 : i32
        %parallel_loop3A_685 = arith.index_cast %select_n3A_226 : i32 to index
        %parallel_loop3A_686 = arith.index_cast %parallel_loop3A_683 : i32 to index
        %parallel_loop3A_687 = arith.index_cast %parallel_loop3A_684 : i32 to index
        %parallel_loop3A_688 = arith.index_cast %parallel_loop3A_373 : i32 to index
        %parallel_loop3A_689 = arith.constant 32 : index
        %parallel_loop3A_690 = tpu.vector_load %arg7[%parallel_loop3A_685, %parallel_loop3A_686, %parallel_loop3A_687, %parallel_loop3A_688, %parallel_loop3A_689] {strides = array<i32>} : memref<2x10x1x8x128xf32, #tpu.memory_space<vmem>>, vector<1x1x1x1x16xf32>,
        %parallel_loop3A_691 = vector.shape_cast %parallel_loop3A_690 : vector<1x1x1x1x16xf32> to vector<16xf32>
        %parallel_loop3A_692 = vector.shape_cast %parallel_loop3A_682 : vector<16xf32> to vector<1x1x1x1x16xf32>
        tpu.vector_store %arg7[%parallel_loop3A_685, %parallel_loop3A_686, %parallel_loop3A_687, %parallel_loop3A_688, %parallel_loop3A_689], %parallel_loop3A_692 {strides = array<i32>} : memref<2x10x1x8x128xf32, #tpu.memory_space<vmem>>, vector<1x1x1x1x16xf32>,
        %parallel_loop3A_693 = arith.constant 4 : i32
        %parallel_loop3A_694 = arith.muli %parallel_loop3A_373, %parallel_loop3A_693 : i32
        %parallel_loop3A_695 = arith.constant 1 : i32
        %parallel_loop3A_696 = arith.addi %parallel_loop3A_694, %parallel_loop3A_695 : i32
        %parallel_loop3A_697 = arith.index_cast %select_n3A_226 : i32 to index
        %parallel_loop3A_698 = arith.index_cast %parallel_loop3A_696 : i32 to index
        %parallel_loop3A_699 = arith.constant 32 : index
        %parallel_loop3A_700 = tpu.vector_load %arg5[%parallel_loop3A_697, %parallel_loop3A_698, %parallel_loop3A_699] {strides = array<i32>} : memref<2x32x176xf32, #tpu.memory_space<vmem>>, vector<1x1x16xf32>,
        %parallel_loop3A_701 = vector.shape_cast %parallel_loop3A_700 : vector<1x1x16xf32> to vector<16xf32>
        %parallel_loop3A_702 = arith.constant 1 : i32
        %parallel_loop3A_703 = arith.constant 0 : i32
        %parallel_loop3A_704 = arith.index_cast %select_n3A_263 : i32 to index
        %parallel_loop3A_705 = arith.index_cast %parallel_loop3A_702 : i32 to index
        %parallel_loop3A_706 = arith.index_cast %parallel_loop3A_703 : i32 to index
        %parallel_loop3A_707 = arith.index_cast %parallel_loop3A_373 : i32 to index
        %parallel_loop3A_708 = arith.constant 48 : index
        %parallel_loop3A_709 = tpu.vector_load %arg6[%parallel_loop3A_704, %parallel_loop3A_705, %parallel_loop3A_706, %parallel_loop3A_707, %parallel_loop3A_708] {strides = array<i32>} : memref<2x10x1x8x128xf32, #tpu.memory_space<vmem>>, vector<1x1x1x1x16xf32>,
        %parallel_loop3A_710 = vector.shape_cast %parallel_loop3A_709 : vector<1x1x1x1x16xf32> to vector<16xf32>
        %parallel_loop3A_711 = arith.addf %parallel_loop3A_701, %parallel_loop3A_710 : vector<16xf32>
        %parallel_loop3A_712 = arith.constant 1 : i32
        %parallel_loop3A_713 = arith.constant 0 : i32
        %parallel_loop3A_714 = arith.index_cast %select_n3A_226 : i32 to index
        %parallel_loop3A_715 = arith.index_cast %parallel_loop3A_712 : i32 to index
        %parallel_loop3A_716 = arith.index_cast %parallel_loop3A_713 : i32 to index
        %parallel_loop3A_717 = arith.index_cast %parallel_loop3A_373 : i32 to index
        %parallel_loop3A_718 = arith.constant 48 : index
        %parallel_loop3A_719 = tpu.vector_load %arg7[%parallel_loop3A_714, %parallel_loop3A_715, %parallel_loop3A_716, %parallel_loop3A_717, %parallel_loop3A_718] {strides = array<i32>} : memref<2x10x1x8x128xf32, #tpu.memory_space<vmem>>, vector<1x1x1x1x16xf32>,
        %parallel_loop3A_720 = vector.shape_cast %parallel_loop3A_719 : vector<1x1x1x1x16xf32> to vector<16xf32>
        %parallel_loop3A_721 = vector.shape_cast %parallel_loop3A_711 : vector<16xf32> to vector<1x1x1x1x16xf32>
        tpu.vector_store %arg7[%parallel_loop3A_714, %parallel_loop3A_715, %parallel_loop3A_716, %parallel_loop3A_717, %parallel_loop3A_718], %parallel_loop3A_721 {strides = array<i32>} : memref<2x10x1x8x128xf32, #tpu.memory_space<vmem>>, vector<1x1x1x1x16xf32>,
        %parallel_loop3A_722 = arith.constant 4 : i32
        %parallel_loop3A_723 = arith.muli %parallel_loop3A_373, %parallel_loop3A_722 : i32
        %parallel_loop3A_724 = arith.constant 2 : i32
        %parallel_loop3A_725 = arith.addi %parallel_loop3A_723, %parallel_loop3A_724 : i32
        %parallel_loop3A_726 = arith.index_cast %select_n3A_226 : i32 to index
        %parallel_loop3A_727 = arith.index_cast %parallel_loop3A_725 : i32 to index
        %parallel_loop3A_728 = arith.constant 16 : index
        %parallel_loop3A_729 = tpu.vector_load %arg5[%parallel_loop3A_726, %parallel_loop3A_727, %parallel_loop3A_728] {strides = array<i32>} : memref<2x32x176xf32, #tpu.memory_space<vmem>>, vector<1x1x16xf32>,
        %parallel_loop3A_730 = vector.shape_cast %parallel_loop3A_729 : vector<1x1x16xf32> to vector<16xf32>
        %parallel_loop3A_731 = arith.constant 1 : i32
        %parallel_loop3A_732 = arith.constant 0 : i32
        %parallel_loop3A_733 = arith.index_cast %select_n3A_263 : i32 to index
        %parallel_loop3A_734 = arith.index_cast %parallel_loop3A_731 : i32 to index
        %parallel_loop3A_735 = arith.index_cast %parallel_loop3A_732 : i32 to index
        %parallel_loop3A_736 = arith.index_cast %parallel_loop3A_373 : i32 to index
        %parallel_loop3A_737 = arith.constant 64 : index
        %parallel_loop3A_738 = tpu.vector_load %arg6[%parallel_loop3A_733, %parallel_loop3A_734, %parallel_loop3A_735, %parallel_loop3A_736, %parallel_loop3A_737] {strides = array<i32>} : memref<2x10x1x8x128xf32, #tpu.memory_space<vmem>>, vector<1x1x1x1x16xf32>,
        %parallel_loop3A_739 = vector.shape_cast %parallel_loop3A_738 : vector<1x1x1x1x16xf32> to vector<16xf32>
        %parallel_loop3A_740 = arith.addf %parallel_loop3A_730, %parallel_loop3A_739 : vector<16xf32>
        %parallel_loop3A_741 = arith.constant 1 : i32
        %parallel_loop3A_742 = arith.constant 0 : i32
        %parallel_loop3A_743 = arith.index_cast %select_n3A_226 : i32 to index
        %parallel_loop3A_744 = arith.index_cast %parallel_loop3A_741 : i32 to index
        %parallel_loop3A_745 = arith.index_cast %parallel_loop3A_742 : i32 to index
        %parallel_loop3A_746 = arith.index_cast %parallel_loop3A_373 : i32 to index
        %parallel_loop3A_747 = arith.constant 64 : index
        %parallel_loop3A_748 = tpu.vector_load %arg7[%parallel_loop3A_743, %parallel_loop3A_744, %parallel_loop3A_745, %parallel_loop3A_746, %parallel_loop3A_747] {strides = array<i32>} : memref<2x10x1x8x128xf32, #tpu.memory_space<vmem>>, vector<1x1x1x1x16xf32>,
        %parallel_loop3A_749 = vector.shape_cast %parallel_loop3A_748 : vector<1x1x1x1x16xf32> to vector<16xf32>
        %parallel_loop3A_750 = vector.shape_cast %parallel_loop3A_740 : vector<16xf32> to vector<1x1x1x1x16xf32>
        tpu.vector_store %arg7[%parallel_loop3A_743, %parallel_loop3A_744, %parallel_loop3A_745, %parallel_loop3A_746, %parallel_loop3A_747], %parallel_loop3A_750 {strides = array<i32>} : memref<2x10x1x8x128xf32, #tpu.memory_space<vmem>>, vector<1x1x1x1x16xf32>,
        %parallel_loop3A_751 = arith.constant 4 : i32
        %parallel_loop3A_752 = arith.muli %parallel_loop3A_373, %parallel_loop3A_751 : i32
        %parallel_loop3A_753 = arith.constant 2 : i32
        %parallel_loop3A_754 = arith.addi %parallel_loop3A_752, %parallel_loop3A_753 : i32
        %parallel_loop3A_755 = arith.index_cast %select_n3A_226 : i32 to index
        %parallel_loop3A_756 = arith.index_cast %parallel_loop3A_754 : i32 to index
        %parallel_loop3A_757 = arith.constant 32 : index
        %parallel_loop3A_758 = tpu.vector_load %arg5[%parallel_loop3A_755, %parallel_loop3A_756, %parallel_loop3A_757] {strides = array<i32>} : memref<2x32x176xf32, #tpu.memory_space<vmem>>, vector<1x1x16xf32>,
        %parallel_loop3A_759 = vector.shape_cast %parallel_loop3A_758 : vector<1x1x16xf32> to vector<16xf32>
        %parallel_loop3A_760 = arith.constant 1 : i32
        %parallel_loop3A_761 = arith.constant 0 : i32
        %parallel_loop3A_762 = arith.index_cast %select_n3A_263 : i32 to index
        %parallel_loop3A_763 = arith.index_cast %parallel_loop3A_760 : i32 to index
        %parallel_loop3A_764 = arith.index_cast %parallel_loop3A_761 : i32 to index
        %parallel_loop3A_765 = arith.index_cast %parallel_loop3A_373 : i32 to index
        %parallel_loop3A_766 = arith.constant 80 : index
        %parallel_loop3A_767 = tpu.vector_load %arg6[%parallel_loop3A_762, %parallel_loop3A_763, %parallel_loop3A_764, %parallel_loop3A_765, %parallel_loop3A_766] {strides = array<i32>} : memref<2x10x1x8x128xf32, #tpu.memory_space<vmem>>, vector<1x1x1x1x16xf32>,
        %parallel_loop3A_768 = vector.shape_cast %parallel_loop3A_767 : vector<1x1x1x1x16xf32> to vector<16xf32>
        %parallel_loop3A_769 = arith.addf %parallel_loop3A_759, %parallel_loop3A_768 : vector<16xf32>
        %parallel_loop3A_770 = arith.constant 1 : i32
        %parallel_loop3A_771 = arith.constant 0 : i32
        %parallel_loop3A_772 = arith.index_cast %select_n3A_226 : i32 to index
        %parallel_loop3A_773 = arith.index_cast %parallel_loop3A_770 : i32 to index
        %parallel_loop3A_774 = arith.index_cast %parallel_loop3A_771 : i32 to index
        %parallel_loop3A_775 = arith.index_cast %parallel_loop3A_373 : i32 to index
        %parallel_loop3A_776 = arith.constant 80 : index
        %parallel_loop3A_777 = tpu.vector_load %arg7[%parallel_loop3A_772, %parallel_loop3A_773, %parallel_loop3A_774, %parallel_loop3A_775, %parallel_loop3A_776] {strides = array<i32>} : memref<2x10x1x8x128xf32, #tpu.memory_space<vmem>>, vector<1x1x1x1x16xf32>,
        %parallel_loop3A_778 = vector.shape_cast %parallel_loop3A_777 : vector<1x1x1x1x16xf32> to vector<16xf32>
        %parallel_loop3A_779 = vector.shape_cast %parallel_loop3A_769 : vector<16xf32> to vector<1x1x1x1x16xf32>
        tpu.vector_store %arg7[%parallel_loop3A_772, %parallel_loop3A_773, %parallel_loop3A_774, %parallel_loop3A_775, %parallel_loop3A_776], %parallel_loop3A_779 {strides = array<i32>} : memref<2x10x1x8x128xf32, #tpu.memory_space<vmem>>, vector<1x1x1x1x16xf32>,
        %parallel_loop3A_780 = arith.constant 4 : i32
        %parallel_loop3A_781 = arith.muli %parallel_loop3A_373, %parallel_loop3A_780 : i32
        %parallel_loop3A_782 = arith.constant 3 : i32
        %parallel_loop3A_783 = arith.addi %parallel_loop3A_781, %parallel_loop3A_782 : i32
        %parallel_loop3A_784 = arith.index_cast %select_n3A_226 : i32 to index
        %parallel_loop3A_785 = arith.index_cast %parallel_loop3A_783 : i32 to index
        %parallel_loop3A_786 = arith.constant 16 : index
        %parallel_loop3A_787 = tpu.vector_load %arg5[%parallel_loop3A_784, %parallel_loop3A_785, %parallel_loop3A_786] {strides = array<i32>} : memref<2x32x176xf32, #tpu.memory_space<vmem>>, vector<1x1x16xf32>,
        %parallel_loop3A_788 = vector.shape_cast %parallel_loop3A_787 : vector<1x1x16xf32> to vector<16xf32>
        %parallel_loop3A_789 = arith.constant 1 : i32
        %parallel_loop3A_790 = arith.constant 0 : i32
        %parallel_loop3A_791 = arith.index_cast %select_n3A_263 : i32 to index
        %parallel_loop3A_792 = arith.index_cast %parallel_loop3A_789 : i32 to index
        %parallel_loop3A_793 = arith.index_cast %parallel_loop3A_790 : i32 to index
        %parallel_loop3A_794 = arith.index_cast %parallel_loop3A_373 : i32 to index
        %parallel_loop3A_795 = arith.constant 96 : index
        %parallel_loop3A_796 = tpu.vector_load %arg6[%parallel_loop3A_791, %parallel_loop3A_792, %parallel_loop3A_793, %parallel_loop3A_794, %parallel_loop3A_795] {strides = array<i32>} : memref<2x10x1x8x128xf32, #tpu.memory_space<vmem>>, vector<1x1x1x1x16xf32>,
        %parallel_loop3A_797 = vector.shape_cast %parallel_loop3A_796 : vector<1x1x1x1x16xf32> to vector<16xf32>
        %parallel_loop3A_798 = arith.addf %parallel_loop3A_788, %parallel_loop3A_797 : vector<16xf32>
        %parallel_loop3A_799 = arith.constant 1 : i32
        %parallel_loop3A_800 = arith.constant 0 : i32
        %parallel_loop3A_801 = arith.index_cast %select_n3A_226 : i32 to index
        %parallel_loop3A_802 = arith.index_cast %parallel_loop3A_799 : i32 to index
        %parallel_loop3A_803 = arith.index_cast %parallel_loop3A_800 : i32 to index
        %parallel_loop3A_804 = arith.index_cast %parallel_loop3A_373 : i32 to index
        %parallel_loop3A_805 = arith.constant 96 : index
        %parallel_loop3A_806 = tpu.vector_load %arg7[%parallel_loop3A_801, %parallel_loop3A_802, %parallel_loop3A_803, %parallel_loop3A_804, %parallel_loop3A_805] {strides = array<i32>} : memref<2x10x1x8x128xf32, #tpu.memory_space<vmem>>, vector<1x1x1x1x16xf32>,
        %parallel_loop3A_807 = vector.shape_cast %parallel_loop3A_806 : vector<1x1x1x1x16xf32> to vector<16xf32>
        %parallel_loop3A_808 = vector.shape_cast %parallel_loop3A_798 : vector<16xf32> to vector<1x1x1x1x16xf32>
        tpu.vector_store %arg7[%parallel_loop3A_801, %parallel_loop3A_802, %parallel_loop3A_803, %parallel_loop3A_804, %parallel_loop3A_805], %parallel_loop3A_808 {strides = array<i32>} : memref<2x10x1x8x128xf32, #tpu.memory_space<vmem>>, vector<1x1x1x1x16xf32>,
        %parallel_loop3A_809 = arith.constant 4 : i32
        %parallel_loop3A_810 = arith.muli %parallel_loop3A_373, %parallel_loop3A_809 : i32
        %parallel_loop3A_811 = arith.constant 3 : i32
        %parallel_loop3A_812 = arith.addi %parallel_loop3A_810, %parallel_loop3A_811 : i32
        %parallel_loop3A_813 = arith.index_cast %select_n3A_226 : i32 to index
        %parallel_loop3A_814 = arith.index_cast %parallel_loop3A_812 : i32 to index
        %parallel_loop3A_815 = arith.constant 32 : index
        %parallel_loop3A_816 = tpu.vector_load %arg5[%parallel_loop3A_813, %parallel_loop3A_814, %parallel_loop3A_815] {strides = array<i32>} : memref<2x32x176xf32, #tpu.memory_space<vmem>>, vector<1x1x16xf32>,
        %parallel_loop3A_817 = vector.shape_cast %parallel_loop3A_816 : vector<1x1x16xf32> to vector<16xf32>
        %parallel_loop3A_818 = arith.constant 1 : i32
        %parallel_loop3A_819 = arith.constant 0 : i32
        %parallel_loop3A_820 = arith.index_cast %select_n3A_263 : i32 to index
        %parallel_loop3A_821 = arith.index_cast %parallel_loop3A_818 : i32 to index
        %parallel_loop3A_822 = arith.index_cast %parallel_loop3A_819 : i32 to index
        %parallel_loop3A_823 = arith.index_cast %parallel_loop3A_373 : i32 to index
        %parallel_loop3A_824 = arith.constant 112 : index
        %parallel_loop3A_825 = tpu.vector_load %arg6[%parallel_loop3A_820, %parallel_loop3A_821, %parallel_loop3A_822, %parallel_loop3A_823, %parallel_loop3A_824] {strides = array<i32>} : memref<2x10x1x8x128xf32, #tpu.memory_space<vmem>>, vector<1x1x1x1x16xf32>,
        %parallel_loop3A_826 = vector.shape_cast %parallel_loop3A_825 : vector<1x1x1x1x16xf32> to vector<16xf32>
        %parallel_loop3A_827 = arith.addf %parallel_loop3A_817, %parallel_loop3A_826 : vector<16xf32>
        %parallel_loop3A_828 = arith.constant 1 : i32
        %parallel_loop3A_829 = arith.constant 0 : i32
        %parallel_loop3A_830 = arith.index_cast %select_n3A_226 : i32 to index
        %parallel_loop3A_831 = arith.index_cast %parallel_loop3A_828 : i32 to index
        %parallel_loop3A_832 = arith.index_cast %parallel_loop3A_829 : i32 to index
        %parallel_loop3A_833 = arith.index_cast %parallel_loop3A_373 : i32 to index
        %parallel_loop3A_834 = arith.constant 112 : index
        %parallel_loop3A_835 = tpu.vector_load %arg7[%parallel_loop3A_830, %parallel_loop3A_831, %parallel_loop3A_832, %parallel_loop3A_833, %parallel_loop3A_834] {strides = array<i32>} : memref<2x10x1x8x128xf32, #tpu.memory_space<vmem>>, vector<1x1x1x1x16xf32>,
        %parallel_loop3A_836 = vector.shape_cast %parallel_loop3A_835 : vector<1x1x1x1x16xf32> to vector<16xf32>
        %parallel_loop3A_837 = vector.shape_cast %parallel_loop3A_827 : vector<16xf32> to vector<1x1x1x1x16xf32>
        tpu.vector_store %arg7[%parallel_loop3A_830, %parallel_loop3A_831, %parallel_loop3A_832, %parallel_loop3A_833, %parallel_loop3A_834], %parallel_loop3A_837 {strides = array<i32>} : memref<2x10x1x8x128xf32, #tpu.memory_space<vmem>>, vector<1x1x1x1x16xf32>,
        %parallel_loop3A_838 = arith.constant 4 : i32
        %parallel_loop3A_839 = arith.muli %parallel_loop3A_373, %parallel_loop3A_838 : i32
        %parallel_loop3A_840 = arith.constant 0 : i32
        %parallel_loop3A_841 = arith.addi %parallel_loop3A_839, %parallel_loop3A_840 : i32
        %parallel_loop3A_842 = arith.index_cast %select_n3A_226 : i32 to index
        %parallel_loop3A_843 = arith.index_cast %parallel_loop3A_841 : i32 to index
        %parallel_loop3A_844 = arith.constant 32 : index
        %parallel_loop3A_845 = tpu.vector_load %arg5[%parallel_loop3A_842, %parallel_loop3A_843, %parallel_loop3A_844] {strides = array<i32>} : memref<2x32x176xf32, #tpu.memory_space<vmem>>, vector<1x1x16xf32>,
        %parallel_loop3A_846 = vector.shape_cast %parallel_loop3A_845 : vector<1x1x16xf32> to vector<16xf32>
        %parallel_loop3A_847 = arith.constant 2 : i32
        %parallel_loop3A_848 = arith.constant 0 : i32
        %parallel_loop3A_849 = arith.index_cast %select_n3A_263 : i32 to index
        %parallel_loop3A_850 = arith.index_cast %parallel_loop3A_847 : i32 to index
        %parallel_loop3A_851 = arith.index_cast %parallel_loop3A_848 : i32 to index
        %parallel_loop3A_852 = arith.index_cast %parallel_loop3A_373 : i32 to index
        %parallel_loop3A_853 = arith.constant 0 : index
        %parallel_loop3A_854 = tpu.vector_load %arg6[%parallel_loop3A_849, %parallel_loop3A_850, %parallel_loop3A_851, %parallel_loop3A_852, %parallel_loop3A_853] {strides = array<i32>} : memref<2x10x1x8x128xf32, #tpu.memory_space<vmem>>, vector<1x1x1x1x16xf32>,
        %parallel_loop3A_855 = vector.shape_cast %parallel_loop3A_854 : vector<1x1x1x1x16xf32> to vector<16xf32>
        %parallel_loop3A_856 = arith.addf %parallel_loop3A_846, %parallel_loop3A_855 : vector<16xf32>
        %parallel_loop3A_857 = arith.constant 2 : i32
        %parallel_loop3A_858 = arith.constant 0 : i32
        %parallel_loop3A_859 = arith.index_cast %select_n3A_226 : i32 to index
        %parallel_loop3A_860 = arith.index_cast %parallel_loop3A_857 : i32 to index
        %parallel_loop3A_861 = arith.index_cast %parallel_loop3A_858 : i32 to index
        %parallel_loop3A_862 = arith.index_cast %parallel_loop3A_373 : i32 to index
        %parallel_loop3A_863 = arith.constant 0 : index
        %parallel_loop3A_864 = tpu.vector_load %arg7[%parallel_loop3A_859, %parallel_loop3A_860, %parallel_loop3A_861, %parallel_loop3A_862, %parallel_loop3A_863] {strides = array<i32>} : memref<2x10x1x8x128xf32, #tpu.memory_space<vmem>>, vector<1x1x1x1x16xf32>,
        %parallel_loop3A_865 = vector.shape_cast %parallel_loop3A_864 : vector<1x1x1x1x16xf32> to vector<16xf32>
        %parallel_loop3A_866 = vector.shape_cast %parallel_loop3A_856 : vector<16xf32> to vector<1x1x1x1x16xf32>
        tpu.vector_store %arg7[%parallel_loop3A_859, %parallel_loop3A_860, %parallel_loop3A_861, %parallel_loop3A_862, %parallel_loop3A_863], %parallel_loop3A_866 {strides = array<i32>} : memref<2x10x1x8x128xf32, #tpu.memory_space<vmem>>, vector<1x1x1x1x16xf32>,
        %parallel_loop3A_867 = arith.constant 4 : i32
        %parallel_loop3A_868 = arith.muli %parallel_loop3A_373, %parallel_loop3A_867 : i32
        %parallel_loop3A_869 = arith.constant 0 : i32
        %parallel_loop3A_870 = arith.addi %parallel_loop3A_868, %parallel_loop3A_869 : i32
        %parallel_loop3A_871 = arith.index_cast %select_n3A_226 : i32 to index
        %parallel_loop3A_872 = arith.index_cast %parallel_loop3A_870 : i32 to index
        %parallel_loop3A_873 = arith.constant 48 : index
        %parallel_loop3A_874 = tpu.vector_load %arg5[%parallel_loop3A_871, %parallel_loop3A_872, %parallel_loop3A_873] {strides = array<i32>} : memref<2x32x176xf32, #tpu.memory_space<vmem>>, vector<1x1x16xf32>,
        %parallel_loop3A_875 = vector.shape_cast %parallel_loop3A_874 : vector<1x1x16xf32> to vector<16xf32>
        %parallel_loop3A_876 = arith.constant 2 : i32
        %parallel_loop3A_877 = arith.constant 0 : i32
        %parallel_loop3A_878 = arith.index_cast %select_n3A_263 : i32 to index
        %parallel_loop3A_879 = arith.index_cast %parallel_loop3A_876 : i32 to index
        %parallel_loop3A_880 = arith.index_cast %parallel_loop3A_877 : i32 to index
        %parallel_loop3A_881 = arith.index_cast %parallel_loop3A_373 : i32 to index
        %parallel_loop3A_882 = arith.constant 16 : index
        %parallel_loop3A_883 = tpu.vector_load %arg6[%parallel_loop3A_878, %parallel_loop3A_879, %parallel_loop3A_880, %parallel_loop3A_881, %parallel_loop3A_882] {strides = array<i32>} : memref<2x10x1x8x128xf32, #tpu.memory_space<vmem>>, vector<1x1x1x1x16xf32>,
        %parallel_loop3A_884 = vector.shape_cast %parallel_loop3A_883 : vector<1x1x1x1x16xf32> to vector<16xf32>
        %parallel_loop3A_885 = arith.addf %parallel_loop3A_875, %parallel_loop3A_884 : vector<16xf32>
        %parallel_loop3A_886 = arith.constant 2 : i32
        %parallel_loop3A_887 = arith.constant 0 : i32
        %parallel_loop3A_888 = arith.index_cast %select_n3A_226 : i32 to index
        %parallel_loop3A_889 = arith.index_cast %parallel_loop3A_886 : i32 to index
        %parallel_loop3A_890 = arith.index_cast %parallel_loop3A_887 : i32 to index
        %parallel_loop3A_891 = arith.index_cast %parallel_loop3A_373 : i32 to index
        %parallel_loop3A_892 = arith.constant 16 : index
        %parallel_loop3A_893 = tpu.vector_load %arg7[%parallel_loop3A_888, %parallel_loop3A_889, %parallel_loop3A_890, %parallel_loop3A_891, %parallel_loop3A_892] {strides = array<i32>} : memref<2x10x1x8x128xf32, #tpu.memory_space<vmem>>, vector<1x1x1x1x16xf32>,
        %parallel_loop3A_894 = vector.shape_cast %parallel_loop3A_893 : vector<1x1x1x1x16xf32> to vector<16xf32>
        %parallel_loop3A_895 = vector.shape_cast %parallel_loop3A_885 : vector<16xf32> to vector<1x1x1x1x16xf32>
        tpu.vector_store %arg7[%parallel_loop3A_888, %parallel_loop3A_889, %parallel_loop3A_890, %parallel_loop3A_891, %parallel_loop3A_892], %parallel_loop3A_895 {strides = array<i32>} : memref<2x10x1x8x128xf32, #tpu.memory_space<vmem>>, vector<1x1x1x1x16xf32>,
        %parallel_loop3A_896 = arith.constant 4 : i32
        %parallel_loop3A_897 = arith.muli %parallel_loop3A_373, %parallel_loop3A_896 : i32
        %parallel_loop3A_898 = arith.constant 1 : i32
        %parallel_loop3A_899 = arith.addi %parallel_loop3A_897, %parallel_loop3A_898 : i32
        %parallel_loop3A_900 = arith.index_cast %select_n3A_226 : i32 to index
        %parallel_loop3A_901 = arith.index_cast %parallel_loop3A_899 : i32 to index
        %parallel_loop3A_902 = arith.constant 32 : index
        %parallel_loop3A_903 = tpu.vector_load %arg5[%parallel_loop3A_900, %parallel_loop3A_901, %parallel_loop3A_902] {strides = array<i32>} : memref<2x32x176xf32, #tpu.memory_space<vmem>>, vector<1x1x16xf32>,
        %parallel_loop3A_904 = vector.shape_cast %parallel_loop3A_903 : vector<1x1x16xf32> to vector<16xf32>
        %parallel_loop3A_905 = arith.constant 2 : i32
        %parallel_loop3A_906 = arith.constant 0 : i32
        %parallel_loop3A_907 = arith.index_cast %select_n3A_263 : i32 to index
        %parallel_loop3A_908 = arith.index_cast %parallel_loop3A_905 : i32 to index
        %parallel_loop3A_909 = arith.index_cast %parallel_loop3A_906 : i32 to index
        %parallel_loop3A_910 = arith.index_cast %parallel_loop3A_373 : i32 to index
        %parallel_loop3A_911 = arith.constant 32 : index
        %parallel_loop3A_912 = tpu.vector_load %arg6[%parallel_loop3A_907, %parallel_loop3A_908, %parallel_loop3A_909, %parallel_loop3A_910, %parallel_loop3A_911] {strides = array<i32>} : memref<2x10x1x8x128xf32, #tpu.memory_space<vmem>>, vector<1x1x1x1x16xf32>,
        %parallel_loop3A_913 = vector.shape_cast %parallel_loop3A_912 : vector<1x1x1x1x16xf32> to vector<16xf32>
        %parallel_loop3A_914 = arith.addf %parallel_loop3A_904, %parallel_loop3A_913 : vector<16xf32>
        %parallel_loop3A_915 = arith.constant 2 : i32
        %parallel_loop3A_916 = arith.constant 0 : i32
        %parallel_loop3A_917 = arith.index_cast %select_n3A_226 : i32 to index
        %parallel_loop3A_918 = arith.index_cast %parallel_loop3A_915 : i32 to index
        %parallel_loop3A_919 = arith.index_cast %parallel_loop3A_916 : i32 to index
        %parallel_loop3A_920 = arith.index_cast %parallel_loop3A_373 : i32 to index
        %parallel_loop3A_921 = arith.constant 32 : index
        %parallel_loop3A_922 = tpu.vector_load %arg7[%parallel_loop3A_917, %parallel_loop3A_918, %parallel_loop3A_919, %parallel_loop3A_920, %parallel_loop3A_921] {strides = array<i32>} : memref<2x10x1x8x128xf32, #tpu.memory_space<vmem>>, vector<1x1x1x1x16xf32>,
        %parallel_loop3A_923 = vector.shape_cast %parallel_loop3A_922 : vector<1x1x1x1x16xf32> to vector<16xf32>
        %parallel_loop3A_924 = vector.shape_cast %parallel_loop3A_914 : vector<16xf32> to vector<1x1x1x1x16xf32>
        tpu.vector_store %arg7[%parallel_loop3A_917, %parallel_loop3A_918, %parallel_loop3A_919, %parallel_loop3A_920, %parallel_loop3A_921], %parallel_loop3A_924 {strides = array<i32>} : memref<2x10x1x8x128xf32, #tpu.memory_space<vmem>>, vector<1x1x1x1x16xf32>,
        %parallel_loop3A_925 = arith.constant 4 : i32
        %parallel_loop3A_926 = arith.muli %parallel_loop3A_373, %parallel_loop3A_925 : i32
        %parallel_loop3A_927 = arith.constant 1 : i32
        %parallel_loop3A_928 = arith.addi %parallel_loop3A_926, %parallel_loop3A_927 : i32
        %parallel_loop3A_929 = arith.index_cast %select_n3A_226 : i32 to index
        %parallel_loop3A_930 = arith.index_cast %parallel_loop3A_928 : i32 to index
        %parallel_loop3A_931 = arith.constant 48 : index
        %parallel_loop3A_932 = tpu.vector_load %arg5[%parallel_loop3A_929, %parallel_loop3A_930, %parallel_loop3A_931] {strides = array<i32>} : memref<2x32x176xf32, #tpu.memory_space<vmem>>, vector<1x1x16xf32>,
        %parallel_loop3A_933 = vector.shape_cast %parallel_loop3A_932 : vector<1x1x16xf32> to vector<16xf32>
        %parallel_loop3A_934 = arith.constant 2 : i32
        %parallel_loop3A_935 = arith.constant 0 : i32
        %parallel_loop3A_936 = arith.index_cast %select_n3A_263 : i32 to index
        %parallel_loop3A_937 = arith.index_cast %parallel_loop3A_934 : i32 to index
        %parallel_loop3A_938 = arith.index_cast %parallel_loop3A_935 : i32 to index
        %parallel_loop3A_939 = arith.index_cast %parallel_loop3A_373 : i32 to index
        %parallel_loop3A_940 = arith.constant 48 : index
        %parallel_loop3A_941 = tpu.vector_load %arg6[%parallel_loop3A_936, %parallel_loop3A_937, %parallel_loop3A_938, %parallel_loop3A_939, %parallel_loop3A_940] {strides = array<i32>} : memref<2x10x1x8x128xf32, #tpu.memory_space<vmem>>, vector<1x1x1x1x16xf32>,
        %parallel_loop3A_942 = vector.shape_cast %parallel_loop3A_941 : vector<1x1x1x1x16xf32> to vector<16xf32>
        %parallel_loop3A_943 = arith.addf %parallel_loop3A_933, %parallel_loop3A_942 : vector<16xf32>
        %parallel_loop3A_944 = arith.constant 2 : i32
        %parallel_loop3A_945 = arith.constant 0 : i32
        %parallel_loop3A_946 = arith.index_cast %select_n3A_226 : i32 to index
        %parallel_loop3A_947 = arith.index_cast %parallel_loop3A_944 : i32 to index
        %parallel_loop3A_948 = arith.index_cast %parallel_loop3A_945 : i32 to index
        %parallel_loop3A_949 = arith.index_cast %parallel_loop3A_373 : i32 to index
        %parallel_loop3A_950 = arith.constant 48 : index
        %parallel_loop3A_951 = tpu.vector_load %arg7[%parallel_loop3A_946, %parallel_loop3A_947, %parallel_loop3A_948, %parallel_loop3A_949, %parallel_loop3A_950] {strides = array<i32>} : memref<2x10x1x8x128xf32, #tpu.memory_space<vmem>>, vector<1x1x1x1x16xf32>,
        %parallel_loop3A_952 = vector.shape_cast %parallel_loop3A_951 : vector<1x1x1x1x16xf32> to vector<16xf32>
        %parallel_loop3A_953 = vector.shape_cast %parallel_loop3A_943 : vector<16xf32> to vector<1x1x1x1x16xf32>
        tpu.vector_store %arg7[%parallel_loop3A_946, %parallel_loop3A_947, %parallel_loop3A_948, %parallel_loop3A_949, %parallel_loop3A_950], %parallel_loop3A_953 {strides = array<i32>} : memref<2x10x1x8x128xf32, #tpu.memory_space<vmem>>, vector<1x1x1x1x16xf32>,
        %parallel_loop3A_954 = arith.constant 4 : i32
        %parallel_loop3A_955 = arith.muli %parallel_loop3A_373, %parallel_loop3A_954 : i32
        %parallel_loop3A_956 = arith.constant 2 : i32
        %parallel_loop3A_957 = arith.addi %parallel_loop3A_955, %parallel_loop3A_956 : i32
        %parallel_loop3A_958 = arith.index_cast %select_n3A_226 : i32 to index
        %parallel_loop3A_959 = arith.index_cast %parallel_loop3A_957 : i32 to index
        %parallel_loop3A_960 = arith.constant 32 : index
        %parallel_loop3A_961 = tpu.vector_load %arg5[%parallel_loop3A_958, %parallel_loop3A_959, %parallel_loop3A_960] {strides = array<i32>} : memref<2x32x176xf32, #tpu.memory_space<vmem>>, vector<1x1x16xf32>,
        %parallel_loop3A_962 = vector.shape_cast %parallel_loop3A_961 : vector<1x1x16xf32> to vector<16xf32>
        %parallel_loop3A_963 = arith.constant 2 : i32
        %parallel_loop3A_964 = arith.constant 0 : i32
        %parallel_loop3A_965 = arith.index_cast %select_n3A_263 : i32 to index
        %parallel_loop3A_966 = arith.index_cast %parallel_loop3A_963 : i32 to index
        %parallel_loop3A_967 = arith.index_cast %parallel_loop3A_964 : i32 to index
        %parallel_loop3A_968 = arith.index_cast %parallel_loop3A_373 : i32 to index
        %parallel_loop3A_969 = arith.constant 64 : index
        %parallel_loop3A_970 = tpu.vector_load %arg6[%parallel_loop3A_965, %parallel_loop3A_966, %parallel_loop3A_967, %parallel_loop3A_968, %parallel_loop3A_969] {strides = array<i32>} : memref<2x10x1x8x128xf32, #tpu.memory_space<vmem>>, vector<1x1x1x1x16xf32>,
        %parallel_loop3A_971 = vector.shape_cast %parallel_loop3A_970 : vector<1x1x1x1x16xf32> to vector<16xf32>
        %parallel_loop3A_972 = arith.addf %parallel_loop3A_962, %parallel_loop3A_971 : vector<16xf32>
        %parallel_loop3A_973 = arith.constant 2 : i32
        %parallel_loop3A_974 = arith.constant 0 : i32
        %parallel_loop3A_975 = arith.index_cast %select_n3A_226 : i32 to index
        %parallel_loop3A_976 = arith.index_cast %parallel_loop3A_973 : i32 to index
        %parallel_loop3A_977 = arith.index_cast %parallel_loop3A_974 : i32 to index
        %parallel_loop3A_978 = arith.index_cast %parallel_loop3A_373 : i32 to index
        %parallel_loop3A_979 = arith.constant 64 : index
        %parallel_loop3A_980 = tpu.vector_load %arg7[%parallel_loop3A_975, %parallel_loop3A_976, %parallel_loop3A_977, %parallel_loop3A_978, %parallel_loop3A_979] {strides = array<i32>} : memref<2x10x1x8x128xf32, #tpu.memory_space<vmem>>, vector<1x1x1x1x16xf32>,
        %parallel_loop3A_981 = vector.shape_cast %parallel_loop3A_980 : vector<1x1x1x1x16xf32> to vector<16xf32>
        %parallel_loop3A_982 = vector.shape_cast %parallel_loop3A_972 : vector<16xf32> to vector<1x1x1x1x16xf32>
        tpu.vector_store %arg7[%parallel_loop3A_975, %parallel_loop3A_976, %parallel_loop3A_977, %parallel_loop3A_978, %parallel_loop3A_979], %parallel_loop3A_982 {strides = array<i32>} : memref<2x10x1x8x128xf32, #tpu.memory_space<vmem>>, vector<1x1x1x1x16xf32>,
        %parallel_loop3A_983 = arith.constant 4 : i32
        %parallel_loop3A_984 = arith.muli %parallel_loop3A_373, %parallel_loop3A_983 : i32
        %parallel_loop3A_985 = arith.constant 2 : i32
        %parallel_loop3A_986 = arith.addi %parallel_loop3A_984, %parallel_loop3A_985 : i32
        %parallel_loop3A_987 = arith.index_cast %select_n3A_226 : i32 to index
        %parallel_loop3A_988 = arith.index_cast %parallel_loop3A_986 : i32 to index
        %parallel_loop3A_989 = arith.constant 48 : index
        %parallel_loop3A_990 = tpu.vector_load %arg5[%parallel_loop3A_987, %parallel_loop3A_988, %parallel_loop3A_989] {strides = array<i32>} : memref<2x32x176xf32, #tpu.memory_space<vmem>>, vector<1x1x16xf32>,
        %parallel_loop3A_991 = vector.shape_cast %parallel_loop3A_990 : vector<1x1x16xf32> to vector<16xf32>
        %parallel_loop3A_992 = arith.constant 2 : i32
        %parallel_loop3A_993 = arith.constant 0 : i32
        %parallel_loop3A_994 = arith.index_cast %select_n3A_263 : i32 to index
        %parallel_loop3A_995 = arith.index_cast %parallel_loop3A_992 : i32 to index
        %parallel_loop3A_996 = arith.index_cast %parallel_loop3A_993 : i32 to index
        %parallel_loop3A_997 = arith.index_cast %parallel_loop3A_373 : i32 to index
        %parallel_loop3A_998 = arith.constant 80 : index
        %parallel_loop3A_999 = tpu.vector_load %arg6[%parallel_loop3A_994, %parallel_loop3A_995, %parallel_loop3A_996, %parallel_loop3A_997, %parallel_loop3A_998] {strides = array<i32>} : memref<2x10x1x8x128xf32, #tpu.memory_space<vmem>>, vector<1x1x1x1x16xf32>,
        %parallel_loop3A_1000 = vector.shape_cast %parallel_loop3A_999 : vector<1x1x1x1x16xf32> to vector<16xf32>
        %parallel_loop3A_1001 = arith.addf %parallel_loop3A_991, %parallel_loop3A_1000 : vector<16xf32>
        %parallel_loop3A_1002 = arith.constant 2 : i32
        %parallel_loop3A_1003 = arith.constant 0 : i32
        %parallel_loop3A_1004 = arith.index_cast %select_n3A_226 : i32 to index
        %parallel_loop3A_1005 = arith.index_cast %parallel_loop3A_1002 : i32 to index
        %parallel_loop3A_1006 = arith.index_cast %parallel_loop3A_1003 : i32 to index
        %parallel_loop3A_1007 = arith.index_cast %parallel_loop3A_373 : i32 to index
        %parallel_loop3A_1008 = arith.constant 80 : index
        %parallel_loop3A_1009 = tpu.vector_load %arg7[%parallel_loop3A_1004, %parallel_loop3A_1005, %parallel_loop3A_1006, %parallel_loop3A_1007, %parallel_loop3A_1008] {strides = array<i32>} : memref<2x10x1x8x128xf32, #tpu.memory_space<vmem>>, vector<1x1x1x1x16xf32>,
        %parallel_loop3A_1010 = vector.shape_cast %parallel_loop3A_1009 : vector<1x1x1x1x16xf32> to vector<16xf32>
        %parallel_loop3A_1011 = vector.shape_cast %parallel_loop3A_1001 : vector<16xf32> to vector<1x1x1x1x16xf32>
        tpu.vector_store %arg7[%parallel_loop3A_1004, %parallel_loop3A_1005, %parallel_loop3A_1006, %parallel_loop3A_1007, %parallel_loop3A_1008], %parallel_loop3A_1011 {strides = array<i32>} : memref<2x10x1x8x128xf32, #tpu.memory_space<vmem>>, vector<1x1x1x1x16xf32>,
        %parallel_loop3A_1012 = arith.constant 4 : i32
        %parallel_loop3A_1013 = arith.muli %parallel_loop3A_373, %parallel_loop3A_1012 : i32
        %parallel_loop3A_1014 = arith.constant 3 : i32
        %parallel_loop3A_1015 = arith.addi %parallel_loop3A_1013, %parallel_loop3A_1014 : i32
        %parallel_loop3A_1016 = arith.index_cast %select_n3A_226 : i32 to index
        %parallel_loop3A_1017 = arith.index_cast %parallel_loop3A_1015 : i32 to index
        %parallel_loop3A_1018 = arith.constant 32 : index
        %parallel_loop3A_1019 = tpu.vector_load %arg5[%parallel_loop3A_1016, %parallel_loop3A_1017, %parallel_loop3A_1018] {strides = array<i32>} : memref<2x32x176xf32, #tpu.memory_space<vmem>>, vector<1x1x16xf32>,
        %parallel_loop3A_1020 = vector.shape_cast %parallel_loop3A_1019 : vector<1x1x16xf32> to vector<16xf32>
        %parallel_loop3A_1021 = arith.constant 2 : i32
        %parallel_loop3A_1022 = arith.constant 0 : i32
        %parallel_loop3A_1023 = arith.index_cast %select_n3A_263 : i32 to index
        %parallel_loop3A_1024 = arith.index_cast %parallel_loop3A_1021 : i32 to index
        %parallel_loop3A_1025 = arith.index_cast %parallel_loop3A_1022 : i32 to index
        %parallel_loop3A_1026 = arith.index_cast %parallel_loop3A_373 : i32 to index
        %parallel_loop3A_1027 = arith.constant 96 : index
        %parallel_loop3A_1028 = tpu.vector_load %arg6[%parallel_loop3A_1023, %parallel_loop3A_1024, %parallel_loop3A_1025, %parallel_loop3A_1026, %parallel_loop3A_1027] {strides = array<i32>} : memref<2x10x1x8x128xf32, #tpu.memory_space<vmem>>, vector<1x1x1x1x16xf32>,
        %parallel_loop3A_1029 = vector.shape_cast %parallel_loop3A_1028 : vector<1x1x1x1x16xf32> to vector<16xf32>
        %parallel_loop3A_1030 = arith.addf %parallel_loop3A_1020, %parallel_loop3A_1029 : vector<16xf32>
        %parallel_loop3A_1031 = arith.constant 2 : i32
        %parallel_loop3A_1032 = arith.constant 0 : i32
        %parallel_loop3A_1033 = arith.index_cast %select_n3A_226 : i32 to index
        %parallel_loop3A_1034 = arith.index_cast %parallel_loop3A_1031 : i32 to index
        %parallel_loop3A_1035 = arith.index_cast %parallel_loop3A_1032 : i32 to index
        %parallel_loop3A_1036 = arith.index_cast %parallel_loop3A_373 : i32 to index
        %parallel_loop3A_1037 = arith.constant 96 : index
        %parallel_loop3A_1038 = tpu.vector_load %arg7[%parallel_loop3A_1033, %parallel_loop3A_1034, %parallel_loop3A_1035, %parallel_loop3A_1036, %parallel_loop3A_1037] {strides = array<i32>} : memref<2x10x1x8x128xf32, #tpu.memory_space<vmem>>, vector<1x1x1x1x16xf32>,
        %parallel_loop3A_1039 = vector.shape_cast %parallel_loop3A_1038 : vector<1x1x1x1x16xf32> to vector<16xf32>
        %parallel_loop3A_1040 = vector.shape_cast %parallel_loop3A_1030 : vector<16xf32> to vector<1x1x1x1x16xf32>
        tpu.vector_store %arg7[%parallel_loop3A_1033, %parallel_loop3A_1034, %parallel_loop3A_1035, %parallel_loop3A_1036, %parallel_loop3A_1037], %parallel_loop3A_1040 {strides = array<i32>} : memref<2x10x1x8x128xf32, #tpu.memory_space<vmem>>, vector<1x1x1x1x16xf32>,
        %parallel_loop3A_1041 = arith.constant 4 : i32
        %parallel_loop3A_1042 = arith.muli %parallel_loop3A_373, %parallel_loop3A_1041 : i32
        %parallel_loop3A_1043 = arith.constant 3 : i32
        %parallel_loop3A_1044 = arith.addi %parallel_loop3A_1042, %parallel_loop3A_1043 : i32
        %parallel_loop3A_1045 = arith.index_cast %select_n3A_226 : i32 to index
        %parallel_loop3A_1046 = arith.index_cast %parallel_loop3A_1044 : i32 to index
        %parallel_loop3A_1047 = arith.constant 48 : index
        %parallel_loop3A_1048 = tpu.vector_load %arg5[%parallel_loop3A_1045, %parallel_loop3A_1046, %parallel_loop3A_1047] {strides = array<i32>} : memref<2x32x176xf32, #tpu.memory_space<vmem>>, vector<1x1x16xf32>,
        %parallel_loop3A_1049 = vector.shape_cast %parallel_loop3A_1048 : vector<1x1x16xf32> to vector<16xf32>
        %parallel_loop3A_1050 = arith.constant 2 : i32
        %parallel_loop3A_1051 = arith.constant 0 : i32
        %parallel_loop3A_1052 = arith.index_cast %select_n3A_263 : i32 to index
        %parallel_loop3A_1053 = arith.index_cast %parallel_loop3A_1050 : i32 to index
        %parallel_loop3A_1054 = arith.index_cast %parallel_loop3A_1051 : i32 to index
        %parallel_loop3A_1055 = arith.index_cast %parallel_loop3A_373 : i32 to index
        %parallel_loop3A_1056 = arith.constant 112 : index
        %parallel_loop3A_1057 = tpu.vector_load %arg6[%parallel_loop3A_1052, %parallel_loop3A_1053, %parallel_loop3A_1054, %parallel_loop3A_1055, %parallel_loop3A_1056] {strides = array<i32>} : memref<2x10x1x8x128xf32, #tpu.memory_space<vmem>>, vector<1x1x1x1x16xf32>,
        %parallel_loop3A_1058 = vector.shape_cast %parallel_loop3A_1057 : vector<1x1x1x1x16xf32> to vector<16xf32>
        %parallel_loop3A_1059 = arith.addf %parallel_loop3A_1049, %parallel_loop3A_1058 : vector<16xf32>
        %parallel_loop3A_1060 = arith.constant 2 : i32
        %parallel_loop3A_1061 = arith.constant 0 : i32
        %parallel_loop3A_1062 = arith.index_cast %select_n3A_226 : i32 to index
        %parallel_loop3A_1063 = arith.index_cast %parallel_loop3A_1060 : i32 to index
        %parallel_loop3A_1064 = arith.index_cast %parallel_loop3A_1061 : i32 to index
        %parallel_loop3A_1065 = arith.index_cast %parallel_loop3A_373 : i32 to index
        %parallel_loop3A_1066 = arith.constant 112 : index
        %parallel_loop3A_1067 = tpu.vector_load %arg7[%parallel_loop3A_1062, %parallel_loop3A_1063, %parallel_loop3A_1064, %parallel_loop3A_1065, %parallel_loop3A_1066] {strides = array<i32>} : memref<2x10x1x8x128xf32, #tpu.memory_space<vmem>>, vector<1x1x1x1x16xf32>,
        %parallel_loop3A_1068 = vector.shape_cast %parallel_loop3A_1067 : vector<1x1x1x1x16xf32> to vector<16xf32>
        %parallel_loop3A_1069 = vector.shape_cast %parallel_loop3A_1059 : vector<16xf32> to vector<1x1x1x1x16xf32>
        tpu.vector_store %arg7[%parallel_loop3A_1062, %parallel_loop3A_1063, %parallel_loop3A_1064, %parallel_loop3A_1065, %parallel_loop3A_1066], %parallel_loop3A_1069 {strides = array<i32>} : memref<2x10x1x8x128xf32, #tpu.memory_space<vmem>>, vector<1x1x1x1x16xf32>,
        %parallel_loop3A_1070 = arith.constant 4 : i32
        %parallel_loop3A_1071 = arith.muli %parallel_loop3A_373, %parallel_loop3A_1070 : i32
        %parallel_loop3A_1072 = arith.constant 0 : i32
        %parallel_loop3A_1073 = arith.addi %parallel_loop3A_1071, %parallel_loop3A_1072 : i32
        %parallel_loop3A_1074 = arith.index_cast %select_n3A_226 : i32 to index
        %parallel_loop3A_1075 = arith.index_cast %parallel_loop3A_1073 : i32 to index
        %parallel_loop3A_1076 = arith.constant 48 : index
        %parallel_loop3A_1077 = tpu.vector_load %arg5[%parallel_loop3A_1074, %parallel_loop3A_1075, %parallel_loop3A_1076] {strides = array<i32>} : memref<2x32x176xf32, #tpu.memory_space<vmem>>, vector<1x1x16xf32>,
        %parallel_loop3A_1078 = vector.shape_cast %parallel_loop3A_1077 : vector<1x1x16xf32> to vector<16xf32>
        %parallel_loop3A_1079 = arith.constant 3 : i32
        %parallel_loop3A_1080 = arith.constant 0 : i32
        %parallel_loop3A_1081 = arith.index_cast %select_n3A_263 : i32 to index
        %parallel_loop3A_1082 = arith.index_cast %parallel_loop3A_1079 : i32 to index
        %parallel_loop3A_1083 = arith.index_cast %parallel_loop3A_1080 : i32 to index
        %parallel_loop3A_1084 = arith.index_cast %parallel_loop3A_373 : i32 to index
        %parallel_loop3A_1085 = arith.constant 0 : index
        %parallel_loop3A_1086 = tpu.vector_load %arg6[%parallel_loop3A_1081, %parallel_loop3A_1082, %parallel_loop3A_1083, %parallel_loop3A_1084, %parallel_loop3A_1085] {strides = array<i32>} : memref<2x10x1x8x128xf32, #tpu.memory_space<vmem>>, vector<1x1x1x1x16xf32>,
        %parallel_loop3A_1087 = vector.shape_cast %parallel_loop3A_1086 : vector<1x1x1x1x16xf32> to vector<16xf32>
        %parallel_loop3A_1088 = arith.addf %parallel_loop3A_1078, %parallel_loop3A_1087 : vector<16xf32>
        %parallel_loop3A_1089 = arith.constant 3 : i32
        %parallel_loop3A_1090 = arith.constant 0 : i32
        %parallel_loop3A_1091 = arith.index_cast %select_n3A_226 : i32 to index
        %parallel_loop3A_1092 = arith.index_cast %parallel_loop3A_1089 : i32 to index
        %parallel_loop3A_1093 = arith.index_cast %parallel_loop3A_1090 : i32 to index
        %parallel_loop3A_1094 = arith.index_cast %parallel_loop3A_373 : i32 to index
        %parallel_loop3A_1095 = arith.constant 0 : index
        %parallel_loop3A_1096 = tpu.vector_load %arg7[%parallel_loop3A_1091, %parallel_loop3A_1092, %parallel_loop3A_1093, %parallel_loop3A_1094, %parallel_loop3A_1095] {strides = array<i32>} : memref<2x10x1x8x128xf32, #tpu.memory_space<vmem>>, vector<1x1x1x1x16xf32>,
        %parallel_loop3A_1097 = vector.shape_cast %parallel_loop3A_1096 : vector<1x1x1x1x16xf32> to vector<16xf32>
        %parallel_loop3A_1098 = vector.shape_cast %parallel_loop3A_1088 : vector<16xf32> to vector<1x1x1x1x16xf32>
        tpu.vector_store %arg7[%parallel_loop3A_1091, %parallel_loop3A_1092, %parallel_loop3A_1093, %parallel_loop3A_1094, %parallel_loop3A_1095], %parallel_loop3A_1098 {strides = array<i32>} : memref<2x10x1x8x128xf32, #tpu.memory_space<vmem>>, vector<1x1x1x1x16xf32>,
        %parallel_loop3A_1099 = arith.constant 4 : i32
        %parallel_loop3A_1100 = arith.muli %parallel_loop3A_373, %parallel_loop3A_1099 : i32
        %parallel_loop3A_1101 = arith.constant 0 : i32
        %parallel_loop3A_1102 = arith.addi %parallel_loop3A_1100, %parallel_loop3A_1101 : i32
        %parallel_loop3A_1103 = arith.index_cast %select_n3A_226 : i32 to index
        %parallel_loop3A_1104 = arith.index_cast %parallel_loop3A_1102 : i32 to index
        %parallel_loop3A_1105 = arith.constant 64 : index
        %parallel_loop3A_1106 = tpu.vector_load %arg5[%parallel_loop3A_1103, %parallel_loop3A_1104, %parallel_loop3A_1105] {strides = array<i32>} : memref<2x32x176xf32, #tpu.memory_space<vmem>>, vector<1x1x16xf32>,
        %parallel_loop3A_1107 = vector.shape_cast %parallel_loop3A_1106 : vector<1x1x16xf32> to vector<16xf32>
        %parallel_loop3A_1108 = arith.constant 3 : i32
        %parallel_loop3A_1109 = arith.constant 0 : i32
        %parallel_loop3A_1110 = arith.index_cast %select_n3A_263 : i32 to index
        %parallel_loop3A_1111 = arith.index_cast %parallel_loop3A_1108 : i32 to index
        %parallel_loop3A_1112 = arith.index_cast %parallel_loop3A_1109 : i32 to index
        %parallel_loop3A_1113 = arith.index_cast %parallel_loop3A_373 : i32 to index
        %parallel_loop3A_1114 = arith.constant 16 : index
        %parallel_loop3A_1115 = tpu.vector_load %arg6[%parallel_loop3A_1110, %parallel_loop3A_1111, %parallel_loop3A_1112, %parallel_loop3A_1113, %parallel_loop3A_1114] {strides = array<i32>} : memref<2x10x1x8x128xf32, #tpu.memory_space<vmem>>, vector<1x1x1x1x16xf32>,
        %parallel_loop3A_1116 = vector.shape_cast %parallel_loop3A_1115 : vector<1x1x1x1x16xf32> to vector<16xf32>
        %parallel_loop3A_1117 = arith.addf %parallel_loop3A_1107, %parallel_loop3A_1116 : vector<16xf32>
        %parallel_loop3A_1118 = arith.constant 3 : i32
        %parallel_loop3A_1119 = arith.constant 0 : i32
        %parallel_loop3A_1120 = arith.index_cast %select_n3A_226 : i32 to index
        %parallel_loop3A_1121 = arith.index_cast %parallel_loop3A_1118 : i32 to index
        %parallel_loop3A_1122 = arith.index_cast %parallel_loop3A_1119 : i32 to index
        %parallel_loop3A_1123 = arith.index_cast %parallel_loop3A_373 : i32 to index
        %parallel_loop3A_1124 = arith.constant 16 : index
        %parallel_loop3A_1125 = tpu.vector_load %arg7[%parallel_loop3A_1120, %parallel_loop3A_1121, %parallel_loop3A_1122, %parallel_loop3A_1123, %parallel_loop3A_1124] {strides = array<i32>} : memref<2x10x1x8x128xf32, #tpu.memory_space<vmem>>, vector<1x1x1x1x16xf32>,
        %parallel_loop3A_1126 = vector.shape_cast %parallel_loop3A_1125 : vector<1x1x1x1x16xf32> to vector<16xf32>
        %parallel_loop3A_1127 = vector.shape_cast %parallel_loop3A_1117 : vector<16xf32> to vector<1x1x1x1x16xf32>
        tpu.vector_store %arg7[%parallel_loop3A_1120, %parallel_loop3A_1121, %parallel_loop3A_1122, %parallel_loop3A_1123, %parallel_loop3A_1124], %parallel_loop3A_1127 {strides = array<i32>} : memref<2x10x1x8x128xf32, #tpu.memory_space<vmem>>, vector<1x1x1x1x16xf32>,
        %parallel_loop3A_1128 = arith.constant 4 : i32
        %parallel_loop3A_1129 = arith.muli %parallel_loop3A_373, %parallel_loop3A_1128 : i32
        %parallel_loop3A_1130 = arith.constant 1 : i32
        %parallel_loop3A_1131 = arith.addi %parallel_loop3A_1129, %parallel_loop3A_1130 : i32
        %parallel_loop3A_1132 = arith.index_cast %select_n3A_226 : i32 to index
        %parallel_loop3A_1133 = arith.index_cast %parallel_loop3A_1131 : i32 to index
        %parallel_loop3A_1134 = arith.constant 48 : index
        %parallel_loop3A_1135 = tpu.vector_load %arg5[%parallel_loop3A_1132, %parallel_loop3A_1133, %parallel_loop3A_1134] {strides = array<i32>} : memref<2x32x176xf32, #tpu.memory_space<vmem>>, vector<1x1x16xf32>,
        %parallel_loop3A_1136 = vector.shape_cast %parallel_loop3A_1135 : vector<1x1x16xf32> to vector<16xf32>
        %parallel_loop3A_1137 = arith.constant 3 : i32
        %parallel_loop3A_1138 = arith.constant 0 : i32
        %parallel_loop3A_1139 = arith.index_cast %select_n3A_263 : i32 to index
        %parallel_loop3A_1140 = arith.index_cast %parallel_loop3A_1137 : i32 to index
        %parallel_loop3A_1141 = arith.index_cast %parallel_loop3A_1138 : i32 to index
        %parallel_loop3A_1142 = arith.index_cast %parallel_loop3A_373 : i32 to index
        %parallel_loop3A_1143 = arith.constant 32 : index
        %parallel_loop3A_1144 = tpu.vector_load %arg6[%parallel_loop3A_1139, %parallel_loop3A_1140, %parallel_loop3A_1141, %parallel_loop3A_1142, %parallel_loop3A_1143] {strides = array<i32>} : memref<2x10x1x8x128xf32, #tpu.memory_space<vmem>>, vector<1x1x1x1x16xf32>,
        %parallel_loop3A_1145 = vector.shape_cast %parallel_loop3A_1144 : vector<1x1x1x1x16xf32> to vector<16xf32>
        %parallel_loop3A_1146 = arith.addf %parallel_loop3A_1136, %parallel_loop3A_1145 : vector<16xf32>
        %parallel_loop3A_1147 = arith.constant 3 : i32
        %parallel_loop3A_1148 = arith.constant 0 : i32
        %parallel_loop3A_1149 = arith.index_cast %select_n3A_226 : i32 to index
        %parallel_loop3A_1150 = arith.index_cast %parallel_loop3A_1147 : i32 to index
        %parallel_loop3A_1151 = arith.index_cast %parallel_loop3A_1148 : i32 to index
        %parallel_loop3A_1152 = arith.index_cast %parallel_loop3A_373 : i32 to index
        %parallel_loop3A_1153 = arith.constant 32 : index
        %parallel_loop3A_1154 = tpu.vector_load %arg7[%parallel_loop3A_1149, %parallel_loop3A_1150, %parallel_loop3A_1151, %parallel_loop3A_1152, %parallel_loop3A_1153] {strides = array<i32>} : memref<2x10x1x8x128xf32, #tpu.memory_space<vmem>>, vector<1x1x1x1x16xf32>,
        %parallel_loop3A_1155 = vector.shape_cast %parallel_loop3A_1154 : vector<1x1x1x1x16xf32> to vector<16xf32>
        %parallel_loop3A_1156 = vector.shape_cast %parallel_loop3A_1146 : vector<16xf32> to vector<1x1x1x1x16xf32>
        tpu.vector_store %arg7[%parallel_loop3A_1149, %parallel_loop3A_1150, %parallel_loop3A_1151, %parallel_loop3A_1152, %parallel_loop3A_1153], %parallel_loop3A_1156 {strides = array<i32>} : memref<2x10x1x8x128xf32, #tpu.memory_space<vmem>>, vector<1x1x1x1x16xf32>,
        %parallel_loop3A_1157 = arith.constant 4 : i32
        %parallel_loop3A_1158 = arith.muli %parallel_loop3A_373, %parallel_loop3A_1157 : i32
        %parallel_loop3A_1159 = arith.constant 1 : i32
        %parallel_loop3A_1160 = arith.addi %parallel_loop3A_1158, %parallel_loop3A_1159 : i32
        %parallel_loop3A_1161 = arith.index_cast %select_n3A_226 : i32 to index
        %parallel_loop3A_1162 = arith.index_cast %parallel_loop3A_1160 : i32 to index
        %parallel_loop3A_1163 = arith.constant 64 : index
        %parallel_loop3A_1164 = tpu.vector_load %arg5[%parallel_loop3A_1161, %parallel_loop3A_1162, %parallel_loop3A_1163] {strides = array<i32>} : memref<2x32x176xf32, #tpu.memory_space<vmem>>, vector<1x1x16xf32>,
        %parallel_loop3A_1165 = vector.shape_cast %parallel_loop3A_1164 : vector<1x1x16xf32> to vector<16xf32>
        %parallel_loop3A_1166 = arith.constant 3 : i32
        %parallel_loop3A_1167 = arith.constant 0 : i32
        %parallel_loop3A_1168 = arith.index_cast %select_n3A_263 : i32 to index
        %parallel_loop3A_1169 = arith.index_cast %parallel_loop3A_1166 : i32 to index
        %parallel_loop3A_1170 = arith.index_cast %parallel_loop3A_1167 : i32 to index
        %parallel_loop3A_1171 = arith.index_cast %parallel_loop3A_373 : i32 to index
        %parallel_loop3A_1172 = arith.constant 48 : index
        %parallel_loop3A_1173 = tpu.vector_load %arg6[%parallel_loop3A_1168, %parallel_loop3A_1169, %parallel_loop3A_1170, %parallel_loop3A_1171, %parallel_loop3A_1172] {strides = array<i32>} : memref<2x10x1x8x128xf32, #tpu.memory_space<vmem>>, vector<1x1x1x1x16xf32>,
        %parallel_loop3A_1174 = vector.shape_cast %parallel_loop3A_1173 : vector<1x1x1x1x16xf32> to vector<16xf32>
        %parallel_loop3A_1175 = arith.addf %parallel_loop3A_1165, %parallel_loop3A_1174 : vector<16xf32>
        %parallel_loop3A_1176 = arith.constant 3 : i32
        %parallel_loop3A_1177 = arith.constant 0 : i32
        %parallel_loop3A_1178 = arith.index_cast %select_n3A_226 : i32 to index
        %parallel_loop3A_1179 = arith.index_cast %parallel_loop3A_1176 : i32 to index
        %parallel_loop3A_1180 = arith.index_cast %parallel_loop3A_1177 : i32 to index
        %parallel_loop3A_1181 = arith.index_cast %parallel_loop3A_373 : i32 to index
        %parallel_loop3A_1182 = arith.constant 48 : index
        %parallel_loop3A_1183 = tpu.vector_load %arg7[%parallel_loop3A_1178, %parallel_loop3A_1179, %parallel_loop3A_1180, %parallel_loop3A_1181, %parallel_loop3A_1182] {strides = array<i32>} : memref<2x10x1x8x128xf32, #tpu.memory_space<vmem>>, vector<1x1x1x1x16xf32>,
        %parallel_loop3A_1184 = vector.shape_cast %parallel_loop3A_1183 : vector<1x1x1x1x16xf32> to vector<16xf32>
        %parallel_loop3A_1185 = vector.shape_cast %parallel_loop3A_1175 : vector<16xf32> to vector<1x1x1x1x16xf32>
        tpu.vector_store %arg7[%parallel_loop3A_1178, %parallel_loop3A_1179, %parallel_loop3A_1180, %parallel_loop3A_1181, %parallel_loop3A_1182], %parallel_loop3A_1185 {strides = array<i32>} : memref<2x10x1x8x128xf32, #tpu.memory_space<vmem>>, vector<1x1x1x1x16xf32>,
        %parallel_loop3A_1186 = arith.constant 4 : i32
        %parallel_loop3A_1187 = arith.muli %parallel_loop3A_373, %parallel_loop3A_1186 : i32
        %parallel_loop3A_1188 = arith.constant 2 : i32
        %parallel_loop3A_1189 = arith.addi %parallel_loop3A_1187, %parallel_loop3A_1188 : i32
        %parallel_loop3A_1190 = arith.index_cast %select_n3A_226 : i32 to index
        %parallel_loop3A_1191 = arith.index_cast %parallel_loop3A_1189 : i32 to index
        %parallel_loop3A_1192 = arith.constant 48 : index
        %parallel_loop3A_1193 = tpu.vector_load %arg5[%parallel_loop3A_1190, %parallel_loop3A_1191, %parallel_loop3A_1192] {strides = array<i32>} : memref<2x32x176xf32, #tpu.memory_space<vmem>>, vector<1x1x16xf32>,
        %parallel_loop3A_1194 = vector.shape_cast %parallel_loop3A_1193 : vector<1x1x16xf32> to vector<16xf32>
        %parallel_loop3A_1195 = arith.constant 3 : i32
        %parallel_loop3A_1196 = arith.constant 0 : i32
        %parallel_loop3A_1197 = arith.index_cast %select_n3A_263 : i32 to index
        %parallel_loop3A_1198 = arith.index_cast %parallel_loop3A_1195 : i32 to index
        %parallel_loop3A_1199 = arith.index_cast %parallel_loop3A_1196 : i32 to index
        %parallel_loop3A_1200 = arith.index_cast %parallel_loop3A_373 : i32 to index
        %parallel_loop3A_1201 = arith.constant 64 : index
        %parallel_loop3A_1202 = tpu.vector_load %arg6[%parallel_loop3A_1197, %parallel_loop3A_1198, %parallel_loop3A_1199, %parallel_loop3A_1200, %parallel_loop3A_1201] {strides = array<i32>} : memref<2x10x1x8x128xf32, #tpu.memory_space<vmem>>, vector<1x1x1x1x16xf32>,
        %parallel_loop3A_1203 = vector.shape_cast %parallel_loop3A_1202 : vector<1x1x1x1x16xf32> to vector<16xf32>
        %parallel_loop3A_1204 = arith.addf %parallel_loop3A_1194, %parallel_loop3A_1203 : vector<16xf32>
        %parallel_loop3A_1205 = arith.constant 3 : i32
        %parallel_loop3A_1206 = arith.constant 0 : i32
        %parallel_loop3A_1207 = arith.index_cast %select_n3A_226 : i32 to index
        %parallel_loop3A_1208 = arith.index_cast %parallel_loop3A_1205 : i32 to index
        %parallel_loop3A_1209 = arith.index_cast %parallel_loop3A_1206 : i32 to index
        %parallel_loop3A_1210 = arith.index_cast %parallel_loop3A_373 : i32 to index
        %parallel_loop3A_1211 = arith.constant 64 : index
        %parallel_loop3A_1212 = tpu.vector_load %arg7[%parallel_loop3A_1207, %parallel_loop3A_1208, %parallel_loop3A_1209, %parallel_loop3A_1210, %parallel_loop3A_1211] {strides = array<i32>} : memref<2x10x1x8x128xf32, #tpu.memory_space<vmem>>, vector<1x1x1x1x16xf32>,
        %parallel_loop3A_1213 = vector.shape_cast %parallel_loop3A_1212 : vector<1x1x1x1x16xf32> to vector<16xf32>
        %parallel_loop3A_1214 = vector.shape_cast %parallel_loop3A_1204 : vector<16xf32> to vector<1x1x1x1x16xf32>
        tpu.vector_store %arg7[%parallel_loop3A_1207, %parallel_loop3A_1208, %parallel_loop3A_1209, %parallel_loop3A_1210, %parallel_loop3A_1211], %parallel_loop3A_1214 {strides = array<i32>} : memref<2x10x1x8x128xf32, #tpu.memory_space<vmem>>, vector<1x1x1x1x16xf32>,
        %parallel_loop3A_1215 = arith.constant 4 : i32
        %parallel_loop3A_1216 = arith.muli %parallel_loop3A_373, %parallel_loop3A_1215 : i32
        %parallel_loop3A_1217 = arith.constant 2 : i32
        %parallel_loop3A_1218 = arith.addi %parallel_loop3A_1216, %parallel_loop3A_1217 : i32
        %parallel_loop3A_1219 = arith.index_cast %select_n3A_226 : i32 to index
        %parallel_loop3A_1220 = arith.index_cast %parallel_loop3A_1218 : i32 to index
        %parallel_loop3A_1221 = arith.constant 64 : index
        %parallel_loop3A_1222 = tpu.vector_load %arg5[%parallel_loop3A_1219, %parallel_loop3A_1220, %parallel_loop3A_1221] {strides = array<i32>} : memref<2x32x176xf32, #tpu.memory_space<vmem>>, vector<1x1x16xf32>,
        %parallel_loop3A_1223 = vector.shape_cast %parallel_loop3A_1222 : vector<1x1x16xf32> to vector<16xf32>
        %parallel_loop3A_1224 = arith.constant 3 : i32
        %parallel_loop3A_1225 = arith.constant 0 : i32
        %parallel_loop3A_1226 = arith.index_cast %select_n3A_263 : i32 to index
        %parallel_loop3A_1227 = arith.index_cast %parallel_loop3A_1224 : i32 to index
        %parallel_loop3A_1228 = arith.index_cast %parallel_loop3A_1225 : i32 to index
        %parallel_loop3A_1229 = arith.index_cast %parallel_loop3A_373 : i32 to index
        %parallel_loop3A_1230 = arith.constant 80 : index
        %parallel_loop3A_1231 = tpu.vector_load %arg6[%parallel_loop3A_1226, %parallel_loop3A_1227, %parallel_loop3A_1228, %parallel_loop3A_1229, %parallel_loop3A_1230] {strides = array<i32>} : memref<2x10x1x8x128xf32, #tpu.memory_space<vmem>>, vector<1x1x1x1x16xf32>,
        %parallel_loop3A_1232 = vector.shape_cast %parallel_loop3A_1231 : vector<1x1x1x1x16xf32> to vector<16xf32>
        %parallel_loop3A_1233 = arith.addf %parallel_loop3A_1223, %parallel_loop3A_1232 : vector<16xf32>
        %parallel_loop3A_1234 = arith.constant 3 : i32
        %parallel_loop3A_1235 = arith.constant 0 : i32
        %parallel_loop3A_1236 = arith.index_cast %select_n3A_226 : i32 to index
        %parallel_loop3A_1237 = arith.index_cast %parallel_loop3A_1234 : i32 to index
        %parallel_loop3A_1238 = arith.index_cast %parallel_loop3A_1235 : i32 to index
        %parallel_loop3A_1239 = arith.index_cast %parallel_loop3A_373 : i32 to index
        %parallel_loop3A_1240 = arith.constant 80 : index
        %parallel_loop3A_1241 = tpu.vector_load %arg7[%parallel_loop3A_1236, %parallel_loop3A_1237, %parallel_loop3A_1238, %parallel_loop3A_1239, %parallel_loop3A_1240] {strides = array<i32>} : memref<2x10x1x8x128xf32, #tpu.memory_space<vmem>>, vector<1x1x1x1x16xf32>,
        %parallel_loop3A_1242 = vector.shape_cast %parallel_loop3A_1241 : vector<1x1x1x1x16xf32> to vector<16xf32>
        %parallel_loop3A_1243 = vector.shape_cast %parallel_loop3A_1233 : vector<16xf32> to vector<1x1x1x1x16xf32>
        tpu.vector_store %arg7[%parallel_loop3A_1236, %parallel_loop3A_1237, %parallel_loop3A_1238, %parallel_loop3A_1239, %parallel_loop3A_1240], %parallel_loop3A_1243 {strides = array<i32>} : memref<2x10x1x8x128xf32, #tpu.memory_space<vmem>>, vector<1x1x1x1x16xf32>,
        %parallel_loop3A_1244 = arith.constant 4 : i32
        %parallel_loop3A_1245 = arith.muli %parallel_loop3A_373, %parallel_loop3A_1244 : i32
        %parallel_loop3A_1246 = arith.constant 3 : i32
        %parallel_loop3A_1247 = arith.addi %parallel_loop3A_1245, %parallel_loop3A_1246 : i32
        %parallel_loop3A_1248 = arith.index_cast %select_n3A_226 : i32 to index
        %parallel_loop3A_1249 = arith.index_cast %parallel_loop3A_1247 : i32 to index
        %parallel_loop3A_1250 = arith.constant 48 : index
        %parallel_loop3A_1251 = tpu.vector_load %arg5[%parallel_loop3A_1248, %parallel_loop3A_1249, %parallel_loop3A_1250] {strides = array<i32>} : memref<2x32x176xf32, #tpu.memory_space<vmem>>, vector<1x1x16xf32>,
        %parallel_loop3A_1252 = vector.shape_cast %parallel_loop3A_1251 : vector<1x1x16xf32> to vector<16xf32>
        %parallel_loop3A_1253 = arith.constant 3 : i32
        %parallel_loop3A_1254 = arith.constant 0 : i32
        %parallel_loop3A_1255 = arith.index_cast %select_n3A_263 : i32 to index
        %parallel_loop3A_1256 = arith.index_cast %parallel_loop3A_1253 : i32 to index
        %parallel_loop3A_1257 = arith.index_cast %parallel_loop3A_1254 : i32 to index
        %parallel_loop3A_1258 = arith.index_cast %parallel_loop3A_373 : i32 to index
        %parallel_loop3A_1259 = arith.constant 96 : index
        %parallel_loop3A_1260 = tpu.vector_load %arg6[%parallel_loop3A_1255, %parallel_loop3A_1256, %parallel_loop3A_1257, %parallel_loop3A_1258, %parallel_loop3A_1259] {strides = array<i32>} : memref<2x10x1x8x128xf32, #tpu.memory_space<vmem>>, vector<1x1x1x1x16xf32>,
        %parallel_loop3A_1261 = vector.shape_cast %parallel_loop3A_1260 : vector<1x1x1x1x16xf32> to vector<16xf32>
        %parallel_loop3A_1262 = arith.addf %parallel_loop3A_1252, %parallel_loop3A_1261 : vector<16xf32>
        %parallel_loop3A_1263 = arith.constant 3 : i32
        %parallel_loop3A_1264 = arith.constant 0 : i32
        %parallel_loop3A_1265 = arith.index_cast %select_n3A_226 : i32 to index
        %parallel_loop3A_1266 = arith.index_cast %parallel_loop3A_1263 : i32 to index
        %parallel_loop3A_1267 = arith.index_cast %parallel_loop3A_1264 : i32 to index
        %parallel_loop3A_1268 = arith.index_cast %parallel_loop3A_373 : i32 to index
        %parallel_loop3A_1269 = arith.constant 96 : index
        %parallel_loop3A_1270 = tpu.vector_load %arg7[%parallel_loop3A_1265, %parallel_loop3A_1266, %parallel_loop3A_1267, %parallel_loop3A_1268, %parallel_loop3A_1269] {strides = array<i32>} : memref<2x10x1x8x128xf32, #tpu.memory_space<vmem>>, vector<1x1x1x1x16xf32>,
        %parallel_loop3A_1271 = vector.shape_cast %parallel_loop3A_1270 : vector<1x1x1x1x16xf32> to vector<16xf32>
        %parallel_loop3A_1272 = vector.shape_cast %parallel_loop3A_1262 : vector<16xf32> to vector<1x1x1x1x16xf32>
        tpu.vector_store %arg7[%parallel_loop3A_1265, %parallel_loop3A_1266, %parallel_loop3A_1267, %parallel_loop3A_1268, %parallel_loop3A_1269], %parallel_loop3A_1272 {strides = array<i32>} : memref<2x10x1x8x128xf32, #tpu.memory_space<vmem>>, vector<1x1x1x1x16xf32>,
        %parallel_loop3A_1273 = arith.constant 4 : i32
        %parallel_loop3A_1274 = arith.muli %parallel_loop3A_373, %parallel_loop3A_1273 : i32
        %parallel_loop3A_1275 = arith.constant 3 : i32
        %parallel_loop3A_1276 = arith.addi %parallel_loop3A_1274, %parallel_loop3A_1275 : i32
        %parallel_loop3A_1277 = arith.index_cast %select_n3A_226 : i32 to index
        %parallel_loop3A_1278 = arith.index_cast %parallel_loop3A_1276 : i32 to index
        %parallel_loop3A_1279 = arith.constant 64 : index
        %parallel_loop3A_1280 = tpu.vector_load %arg5[%parallel_loop3A_1277, %parallel_loop3A_1278, %parallel_loop3A_1279] {strides = array<i32>} : memref<2x32x176xf32, #tpu.memory_space<vmem>>, vector<1x1x16xf32>,
        %parallel_loop3A_1281 = vector.shape_cast %parallel_loop3A_1280 : vector<1x1x16xf32> to vector<16xf32>
        %parallel_loop3A_1282 = arith.constant 3 : i32
        %parallel_loop3A_1283 = arith.constant 0 : i32
        %parallel_loop3A_1284 = arith.index_cast %select_n3A_263 : i32 to index
        %parallel_loop3A_1285 = arith.index_cast %parallel_loop3A_1282 : i32 to index
        %parallel_loop3A_1286 = arith.index_cast %parallel_loop3A_1283 : i32 to index
        %parallel_loop3A_1287 = arith.index_cast %parallel_loop3A_373 : i32 to index
        %parallel_loop3A_1288 = arith.constant 112 : index
        %parallel_loop3A_1289 = tpu.vector_load %arg6[%parallel_loop3A_1284, %parallel_loop3A_1285, %parallel_loop3A_1286, %parallel_loop3A_1287, %parallel_loop3A_1288] {strides = array<i32>} : memref<2x10x1x8x128xf32, #tpu.memory_space<vmem>>, vector<1x1x1x1x16xf32>,
        %parallel_loop3A_1290 = vector.shape_cast %parallel_loop3A_1289 : vector<1x1x1x1x16xf32> to vector<16xf32>
        %parallel_loop3A_1291 = arith.addf %parallel_loop3A_1281, %parallel_loop3A_1290 : vector<16xf32>
        %parallel_loop3A_1292 = arith.constant 3 : i32
        %parallel_loop3A_1293 = arith.constant 0 : i32
        %parallel_loop3A_1294 = arith.index_cast %select_n3A_226 : i32 to index
        %parallel_loop3A_1295 = arith.index_cast %parallel_loop3A_1292 : i32 to index
        %parallel_loop3A_1296 = arith.index_cast %parallel_loop3A_1293 : i32 to index
        %parallel_loop3A_1297 = arith.index_cast %parallel_loop3A_373 : i32 to index
        %parallel_loop3A_1298 = arith.constant 112 : index
        %parallel_loop3A_1299 = tpu.vector_load %arg7[%parallel_loop3A_1294, %parallel_loop3A_1295, %parallel_loop3A_1296, %parallel_loop3A_1297, %parallel_loop3A_1298] {strides = array<i32>} : memref<2x10x1x8x128xf32, #tpu.memory_space<vmem>>, vector<1x1x1x1x16xf32>,
        %parallel_loop3A_1300 = vector.shape_cast %parallel_loop3A_1299 : vector<1x1x1x1x16xf32> to vector<16xf32>
        %parallel_loop3A_1301 = vector.shape_cast %parallel_loop3A_1291 : vector<16xf32> to vector<1x1x1x1x16xf32>
        tpu.vector_store %arg7[%parallel_loop3A_1294, %parallel_loop3A_1295, %parallel_loop3A_1296, %parallel_loop3A_1297, %parallel_loop3A_1298], %parallel_loop3A_1301 {strides = array<i32>} : memref<2x10x1x8x128xf32, #tpu.memory_space<vmem>>, vector<1x1x1x1x16xf32>,
        %parallel_loop3A_1302 = arith.constant 4 : i32
        %parallel_loop3A_1303 = arith.muli %parallel_loop3A_373, %parallel_loop3A_1302 : i32
        %parallel_loop3A_1304 = arith.constant 0 : i32
        %parallel_loop3A_1305 = arith.addi %parallel_loop3A_1303, %parallel_loop3A_1304 : i32
        %parallel_loop3A_1306 = arith.index_cast %select_n3A_226 : i32 to index
        %parallel_loop3A_1307 = arith.index_cast %parallel_loop3A_1305 : i32 to index
        %parallel_loop3A_1308 = arith.constant 64 : index
        %parallel_loop3A_1309 = tpu.vector_load %arg5[%parallel_loop3A_1306, %parallel_loop3A_1307, %parallel_loop3A_1308] {strides = array<i32>} : memref<2x32x176xf32, #tpu.memory_space<vmem>>, vector<1x1x16xf32>,
        %parallel_loop3A_1310 = vector.shape_cast %parallel_loop3A_1309 : vector<1x1x16xf32> to vector<16xf32>
        %parallel_loop3A_1311 = arith.constant 4 : i32
        %parallel_loop3A_1312 = arith.constant 0 : i32
        %parallel_loop3A_1313 = arith.index_cast %select_n3A_263 : i32 to index
        %parallel_loop3A_1314 = arith.index_cast %parallel_loop3A_1311 : i32 to index
        %parallel_loop3A_1315 = arith.index_cast %parallel_loop3A_1312 : i32 to index
        %parallel_loop3A_1316 = arith.index_cast %parallel_loop3A_373 : i32 to index
        %parallel_loop3A_1317 = arith.constant 0 : index
        %parallel_loop3A_1318 = tpu.vector_load %arg6[%parallel_loop3A_1313, %parallel_loop3A_1314, %parallel_loop3A_1315, %parallel_loop3A_1316, %parallel_loop3A_1317] {strides = array<i32>} : memref<2x10x1x8x128xf32, #tpu.memory_space<vmem>>, vector<1x1x1x1x16xf32>,
        %parallel_loop3A_1319 = vector.shape_cast %parallel_loop3A_1318 : vector<1x1x1x1x16xf32> to vector<16xf32>
        %parallel_loop3A_1320 = arith.addf %parallel_loop3A_1310, %parallel_loop3A_1319 : vector<16xf32>
        %parallel_loop3A_1321 = arith.constant 4 : i32
        %parallel_loop3A_1322 = arith.constant 0 : i32
        %parallel_loop3A_1323 = arith.index_cast %select_n3A_226 : i32 to index
        %parallel_loop3A_1324 = arith.index_cast %parallel_loop3A_1321 : i32 to index
        %parallel_loop3A_1325 = arith.index_cast %parallel_loop3A_1322 : i32 to index
        %parallel_loop3A_1326 = arith.index_cast %parallel_loop3A_373 : i32 to index
        %parallel_loop3A_1327 = arith.constant 0 : index
        %parallel_loop3A_1328 = tpu.vector_load %arg7[%parallel_loop3A_1323, %parallel_loop3A_1324, %parallel_loop3A_1325, %parallel_loop3A_1326, %parallel_loop3A_1327] {strides = array<i32>} : memref<2x10x1x8x128xf32, #tpu.memory_space<vmem>>, vector<1x1x1x1x16xf32>,
        %parallel_loop3A_1329 = vector.shape_cast %parallel_loop3A_1328 : vector<1x1x1x1x16xf32> to vector<16xf32>
        %parallel_loop3A_1330 = vector.shape_cast %parallel_loop3A_1320 : vector<16xf32> to vector<1x1x1x1x16xf32>
        tpu.vector_store %arg7[%parallel_loop3A_1323, %parallel_loop3A_1324, %parallel_loop3A_1325, %parallel_loop3A_1326, %parallel_loop3A_1327], %parallel_loop3A_1330 {strides = array<i32>} : memref<2x10x1x8x128xf32, #tpu.memory_space<vmem>>, vector<1x1x1x1x16xf32>,
        %parallel_loop3A_1331 = arith.constant 4 : i32
        %parallel_loop3A_1332 = arith.muli %parallel_loop3A_373, %parallel_loop3A_1331 : i32
        %parallel_loop3A_1333 = arith.constant 0 : i32
        %parallel_loop3A_1334 = arith.addi %parallel_loop3A_1332, %parallel_loop3A_1333 : i32
        %parallel_loop3A_1335 = arith.index_cast %select_n3A_226 : i32 to index
        %parallel_loop3A_1336 = arith.index_cast %parallel_loop3A_1334 : i32 to index
        %parallel_loop3A_1337 = arith.constant 80 : index
        %parallel_loop3A_1338 = tpu.vector_load %arg5[%parallel_loop3A_1335, %parallel_loop3A_1336, %parallel_loop3A_1337] {strides = array<i32>} : memref<2x32x176xf32, #tpu.memory_space<vmem>>, vector<1x1x16xf32>,
        %parallel_loop3A_1339 = vector.shape_cast %parallel_loop3A_1338 : vector<1x1x16xf32> to vector<16xf32>
        %parallel_loop3A_1340 = arith.constant 4 : i32
        %parallel_loop3A_1341 = arith.constant 0 : i32
        %parallel_loop3A_1342 = arith.index_cast %select_n3A_263 : i32 to index
        %parallel_loop3A_1343 = arith.index_cast %parallel_loop3A_1340 : i32 to index
        %parallel_loop3A_1344 = arith.index_cast %parallel_loop3A_1341 : i32 to index
        %parallel_loop3A_1345 = arith.index_cast %parallel_loop3A_373 : i32 to index
        %parallel_loop3A_1346 = arith.constant 16 : index
        %parallel_loop3A_1347 = tpu.vector_load %arg6[%parallel_loop3A_1342, %parallel_loop3A_1343, %parallel_loop3A_1344, %parallel_loop3A_1345, %parallel_loop3A_1346] {strides = array<i32>} : memref<2x10x1x8x128xf32, #tpu.memory_space<vmem>>, vector<1x1x1x1x16xf32>,
        %parallel_loop3A_1348 = vector.shape_cast %parallel_loop3A_1347 : vector<1x1x1x1x16xf32> to vector<16xf32>
        %parallel_loop3A_1349 = arith.addf %parallel_loop3A_1339, %parallel_loop3A_1348 : vector<16xf32>
        %parallel_loop3A_1350 = arith.constant 4 : i32
        %parallel_loop3A_1351 = arith.constant 0 : i32
        %parallel_loop3A_1352 = arith.index_cast %select_n3A_226 : i32 to index
        %parallel_loop3A_1353 = arith.index_cast %parallel_loop3A_1350 : i32 to index
        %parallel_loop3A_1354 = arith.index_cast %parallel_loop3A_1351 : i32 to index
        %parallel_loop3A_1355 = arith.index_cast %parallel_loop3A_373 : i32 to index
        %parallel_loop3A_1356 = arith.constant 16 : index
        %parallel_loop3A_1357 = tpu.vector_load %arg7[%parallel_loop3A_1352, %parallel_loop3A_1353, %parallel_loop3A_1354, %parallel_loop3A_1355, %parallel_loop3A_1356] {strides = array<i32>} : memref<2x10x1x8x128xf32, #tpu.memory_space<vmem>>, vector<1x1x1x1x16xf32>,
        %parallel_loop3A_1358 = vector.shape_cast %parallel_loop3A_1357 : vector<1x1x1x1x16xf32> to vector<16xf32>
        %parallel_loop3A_1359 = vector.shape_cast %parallel_loop3A_1349 : vector<16xf32> to vector<1x1x1x1x16xf32>
        tpu.vector_store %arg7[%parallel_loop3A_1352, %parallel_loop3A_1353, %parallel_loop3A_1354, %parallel_loop3A_1355, %parallel_loop3A_1356], %parallel_loop3A_1359 {strides = array<i32>} : memref<2x10x1x8x128xf32, #tpu.memory_space<vmem>>, vector<1x1x1x1x16xf32>,
        %parallel_loop3A_1360 = arith.constant 4 : i32
        %parallel_loop3A_1361 = arith.muli %parallel_loop3A_373, %parallel_loop3A_1360 : i32
        %parallel_loop3A_1362 = arith.constant 1 : i32
        %parallel_loop3A_1363 = arith.addi %parallel_loop3A_1361, %parallel_loop3A_1362 : i32
        %parallel_loop3A_1364 = arith.index_cast %select_n3A_226 : i32 to index
        %parallel_loop3A_1365 = arith.index_cast %parallel_loop3A_1363 : i32 to index
        %parallel_loop3A_1366 = arith.constant 64 : index
        %parallel_loop3A_1367 = tpu.vector_load %arg5[%parallel_loop3A_1364, %parallel_loop3A_1365, %parallel_loop3A_1366] {strides = array<i32>} : memref<2x32x176xf32, #tpu.memory_space<vmem>>, vector<1x1x16xf32>,
        %parallel_loop3A_1368 = vector.shape_cast %parallel_loop3A_1367 : vector<1x1x16xf32> to vector<16xf32>
        %parallel_loop3A_1369 = arith.constant 4 : i32
        %parallel_loop3A_1370 = arith.constant 0 : i32
        %parallel_loop3A_1371 = arith.index_cast %select_n3A_263 : i32 to index
        %parallel_loop3A_1372 = arith.index_cast %parallel_loop3A_1369 : i32 to index
        %parallel_loop3A_1373 = arith.index_cast %parallel_loop3A_1370 : i32 to index
        %parallel_loop3A_1374 = arith.index_cast %parallel_loop3A_373 : i32 to index
        %parallel_loop3A_1375 = arith.constant 32 : index
        %parallel_loop3A_1376 = tpu.vector_load %arg6[%parallel_loop3A_1371, %parallel_loop3A_1372, %parallel_loop3A_1373, %parallel_loop3A_1374, %parallel_loop3A_1375] {strides = array<i32>} : memref<2x10x1x8x128xf32, #tpu.memory_space<vmem>>, vector<1x1x1x1x16xf32>,
        %parallel_loop3A_1377 = vector.shape_cast %parallel_loop3A_1376 : vector<1x1x1x1x16xf32> to vector<16xf32>
        %parallel_loop3A_1378 = arith.addf %parallel_loop3A_1368, %parallel_loop3A_1377 : vector<16xf32>
        %parallel_loop3A_1379 = arith.constant 4 : i32
        %parallel_loop3A_1380 = arith.constant 0 : i32
        %parallel_loop3A_1381 = arith.index_cast %select_n3A_226 : i32 to index
        %parallel_loop3A_1382 = arith.index_cast %parallel_loop3A_1379 : i32 to index
        %parallel_loop3A_1383 = arith.index_cast %parallel_loop3A_1380 : i32 to index
        %parallel_loop3A_1384 = arith.index_cast %parallel_loop3A_373 : i32 to index
        %parallel_loop3A_1385 = arith.constant 32 : index
        %parallel_loop3A_1386 = tpu.vector_load %arg7[%parallel_loop3A_1381, %parallel_loop3A_1382, %parallel_loop3A_1383, %parallel_loop3A_1384, %parallel_loop3A_1385] {strides = array<i32>} : memref<2x10x1x8x128xf32, #tpu.memory_space<vmem>>, vector<1x1x1x1x16xf32>,
        %parallel_loop3A_1387 = vector.shape_cast %parallel_loop3A_1386 : vector<1x1x1x1x16xf32> to vector<16xf32>
        %parallel_loop3A_1388 = vector.shape_cast %parallel_loop3A_1378 : vector<16xf32> to vector<1x1x1x1x16xf32>
        tpu.vector_store %arg7[%parallel_loop3A_1381, %parallel_loop3A_1382, %parallel_loop3A_1383, %parallel_loop3A_1384, %parallel_loop3A_1385], %parallel_loop3A_1388 {strides = array<i32>} : memref<2x10x1x8x128xf32, #tpu.memory_space<vmem>>, vector<1x1x1x1x16xf32>,
        %parallel_loop3A_1389 = arith.constant 4 : i32
        %parallel_loop3A_1390 = arith.muli %parallel_loop3A_373, %parallel_loop3A_1389 : i32
        %parallel_loop3A_1391 = arith.constant 1 : i32
        %parallel_loop3A_1392 = arith.addi %parallel_loop3A_1390, %parallel_loop3A_1391 : i32
        %parallel_loop3A_1393 = arith.index_cast %select_n3A_226 : i32 to index
        %parallel_loop3A_1394 = arith.index_cast %parallel_loop3A_1392 : i32 to index
        %parallel_loop3A_1395 = arith.constant 80 : index
        %parallel_loop3A_1396 = tpu.vector_load %arg5[%parallel_loop3A_1393, %parallel_loop3A_1394, %parallel_loop3A_1395] {strides = array<i32>} : memref<2x32x176xf32, #tpu.memory_space<vmem>>, vector<1x1x16xf32>,
        %parallel_loop3A_1397 = vector.shape_cast %parallel_loop3A_1396 : vector<1x1x16xf32> to vector<16xf32>
        %parallel_loop3A_1398 = arith.constant 4 : i32
        %parallel_loop3A_1399 = arith.constant 0 : i32
        %parallel_loop3A_1400 = arith.index_cast %select_n3A_263 : i32 to index
        %parallel_loop3A_1401 = arith.index_cast %parallel_loop3A_1398 : i32 to index
        %parallel_loop3A_1402 = arith.index_cast %parallel_loop3A_1399 : i32 to index
        %parallel_loop3A_1403 = arith.index_cast %parallel_loop3A_373 : i32 to index
        %parallel_loop3A_1404 = arith.constant 48 : index
        %parallel_loop3A_1405 = tpu.vector_load %arg6[%parallel_loop3A_1400, %parallel_loop3A_1401, %parallel_loop3A_1402, %parallel_loop3A_1403, %parallel_loop3A_1404] {strides = array<i32>} : memref<2x10x1x8x128xf32, #tpu.memory_space<vmem>>, vector<1x1x1x1x16xf32>,
        %parallel_loop3A_1406 = vector.shape_cast %parallel_loop3A_1405 : vector<1x1x1x1x16xf32> to vector<16xf32>
        %parallel_loop3A_1407 = arith.addf %parallel_loop3A_1397, %parallel_loop3A_1406 : vector<16xf32>
        %parallel_loop3A_1408 = arith.constant 4 : i32
        %parallel_loop3A_1409 = arith.constant 0 : i32
        %parallel_loop3A_1410 = arith.index_cast %select_n3A_226 : i32 to index
        %parallel_loop3A_1411 = arith.index_cast %parallel_loop3A_1408 : i32 to index
        %parallel_loop3A_1412 = arith.index_cast %parallel_loop3A_1409 : i32 to index
        %parallel_loop3A_1413 = arith.index_cast %parallel_loop3A_373 : i32 to index
        %parallel_loop3A_1414 = arith.constant 48 : index
        %parallel_loop3A_1415 = tpu.vector_load %arg7[%parallel_loop3A_1410, %parallel_loop3A_1411, %parallel_loop3A_1412, %parallel_loop3A_1413, %parallel_loop3A_1414] {strides = array<i32>} : memref<2x10x1x8x128xf32, #tpu.memory_space<vmem>>, vector<1x1x1x1x16xf32>,
        %parallel_loop3A_1416 = vector.shape_cast %parallel_loop3A_1415 : vector<1x1x1x1x16xf32> to vector<16xf32>
        %parallel_loop3A_1417 = vector.shape_cast %parallel_loop3A_1407 : vector<16xf32> to vector<1x1x1x1x16xf32>
        tpu.vector_store %arg7[%parallel_loop3A_1410, %parallel_loop3A_1411, %parallel_loop3A_1412, %parallel_loop3A_1413, %parallel_loop3A_1414], %parallel_loop3A_1417 {strides = array<i32>} : memref<2x10x1x8x128xf32, #tpu.memory_space<vmem>>, vector<1x1x1x1x16xf32>,
        %parallel_loop3A_1418 = arith.constant 4 : i32
        %parallel_loop3A_1419 = arith.muli %parallel_loop3A_373, %parallel_loop3A_1418 : i32
        %parallel_loop3A_1420 = arith.constant 2 : i32
        %parallel_loop3A_1421 = arith.addi %parallel_loop3A_1419, %parallel_loop3A_1420 : i32
        %parallel_loop3A_1422 = arith.index_cast %select_n3A_226 : i32 to index
        %parallel_loop3A_1423 = arith.index_cast %parallel_loop3A_1421 : i32 to index
        %parallel_loop3A_1424 = arith.constant 64 : index
        %parallel_loop3A_1425 = tpu.vector_load %arg5[%parallel_loop3A_1422, %parallel_loop3A_1423, %parallel_loop3A_1424] {strides = array<i32>} : memref<2x32x176xf32, #tpu.memory_space<vmem>>, vector<1x1x16xf32>,
        %parallel_loop3A_1426 = vector.shape_cast %parallel_loop3A_1425 : vector<1x1x16xf32> to vector<16xf32>
        %parallel_loop3A_1427 = arith.constant 4 : i32
        %parallel_loop3A_1428 = arith.constant 0 : i32
        %parallel_loop3A_1429 = arith.index_cast %select_n3A_263 : i32 to index
        %parallel_loop3A_1430 = arith.index_cast %parallel_loop3A_1427 : i32 to index
        %parallel_loop3A_1431 = arith.index_cast %parallel_loop3A_1428 : i32 to index
        %parallel_loop3A_1432 = arith.index_cast %parallel_loop3A_373 : i32 to index
        %parallel_loop3A_1433 = arith.constant 64 : index
        %parallel_loop3A_1434 = tpu.vector_load %arg6[%parallel_loop3A_1429, %parallel_loop3A_1430, %parallel_loop3A_1431, %parallel_loop3A_1432, %parallel_loop3A_1433] {strides = array<i32>} : memref<2x10x1x8x128xf32, #tpu.memory_space<vmem>>, vector<1x1x1x1x16xf32>,
        %parallel_loop3A_1435 = vector.shape_cast %parallel_loop3A_1434 : vector<1x1x1x1x16xf32> to vector<16xf32>
        %parallel_loop3A_1436 = arith.addf %parallel_loop3A_1426, %parallel_loop3A_1435 : vector<16xf32>
        %parallel_loop3A_1437 = arith.constant 4 : i32
        %parallel_loop3A_1438 = arith.constant 0 : i32
        %parallel_loop3A_1439 = arith.index_cast %select_n3A_226 : i32 to index
        %parallel_loop3A_1440 = arith.index_cast %parallel_loop3A_1437 : i32 to index
        %parallel_loop3A_1441 = arith.index_cast %parallel_loop3A_1438 : i32 to index
        %parallel_loop3A_1442 = arith.index_cast %parallel_loop3A_373 : i32 to index
        %parallel_loop3A_1443 = arith.constant 64 : index
        %parallel_loop3A_1444 = tpu.vector_load %arg7[%parallel_loop3A_1439, %parallel_loop3A_1440, %parallel_loop3A_1441, %parallel_loop3A_1442, %parallel_loop3A_1443] {strides = array<i32>} : memref<2x10x1x8x128xf32, #tpu.memory_space<vmem>>, vector<1x1x1x1x16xf32>,
        %parallel_loop3A_1445 = vector.shape_cast %parallel_loop3A_1444 : vector<1x1x1x1x16xf32> to vector<16xf32>
        %parallel_loop3A_1446 = vector.shape_cast %parallel_loop3A_1436 : vector<16xf32> to vector<1x1x1x1x16xf32>
        tpu.vector_store %arg7[%parallel_loop3A_1439, %parallel_loop3A_1440, %parallel_loop3A_1441, %parallel_loop3A_1442, %parallel_loop3A_1443], %parallel_loop3A_1446 {strides = array<i32>} : memref<2x10x1x8x128xf32, #tpu.memory_space<vmem>>, vector<1x1x1x1x16xf32>,
        %parallel_loop3A_1447 = arith.constant 4 : i32
        %parallel_loop3A_1448 = arith.muli %parallel_loop3A_373, %parallel_loop3A_1447 : i32
        %parallel_loop3A_1449 = arith.constant 2 : i32
        %parallel_loop3A_1450 = arith.addi %parallel_loop3A_1448, %parallel_loop3A_1449 : i32
        %parallel_loop3A_1451 = arith.index_cast %select_n3A_226 : i32 to index
        %parallel_loop3A_1452 = arith.index_cast %parallel_loop3A_1450 : i32 to index
        %parallel_loop3A_1453 = arith.constant 80 : index
        %parallel_loop3A_1454 = tpu.vector_load %arg5[%parallel_loop3A_1451, %parallel_loop3A_1452, %parallel_loop3A_1453] {strides = array<i32>} : memref<2x32x176xf32, #tpu.memory_space<vmem>>, vector<1x1x16xf32>,
        %parallel_loop3A_1455 = vector.shape_cast %parallel_loop3A_1454 : vector<1x1x16xf32> to vector<16xf32>
        %parallel_loop3A_1456 = arith.constant 4 : i32
        %parallel_loop3A_1457 = arith.constant 0 : i32
        %parallel_loop3A_1458 = arith.index_cast %select_n3A_263 : i32 to index
        %parallel_loop3A_1459 = arith.index_cast %parallel_loop3A_1456 : i32 to index
        %parallel_loop3A_1460 = arith.index_cast %parallel_loop3A_1457 : i32 to index
        %parallel_loop3A_1461 = arith.index_cast %parallel_loop3A_373 : i32 to index
        %parallel_loop3A_1462 = arith.constant 80 : index
        %parallel_loop3A_1463 = tpu.vector_load %arg6[%parallel_loop3A_1458, %parallel_loop3A_1459, %parallel_loop3A_1460, %parallel_loop3A_1461, %parallel_loop3A_1462] {strides = array<i32>} : memref<2x10x1x8x128xf32, #tpu.memory_space<vmem>>, vector<1x1x1x1x16xf32>,
        %parallel_loop3A_1464 = vector.shape_cast %parallel_loop3A_1463 : vector<1x1x1x1x16xf32> to vector<16xf32>
        %parallel_loop3A_1465 = arith.addf %parallel_loop3A_1455, %parallel_loop3A_1464 : vector<16xf32>
        %parallel_loop3A_1466 = arith.constant 4 : i32
        %parallel_loop3A_1467 = arith.constant 0 : i32
        %parallel_loop3A_1468 = arith.index_cast %select_n3A_226 : i32 to index
        %parallel_loop3A_1469 = arith.index_cast %parallel_loop3A_1466 : i32 to index
        %parallel_loop3A_1470 = arith.index_cast %parallel_loop3A_1467 : i32 to index
        %parallel_loop3A_1471 = arith.index_cast %parallel_loop3A_373 : i32 to index
        %parallel_loop3A_1472 = arith.constant 80 : index
        %parallel_loop3A_1473 = tpu.vector_load %arg7[%parallel_loop3A_1468, %parallel_loop3A_1469, %parallel_loop3A_1470, %parallel_loop3A_1471, %parallel_loop3A_1472] {strides = array<i32>} : memref<2x10x1x8x128xf32, #tpu.memory_space<vmem>>, vector<1x1x1x1x16xf32>,
        %parallel_loop3A_1474 = vector.shape_cast %parallel_loop3A_1473 : vector<1x1x1x1x16xf32> to vector<16xf32>
        %parallel_loop3A_1475 = vector.shape_cast %parallel_loop3A_1465 : vector<16xf32> to vector<1x1x1x1x16xf32>
        tpu.vector_store %arg7[%parallel_loop3A_1468, %parallel_loop3A_1469, %parallel_loop3A_1470, %parallel_loop3A_1471, %parallel_loop3A_1472], %parallel_loop3A_1475 {strides = array<i32>} : memref<2x10x1x8x128xf32, #tpu.memory_space<vmem>>, vector<1x1x1x1x16xf32>,
        %parallel_loop3A_1476 = arith.constant 4 : i32
        %parallel_loop3A_1477 = arith.muli %parallel_loop3A_373, %parallel_loop3A_1476 : i32
        %parallel_loop3A_1478 = arith.constant 3 : i32
        %parallel_loop3A_1479 = arith.addi %parallel_loop3A_1477, %parallel_loop3A_1478 : i32
        %parallel_loop3A_1480 = arith.index_cast %select_n3A_226 : i32 to index
        %parallel_loop3A_1481 = arith.index_cast %parallel_loop3A_1479 : i32 to index
        %parallel_loop3A_1482 = arith.constant 64 : index
        %parallel_loop3A_1483 = tpu.vector_load %arg5[%parallel_loop3A_1480, %parallel_loop3A_1481, %parallel_loop3A_1482] {strides = array<i32>} : memref<2x32x176xf32, #tpu.memory_space<vmem>>, vector<1x1x16xf32>,
        %parallel_loop3A_1484 = vector.shape_cast %parallel_loop3A_1483 : vector<1x1x16xf32> to vector<16xf32>
        %parallel_loop3A_1485 = arith.constant 4 : i32
        %parallel_loop3A_1486 = arith.constant 0 : i32
        %parallel_loop3A_1487 = arith.index_cast %select_n3A_263 : i32 to index
        %parallel_loop3A_1488 = arith.index_cast %parallel_loop3A_1485 : i32 to index
        %parallel_loop3A_1489 = arith.index_cast %parallel_loop3A_1486 : i32 to index
        %parallel_loop3A_1490 = arith.index_cast %parallel_loop3A_373 : i32 to index
        %parallel_loop3A_1491 = arith.constant 96 : index
        %parallel_loop3A_1492 = tpu.vector_load %arg6[%parallel_loop3A_1487, %parallel_loop3A_1488, %parallel_loop3A_1489, %parallel_loop3A_1490, %parallel_loop3A_1491] {strides = array<i32>} : memref<2x10x1x8x128xf32, #tpu.memory_space<vmem>>, vector<1x1x1x1x16xf32>,
        %parallel_loop3A_1493 = vector.shape_cast %parallel_loop3A_1492 : vector<1x1x1x1x16xf32> to vector<16xf32>
        %parallel_loop3A_1494 = arith.addf %parallel_loop3A_1484, %parallel_loop3A_1493 : vector<16xf32>
        %parallel_loop3A_1495 = arith.constant 4 : i32
        %parallel_loop3A_1496 = arith.constant 0 : i32
        %parallel_loop3A_1497 = arith.index_cast %select_n3A_226 : i32 to index
        %parallel_loop3A_1498 = arith.index_cast %parallel_loop3A_1495 : i32 to index
        %parallel_loop3A_1499 = arith.index_cast %parallel_loop3A_1496 : i32 to index
        %parallel_loop3A_1500 = arith.index_cast %parallel_loop3A_373 : i32 to index
        %parallel_loop3A_1501 = arith.constant 96 : index
        %parallel_loop3A_1502 = tpu.vector_load %arg7[%parallel_loop3A_1497, %parallel_loop3A_1498, %parallel_loop3A_1499, %parallel_loop3A_1500, %parallel_loop3A_1501] {strides = array<i32>} : memref<2x10x1x8x128xf32, #tpu.memory_space<vmem>>, vector<1x1x1x1x16xf32>,
        %parallel_loop3A_1503 = vector.shape_cast %parallel_loop3A_1502 : vector<1x1x1x1x16xf32> to vector<16xf32>
        %parallel_loop3A_1504 = vector.shape_cast %parallel_loop3A_1494 : vector<16xf32> to vector<1x1x1x1x16xf32>
        tpu.vector_store %arg7[%parallel_loop3A_1497, %parallel_loop3A_1498, %parallel_loop3A_1499, %parallel_loop3A_1500, %parallel_loop3A_1501], %parallel_loop3A_1504 {strides = array<i32>} : memref<2x10x1x8x128xf32, #tpu.memory_space<vmem>>, vector<1x1x1x1x16xf32>,
        %parallel_loop3A_1505 = arith.constant 4 : i32
        %parallel_loop3A_1506 = arith.muli %parallel_loop3A_373, %parallel_loop3A_1505 : i32
        %parallel_loop3A_1507 = arith.constant 3 : i32
        %parallel_loop3A_1508 = arith.addi %parallel_loop3A_1506, %parallel_loop3A_1507 : i32
        %parallel_loop3A_1509 = arith.index_cast %select_n3A_226 : i32 to index
        %parallel_loop3A_1510 = arith.index_cast %parallel_loop3A_1508 : i32 to index
        %parallel_loop3A_1511 = arith.constant 80 : index
        %parallel_loop3A_1512 = tpu.vector_load %arg5[%parallel_loop3A_1509, %parallel_loop3A_1510, %parallel_loop3A_1511] {strides = array<i32>} : memref<2x32x176xf32, #tpu.memory_space<vmem>>, vector<1x1x16xf32>,
        %parallel_loop3A_1513 = vector.shape_cast %parallel_loop3A_1512 : vector<1x1x16xf32> to vector<16xf32>
        %parallel_loop3A_1514 = arith.constant 4 : i32
        %parallel_loop3A_1515 = arith.constant 0 : i32
        %parallel_loop3A_1516 = arith.index_cast %select_n3A_263 : i32 to index
        %parallel_loop3A_1517 = arith.index_cast %parallel_loop3A_1514 : i32 to index
        %parallel_loop3A_1518 = arith.index_cast %parallel_loop3A_1515 : i32 to index
        %parallel_loop3A_1519 = arith.index_cast %parallel_loop3A_373 : i32 to index
        %parallel_loop3A_1520 = arith.constant 112 : index
        %parallel_loop3A_1521 = tpu.vector_load %arg6[%parallel_loop3A_1516, %parallel_loop3A_1517, %parallel_loop3A_1518, %parallel_loop3A_1519, %parallel_loop3A_1520] {strides = array<i32>} : memref<2x10x1x8x128xf32, #tpu.memory_space<vmem>>, vector<1x1x1x1x16xf32>,
        %parallel_loop3A_1522 = vector.shape_cast %parallel_loop3A_1521 : vector<1x1x1x1x16xf32> to vector<16xf32>
        %parallel_loop3A_1523 = arith.addf %parallel_loop3A_1513, %parallel_loop3A_1522 : vector<16xf32>
        %parallel_loop3A_1524 = arith.constant 4 : i32
        %parallel_loop3A_1525 = arith.constant 0 : i32
        %parallel_loop3A_1526 = arith.index_cast %select_n3A_226 : i32 to index
        %parallel_loop3A_1527 = arith.index_cast %parallel_loop3A_1524 : i32 to index
        %parallel_loop3A_1528 = arith.index_cast %parallel_loop3A_1525 : i32 to index
        %parallel_loop3A_1529 = arith.index_cast %parallel_loop3A_373 : i32 to index
        %parallel_loop3A_1530 = arith.constant 112 : index
        %parallel_loop3A_1531 = tpu.vector_load %arg7[%parallel_loop3A_1526, %parallel_loop3A_1527, %parallel_loop3A_1528, %parallel_loop3A_1529, %parallel_loop3A_1530] {strides = array<i32>} : memref<2x10x1x8x128xf32, #tpu.memory_space<vmem>>, vector<1x1x1x1x16xf32>,
        %parallel_loop3A_1532 = vector.shape_cast %parallel_loop3A_1531 : vector<1x1x1x1x16xf32> to vector<16xf32>
        %parallel_loop3A_1533 = vector.shape_cast %parallel_loop3A_1523 : vector<16xf32> to vector<1x1x1x1x16xf32>
        tpu.vector_store %arg7[%parallel_loop3A_1526, %parallel_loop3A_1527, %parallel_loop3A_1528, %parallel_loop3A_1529, %parallel_loop3A_1530], %parallel_loop3A_1533 {strides = array<i32>} : memref<2x10x1x8x128xf32, #tpu.memory_space<vmem>>, vector<1x1x1x1x16xf32>,
        %parallel_loop3A_1534 = arith.constant 4 : i32
        %parallel_loop3A_1535 = arith.muli %parallel_loop3A_373, %parallel_loop3A_1534 : i32
        %parallel_loop3A_1536 = arith.constant 0 : i32
        %parallel_loop3A_1537 = arith.addi %parallel_loop3A_1535, %parallel_loop3A_1536 : i32
        %parallel_loop3A_1538 = arith.index_cast %select_n3A_226 : i32 to index
        %parallel_loop3A_1539 = arith.index_cast %parallel_loop3A_1537 : i32 to index
        %parallel_loop3A_1540 = arith.constant 80 : index
        %parallel_loop3A_1541 = tpu.vector_load %arg5[%parallel_loop3A_1538, %parallel_loop3A_1539, %parallel_loop3A_1540] {strides = array<i32>} : memref<2x32x176xf32, #tpu.memory_space<vmem>>, vector<1x1x16xf32>,
        %parallel_loop3A_1542 = vector.shape_cast %parallel_loop3A_1541 : vector<1x1x16xf32> to vector<16xf32>
        %parallel_loop3A_1543 = arith.constant 5 : i32
        %parallel_loop3A_1544 = arith.constant 0 : i32
        %parallel_loop3A_1545 = arith.index_cast %select_n3A_263 : i32 to index
        %parallel_loop3A_1546 = arith.index_cast %parallel_loop3A_1543 : i32 to index
        %parallel_loop3A_1547 = arith.index_cast %parallel_loop3A_1544 : i32 to index
        %parallel_loop3A_1548 = arith.index_cast %parallel_loop3A_373 : i32 to index
        %parallel_loop3A_1549 = arith.constant 0 : index
        %parallel_loop3A_1550 = tpu.vector_load %arg6[%parallel_loop3A_1545, %parallel_loop3A_1546, %parallel_loop3A_1547, %parallel_loop3A_1548, %parallel_loop3A_1549] {strides = array<i32>} : memref<2x10x1x8x128xf32, #tpu.memory_space<vmem>>, vector<1x1x1x1x16xf32>,
        %parallel_loop3A_1551 = vector.shape_cast %parallel_loop3A_1550 : vector<1x1x1x1x16xf32> to vector<16xf32>
        %parallel_loop3A_1552 = arith.addf %parallel_loop3A_1542, %parallel_loop3A_1551 : vector<16xf32>
        %parallel_loop3A_1553 = arith.constant 5 : i32
        %parallel_loop3A_1554 = arith.constant 0 : i32
        %parallel_loop3A_1555 = arith.index_cast %select_n3A_226 : i32 to index
        %parallel_loop3A_1556 = arith.index_cast %parallel_loop3A_1553 : i32 to index
        %parallel_loop3A_1557 = arith.index_cast %parallel_loop3A_1554 : i32 to index
        %parallel_loop3A_1558 = arith.index_cast %parallel_loop3A_373 : i32 to index
        %parallel_loop3A_1559 = arith.constant 0 : index
        %parallel_loop3A_1560 = tpu.vector_load %arg7[%parallel_loop3A_1555, %parallel_loop3A_1556, %parallel_loop3A_1557, %parallel_loop3A_1558, %parallel_loop3A_1559] {strides = array<i32>} : memref<2x10x1x8x128xf32, #tpu.memory_space<vmem>>, vector<1x1x1x1x16xf32>,
        %parallel_loop3A_1561 = vector.shape_cast %parallel_loop3A_1560 : vector<1x1x1x1x16xf32> to vector<16xf32>
        %parallel_loop3A_1562 = vector.shape_cast %parallel_loop3A_1552 : vector<16xf32> to vector<1x1x1x1x16xf32>
        tpu.vector_store %arg7[%parallel_loop3A_1555, %parallel_loop3A_1556, %parallel_loop3A_1557, %parallel_loop3A_1558, %parallel_loop3A_1559], %parallel_loop3A_1562 {strides = array<i32>} : memref<2x10x1x8x128xf32, #tpu.memory_space<vmem>>, vector<1x1x1x1x16xf32>,
        %parallel_loop3A_1563 = arith.constant 4 : i32
        %parallel_loop3A_1564 = arith.muli %parallel_loop3A_373, %parallel_loop3A_1563 : i32
        %parallel_loop3A_1565 = arith.constant 0 : i32
        %parallel_loop3A_1566 = arith.addi %parallel_loop3A_1564, %parallel_loop3A_1565 : i32
        %parallel_loop3A_1567 = arith.index_cast %select_n3A_226 : i32 to index
        %parallel_loop3A_1568 = arith.index_cast %parallel_loop3A_1566 : i32 to index
        %parallel_loop3A_1569 = arith.constant 96 : index
        %parallel_loop3A_1570 = tpu.vector_load %arg5[%parallel_loop3A_1567, %parallel_loop3A_1568, %parallel_loop3A_1569] {strides = array<i32>} : memref<2x32x176xf32, #tpu.memory_space<vmem>>, vector<1x1x16xf32>,
        %parallel_loop3A_1571 = vector.shape_cast %parallel_loop3A_1570 : vector<1x1x16xf32> to vector<16xf32>
        %parallel_loop3A_1572 = arith.constant 5 : i32
        %parallel_loop3A_1573 = arith.constant 0 : i32
        %parallel_loop3A_1574 = arith.index_cast %select_n3A_263 : i32 to index
        %parallel_loop3A_1575 = arith.index_cast %parallel_loop3A_1572 : i32 to index
        %parallel_loop3A_1576 = arith.index_cast %parallel_loop3A_1573 : i32 to index
        %parallel_loop3A_1577 = arith.index_cast %parallel_loop3A_373 : i32 to index
        %parallel_loop3A_1578 = arith.constant 16 : index
        %parallel_loop3A_1579 = tpu.vector_load %arg6[%parallel_loop3A_1574, %parallel_loop3A_1575, %parallel_loop3A_1576, %parallel_loop3A_1577, %parallel_loop3A_1578] {strides = array<i32>} : memref<2x10x1x8x128xf32, #tpu.memory_space<vmem>>, vector<1x1x1x1x16xf32>,
        %parallel_loop3A_1580 = vector.shape_cast %parallel_loop3A_1579 : vector<1x1x1x1x16xf32> to vector<16xf32>
        %parallel_loop3A_1581 = arith.addf %parallel_loop3A_1571, %parallel_loop3A_1580 : vector<16xf32>
        %parallel_loop3A_1582 = arith.constant 5 : i32
        %parallel_loop3A_1583 = arith.constant 0 : i32
        %parallel_loop3A_1584 = arith.index_cast %select_n3A_226 : i32 to index
        %parallel_loop3A_1585 = arith.index_cast %parallel_loop3A_1582 : i32 to index
        %parallel_loop3A_1586 = arith.index_cast %parallel_loop3A_1583 : i32 to index
        %parallel_loop3A_1587 = arith.index_cast %parallel_loop3A_373 : i32 to index
        %parallel_loop3A_1588 = arith.constant 16 : index
        %parallel_loop3A_1589 = tpu.vector_load %arg7[%parallel_loop3A_1584, %parallel_loop3A_1585, %parallel_loop3A_1586, %parallel_loop3A_1587, %parallel_loop3A_1588] {strides = array<i32>} : memref<2x10x1x8x128xf32, #tpu.memory_space<vmem>>, vector<1x1x1x1x16xf32>,
        %parallel_loop3A_1590 = vector.shape_cast %parallel_loop3A_1589 : vector<1x1x1x1x16xf32> to vector<16xf32>
        %parallel_loop3A_1591 = vector.shape_cast %parallel_loop3A_1581 : vector<16xf32> to vector<1x1x1x1x16xf32>
        tpu.vector_store %arg7[%parallel_loop3A_1584, %parallel_loop3A_1585, %parallel_loop3A_1586, %parallel_loop3A_1587, %parallel_loop3A_1588], %parallel_loop3A_1591 {strides = array<i32>} : memref<2x10x1x8x128xf32, #tpu.memory_space<vmem>>, vector<1x1x1x1x16xf32>,
        %parallel_loop3A_1592 = arith.constant 4 : i32
        %parallel_loop3A_1593 = arith.muli %parallel_loop3A_373, %parallel_loop3A_1592 : i32
        %parallel_loop3A_1594 = arith.constant 1 : i32
        %parallel_loop3A_1595 = arith.addi %parallel_loop3A_1593, %parallel_loop3A_1594 : i32
        %parallel_loop3A_1596 = arith.index_cast %select_n3A_226 : i32 to index
        %parallel_loop3A_1597 = arith.index_cast %parallel_loop3A_1595 : i32 to index
        %parallel_loop3A_1598 = arith.constant 80 : index
        %parallel_loop3A_1599 = tpu.vector_load %arg5[%parallel_loop3A_1596, %parallel_loop3A_1597, %parallel_loop3A_1598] {strides = array<i32>} : memref<2x32x176xf32, #tpu.memory_space<vmem>>, vector<1x1x16xf32>,
        %parallel_loop3A_1600 = vector.shape_cast %parallel_loop3A_1599 : vector<1x1x16xf32> to vector<16xf32>
        %parallel_loop3A_1601 = arith.constant 5 : i32
        %parallel_loop3A_1602 = arith.constant 0 : i32
        %parallel_loop3A_1603 = arith.index_cast %select_n3A_263 : i32 to index
        %parallel_loop3A_1604 = arith.index_cast %parallel_loop3A_1601 : i32 to index
        %parallel_loop3A_1605 = arith.index_cast %parallel_loop3A_1602 : i32 to index
        %parallel_loop3A_1606 = arith.index_cast %parallel_loop3A_373 : i32 to index
        %parallel_loop3A_1607 = arith.constant 32 : index
        %parallel_loop3A_1608 = tpu.vector_load %arg6[%parallel_loop3A_1603, %parallel_loop3A_1604, %parallel_loop3A_1605, %parallel_loop3A_1606, %parallel_loop3A_1607] {strides = array<i32>} : memref<2x10x1x8x128xf32, #tpu.memory_space<vmem>>, vector<1x1x1x1x16xf32>,
        %parallel_loop3A_1609 = vector.shape_cast %parallel_loop3A_1608 : vector<1x1x1x1x16xf32> to vector<16xf32>
        %parallel_loop3A_1610 = arith.addf %parallel_loop3A_1600, %parallel_loop3A_1609 : vector<16xf32>
        %parallel_loop3A_1611 = arith.constant 5 : i32
        %parallel_loop3A_1612 = arith.constant 0 : i32
        %parallel_loop3A_1613 = arith.index_cast %select_n3A_226 : i32 to index
        %parallel_loop3A_1614 = arith.index_cast %parallel_loop3A_1611 : i32 to index
        %parallel_loop3A_1615 = arith.index_cast %parallel_loop3A_1612 : i32 to index
        %parallel_loop3A_1616 = arith.index_cast %parallel_loop3A_373 : i32 to index
        %parallel_loop3A_1617 = arith.constant 32 : index
        %parallel_loop3A_1618 = tpu.vector_load %arg7[%parallel_loop3A_1613, %parallel_loop3A_1614, %parallel_loop3A_1615, %parallel_loop3A_1616, %parallel_loop3A_1617] {strides = array<i32>} : memref<2x10x1x8x128xf32, #tpu.memory_space<vmem>>, vector<1x1x1x1x16xf32>,
        %parallel_loop3A_1619 = vector.shape_cast %parallel_loop3A_1618 : vector<1x1x1x1x16xf32> to vector<16xf32>
        %parallel_loop3A_1620 = vector.shape_cast %parallel_loop3A_1610 : vector<16xf32> to vector<1x1x1x1x16xf32>
        tpu.vector_store %arg7[%parallel_loop3A_1613, %parallel_loop3A_1614, %parallel_loop3A_1615, %parallel_loop3A_1616, %parallel_loop3A_1617], %parallel_loop3A_1620 {strides = array<i32>} : memref<2x10x1x8x128xf32, #tpu.memory_space<vmem>>, vector<1x1x1x1x16xf32>,
        %parallel_loop3A_1621 = arith.constant 4 : i32
        %parallel_loop3A_1622 = arith.muli %parallel_loop3A_373, %parallel_loop3A_1621 : i32
        %parallel_loop3A_1623 = arith.constant 1 : i32
        %parallel_loop3A_1624 = arith.addi %parallel_loop3A_1622, %parallel_loop3A_1623 : i32
        %parallel_loop3A_1625 = arith.index_cast %select_n3A_226 : i32 to index
        %parallel_loop3A_1626 = arith.index_cast %parallel_loop3A_1624 : i32 to index
        %parallel_loop3A_1627 = arith.constant 96 : index
        %parallel_loop3A_1628 = tpu.vector_load %arg5[%parallel_loop3A_1625, %parallel_loop3A_1626, %parallel_loop3A_1627] {strides = array<i32>} : memref<2x32x176xf32, #tpu.memory_space<vmem>>, vector<1x1x16xf32>,
        %parallel_loop3A_1629 = vector.shape_cast %parallel_loop3A_1628 : vector<1x1x16xf32> to vector<16xf32>
        %parallel_loop3A_1630 = arith.constant 5 : i32
        %parallel_loop3A_1631 = arith.constant 0 : i32
        %parallel_loop3A_1632 = arith.index_cast %select_n3A_263 : i32 to index
        %parallel_loop3A_1633 = arith.index_cast %parallel_loop3A_1630 : i32 to index
        %parallel_loop3A_1634 = arith.index_cast %parallel_loop3A_1631 : i32 to index
        %parallel_loop3A_1635 = arith.index_cast %parallel_loop3A_373 : i32 to index
        %parallel_loop3A_1636 = arith.constant 48 : index
        %parallel_loop3A_1637 = tpu.vector_load %arg6[%parallel_loop3A_1632, %parallel_loop3A_1633, %parallel_loop3A_1634, %parallel_loop3A_1635, %parallel_loop3A_1636] {strides = array<i32>} : memref<2x10x1x8x128xf32, #tpu.memory_space<vmem>>, vector<1x1x1x1x16xf32>,
        %parallel_loop3A_1638 = vector.shape_cast %parallel_loop3A_1637 : vector<1x1x1x1x16xf32> to vector<16xf32>
        %parallel_loop3A_1639 = arith.addf %parallel_loop3A_1629, %parallel_loop3A_1638 : vector<16xf32>
        %parallel_loop3A_1640 = arith.constant 5 : i32
        %parallel_loop3A_1641 = arith.constant 0 : i32
        %parallel_loop3A_1642 = arith.index_cast %select_n3A_226 : i32 to index
        %parallel_loop3A_1643 = arith.index_cast %parallel_loop3A_1640 : i32 to index
        %parallel_loop3A_1644 = arith.index_cast %parallel_loop3A_1641 : i32 to index
        %parallel_loop3A_1645 = arith.index_cast %parallel_loop3A_373 : i32 to index
        %parallel_loop3A_1646 = arith.constant 48 : index
        %parallel_loop3A_1647 = tpu.vector_load %arg7[%parallel_loop3A_1642, %parallel_loop3A_1643, %parallel_loop3A_1644, %parallel_loop3A_1645, %parallel_loop3A_1646] {strides = array<i32>} : memref<2x10x1x8x128xf32, #tpu.memory_space<vmem>>, vector<1x1x1x1x16xf32>,
        %parallel_loop3A_1648 = vector.shape_cast %parallel_loop3A_1647 : vector<1x1x1x1x16xf32> to vector<16xf32>
        %parallel_loop3A_1649 = vector.shape_cast %parallel_loop3A_1639 : vector<16xf32> to vector<1x1x1x1x16xf32>
        tpu.vector_store %arg7[%parallel_loop3A_1642, %parallel_loop3A_1643, %parallel_loop3A_1644, %parallel_loop3A_1645, %parallel_loop3A_1646], %parallel_loop3A_1649 {strides = array<i32>} : memref<2x10x1x8x128xf32, #tpu.memory_space<vmem>>, vector<1x1x1x1x16xf32>,
        %parallel_loop3A_1650 = arith.constant 4 : i32
        %parallel_loop3A_1651 = arith.muli %parallel_loop3A_373, %parallel_loop3A_1650 : i32
        %parallel_loop3A_1652 = arith.constant 2 : i32
        %parallel_loop3A_1653 = arith.addi %parallel_loop3A_1651, %parallel_loop3A_1652 : i32
        %parallel_loop3A_1654 = arith.index_cast %select_n3A_226 : i32 to index
        %parallel_loop3A_1655 = arith.index_cast %parallel_loop3A_1653 : i32 to index
        %parallel_loop3A_1656 = arith.constant 80 : index
        %parallel_loop3A_1657 = tpu.vector_load %arg5[%parallel_loop3A_1654, %parallel_loop3A_1655, %parallel_loop3A_1656] {strides = array<i32>} : memref<2x32x176xf32, #tpu.memory_space<vmem>>, vector<1x1x16xf32>,
        %parallel_loop3A_1658 = vector.shape_cast %parallel_loop3A_1657 : vector<1x1x16xf32> to vector<16xf32>
        %parallel_loop3A_1659 = arith.constant 5 : i32
        %parallel_loop3A_1660 = arith.constant 0 : i32
        %parallel_loop3A_1661 = arith.index_cast %select_n3A_263 : i32 to index
        %parallel_loop3A_1662 = arith.index_cast %parallel_loop3A_1659 : i32 to index
        %parallel_loop3A_1663 = arith.index_cast %parallel_loop3A_1660 : i32 to index
        %parallel_loop3A_1664 = arith.index_cast %parallel_loop3A_373 : i32 to index
        %parallel_loop3A_1665 = arith.constant 64 : index
        %parallel_loop3A_1666 = tpu.vector_load %arg6[%parallel_loop3A_1661, %parallel_loop3A_1662, %parallel_loop3A_1663, %parallel_loop3A_1664, %parallel_loop3A_1665] {strides = array<i32>} : memref<2x10x1x8x128xf32, #tpu.memory_space<vmem>>, vector<1x1x1x1x16xf32>,
        %parallel_loop3A_1667 = vector.shape_cast %parallel_loop3A_1666 : vector<1x1x1x1x16xf32> to vector<16xf32>
        %parallel_loop3A_1668 = arith.addf %parallel_loop3A_1658, %parallel_loop3A_1667 : vector<16xf32>
        %parallel_loop3A_1669 = arith.constant 5 : i32
        %parallel_loop3A_1670 = arith.constant 0 : i32
        %parallel_loop3A_1671 = arith.index_cast %select_n3A_226 : i32 to index
        %parallel_loop3A_1672 = arith.index_cast %parallel_loop3A_1669 : i32 to index
        %parallel_loop3A_1673 = arith.index_cast %parallel_loop3A_1670 : i32 to index
        %parallel_loop3A_1674 = arith.index_cast %parallel_loop3A_373 : i32 to index
        %parallel_loop3A_1675 = arith.constant 64 : index
        %parallel_loop3A_1676 = tpu.vector_load %arg7[%parallel_loop3A_1671, %parallel_loop3A_1672, %parallel_loop3A_1673, %parallel_loop3A_1674, %parallel_loop3A_1675] {strides = array<i32>} : memref<2x10x1x8x128xf32, #tpu.memory_space<vmem>>, vector<1x1x1x1x16xf32>,
        %parallel_loop3A_1677 = vector.shape_cast %parallel_loop3A_1676 : vector<1x1x1x1x16xf32> to vector<16xf32>
        %parallel_loop3A_1678 = vector.shape_cast %parallel_loop3A_1668 : vector<16xf32> to vector<1x1x1x1x16xf32>
        tpu.vector_store %arg7[%parallel_loop3A_1671, %parallel_loop3A_1672, %parallel_loop3A_1673, %parallel_loop3A_1674, %parallel_loop3A_1675], %parallel_loop3A_1678 {strides = array<i32>} : memref<2x10x1x8x128xf32, #tpu.memory_space<vmem>>, vector<1x1x1x1x16xf32>,
        %parallel_loop3A_1679 = arith.constant 4 : i32
        %parallel_loop3A_1680 = arith.muli %parallel_loop3A_373, %parallel_loop3A_1679 : i32
        %parallel_loop3A_1681 = arith.constant 2 : i32
        %parallel_loop3A_1682 = arith.addi %parallel_loop3A_1680, %parallel_loop3A_1681 : i32
        %parallel_loop3A_1683 = arith.index_cast %select_n3A_226 : i32 to index
        %parallel_loop3A_1684 = arith.index_cast %parallel_loop3A_1682 : i32 to index
        %parallel_loop3A_1685 = arith.constant 96 : index
        %parallel_loop3A_1686 = tpu.vector_load %arg5[%parallel_loop3A_1683, %parallel_loop3A_1684, %parallel_loop3A_1685] {strides = array<i32>} : memref<2x32x176xf32, #tpu.memory_space<vmem>>, vector<1x1x16xf32>,
        %parallel_loop3A_1687 = vector.shape_cast %parallel_loop3A_1686 : vector<1x1x16xf32> to vector<16xf32>
        %parallel_loop3A_1688 = arith.constant 5 : i32
        %parallel_loop3A_1689 = arith.constant 0 : i32
        %parallel_loop3A_1690 = arith.index_cast %select_n3A_263 : i32 to index
        %parallel_loop3A_1691 = arith.index_cast %parallel_loop3A_1688 : i32 to index
        %parallel_loop3A_1692 = arith.index_cast %parallel_loop3A_1689 : i32 to index
        %parallel_loop3A_1693 = arith.index_cast %parallel_loop3A_373 : i32 to index
        %parallel_loop3A_1694 = arith.constant 80 : index
        %parallel_loop3A_1695 = tpu.vector_load %arg6[%parallel_loop3A_1690, %parallel_loop3A_1691, %parallel_loop3A_1692, %parallel_loop3A_1693, %parallel_loop3A_1694] {strides = array<i32>} : memref<2x10x1x8x128xf32, #tpu.memory_space<vmem>>, vector<1x1x1x1x16xf32>,
        %parallel_loop3A_1696 = vector.shape_cast %parallel_loop3A_1695 : vector<1x1x1x1x16xf32> to vector<16xf32>
        %parallel_loop3A_1697 = arith.addf %parallel_loop3A_1687, %parallel_loop3A_1696 : vector<16xf32>
        %parallel_loop3A_1698 = arith.constant 5 : i32
        %parallel_loop3A_1699 = arith.constant 0 : i32
        %parallel_loop3A_1700 = arith.index_cast %select_n3A_226 : i32 to index
        %parallel_loop3A_1701 = arith.index_cast %parallel_loop3A_1698 : i32 to index
        %parallel_loop3A_1702 = arith.index_cast %parallel_loop3A_1699 : i32 to index
        %parallel_loop3A_1703 = arith.index_cast %parallel_loop3A_373 : i32 to index
        %parallel_loop3A_1704 = arith.constant 80 : index
        %parallel_loop3A_1705 = tpu.vector_load %arg7[%parallel_loop3A_1700, %parallel_loop3A_1701, %parallel_loop3A_1702, %parallel_loop3A_1703, %parallel_loop3A_1704] {strides = array<i32>} : memref<2x10x1x8x128xf32, #tpu.memory_space<vmem>>, vector<1x1x1x1x16xf32>,
        %parallel_loop3A_1706 = vector.shape_cast %parallel_loop3A_1705 : vector<1x1x1x1x16xf32> to vector<16xf32>
        %parallel_loop3A_1707 = vector.shape_cast %parallel_loop3A_1697 : vector<16xf32> to vector<1x1x1x1x16xf32>
        tpu.vector_store %arg7[%parallel_loop3A_1700, %parallel_loop3A_1701, %parallel_loop3A_1702, %parallel_loop3A_1703, %parallel_loop3A_1704], %parallel_loop3A_1707 {strides = array<i32>} : memref<2x10x1x8x128xf32, #tpu.memory_space<vmem>>, vector<1x1x1x1x16xf32>,
        %parallel_loop3A_1708 = arith.constant 4 : i32
        %parallel_loop3A_1709 = arith.muli %parallel_loop3A_373, %parallel_loop3A_1708 : i32
        %parallel_loop3A_1710 = arith.constant 3 : i32
        %parallel_loop3A_1711 = arith.addi %parallel_loop3A_1709, %parallel_loop3A_1710 : i32
        %parallel_loop3A_1712 = arith.index_cast %select_n3A_226 : i32 to index
        %parallel_loop3A_1713 = arith.index_cast %parallel_loop3A_1711 : i32 to index
        %parallel_loop3A_1714 = arith.constant 80 : index
        %parallel_loop3A_1715 = tpu.vector_load %arg5[%parallel_loop3A_1712, %parallel_loop3A_1713, %parallel_loop3A_1714] {strides = array<i32>} : memref<2x32x176xf32, #tpu.memory_space<vmem>>, vector<1x1x16xf32>,
        %parallel_loop3A_1716 = vector.shape_cast %parallel_loop3A_1715 : vector<1x1x16xf32> to vector<16xf32>
        %parallel_loop3A_1717 = arith.constant 5 : i32
        %parallel_loop3A_1718 = arith.constant 0 : i32
        %parallel_loop3A_1719 = arith.index_cast %select_n3A_263 : i32 to index
        %parallel_loop3A_1720 = arith.index_cast %parallel_loop3A_1717 : i32 to index
        %parallel_loop3A_1721 = arith.index_cast %parallel_loop3A_1718 : i32 to index
        %parallel_loop3A_1722 = arith.index_cast %parallel_loop3A_373 : i32 to index
        %parallel_loop3A_1723 = arith.constant 96 : index
        %parallel_loop3A_1724 = tpu.vector_load %arg6[%parallel_loop3A_1719, %parallel_loop3A_1720, %parallel_loop3A_1721, %parallel_loop3A_1722, %parallel_loop3A_1723] {strides = array<i32>} : memref<2x10x1x8x128xf32, #tpu.memory_space<vmem>>, vector<1x1x1x1x16xf32>,
        %parallel_loop3A_1725 = vector.shape_cast %parallel_loop3A_1724 : vector<1x1x1x1x16xf32> to vector<16xf32>
        %parallel_loop3A_1726 = arith.addf %parallel_loop3A_1716, %parallel_loop3A_1725 : vector<16xf32>
        %parallel_loop3A_1727 = arith.constant 5 : i32
        %parallel_loop3A_1728 = arith.constant 0 : i32
        %parallel_loop3A_1729 = arith.index_cast %select_n3A_226 : i32 to index
        %parallel_loop3A_1730 = arith.index_cast %parallel_loop3A_1727 : i32 to index
        %parallel_loop3A_1731 = arith.index_cast %parallel_loop3A_1728 : i32 to index
        %parallel_loop3A_1732 = arith.index_cast %parallel_loop3A_373 : i32 to index
        %parallel_loop3A_1733 = arith.constant 96 : index
        %parallel_loop3A_1734 = tpu.vector_load %arg7[%parallel_loop3A_1729, %parallel_loop3A_1730, %parallel_loop3A_1731, %parallel_loop3A_1732, %parallel_loop3A_1733] {strides = array<i32>} : memref<2x10x1x8x128xf32, #tpu.memory_space<vmem>>, vector<1x1x1x1x16xf32>,
        %parallel_loop3A_1735 = vector.shape_cast %parallel_loop3A_1734 : vector<1x1x1x1x16xf32> to vector<16xf32>
        %parallel_loop3A_1736 = vector.shape_cast %parallel_loop3A_1726 : vector<16xf32> to vector<1x1x1x1x16xf32>
        tpu.vector_store %arg7[%parallel_loop3A_1729, %parallel_loop3A_1730, %parallel_loop3A_1731, %parallel_loop3A_1732, %parallel_loop3A_1733], %parallel_loop3A_1736 {strides = array<i32>} : memref<2x10x1x8x128xf32, #tpu.memory_space<vmem>>, vector<1x1x1x1x16xf32>,
        %parallel_loop3A_1737 = arith.constant 4 : i32
        %parallel_loop3A_1738 = arith.muli %parallel_loop3A_373, %parallel_loop3A_1737 : i32
        %parallel_loop3A_1739 = arith.constant 3 : i32
        %parallel_loop3A_1740 = arith.addi %parallel_loop3A_1738, %parallel_loop3A_1739 : i32
        %parallel_loop3A_1741 = arith.index_cast %select_n3A_226 : i32 to index
        %parallel_loop3A_1742 = arith.index_cast %parallel_loop3A_1740 : i32 to index
        %parallel_loop3A_1743 = arith.constant 96 : index
        %parallel_loop3A_1744 = tpu.vector_load %arg5[%parallel_loop3A_1741, %parallel_loop3A_1742, %parallel_loop3A_1743] {strides = array<i32>} : memref<2x32x176xf32, #tpu.memory_space<vmem>>, vector<1x1x16xf32>,
        %parallel_loop3A_1745 = vector.shape_cast %parallel_loop3A_1744 : vector<1x1x16xf32> to vector<16xf32>
        %parallel_loop3A_1746 = arith.constant 5 : i32
        %parallel_loop3A_1747 = arith.constant 0 : i32
        %parallel_loop3A_1748 = arith.index_cast %select_n3A_263 : i32 to index
        %parallel_loop3A_1749 = arith.index_cast %parallel_loop3A_1746 : i32 to index
        %parallel_loop3A_1750 = arith.index_cast %parallel_loop3A_1747 : i32 to index
        %parallel_loop3A_1751 = arith.index_cast %parallel_loop3A_373 : i32 to index
        %parallel_loop3A_1752 = arith.constant 112 : index
        %parallel_loop3A_1753 = tpu.vector_load %arg6[%parallel_loop3A_1748, %parallel_loop3A_1749, %parallel_loop3A_1750, %parallel_loop3A_1751, %parallel_loop3A_1752] {strides = array<i32>} : memref<2x10x1x8x128xf32, #tpu.memory_space<vmem>>, vector<1x1x1x1x16xf32>,
        %parallel_loop3A_1754 = vector.shape_cast %parallel_loop3A_1753 : vector<1x1x1x1x16xf32> to vector<16xf32>
        %parallel_loop3A_1755 = arith.addf %parallel_loop3A_1745, %parallel_loop3A_1754 : vector<16xf32>
        %parallel_loop3A_1756 = arith.constant 5 : i32
        %parallel_loop3A_1757 = arith.constant 0 : i32
        %parallel_loop3A_1758 = arith.index_cast %select_n3A_226 : i32 to index
        %parallel_loop3A_1759 = arith.index_cast %parallel_loop3A_1756 : i32 to index
        %parallel_loop3A_1760 = arith.index_cast %parallel_loop3A_1757 : i32 to index
        %parallel_loop3A_1761 = arith.index_cast %parallel_loop3A_373 : i32 to index
        %parallel_loop3A_1762 = arith.constant 112 : index
        %parallel_loop3A_1763 = tpu.vector_load %arg7[%parallel_loop3A_1758, %parallel_loop3A_1759, %parallel_loop3A_1760, %parallel_loop3A_1761, %parallel_loop3A_1762] {strides = array<i32>} : memref<2x10x1x8x128xf32, #tpu.memory_space<vmem>>, vector<1x1x1x1x16xf32>,
        %parallel_loop3A_1764 = vector.shape_cast %parallel_loop3A_1763 : vector<1x1x1x1x16xf32> to vector<16xf32>
        %parallel_loop3A_1765 = vector.shape_cast %parallel_loop3A_1755 : vector<16xf32> to vector<1x1x1x1x16xf32>
        tpu.vector_store %arg7[%parallel_loop3A_1758, %parallel_loop3A_1759, %parallel_loop3A_1760, %parallel_loop3A_1761, %parallel_loop3A_1762], %parallel_loop3A_1765 {strides = array<i32>} : memref<2x10x1x8x128xf32, #tpu.memory_space<vmem>>, vector<1x1x1x1x16xf32>,
        %parallel_loop3A_1766 = arith.constant 4 : i32
        %parallel_loop3A_1767 = arith.muli %parallel_loop3A_373, %parallel_loop3A_1766 : i32
        %parallel_loop3A_1768 = arith.constant 0 : i32
        %parallel_loop3A_1769 = arith.addi %parallel_loop3A_1767, %parallel_loop3A_1768 : i32
        %parallel_loop3A_1770 = arith.index_cast %select_n3A_226 : i32 to index
        %parallel_loop3A_1771 = arith.index_cast %parallel_loop3A_1769 : i32 to index
        %parallel_loop3A_1772 = arith.constant 96 : index
        %parallel_loop3A_1773 = tpu.vector_load %arg5[%parallel_loop3A_1770, %parallel_loop3A_1771, %parallel_loop3A_1772] {strides = array<i32>} : memref<2x32x176xf32, #tpu.memory_space<vmem>>, vector<1x1x16xf32>,
        %parallel_loop3A_1774 = vector.shape_cast %parallel_loop3A_1773 : vector<1x1x16xf32> to vector<16xf32>
        %parallel_loop3A_1775 = arith.constant 6 : i32
        %parallel_loop3A_1776 = arith.constant 0 : i32
        %parallel_loop3A_1777 = arith.index_cast %select_n3A_263 : i32 to index
        %parallel_loop3A_1778 = arith.index_cast %parallel_loop3A_1775 : i32 to index
        %parallel_loop3A_1779 = arith.index_cast %parallel_loop3A_1776 : i32 to index
        %parallel_loop3A_1780 = arith.index_cast %parallel_loop3A_373 : i32 to index
        %parallel_loop3A_1781 = arith.constant 0 : index
        %parallel_loop3A_1782 = tpu.vector_load %arg6[%parallel_loop3A_1777, %parallel_loop3A_1778, %parallel_loop3A_1779, %parallel_loop3A_1780, %parallel_loop3A_1781] {strides = array<i32>} : memref<2x10x1x8x128xf32, #tpu.memory_space<vmem>>, vector<1x1x1x1x16xf32>,
        %parallel_loop3A_1783 = vector.shape_cast %parallel_loop3A_1782 : vector<1x1x1x1x16xf32> to vector<16xf32>
        %parallel_loop3A_1784 = arith.addf %parallel_loop3A_1774, %parallel_loop3A_1783 : vector<16xf32>
        %parallel_loop3A_1785 = arith.constant 6 : i32
        %parallel_loop3A_1786 = arith.constant 0 : i32
        %parallel_loop3A_1787 = arith.index_cast %select_n3A_226 : i32 to index
        %parallel_loop3A_1788 = arith.index_cast %parallel_loop3A_1785 : i32 to index
        %parallel_loop3A_1789 = arith.index_cast %parallel_loop3A_1786 : i32 to index
        %parallel_loop3A_1790 = arith.index_cast %parallel_loop3A_373 : i32 to index
        %parallel_loop3A_1791 = arith.constant 0 : index
        %parallel_loop3A_1792 = tpu.vector_load %arg7[%parallel_loop3A_1787, %parallel_loop3A_1788, %parallel_loop3A_1789, %parallel_loop3A_1790, %parallel_loop3A_1791] {strides = array<i32>} : memref<2x10x1x8x128xf32, #tpu.memory_space<vmem>>, vector<1x1x1x1x16xf32>,
        %parallel_loop3A_1793 = vector.shape_cast %parallel_loop3A_1792 : vector<1x1x1x1x16xf32> to vector<16xf32>
        %parallel_loop3A_1794 = vector.shape_cast %parallel_loop3A_1784 : vector<16xf32> to vector<1x1x1x1x16xf32>
        tpu.vector_store %arg7[%parallel_loop3A_1787, %parallel_loop3A_1788, %parallel_loop3A_1789, %parallel_loop3A_1790, %parallel_loop3A_1791], %parallel_loop3A_1794 {strides = array<i32>} : memref<2x10x1x8x128xf32, #tpu.memory_space<vmem>>, vector<1x1x1x1x16xf32>,
        %parallel_loop3A_1795 = arith.constant 4 : i32
        %parallel_loop3A_1796 = arith.muli %parallel_loop3A_373, %parallel_loop3A_1795 : i32
        %parallel_loop3A_1797 = arith.constant 0 : i32
        %parallel_loop3A_1798 = arith.addi %parallel_loop3A_1796, %parallel_loop3A_1797 : i32
        %parallel_loop3A_1799 = arith.index_cast %select_n3A_226 : i32 to index
        %parallel_loop3A_1800 = arith.index_cast %parallel_loop3A_1798 : i32 to index
        %parallel_loop3A_1801 = arith.constant 112 : index
        %parallel_loop3A_1802 = tpu.vector_load %arg5[%parallel_loop3A_1799, %parallel_loop3A_1800, %parallel_loop3A_1801] {strides = array<i32>} : memref<2x32x176xf32, #tpu.memory_space<vmem>>, vector<1x1x16xf32>,
        %parallel_loop3A_1803 = vector.shape_cast %parallel_loop3A_1802 : vector<1x1x16xf32> to vector<16xf32>
        %parallel_loop3A_1804 = arith.constant 6 : i32
        %parallel_loop3A_1805 = arith.constant 0 : i32
        %parallel_loop3A_1806 = arith.index_cast %select_n3A_263 : i32 to index
        %parallel_loop3A_1807 = arith.index_cast %parallel_loop3A_1804 : i32 to index
        %parallel_loop3A_1808 = arith.index_cast %parallel_loop3A_1805 : i32 to index
        %parallel_loop3A_1809 = arith.index_cast %parallel_loop3A_373 : i32 to index
        %parallel_loop3A_1810 = arith.constant 16 : index
        %parallel_loop3A_1811 = tpu.vector_load %arg6[%parallel_loop3A_1806, %parallel_loop3A_1807, %parallel_loop3A_1808, %parallel_loop3A_1809, %parallel_loop3A_1810] {strides = array<i32>} : memref<2x10x1x8x128xf32, #tpu.memory_space<vmem>>, vector<1x1x1x1x16xf32>,
        %parallel_loop3A_1812 = vector.shape_cast %parallel_loop3A_1811 : vector<1x1x1x1x16xf32> to vector<16xf32>
        %parallel_loop3A_1813 = arith.addf %parallel_loop3A_1803, %parallel_loop3A_1812 : vector<16xf32>
        %parallel_loop3A_1814 = arith.constant 6 : i32
        %parallel_loop3A_1815 = arith.constant 0 : i32
        %parallel_loop3A_1816 = arith.index_cast %select_n3A_226 : i32 to index
        %parallel_loop3A_1817 = arith.index_cast %parallel_loop3A_1814 : i32 to index
        %parallel_loop3A_1818 = arith.index_cast %parallel_loop3A_1815 : i32 to index
        %parallel_loop3A_1819 = arith.index_cast %parallel_loop3A_373 : i32 to index
        %parallel_loop3A_1820 = arith.constant 16 : index
        %parallel_loop3A_1821 = tpu.vector_load %arg7[%parallel_loop3A_1816, %parallel_loop3A_1817, %parallel_loop3A_1818, %parallel_loop3A_1819, %parallel_loop3A_1820] {strides = array<i32>} : memref<2x10x1x8x128xf32, #tpu.memory_space<vmem>>, vector<1x1x1x1x16xf32>,
        %parallel_loop3A_1822 = vector.shape_cast %parallel_loop3A_1821 : vector<1x1x1x1x16xf32> to vector<16xf32>
        %parallel_loop3A_1823 = vector.shape_cast %parallel_loop3A_1813 : vector<16xf32> to vector<1x1x1x1x16xf32>
        tpu.vector_store %arg7[%parallel_loop3A_1816, %parallel_loop3A_1817, %parallel_loop3A_1818, %parallel_loop3A_1819, %parallel_loop3A_1820], %parallel_loop3A_1823 {strides = array<i32>} : memref<2x10x1x8x128xf32, #tpu.memory_space<vmem>>, vector<1x1x1x1x16xf32>,
        %parallel_loop3A_1824 = arith.constant 4 : i32
        %parallel_loop3A_1825 = arith.muli %parallel_loop3A_373, %parallel_loop3A_1824 : i32
        %parallel_loop3A_1826 = arith.constant 1 : i32
        %parallel_loop3A_1827 = arith.addi %parallel_loop3A_1825, %parallel_loop3A_1826 : i32
        %parallel_loop3A_1828 = arith.index_cast %select_n3A_226 : i32 to index
        %parallel_loop3A_1829 = arith.index_cast %parallel_loop3A_1827 : i32 to index
        %parallel_loop3A_1830 = arith.constant 96 : index
        %parallel_loop3A_1831 = tpu.vector_load %arg5[%parallel_loop3A_1828, %parallel_loop3A_1829, %parallel_loop3A_1830] {strides = array<i32>} : memref<2x32x176xf32, #tpu.memory_space<vmem>>, vector<1x1x16xf32>,
        %parallel_loop3A_1832 = vector.shape_cast %parallel_loop3A_1831 : vector<1x1x16xf32> to vector<16xf32>
        %parallel_loop3A_1833 = arith.constant 6 : i32
        %parallel_loop3A_1834 = arith.constant 0 : i32
        %parallel_loop3A_1835 = arith.index_cast %select_n3A_263 : i32 to index
        %parallel_loop3A_1836 = arith.index_cast %parallel_loop3A_1833 : i32 to index
        %parallel_loop3A_1837 = arith.index_cast %parallel_loop3A_1834 : i32 to index
        %parallel_loop3A_1838 = arith.index_cast %parallel_loop3A_373 : i32 to index
        %parallel_loop3A_1839 = arith.constant 32 : index
        %parallel_loop3A_1840 = tpu.vector_load %arg6[%parallel_loop3A_1835, %parallel_loop3A_1836, %parallel_loop3A_1837, %parallel_loop3A_1838, %parallel_loop3A_1839] {strides = array<i32>} : memref<2x10x1x8x128xf32, #tpu.memory_space<vmem>>, vector<1x1x1x1x16xf32>,
        %parallel_loop3A_1841 = vector.shape_cast %parallel_loop3A_1840 : vector<1x1x1x1x16xf32> to vector<16xf32>
        %parallel_loop3A_1842 = arith.addf %parallel_loop3A_1832, %parallel_loop3A_1841 : vector<16xf32>
        %parallel_loop3A_1843 = arith.constant 6 : i32
        %parallel_loop3A_1844 = arith.constant 0 : i32
        %parallel_loop3A_1845 = arith.index_cast %select_n3A_226 : i32 to index
        %parallel_loop3A_1846 = arith.index_cast %parallel_loop3A_1843 : i32 to index
        %parallel_loop3A_1847 = arith.index_cast %parallel_loop3A_1844 : i32 to index
        %parallel_loop3A_1848 = arith.index_cast %parallel_loop3A_373 : i32 to index
        %parallel_loop3A_1849 = arith.constant 32 : index
        %parallel_loop3A_1850 = tpu.vector_load %arg7[%parallel_loop3A_1845, %parallel_loop3A_1846, %parallel_loop3A_1847, %parallel_loop3A_1848, %parallel_loop3A_1849] {strides = array<i32>} : memref<2x10x1x8x128xf32, #tpu.memory_space<vmem>>, vector<1x1x1x1x16xf32>,
        %parallel_loop3A_1851 = vector.shape_cast %parallel_loop3A_1850 : vector<1x1x1x1x16xf32> to vector<16xf32>
        %parallel_loop3A_1852 = vector.shape_cast %parallel_loop3A_1842 : vector<16xf32> to vector<1x1x1x1x16xf32>
        tpu.vector_store %arg7[%parallel_loop3A_1845, %parallel_loop3A_1846, %parallel_loop3A_1847, %parallel_loop3A_1848, %parallel_loop3A_1849], %parallel_loop3A_1852 {strides = array<i32>} : memref<2x10x1x8x128xf32, #tpu.memory_space<vmem>>, vector<1x1x1x1x16xf32>,
        %parallel_loop3A_1853 = arith.constant 4 : i32
        %parallel_loop3A_1854 = arith.muli %parallel_loop3A_373, %parallel_loop3A_1853 : i32
        %parallel_loop3A_1855 = arith.constant 1 : i32
        %parallel_loop3A_1856 = arith.addi %parallel_loop3A_1854, %parallel_loop3A_1855 : i32
        %parallel_loop3A_1857 = arith.index_cast %select_n3A_226 : i32 to index
        %parallel_loop3A_1858 = arith.index_cast %parallel_loop3A_1856 : i32 to index
        %parallel_loop3A_1859 = arith.constant 112 : index
        %parallel_loop3A_1860 = tpu.vector_load %arg5[%parallel_loop3A_1857, %parallel_loop3A_1858, %parallel_loop3A_1859] {strides = array<i32>} : memref<2x32x176xf32, #tpu.memory_space<vmem>>, vector<1x1x16xf32>,
        %parallel_loop3A_1861 = vector.shape_cast %parallel_loop3A_1860 : vector<1x1x16xf32> to vector<16xf32>
        %parallel_loop3A_1862 = arith.constant 6 : i32
        %parallel_loop3A_1863 = arith.constant 0 : i32
        %parallel_loop3A_1864 = arith.index_cast %select_n3A_263 : i32 to index
        %parallel_loop3A_1865 = arith.index_cast %parallel_loop3A_1862 : i32 to index
        %parallel_loop3A_1866 = arith.index_cast %parallel_loop3A_1863 : i32 to index
        %parallel_loop3A_1867 = arith.index_cast %parallel_loop3A_373 : i32 to index
        %parallel_loop3A_1868 = arith.constant 48 : index
        %parallel_loop3A_1869 = tpu.vector_load %arg6[%parallel_loop3A_1864, %parallel_loop3A_1865, %parallel_loop3A_1866, %parallel_loop3A_1867, %parallel_loop3A_1868] {strides = array<i32>} : memref<2x10x1x8x128xf32, #tpu.memory_space<vmem>>, vector<1x1x1x1x16xf32>,
        %parallel_loop3A_1870 = vector.shape_cast %parallel_loop3A_1869 : vector<1x1x1x1x16xf32> to vector<16xf32>
        %parallel_loop3A_1871 = arith.addf %parallel_loop3A_1861, %parallel_loop3A_1870 : vector<16xf32>
        %parallel_loop3A_1872 = arith.constant 6 : i32
        %parallel_loop3A_1873 = arith.constant 0 : i32
        %parallel_loop3A_1874 = arith.index_cast %select_n3A_226 : i32 to index
        %parallel_loop3A_1875 = arith.index_cast %parallel_loop3A_1872 : i32 to index
        %parallel_loop3A_1876 = arith.index_cast %parallel_loop3A_1873 : i32 to index
        %parallel_loop3A_1877 = arith.index_cast %parallel_loop3A_373 : i32 to index
        %parallel_loop3A_1878 = arith.constant 48 : index
        %parallel_loop3A_1879 = tpu.vector_load %arg7[%parallel_loop3A_1874, %parallel_loop3A_1875, %parallel_loop3A_1876, %parallel_loop3A_1877, %parallel_loop3A_1878] {strides = array<i32>} : memref<2x10x1x8x128xf32, #tpu.memory_space<vmem>>, vector<1x1x1x1x16xf32>,
        %parallel_loop3A_1880 = vector.shape_cast %parallel_loop3A_1879 : vector<1x1x1x1x16xf32> to vector<16xf32>
        %parallel_loop3A_1881 = vector.shape_cast %parallel_loop3A_1871 : vector<16xf32> to vector<1x1x1x1x16xf32>
        tpu.vector_store %arg7[%parallel_loop3A_1874, %parallel_loop3A_1875, %parallel_loop3A_1876, %parallel_loop3A_1877, %parallel_loop3A_1878], %parallel_loop3A_1881 {strides = array<i32>} : memref<2x10x1x8x128xf32, #tpu.memory_space<vmem>>, vector<1x1x1x1x16xf32>,
        %parallel_loop3A_1882 = arith.constant 4 : i32
        %parallel_loop3A_1883 = arith.muli %parallel_loop3A_373, %parallel_loop3A_1882 : i32
        %parallel_loop3A_1884 = arith.constant 2 : i32
        %parallel_loop3A_1885 = arith.addi %parallel_loop3A_1883, %parallel_loop3A_1884 : i32
        %parallel_loop3A_1886 = arith.index_cast %select_n3A_226 : i32 to index
        %parallel_loop3A_1887 = arith.index_cast %parallel_loop3A_1885 : i32 to index
        %parallel_loop3A_1888 = arith.constant 96 : index
        %parallel_loop3A_1889 = tpu.vector_load %arg5[%parallel_loop3A_1886, %parallel_loop3A_1887, %parallel_loop3A_1888] {strides = array<i32>} : memref<2x32x176xf32, #tpu.memory_space<vmem>>, vector<1x1x16xf32>,
        %parallel_loop3A_1890 = vector.shape_cast %parallel_loop3A_1889 : vector<1x1x16xf32> to vector<16xf32>
        %parallel_loop3A_1891 = arith.constant 6 : i32
        %parallel_loop3A_1892 = arith.constant 0 : i32
        %parallel_loop3A_1893 = arith.index_cast %select_n3A_263 : i32 to index
        %parallel_loop3A_1894 = arith.index_cast %parallel_loop3A_1891 : i32 to index
        %parallel_loop3A_1895 = arith.index_cast %parallel_loop3A_1892 : i32 to index
        %parallel_loop3A_1896 = arith.index_cast %parallel_loop3A_373 : i32 to index
        %parallel_loop3A_1897 = arith.constant 64 : index
        %parallel_loop3A_1898 = tpu.vector_load %arg6[%parallel_loop3A_1893, %parallel_loop3A_1894, %parallel_loop3A_1895, %parallel_loop3A_1896, %parallel_loop3A_1897] {strides = array<i32>} : memref<2x10x1x8x128xf32, #tpu.memory_space<vmem>>, vector<1x1x1x1x16xf32>,
        %parallel_loop3A_1899 = vector.shape_cast %parallel_loop3A_1898 : vector<1x1x1x1x16xf32> to vector<16xf32>
        %parallel_loop3A_1900 = arith.addf %parallel_loop3A_1890, %parallel_loop3A_1899 : vector<16xf32>
        %parallel_loop3A_1901 = arith.constant 6 : i32
        %parallel_loop3A_1902 = arith.constant 0 : i32
        %parallel_loop3A_1903 = arith.index_cast %select_n3A_226 : i32 to index
        %parallel_loop3A_1904 = arith.index_cast %parallel_loop3A_1901 : i32 to index
        %parallel_loop3A_1905 = arith.index_cast %parallel_loop3A_1902 : i32 to index
        %parallel_loop3A_1906 = arith.index_cast %parallel_loop3A_373 : i32 to index
        %parallel_loop3A_1907 = arith.constant 64 : index
        %parallel_loop3A_1908 = tpu.vector_load %arg7[%parallel_loop3A_1903, %parallel_loop3A_1904, %parallel_loop3A_1905, %parallel_loop3A_1906, %parallel_loop3A_1907] {strides = array<i32>} : memref<2x10x1x8x128xf32, #tpu.memory_space<vmem>>, vector<1x1x1x1x16xf32>,
        %parallel_loop3A_1909 = vector.shape_cast %parallel_loop3A_1908 : vector<1x1x1x1x16xf32> to vector<16xf32>
        %parallel_loop3A_1910 = vector.shape_cast %parallel_loop3A_1900 : vector<16xf32> to vector<1x1x1x1x16xf32>
        tpu.vector_store %arg7[%parallel_loop3A_1903, %parallel_loop3A_1904, %parallel_loop3A_1905, %parallel_loop3A_1906, %parallel_loop3A_1907], %parallel_loop3A_1910 {strides = array<i32>} : memref<2x10x1x8x128xf32, #tpu.memory_space<vmem>>, vector<1x1x1x1x16xf32>,
        %parallel_loop3A_1911 = arith.constant 4 : i32
        %parallel_loop3A_1912 = arith.muli %parallel_loop3A_373, %parallel_loop3A_1911 : i32
        %parallel_loop3A_1913 = arith.constant 2 : i32
        %parallel_loop3A_1914 = arith.addi %parallel_loop3A_1912, %parallel_loop3A_1913 : i32
        %parallel_loop3A_1915 = arith.index_cast %select_n3A_226 : i32 to index
        %parallel_loop3A_1916 = arith.index_cast %parallel_loop3A_1914 : i32 to index
        %parallel_loop3A_1917 = arith.constant 112 : index
        %parallel_loop3A_1918 = tpu.vector_load %arg5[%parallel_loop3A_1915, %parallel_loop3A_1916, %parallel_loop3A_1917] {strides = array<i32>} : memref<2x32x176xf32, #tpu.memory_space<vmem>>, vector<1x1x16xf32>,
        %parallel_loop3A_1919 = vector.shape_cast %parallel_loop3A_1918 : vector<1x1x16xf32> to vector<16xf32>
        %parallel_loop3A_1920 = arith.constant 6 : i32
        %parallel_loop3A_1921 = arith.constant 0 : i32
        %parallel_loop3A_1922 = arith.index_cast %select_n3A_263 : i32 to index
        %parallel_loop3A_1923 = arith.index_cast %parallel_loop3A_1920 : i32 to index
        %parallel_loop3A_1924 = arith.index_cast %parallel_loop3A_1921 : i32 to index
        %parallel_loop3A_1925 = arith.index_cast %parallel_loop3A_373 : i32 to index
        %parallel_loop3A_1926 = arith.constant 80 : index
        %parallel_loop3A_1927 = tpu.vector_load %arg6[%parallel_loop3A_1922, %parallel_loop3A_1923, %parallel_loop3A_1924, %parallel_loop3A_1925, %parallel_loop3A_1926] {strides = array<i32>} : memref<2x10x1x8x128xf32, #tpu.memory_space<vmem>>, vector<1x1x1x1x16xf32>,
        %parallel_loop3A_1928 = vector.shape_cast %parallel_loop3A_1927 : vector<1x1x1x1x16xf32> to vector<16xf32>
        %parallel_loop3A_1929 = arith.addf %parallel_loop3A_1919, %parallel_loop3A_1928 : vector<16xf32>
        %parallel_loop3A_1930 = arith.constant 6 : i32
        %parallel_loop3A_1931 = arith.constant 0 : i32
        %parallel_loop3A_1932 = arith.index_cast %select_n3A_226 : i32 to index
        %parallel_loop3A_1933 = arith.index_cast %parallel_loop3A_1930 : i32 to index
        %parallel_loop3A_1934 = arith.index_cast %parallel_loop3A_1931 : i32 to index
        %parallel_loop3A_1935 = arith.index_cast %parallel_loop3A_373 : i32 to index
        %parallel_loop3A_1936 = arith.constant 80 : index
        %parallel_loop3A_1937 = tpu.vector_load %arg7[%parallel_loop3A_1932, %parallel_loop3A_1933, %parallel_loop3A_1934, %parallel_loop3A_1935, %parallel_loop3A_1936] {strides = array<i32>} : memref<2x10x1x8x128xf32, #tpu.memory_space<vmem>>, vector<1x1x1x1x16xf32>,
        %parallel_loop3A_1938 = vector.shape_cast %parallel_loop3A_1937 : vector<1x1x1x1x16xf32> to vector<16xf32>
        %parallel_loop3A_1939 = vector.shape_cast %parallel_loop3A_1929 : vector<16xf32> to vector<1x1x1x1x16xf32>
        tpu.vector_store %arg7[%parallel_loop3A_1932, %parallel_loop3A_1933, %parallel_loop3A_1934, %parallel_loop3A_1935, %parallel_loop3A_1936], %parallel_loop3A_1939 {strides = array<i32>} : memref<2x10x1x8x128xf32, #tpu.memory_space<vmem>>, vector<1x1x1x1x16xf32>,
        %parallel_loop3A_1940 = arith.constant 4 : i32
        %parallel_loop3A_1941 = arith.muli %parallel_loop3A_373, %parallel_loop3A_1940 : i32
        %parallel_loop3A_1942 = arith.constant 3 : i32
        %parallel_loop3A_1943 = arith.addi %parallel_loop3A_1941, %parallel_loop3A_1942 : i32
        %parallel_loop3A_1944 = arith.index_cast %select_n3A_226 : i32 to index
        %parallel_loop3A_1945 = arith.index_cast %parallel_loop3A_1943 : i32 to index
        %parallel_loop3A_1946 = arith.constant 96 : index
        %parallel_loop3A_1947 = tpu.vector_load %arg5[%parallel_loop3A_1944, %parallel_loop3A_1945, %parallel_loop3A_1946] {strides = array<i32>} : memref<2x32x176xf32, #tpu.memory_space<vmem>>, vector<1x1x16xf32>,
        %parallel_loop3A_1948 = vector.shape_cast %parallel_loop3A_1947 : vector<1x1x16xf32> to vector<16xf32>
        %parallel_loop3A_1949 = arith.constant 6 : i32
        %parallel_loop3A_1950 = arith.constant 0 : i32
        %parallel_loop3A_1951 = arith.index_cast %select_n3A_263 : i32 to index
        %parallel_loop3A_1952 = arith.index_cast %parallel_loop3A_1949 : i32 to index
        %parallel_loop3A_1953 = arith.index_cast %parallel_loop3A_1950 : i32 to index
        %parallel_loop3A_1954 = arith.index_cast %parallel_loop3A_373 : i32 to index
        %parallel_loop3A_1955 = arith.constant 96 : index
        %parallel_loop3A_1956 = tpu.vector_load %arg6[%parallel_loop3A_1951, %parallel_loop3A_1952, %parallel_loop3A_1953, %parallel_loop3A_1954, %parallel_loop3A_1955] {strides = array<i32>} : memref<2x10x1x8x128xf32, #tpu.memory_space<vmem>>, vector<1x1x1x1x16xf32>,
        %parallel_loop3A_1957 = vector.shape_cast %parallel_loop3A_1956 : vector<1x1x1x1x16xf32> to vector<16xf32>
        %parallel_loop3A_1958 = arith.addf %parallel_loop3A_1948, %parallel_loop3A_1957 : vector<16xf32>
        %parallel_loop3A_1959 = arith.constant 6 : i32
        %parallel_loop3A_1960 = arith.constant 0 : i32
        %parallel_loop3A_1961 = arith.index_cast %select_n3A_226 : i32 to index
        %parallel_loop3A_1962 = arith.index_cast %parallel_loop3A_1959 : i32 to index
        %parallel_loop3A_1963 = arith.index_cast %parallel_loop3A_1960 : i32 to index
        %parallel_loop3A_1964 = arith.index_cast %parallel_loop3A_373 : i32 to index
        %parallel_loop3A_1965 = arith.constant 96 : index
        %parallel_loop3A_1966 = tpu.vector_load %arg7[%parallel_loop3A_1961, %parallel_loop3A_1962, %parallel_loop3A_1963, %parallel_loop3A_1964, %parallel_loop3A_1965] {strides = array<i32>} : memref<2x10x1x8x128xf32, #tpu.memory_space<vmem>>, vector<1x1x1x1x16xf32>,
        %parallel_loop3A_1967 = vector.shape_cast %parallel_loop3A_1966 : vector<1x1x1x1x16xf32> to vector<16xf32>
        %parallel_loop3A_1968 = vector.shape_cast %parallel_loop3A_1958 : vector<16xf32> to vector<1x1x1x1x16xf32>
        tpu.vector_store %arg7[%parallel_loop3A_1961, %parallel_loop3A_1962, %parallel_loop3A_1963, %parallel_loop3A_1964, %parallel_loop3A_1965], %parallel_loop3A_1968 {strides = array<i32>} : memref<2x10x1x8x128xf32, #tpu.memory_space<vmem>>, vector<1x1x1x1x16xf32>,
        %parallel_loop3A_1969 = arith.constant 4 : i32
        %parallel_loop3A_1970 = arith.muli %parallel_loop3A_373, %parallel_loop3A_1969 : i32
        %parallel_loop3A_1971 = arith.constant 3 : i32
        %parallel_loop3A_1972 = arith.addi %parallel_loop3A_1970, %parallel_loop3A_1971 : i32
        %parallel_loop3A_1973 = arith.index_cast %select_n3A_226 : i32 to index
        %parallel_loop3A_1974 = arith.index_cast %parallel_loop3A_1972 : i32 to index
        %parallel_loop3A_1975 = arith.constant 112 : index
        %parallel_loop3A_1976 = tpu.vector_load %arg5[%parallel_loop3A_1973, %parallel_loop3A_1974, %parallel_loop3A_1975] {strides = array<i32>} : memref<2x32x176xf32, #tpu.memory_space<vmem>>, vector<1x1x16xf32>,
        %parallel_loop3A_1977 = vector.shape_cast %parallel_loop3A_1976 : vector<1x1x16xf32> to vector<16xf32>
        %parallel_loop3A_1978 = arith.constant 6 : i32
        %parallel_loop3A_1979 = arith.constant 0 : i32
        %parallel_loop3A_1980 = arith.index_cast %select_n3A_263 : i32 to index
        %parallel_loop3A_1981 = arith.index_cast %parallel_loop3A_1978 : i32 to index
        %parallel_loop3A_1982 = arith.index_cast %parallel_loop3A_1979 : i32 to index
        %parallel_loop3A_1983 = arith.index_cast %parallel_loop3A_373 : i32 to index
        %parallel_loop3A_1984 = arith.constant 112 : index
        %parallel_loop3A_1985 = tpu.vector_load %arg6[%parallel_loop3A_1980, %parallel_loop3A_1981, %parallel_loop3A_1982, %parallel_loop3A_1983, %parallel_loop3A_1984] {strides = array<i32>} : memref<2x10x1x8x128xf32, #tpu.memory_space<vmem>>, vector<1x1x1x1x16xf32>,
        %parallel_loop3A_1986 = vector.shape_cast %parallel_loop3A_1985 : vector<1x1x1x1x16xf32> to vector<16xf32>
        %parallel_loop3A_1987 = arith.addf %parallel_loop3A_1977, %parallel_loop3A_1986 : vector<16xf32>
        %parallel_loop3A_1988 = arith.constant 6 : i32
        %parallel_loop3A_1989 = arith.constant 0 : i32
        %parallel_loop3A_1990 = arith.index_cast %select_n3A_226 : i32 to index
        %parallel_loop3A_1991 = arith.index_cast %parallel_loop3A_1988 : i32 to index
        %parallel_loop3A_1992 = arith.index_cast %parallel_loop3A_1989 : i32 to index
        %parallel_loop3A_1993 = arith.index_cast %parallel_loop3A_373 : i32 to index
        %parallel_loop3A_1994 = arith.constant 112 : index
        %parallel_loop3A_1995 = tpu.vector_load %arg7[%parallel_loop3A_1990, %parallel_loop3A_1991, %parallel_loop3A_1992, %parallel_loop3A_1993, %parallel_loop3A_1994] {strides = array<i32>} : memref<2x10x1x8x128xf32, #tpu.memory_space<vmem>>, vector<1x1x1x1x16xf32>,
        %parallel_loop3A_1996 = vector.shape_cast %parallel_loop3A_1995 : vector<1x1x1x1x16xf32> to vector<16xf32>
        %parallel_loop3A_1997 = vector.shape_cast %parallel_loop3A_1987 : vector<16xf32> to vector<1x1x1x1x16xf32>
        tpu.vector_store %arg7[%parallel_loop3A_1990, %parallel_loop3A_1991, %parallel_loop3A_1992, %parallel_loop3A_1993, %parallel_loop3A_1994], %parallel_loop3A_1997 {strides = array<i32>} : memref<2x10x1x8x128xf32, #tpu.memory_space<vmem>>, vector<1x1x1x1x16xf32>,
        %parallel_loop3A_1998 = arith.constant 4 : i32
        %parallel_loop3A_1999 = arith.muli %parallel_loop3A_373, %parallel_loop3A_1998 : i32
        %parallel_loop3A_2000 = arith.constant 0 : i32
        %parallel_loop3A_2001 = arith.addi %parallel_loop3A_1999, %parallel_loop3A_2000 : i32
        %parallel_loop3A_2002 = arith.index_cast %select_n3A_226 : i32 to index
        %parallel_loop3A_2003 = arith.index_cast %parallel_loop3A_2001 : i32 to index
        %parallel_loop3A_2004 = arith.constant 112 : index
        %parallel_loop3A_2005 = tpu.vector_load %arg5[%parallel_loop3A_2002, %parallel_loop3A_2003, %parallel_loop3A_2004] {strides = array<i32>} : memref<2x32x176xf32, #tpu.memory_space<vmem>>, vector<1x1x16xf32>,
        %parallel_loop3A_2006 = vector.shape_cast %parallel_loop3A_2005 : vector<1x1x16xf32> to vector<16xf32>
        %parallel_loop3A_2007 = arith.constant 7 : i32
        %parallel_loop3A_2008 = arith.constant 0 : i32
        %parallel_loop3A_2009 = arith.index_cast %select_n3A_263 : i32 to index
        %parallel_loop3A_2010 = arith.index_cast %parallel_loop3A_2007 : i32 to index
        %parallel_loop3A_2011 = arith.index_cast %parallel_loop3A_2008 : i32 to index
        %parallel_loop3A_2012 = arith.index_cast %parallel_loop3A_373 : i32 to index
        %parallel_loop3A_2013 = arith.constant 0 : index
        %parallel_loop3A_2014 = tpu.vector_load %arg6[%parallel_loop3A_2009, %parallel_loop3A_2010, %parallel_loop3A_2011, %parallel_loop3A_2012, %parallel_loop3A_2013] {strides = array<i32>} : memref<2x10x1x8x128xf32, #tpu.memory_space<vmem>>, vector<1x1x1x1x16xf32>,
        %parallel_loop3A_2015 = vector.shape_cast %parallel_loop3A_2014 : vector<1x1x1x1x16xf32> to vector<16xf32>
        %parallel_loop3A_2016 = arith.addf %parallel_loop3A_2006, %parallel_loop3A_2015 : vector<16xf32>
        %parallel_loop3A_2017 = arith.constant 7 : i32
        %parallel_loop3A_2018 = arith.constant 0 : i32
        %parallel_loop3A_2019 = arith.index_cast %select_n3A_226 : i32 to index
        %parallel_loop3A_2020 = arith.index_cast %parallel_loop3A_2017 : i32 to index
        %parallel_loop3A_2021 = arith.index_cast %parallel_loop3A_2018 : i32 to index
        %parallel_loop3A_2022 = arith.index_cast %parallel_loop3A_373 : i32 to index
        %parallel_loop3A_2023 = arith.constant 0 : index
        %parallel_loop3A_2024 = tpu.vector_load %arg7[%parallel_loop3A_2019, %parallel_loop3A_2020, %parallel_loop3A_2021, %parallel_loop3A_2022, %parallel_loop3A_2023] {strides = array<i32>} : memref<2x10x1x8x128xf32, #tpu.memory_space<vmem>>, vector<1x1x1x1x16xf32>,
        %parallel_loop3A_2025 = vector.shape_cast %parallel_loop3A_2024 : vector<1x1x1x1x16xf32> to vector<16xf32>
        %parallel_loop3A_2026 = vector.shape_cast %parallel_loop3A_2016 : vector<16xf32> to vector<1x1x1x1x16xf32>
        tpu.vector_store %arg7[%parallel_loop3A_2019, %parallel_loop3A_2020, %parallel_loop3A_2021, %parallel_loop3A_2022, %parallel_loop3A_2023], %parallel_loop3A_2026 {strides = array<i32>} : memref<2x10x1x8x128xf32, #tpu.memory_space<vmem>>, vector<1x1x1x1x16xf32>,
        %parallel_loop3A_2027 = arith.constant 4 : i32
        %parallel_loop3A_2028 = arith.muli %parallel_loop3A_373, %parallel_loop3A_2027 : i32
        %parallel_loop3A_2029 = arith.constant 0 : i32
        %parallel_loop3A_2030 = arith.addi %parallel_loop3A_2028, %parallel_loop3A_2029 : i32
        %parallel_loop3A_2031 = arith.index_cast %select_n3A_226 : i32 to index
        %parallel_loop3A_2032 = arith.index_cast %parallel_loop3A_2030 : i32 to index
        %parallel_loop3A_2033 = arith.constant 128 : index
        %parallel_loop3A_2034 = tpu.vector_load %arg5[%parallel_loop3A_2031, %parallel_loop3A_2032, %parallel_loop3A_2033] {strides = array<i32>} : memref<2x32x176xf32, #tpu.memory_space<vmem>>, vector<1x1x16xf32>,
        %parallel_loop3A_2035 = vector.shape_cast %parallel_loop3A_2034 : vector<1x1x16xf32> to vector<16xf32>
        %parallel_loop3A_2036 = arith.constant 7 : i32
        %parallel_loop3A_2037 = arith.constant 0 : i32
        %parallel_loop3A_2038 = arith.index_cast %select_n3A_263 : i32 to index
        %parallel_loop3A_2039 = arith.index_cast %parallel_loop3A_2036 : i32 to index
        %parallel_loop3A_2040 = arith.index_cast %parallel_loop3A_2037 : i32 to index
        %parallel_loop3A_2041 = arith.index_cast %parallel_loop3A_373 : i32 to index
        %parallel_loop3A_2042 = arith.constant 16 : index
        %parallel_loop3A_2043 = tpu.vector_load %arg6[%parallel_loop3A_2038, %parallel_loop3A_2039, %parallel_loop3A_2040, %parallel_loop3A_2041, %parallel_loop3A_2042] {strides = array<i32>} : memref<2x10x1x8x128xf32, #tpu.memory_space<vmem>>, vector<1x1x1x1x16xf32>,
        %parallel_loop3A_2044 = vector.shape_cast %parallel_loop3A_2043 : vector<1x1x1x1x16xf32> to vector<16xf32>
        %parallel_loop3A_2045 = arith.addf %parallel_loop3A_2035, %parallel_loop3A_2044 : vector<16xf32>
        %parallel_loop3A_2046 = arith.constant 7 : i32
        %parallel_loop3A_2047 = arith.constant 0 : i32
        %parallel_loop3A_2048 = arith.index_cast %select_n3A_226 : i32 to index
        %parallel_loop3A_2049 = arith.index_cast %parallel_loop3A_2046 : i32 to index
        %parallel_loop3A_2050 = arith.index_cast %parallel_loop3A_2047 : i32 to index
        %parallel_loop3A_2051 = arith.index_cast %parallel_loop3A_373 : i32 to index
        %parallel_loop3A_2052 = arith.constant 16 : index
        %parallel_loop3A_2053 = tpu.vector_load %arg7[%parallel_loop3A_2048, %parallel_loop3A_2049, %parallel_loop3A_2050, %parallel_loop3A_2051, %parallel_loop3A_2052] {strides = array<i32>} : memref<2x10x1x8x128xf32, #tpu.memory_space<vmem>>, vector<1x1x1x1x16xf32>,
        %parallel_loop3A_2054 = vector.shape_cast %parallel_loop3A_2053 : vector<1x1x1x1x16xf32> to vector<16xf32>
        %parallel_loop3A_2055 = vector.shape_cast %parallel_loop3A_2045 : vector<16xf32> to vector<1x1x1x1x16xf32>
        tpu.vector_store %arg7[%parallel_loop3A_2048, %parallel_loop3A_2049, %parallel_loop3A_2050, %parallel_loop3A_2051, %parallel_loop3A_2052], %parallel_loop3A_2055 {strides = array<i32>} : memref<2x10x1x8x128xf32, #tpu.memory_space<vmem>>, vector<1x1x1x1x16xf32>,
        %parallel_loop3A_2056 = arith.constant 4 : i32
        %parallel_loop3A_2057 = arith.muli %parallel_loop3A_373, %parallel_loop3A_2056 : i32
        %parallel_loop3A_2058 = arith.constant 1 : i32
        %parallel_loop3A_2059 = arith.addi %parallel_loop3A_2057, %parallel_loop3A_2058 : i32
        %parallel_loop3A_2060 = arith.index_cast %select_n3A_226 : i32 to index
        %parallel_loop3A_2061 = arith.index_cast %parallel_loop3A_2059 : i32 to index
        %parallel_loop3A_2062 = arith.constant 112 : index
        %parallel_loop3A_2063 = tpu.vector_load %arg5[%parallel_loop3A_2060, %parallel_loop3A_2061, %parallel_loop3A_2062] {strides = array<i32>} : memref<2x32x176xf32, #tpu.memory_space<vmem>>, vector<1x1x16xf32>,
        %parallel_loop3A_2064 = vector.shape_cast %parallel_loop3A_2063 : vector<1x1x16xf32> to vector<16xf32>
        %parallel_loop3A_2065 = arith.constant 7 : i32
        %parallel_loop3A_2066 = arith.constant 0 : i32
        %parallel_loop3A_2067 = arith.index_cast %select_n3A_263 : i32 to index
        %parallel_loop3A_2068 = arith.index_cast %parallel_loop3A_2065 : i32 to index
        %parallel_loop3A_2069 = arith.index_cast %parallel_loop3A_2066 : i32 to index
        %parallel_loop3A_2070 = arith.index_cast %parallel_loop3A_373 : i32 to index
        %parallel_loop3A_2071 = arith.constant 32 : index
        %parallel_loop3A_2072 = tpu.vector_load %arg6[%parallel_loop3A_2067, %parallel_loop3A_2068, %parallel_loop3A_2069, %parallel_loop3A_2070, %parallel_loop3A_2071] {strides = array<i32>} : memref<2x10x1x8x128xf32, #tpu.memory_space<vmem>>, vector<1x1x1x1x16xf32>,
        %parallel_loop3A_2073 = vector.shape_cast %parallel_loop3A_2072 : vector<1x1x1x1x16xf32> to vector<16xf32>
        %parallel_loop3A_2074 = arith.addf %parallel_loop3A_2064, %parallel_loop3A_2073 : vector<16xf32>
        %parallel_loop3A_2075 = arith.constant 7 : i32
        %parallel_loop3A_2076 = arith.constant 0 : i32
        %parallel_loop3A_2077 = arith.index_cast %select_n3A_226 : i32 to index
        %parallel_loop3A_2078 = arith.index_cast %parallel_loop3A_2075 : i32 to index
        %parallel_loop3A_2079 = arith.index_cast %parallel_loop3A_2076 : i32 to index
        %parallel_loop3A_2080 = arith.index_cast %parallel_loop3A_373 : i32 to index
        %parallel_loop3A_2081 = arith.constant 32 : index
        %parallel_loop3A_2082 = tpu.vector_load %arg7[%parallel_loop3A_2077, %parallel_loop3A_2078, %parallel_loop3A_2079, %parallel_loop3A_2080, %parallel_loop3A_2081] {strides = array<i32>} : memref<2x10x1x8x128xf32, #tpu.memory_space<vmem>>, vector<1x1x1x1x16xf32>,
        %parallel_loop3A_2083 = vector.shape_cast %parallel_loop3A_2082 : vector<1x1x1x1x16xf32> to vector<16xf32>
        %parallel_loop3A_2084 = vector.shape_cast %parallel_loop3A_2074 : vector<16xf32> to vector<1x1x1x1x16xf32>
        tpu.vector_store %arg7[%parallel_loop3A_2077, %parallel_loop3A_2078, %parallel_loop3A_2079, %parallel_loop3A_2080, %parallel_loop3A_2081], %parallel_loop3A_2084 {strides = array<i32>} : memref<2x10x1x8x128xf32, #tpu.memory_space<vmem>>, vector<1x1x1x1x16xf32>,
        %parallel_loop3A_2085 = arith.constant 4 : i32
        %parallel_loop3A_2086 = arith.muli %parallel_loop3A_373, %parallel_loop3A_2085 : i32
        %parallel_loop3A_2087 = arith.constant 1 : i32
        %parallel_loop3A_2088 = arith.addi %parallel_loop3A_2086, %parallel_loop3A_2087 : i32
        %parallel_loop3A_2089 = arith.index_cast %select_n3A_226 : i32 to index
        %parallel_loop3A_2090 = arith.index_cast %parallel_loop3A_2088 : i32 to index
        %parallel_loop3A_2091 = arith.constant 128 : index
        %parallel_loop3A_2092 = tpu.vector_load %arg5[%parallel_loop3A_2089, %parallel_loop3A_2090, %parallel_loop3A_2091] {strides = array<i32>} : memref<2x32x176xf32, #tpu.memory_space<vmem>>, vector<1x1x16xf32>,
        %parallel_loop3A_2093 = vector.shape_cast %parallel_loop3A_2092 : vector<1x1x16xf32> to vector<16xf32>
        %parallel_loop3A_2094 = arith.constant 7 : i32
        %parallel_loop3A_2095 = arith.constant 0 : i32
        %parallel_loop3A_2096 = arith.index_cast %select_n3A_263 : i32 to index
        %parallel_loop3A_2097 = arith.index_cast %parallel_loop3A_2094 : i32 to index
        %parallel_loop3A_2098 = arith.index_cast %parallel_loop3A_2095 : i32 to index
        %parallel_loop3A_2099 = arith.index_cast %parallel_loop3A_373 : i32 to index
        %parallel_loop3A_2100 = arith.constant 48 : index
        %parallel_loop3A_2101 = tpu.vector_load %arg6[%parallel_loop3A_2096, %parallel_loop3A_2097, %parallel_loop3A_2098, %parallel_loop3A_2099, %parallel_loop3A_2100] {strides = array<i32>} : memref<2x10x1x8x128xf32, #tpu.memory_space<vmem>>, vector<1x1x1x1x16xf32>,
        %parallel_loop3A_2102 = vector.shape_cast %parallel_loop3A_2101 : vector<1x1x1x1x16xf32> to vector<16xf32>
        %parallel_loop3A_2103 = arith.addf %parallel_loop3A_2093, %parallel_loop3A_2102 : vector<16xf32>
        %parallel_loop3A_2104 = arith.constant 7 : i32
        %parallel_loop3A_2105 = arith.constant 0 : i32
        %parallel_loop3A_2106 = arith.index_cast %select_n3A_226 : i32 to index
        %parallel_loop3A_2107 = arith.index_cast %parallel_loop3A_2104 : i32 to index
        %parallel_loop3A_2108 = arith.index_cast %parallel_loop3A_2105 : i32 to index
        %parallel_loop3A_2109 = arith.index_cast %parallel_loop3A_373 : i32 to index
        %parallel_loop3A_2110 = arith.constant 48 : index
        %parallel_loop3A_2111 = tpu.vector_load %arg7[%parallel_loop3A_2106, %parallel_loop3A_2107, %parallel_loop3A_2108, %parallel_loop3A_2109, %parallel_loop3A_2110] {strides = array<i32>} : memref<2x10x1x8x128xf32, #tpu.memory_space<vmem>>, vector<1x1x1x1x16xf32>,
        %parallel_loop3A_2112 = vector.shape_cast %parallel_loop3A_2111 : vector<1x1x1x1x16xf32> to vector<16xf32>
        %parallel_loop3A_2113 = vector.shape_cast %parallel_loop3A_2103 : vector<16xf32> to vector<1x1x1x1x16xf32>
        tpu.vector_store %arg7[%parallel_loop3A_2106, %parallel_loop3A_2107, %parallel_loop3A_2108, %parallel_loop3A_2109, %parallel_loop3A_2110], %parallel_loop3A_2113 {strides = array<i32>} : memref<2x10x1x8x128xf32, #tpu.memory_space<vmem>>, vector<1x1x1x1x16xf32>,
        %parallel_loop3A_2114 = arith.constant 4 : i32
        %parallel_loop3A_2115 = arith.muli %parallel_loop3A_373, %parallel_loop3A_2114 : i32
        %parallel_loop3A_2116 = arith.constant 2 : i32
        %parallel_loop3A_2117 = arith.addi %parallel_loop3A_2115, %parallel_loop3A_2116 : i32
        %parallel_loop3A_2118 = arith.index_cast %select_n3A_226 : i32 to index
        %parallel_loop3A_2119 = arith.index_cast %parallel_loop3A_2117 : i32 to index
        %parallel_loop3A_2120 = arith.constant 112 : index
        %parallel_loop3A_2121 = tpu.vector_load %arg5[%parallel_loop3A_2118, %parallel_loop3A_2119, %parallel_loop3A_2120] {strides = array<i32>} : memref<2x32x176xf32, #tpu.memory_space<vmem>>, vector<1x1x16xf32>,
        %parallel_loop3A_2122 = vector.shape_cast %parallel_loop3A_2121 : vector<1x1x16xf32> to vector<16xf32>
        %parallel_loop3A_2123 = arith.constant 7 : i32
        %parallel_loop3A_2124 = arith.constant 0 : i32
        %parallel_loop3A_2125 = arith.index_cast %select_n3A_263 : i32 to index
        %parallel_loop3A_2126 = arith.index_cast %parallel_loop3A_2123 : i32 to index
        %parallel_loop3A_2127 = arith.index_cast %parallel_loop3A_2124 : i32 to index
        %parallel_loop3A_2128 = arith.index_cast %parallel_loop3A_373 : i32 to index
        %parallel_loop3A_2129 = arith.constant 64 : index
        %parallel_loop3A_2130 = tpu.vector_load %arg6[%parallel_loop3A_2125, %parallel_loop3A_2126, %parallel_loop3A_2127, %parallel_loop3A_2128, %parallel_loop3A_2129] {strides = array<i32>} : memref<2x10x1x8x128xf32, #tpu.memory_space<vmem>>, vector<1x1x1x1x16xf32>,
        %parallel_loop3A_2131 = vector.shape_cast %parallel_loop3A_2130 : vector<1x1x1x1x16xf32> to vector<16xf32>
        %parallel_loop3A_2132 = arith.addf %parallel_loop3A_2122, %parallel_loop3A_2131 : vector<16xf32>
        %parallel_loop3A_2133 = arith.constant 7 : i32
        %parallel_loop3A_2134 = arith.constant 0 : i32
        %parallel_loop3A_2135 = arith.index_cast %select_n3A_226 : i32 to index
        %parallel_loop3A_2136 = arith.index_cast %parallel_loop3A_2133 : i32 to index
        %parallel_loop3A_2137 = arith.index_cast %parallel_loop3A_2134 : i32 to index
        %parallel_loop3A_2138 = arith.index_cast %parallel_loop3A_373 : i32 to index
        %parallel_loop3A_2139 = arith.constant 64 : index
        %parallel_loop3A_2140 = tpu.vector_load %arg7[%parallel_loop3A_2135, %parallel_loop3A_2136, %parallel_loop3A_2137, %parallel_loop3A_2138, %parallel_loop3A_2139] {strides = array<i32>} : memref<2x10x1x8x128xf32, #tpu.memory_space<vmem>>, vector<1x1x1x1x16xf32>,
        %parallel_loop3A_2141 = vector.shape_cast %parallel_loop3A_2140 : vector<1x1x1x1x16xf32> to vector<16xf32>
        %parallel_loop3A_2142 = vector.shape_cast %parallel_loop3A_2132 : vector<16xf32> to vector<1x1x1x1x16xf32>
        tpu.vector_store %arg7[%parallel_loop3A_2135, %parallel_loop3A_2136, %parallel_loop3A_2137, %parallel_loop3A_2138, %parallel_loop3A_2139], %parallel_loop3A_2142 {strides = array<i32>} : memref<2x10x1x8x128xf32, #tpu.memory_space<vmem>>, vector<1x1x1x1x16xf32>,
        %parallel_loop3A_2143 = arith.constant 4 : i32
        %parallel_loop3A_2144 = arith.muli %parallel_loop3A_373, %parallel_loop3A_2143 : i32
        %parallel_loop3A_2145 = arith.constant 2 : i32
        %parallel_loop3A_2146 = arith.addi %parallel_loop3A_2144, %parallel_loop3A_2145 : i32
        %parallel_loop3A_2147 = arith.index_cast %select_n3A_226 : i32 to index
        %parallel_loop3A_2148 = arith.index_cast %parallel_loop3A_2146 : i32 to index
        %parallel_loop3A_2149 = arith.constant 128 : index
        %parallel_loop3A_2150 = tpu.vector_load %arg5[%parallel_loop3A_2147, %parallel_loop3A_2148, %parallel_loop3A_2149] {strides = array<i32>} : memref<2x32x176xf32, #tpu.memory_space<vmem>>, vector<1x1x16xf32>,
        %parallel_loop3A_2151 = vector.shape_cast %parallel_loop3A_2150 : vector<1x1x16xf32> to vector<16xf32>
        %parallel_loop3A_2152 = arith.constant 7 : i32
        %parallel_loop3A_2153 = arith.constant 0 : i32
        %parallel_loop3A_2154 = arith.index_cast %select_n3A_263 : i32 to index
        %parallel_loop3A_2155 = arith.index_cast %parallel_loop3A_2152 : i32 to index
        %parallel_loop3A_2156 = arith.index_cast %parallel_loop3A_2153 : i32 to index
        %parallel_loop3A_2157 = arith.index_cast %parallel_loop3A_373 : i32 to index
        %parallel_loop3A_2158 = arith.constant 80 : index
        %parallel_loop3A_2159 = tpu.vector_load %arg6[%parallel_loop3A_2154, %parallel_loop3A_2155, %parallel_loop3A_2156, %parallel_loop3A_2157, %parallel_loop3A_2158] {strides = array<i32>} : memref<2x10x1x8x128xf32, #tpu.memory_space<vmem>>, vector<1x1x1x1x16xf32>,
        %parallel_loop3A_2160 = vector.shape_cast %parallel_loop3A_2159 : vector<1x1x1x1x16xf32> to vector<16xf32>
        %parallel_loop3A_2161 = arith.addf %parallel_loop3A_2151, %parallel_loop3A_2160 : vector<16xf32>
        %parallel_loop3A_2162 = arith.constant 7 : i32
        %parallel_loop3A_2163 = arith.constant 0 : i32
        %parallel_loop3A_2164 = arith.index_cast %select_n3A_226 : i32 to index
        %parallel_loop3A_2165 = arith.index_cast %parallel_loop3A_2162 : i32 to index
        %parallel_loop3A_2166 = arith.index_cast %parallel_loop3A_2163 : i32 to index
        %parallel_loop3A_2167 = arith.index_cast %parallel_loop3A_373 : i32 to index
        %parallel_loop3A_2168 = arith.constant 80 : index
        %parallel_loop3A_2169 = tpu.vector_load %arg7[%parallel_loop3A_2164, %parallel_loop3A_2165, %parallel_loop3A_2166, %parallel_loop3A_2167, %parallel_loop3A_2168] {strides = array<i32>} : memref<2x10x1x8x128xf32, #tpu.memory_space<vmem>>, vector<1x1x1x1x16xf32>,
        %parallel_loop3A_2170 = vector.shape_cast %parallel_loop3A_2169 : vector<1x1x1x1x16xf32> to vector<16xf32>
        %parallel_loop3A_2171 = vector.shape_cast %parallel_loop3A_2161 : vector<16xf32> to vector<1x1x1x1x16xf32>
        tpu.vector_store %arg7[%parallel_loop3A_2164, %parallel_loop3A_2165, %parallel_loop3A_2166, %parallel_loop3A_2167, %parallel_loop3A_2168], %parallel_loop3A_2171 {strides = array<i32>} : memref<2x10x1x8x128xf32, #tpu.memory_space<vmem>>, vector<1x1x1x1x16xf32>,
        %parallel_loop3A_2172 = arith.constant 4 : i32
        %parallel_loop3A_2173 = arith.muli %parallel_loop3A_373, %parallel_loop3A_2172 : i32
        %parallel_loop3A_2174 = arith.constant 3 : i32
        %parallel_loop3A_2175 = arith.addi %parallel_loop3A_2173, %parallel_loop3A_2174 : i32
        %parallel_loop3A_2176 = arith.index_cast %select_n3A_226 : i32 to index
        %parallel_loop3A_2177 = arith.index_cast %parallel_loop3A_2175 : i32 to index
        %parallel_loop3A_2178 = arith.constant 112 : index
        %parallel_loop3A_2179 = tpu.vector_load %arg5[%parallel_loop3A_2176, %parallel_loop3A_2177, %parallel_loop3A_2178] {strides = array<i32>} : memref<2x32x176xf32, #tpu.memory_space<vmem>>, vector<1x1x16xf32>,
        %parallel_loop3A_2180 = vector.shape_cast %parallel_loop3A_2179 : vector<1x1x16xf32> to vector<16xf32>
        %parallel_loop3A_2181 = arith.constant 7 : i32
        %parallel_loop3A_2182 = arith.constant 0 : i32
        %parallel_loop3A_2183 = arith.index_cast %select_n3A_263 : i32 to index
        %parallel_loop3A_2184 = arith.index_cast %parallel_loop3A_2181 : i32 to index
        %parallel_loop3A_2185 = arith.index_cast %parallel_loop3A_2182 : i32 to index
        %parallel_loop3A_2186 = arith.index_cast %parallel_loop3A_373 : i32 to index
        %parallel_loop3A_2187 = arith.constant 96 : index
        %parallel_loop3A_2188 = tpu.vector_load %arg6[%parallel_loop3A_2183, %parallel_loop3A_2184, %parallel_loop3A_2185, %parallel_loop3A_2186, %parallel_loop3A_2187] {strides = array<i32>} : memref<2x10x1x8x128xf32, #tpu.memory_space<vmem>>, vector<1x1x1x1x16xf32>,
        %parallel_loop3A_2189 = vector.shape_cast %parallel_loop3A_2188 : vector<1x1x1x1x16xf32> to vector<16xf32>
        %parallel_loop3A_2190 = arith.addf %parallel_loop3A_2180, %parallel_loop3A_2189 : vector<16xf32>
        %parallel_loop3A_2191 = arith.constant 7 : i32
        %parallel_loop3A_2192 = arith.constant 0 : i32
        %parallel_loop3A_2193 = arith.index_cast %select_n3A_226 : i32 to index
        %parallel_loop3A_2194 = arith.index_cast %parallel_loop3A_2191 : i32 to index
        %parallel_loop3A_2195 = arith.index_cast %parallel_loop3A_2192 : i32 to index
        %parallel_loop3A_2196 = arith.index_cast %parallel_loop3A_373 : i32 to index
        %parallel_loop3A_2197 = arith.constant 96 : index
        %parallel_loop3A_2198 = tpu.vector_load %arg7[%parallel_loop3A_2193, %parallel_loop3A_2194, %parallel_loop3A_2195, %parallel_loop3A_2196, %parallel_loop3A_2197] {strides = array<i32>} : memref<2x10x1x8x128xf32, #tpu.memory_space<vmem>>, vector<1x1x1x1x16xf32>,
        %parallel_loop3A_2199 = vector.shape_cast %parallel_loop3A_2198 : vector<1x1x1x1x16xf32> to vector<16xf32>
        %parallel_loop3A_2200 = vector.shape_cast %parallel_loop3A_2190 : vector<16xf32> to vector<1x1x1x1x16xf32>
        tpu.vector_store %arg7[%parallel_loop3A_2193, %parallel_loop3A_2194, %parallel_loop3A_2195, %parallel_loop3A_2196, %parallel_loop3A_2197], %parallel_loop3A_2200 {strides = array<i32>} : memref<2x10x1x8x128xf32, #tpu.memory_space<vmem>>, vector<1x1x1x1x16xf32>,
        %parallel_loop3A_2201 = arith.constant 4 : i32
        %parallel_loop3A_2202 = arith.muli %parallel_loop3A_373, %parallel_loop3A_2201 : i32
        %parallel_loop3A_2203 = arith.constant 3 : i32
        %parallel_loop3A_2204 = arith.addi %parallel_loop3A_2202, %parallel_loop3A_2203 : i32
        %parallel_loop3A_2205 = arith.index_cast %select_n3A_226 : i32 to index
        %parallel_loop3A_2206 = arith.index_cast %parallel_loop3A_2204 : i32 to index
        %parallel_loop3A_2207 = arith.constant 128 : index
        %parallel_loop3A_2208 = tpu.vector_load %arg5[%parallel_loop3A_2205, %parallel_loop3A_2206, %parallel_loop3A_2207] {strides = array<i32>} : memref<2x32x176xf32, #tpu.memory_space<vmem>>, vector<1x1x16xf32>,
        %parallel_loop3A_2209 = vector.shape_cast %parallel_loop3A_2208 : vector<1x1x16xf32> to vector<16xf32>
        %parallel_loop3A_2210 = arith.constant 7 : i32
        %parallel_loop3A_2211 = arith.constant 0 : i32
        %parallel_loop3A_2212 = arith.index_cast %select_n3A_263 : i32 to index
        %parallel_loop3A_2213 = arith.index_cast %parallel_loop3A_2210 : i32 to index
        %parallel_loop3A_2214 = arith.index_cast %parallel_loop3A_2211 : i32 to index
        %parallel_loop3A_2215 = arith.index_cast %parallel_loop3A_373 : i32 to index
        %parallel_loop3A_2216 = arith.constant 112 : index
        %parallel_loop3A_2217 = tpu.vector_load %arg6[%parallel_loop3A_2212, %parallel_loop3A_2213, %parallel_loop3A_2214, %parallel_loop3A_2215, %parallel_loop3A_2216] {strides = array<i32>} : memref<2x10x1x8x128xf32, #tpu.memory_space<vmem>>, vector<1x1x1x1x16xf32>,
        %parallel_loop3A_2218 = vector.shape_cast %parallel_loop3A_2217 : vector<1x1x1x1x16xf32> to vector<16xf32>
        %parallel_loop3A_2219 = arith.addf %parallel_loop3A_2209, %parallel_loop3A_2218 : vector<16xf32>
        %parallel_loop3A_2220 = arith.constant 7 : i32
        %parallel_loop3A_2221 = arith.constant 0 : i32
        %parallel_loop3A_2222 = arith.index_cast %select_n3A_226 : i32 to index
        %parallel_loop3A_2223 = arith.index_cast %parallel_loop3A_2220 : i32 to index
        %parallel_loop3A_2224 = arith.index_cast %parallel_loop3A_2221 : i32 to index
        %parallel_loop3A_2225 = arith.index_cast %parallel_loop3A_373 : i32 to index
        %parallel_loop3A_2226 = arith.constant 112 : index
        %parallel_loop3A_2227 = tpu.vector_load %arg7[%parallel_loop3A_2222, %parallel_loop3A_2223, %parallel_loop3A_2224, %parallel_loop3A_2225, %parallel_loop3A_2226] {strides = array<i32>} : memref<2x10x1x8x128xf32, #tpu.memory_space<vmem>>, vector<1x1x1x1x16xf32>,
        %parallel_loop3A_2228 = vector.shape_cast %parallel_loop3A_2227 : vector<1x1x1x1x16xf32> to vector<16xf32>
        %parallel_loop3A_2229 = vector.shape_cast %parallel_loop3A_2219 : vector<16xf32> to vector<1x1x1x1x16xf32>
        tpu.vector_store %arg7[%parallel_loop3A_2222, %parallel_loop3A_2223, %parallel_loop3A_2224, %parallel_loop3A_2225, %parallel_loop3A_2226], %parallel_loop3A_2229 {strides = array<i32>} : memref<2x10x1x8x128xf32, #tpu.memory_space<vmem>>, vector<1x1x1x1x16xf32>,
        %parallel_loop3A_2230 = arith.constant 4 : i32
        %parallel_loop3A_2231 = arith.muli %parallel_loop3A_373, %parallel_loop3A_2230 : i32
        %parallel_loop3A_2232 = arith.constant 0 : i32
        %parallel_loop3A_2233 = arith.addi %parallel_loop3A_2231, %parallel_loop3A_2232 : i32
        %parallel_loop3A_2234 = arith.index_cast %select_n3A_226 : i32 to index
        %parallel_loop3A_2235 = arith.index_cast %parallel_loop3A_2233 : i32 to index
        %parallel_loop3A_2236 = arith.constant 128 : index
        %parallel_loop3A_2237 = tpu.vector_load %arg5[%parallel_loop3A_2234, %parallel_loop3A_2235, %parallel_loop3A_2236] {strides = array<i32>} : memref<2x32x176xf32, #tpu.memory_space<vmem>>, vector<1x1x16xf32>,
        %parallel_loop3A_2238 = vector.shape_cast %parallel_loop3A_2237 : vector<1x1x16xf32> to vector<16xf32>
        %parallel_loop3A_2239 = arith.constant 8 : i32
        %parallel_loop3A_2240 = arith.constant 0 : i32
        %parallel_loop3A_2241 = arith.index_cast %select_n3A_263 : i32 to index
        %parallel_loop3A_2242 = arith.index_cast %parallel_loop3A_2239 : i32 to index
        %parallel_loop3A_2243 = arith.index_cast %parallel_loop3A_2240 : i32 to index
        %parallel_loop3A_2244 = arith.index_cast %parallel_loop3A_373 : i32 to index
        %parallel_loop3A_2245 = arith.constant 0 : index
        %parallel_loop3A_2246 = tpu.vector_load %arg6[%parallel_loop3A_2241, %parallel_loop3A_2242, %parallel_loop3A_2243, %parallel_loop3A_2244, %parallel_loop3A_2245] {strides = array<i32>} : memref<2x10x1x8x128xf32, #tpu.memory_space<vmem>>, vector<1x1x1x1x16xf32>,
        %parallel_loop3A_2247 = vector.shape_cast %parallel_loop3A_2246 : vector<1x1x1x1x16xf32> to vector<16xf32>
        %parallel_loop3A_2248 = arith.addf %parallel_loop3A_2238, %parallel_loop3A_2247 : vector<16xf32>
        %parallel_loop3A_2249 = arith.constant 8 : i32
        %parallel_loop3A_2250 = arith.constant 0 : i32
        %parallel_loop3A_2251 = arith.index_cast %select_n3A_226 : i32 to index
        %parallel_loop3A_2252 = arith.index_cast %parallel_loop3A_2249 : i32 to index
        %parallel_loop3A_2253 = arith.index_cast %parallel_loop3A_2250 : i32 to index
        %parallel_loop3A_2254 = arith.index_cast %parallel_loop3A_373 : i32 to index
        %parallel_loop3A_2255 = arith.constant 0 : index
        %parallel_loop3A_2256 = tpu.vector_load %arg7[%parallel_loop3A_2251, %parallel_loop3A_2252, %parallel_loop3A_2253, %parallel_loop3A_2254, %parallel_loop3A_2255] {strides = array<i32>} : memref<2x10x1x8x128xf32, #tpu.memory_space<vmem>>, vector<1x1x1x1x16xf32>,
        %parallel_loop3A_2257 = vector.shape_cast %parallel_loop3A_2256 : vector<1x1x1x1x16xf32> to vector<16xf32>
        %parallel_loop3A_2258 = vector.shape_cast %parallel_loop3A_2248 : vector<16xf32> to vector<1x1x1x1x16xf32>
        tpu.vector_store %arg7[%parallel_loop3A_2251, %parallel_loop3A_2252, %parallel_loop3A_2253, %parallel_loop3A_2254, %parallel_loop3A_2255], %parallel_loop3A_2258 {strides = array<i32>} : memref<2x10x1x8x128xf32, #tpu.memory_space<vmem>>, vector<1x1x1x1x16xf32>,
        %parallel_loop3A_2259 = arith.constant 4 : i32
        %parallel_loop3A_2260 = arith.muli %parallel_loop3A_373, %parallel_loop3A_2259 : i32
        %parallel_loop3A_2261 = arith.constant 0 : i32
        %parallel_loop3A_2262 = arith.addi %parallel_loop3A_2260, %parallel_loop3A_2261 : i32
        %parallel_loop3A_2263 = arith.index_cast %select_n3A_226 : i32 to index
        %parallel_loop3A_2264 = arith.index_cast %parallel_loop3A_2262 : i32 to index
        %parallel_loop3A_2265 = arith.constant 144 : index
        %parallel_loop3A_2266 = tpu.vector_load %arg5[%parallel_loop3A_2263, %parallel_loop3A_2264, %parallel_loop3A_2265] {strides = array<i32>} : memref<2x32x176xf32, #tpu.memory_space<vmem>>, vector<1x1x16xf32>,
        %parallel_loop3A_2267 = vector.shape_cast %parallel_loop3A_2266 : vector<1x1x16xf32> to vector<16xf32>
        %parallel_loop3A_2268 = arith.constant 8 : i32
        %parallel_loop3A_2269 = arith.constant 0 : i32
        %parallel_loop3A_2270 = arith.index_cast %select_n3A_263 : i32 to index
        %parallel_loop3A_2271 = arith.index_cast %parallel_loop3A_2268 : i32 to index
        %parallel_loop3A_2272 = arith.index_cast %parallel_loop3A_2269 : i32 to index
        %parallel_loop3A_2273 = arith.index_cast %parallel_loop3A_373 : i32 to index
        %parallel_loop3A_2274 = arith.constant 16 : index
        %parallel_loop3A_2275 = tpu.vector_load %arg6[%parallel_loop3A_2270, %parallel_loop3A_2271, %parallel_loop3A_2272, %parallel_loop3A_2273, %parallel_loop3A_2274] {strides = array<i32>} : memref<2x10x1x8x128xf32, #tpu.memory_space<vmem>>, vector<1x1x1x1x16xf32>,
        %parallel_loop3A_2276 = vector.shape_cast %parallel_loop3A_2275 : vector<1x1x1x1x16xf32> to vector<16xf32>
        %parallel_loop3A_2277 = arith.addf %parallel_loop3A_2267, %parallel_loop3A_2276 : vector<16xf32>
        %parallel_loop3A_2278 = arith.constant 8 : i32
        %parallel_loop3A_2279 = arith.constant 0 : i32
        %parallel_loop3A_2280 = arith.index_cast %select_n3A_226 : i32 to index
        %parallel_loop3A_2281 = arith.index_cast %parallel_loop3A_2278 : i32 to index
        %parallel_loop3A_2282 = arith.index_cast %parallel_loop3A_2279 : i32 to index
        %parallel_loop3A_2283 = arith.index_cast %parallel_loop3A_373 : i32 to index
        %parallel_loop3A_2284 = arith.constant 16 : index
        %parallel_loop3A_2285 = tpu.vector_load %arg7[%parallel_loop3A_2280, %parallel_loop3A_2281, %parallel_loop3A_2282, %parallel_loop3A_2283, %parallel_loop3A_2284] {strides = array<i32>} : memref<2x10x1x8x128xf32, #tpu.memory_space<vmem>>, vector<1x1x1x1x16xf32>,
        %parallel_loop3A_2286 = vector.shape_cast %parallel_loop3A_2285 : vector<1x1x1x1x16xf32> to vector<16xf32>
        %parallel_loop3A_2287 = vector.shape_cast %parallel_loop3A_2277 : vector<16xf32> to vector<1x1x1x1x16xf32>
        tpu.vector_store %arg7[%parallel_loop3A_2280, %parallel_loop3A_2281, %parallel_loop3A_2282, %parallel_loop3A_2283, %parallel_loop3A_2284], %parallel_loop3A_2287 {strides = array<i32>} : memref<2x10x1x8x128xf32, #tpu.memory_space<vmem>>, vector<1x1x1x1x16xf32>,
        %parallel_loop3A_2288 = arith.constant 4 : i32
        %parallel_loop3A_2289 = arith.muli %parallel_loop3A_373, %parallel_loop3A_2288 : i32
        %parallel_loop3A_2290 = arith.constant 1 : i32
        %parallel_loop3A_2291 = arith.addi %parallel_loop3A_2289, %parallel_loop3A_2290 : i32
        %parallel_loop3A_2292 = arith.index_cast %select_n3A_226 : i32 to index
        %parallel_loop3A_2293 = arith.index_cast %parallel_loop3A_2291 : i32 to index
        %parallel_loop3A_2294 = arith.constant 128 : index
        %parallel_loop3A_2295 = tpu.vector_load %arg5[%parallel_loop3A_2292, %parallel_loop3A_2293, %parallel_loop3A_2294] {strides = array<i32>} : memref<2x32x176xf32, #tpu.memory_space<vmem>>, vector<1x1x16xf32>,
        %parallel_loop3A_2296 = vector.shape_cast %parallel_loop3A_2295 : vector<1x1x16xf32> to vector<16xf32>
        %parallel_loop3A_2297 = arith.constant 8 : i32
        %parallel_loop3A_2298 = arith.constant 0 : i32
        %parallel_loop3A_2299 = arith.index_cast %select_n3A_263 : i32 to index
        %parallel_loop3A_2300 = arith.index_cast %parallel_loop3A_2297 : i32 to index
        %parallel_loop3A_2301 = arith.index_cast %parallel_loop3A_2298 : i32 to index
        %parallel_loop3A_2302 = arith.index_cast %parallel_loop3A_373 : i32 to index
        %parallel_loop3A_2303 = arith.constant 32 : index
        %parallel_loop3A_2304 = tpu.vector_load %arg6[%parallel_loop3A_2299, %parallel_loop3A_2300, %parallel_loop3A_2301, %parallel_loop3A_2302, %parallel_loop3A_2303] {strides = array<i32>} : memref<2x10x1x8x128xf32, #tpu.memory_space<vmem>>, vector<1x1x1x1x16xf32>,
        %parallel_loop3A_2305 = vector.shape_cast %parallel_loop3A_2304 : vector<1x1x1x1x16xf32> to vector<16xf32>
        %parallel_loop3A_2306 = arith.addf %parallel_loop3A_2296, %parallel_loop3A_2305 : vector<16xf32>
        %parallel_loop3A_2307 = arith.constant 8 : i32
        %parallel_loop3A_2308 = arith.constant 0 : i32
        %parallel_loop3A_2309 = arith.index_cast %select_n3A_226 : i32 to index
        %parallel_loop3A_2310 = arith.index_cast %parallel_loop3A_2307 : i32 to index
        %parallel_loop3A_2311 = arith.index_cast %parallel_loop3A_2308 : i32 to index
        %parallel_loop3A_2312 = arith.index_cast %parallel_loop3A_373 : i32 to index
        %parallel_loop3A_2313 = arith.constant 32 : index
        %parallel_loop3A_2314 = tpu.vector_load %arg7[%parallel_loop3A_2309, %parallel_loop3A_2310, %parallel_loop3A_2311, %parallel_loop3A_2312, %parallel_loop3A_2313] {strides = array<i32>} : memref<2x10x1x8x128xf32, #tpu.memory_space<vmem>>, vector<1x1x1x1x16xf32>,
        %parallel_loop3A_2315 = vector.shape_cast %parallel_loop3A_2314 : vector<1x1x1x1x16xf32> to vector<16xf32>
        %parallel_loop3A_2316 = vector.shape_cast %parallel_loop3A_2306 : vector<16xf32> to vector<1x1x1x1x16xf32>
        tpu.vector_store %arg7[%parallel_loop3A_2309, %parallel_loop3A_2310, %parallel_loop3A_2311, %parallel_loop3A_2312, %parallel_loop3A_2313], %parallel_loop3A_2316 {strides = array<i32>} : memref<2x10x1x8x128xf32, #tpu.memory_space<vmem>>, vector<1x1x1x1x16xf32>,
        %parallel_loop3A_2317 = arith.constant 4 : i32
        %parallel_loop3A_2318 = arith.muli %parallel_loop3A_373, %parallel_loop3A_2317 : i32
        %parallel_loop3A_2319 = arith.constant 1 : i32
        %parallel_loop3A_2320 = arith.addi %parallel_loop3A_2318, %parallel_loop3A_2319 : i32
        %parallel_loop3A_2321 = arith.index_cast %select_n3A_226 : i32 to index
        %parallel_loop3A_2322 = arith.index_cast %parallel_loop3A_2320 : i32 to index
        %parallel_loop3A_2323 = arith.constant 144 : index
        %parallel_loop3A_2324 = tpu.vector_load %arg5[%parallel_loop3A_2321, %parallel_loop3A_2322, %parallel_loop3A_2323] {strides = array<i32>} : memref<2x32x176xf32, #tpu.memory_space<vmem>>, vector<1x1x16xf32>,
        %parallel_loop3A_2325 = vector.shape_cast %parallel_loop3A_2324 : vector<1x1x16xf32> to vector<16xf32>
        %parallel_loop3A_2326 = arith.constant 8 : i32
        %parallel_loop3A_2327 = arith.constant 0 : i32
        %parallel_loop3A_2328 = arith.index_cast %select_n3A_263 : i32 to index
        %parallel_loop3A_2329 = arith.index_cast %parallel_loop3A_2326 : i32 to index
        %parallel_loop3A_2330 = arith.index_cast %parallel_loop3A_2327 : i32 to index
        %parallel_loop3A_2331 = arith.index_cast %parallel_loop3A_373 : i32 to index
        %parallel_loop3A_2332 = arith.constant 48 : index
        %parallel_loop3A_2333 = tpu.vector_load %arg6[%parallel_loop3A_2328, %parallel_loop3A_2329, %parallel_loop3A_2330, %parallel_loop3A_2331, %parallel_loop3A_2332] {strides = array<i32>} : memref<2x10x1x8x128xf32, #tpu.memory_space<vmem>>, vector<1x1x1x1x16xf32>,
        %parallel_loop3A_2334 = vector.shape_cast %parallel_loop3A_2333 : vector<1x1x1x1x16xf32> to vector<16xf32>
        %parallel_loop3A_2335 = arith.addf %parallel_loop3A_2325, %parallel_loop3A_2334 : vector<16xf32>
        %parallel_loop3A_2336 = arith.constant 8 : i32
        %parallel_loop3A_2337 = arith.constant 0 : i32
        %parallel_loop3A_2338 = arith.index_cast %select_n3A_226 : i32 to index
        %parallel_loop3A_2339 = arith.index_cast %parallel_loop3A_2336 : i32 to index
        %parallel_loop3A_2340 = arith.index_cast %parallel_loop3A_2337 : i32 to index
        %parallel_loop3A_2341 = arith.index_cast %parallel_loop3A_373 : i32 to index
        %parallel_loop3A_2342 = arith.constant 48 : index
        %parallel_loop3A_2343 = tpu.vector_load %arg7[%parallel_loop3A_2338, %parallel_loop3A_2339, %parallel_loop3A_2340, %parallel_loop3A_2341, %parallel_loop3A_2342] {strides = array<i32>} : memref<2x10x1x8x128xf32, #tpu.memory_space<vmem>>, vector<1x1x1x1x16xf32>,
        %parallel_loop3A_2344 = vector.shape_cast %parallel_loop3A_2343 : vector<1x1x1x1x16xf32> to vector<16xf32>
        %parallel_loop3A_2345 = vector.shape_cast %parallel_loop3A_2335 : vector<16xf32> to vector<1x1x1x1x16xf32>
        tpu.vector_store %arg7[%parallel_loop3A_2338, %parallel_loop3A_2339, %parallel_loop3A_2340, %parallel_loop3A_2341, %parallel_loop3A_2342], %parallel_loop3A_2345 {strides = array<i32>} : memref<2x10x1x8x128xf32, #tpu.memory_space<vmem>>, vector<1x1x1x1x16xf32>,
        %parallel_loop3A_2346 = arith.constant 4 : i32
        %parallel_loop3A_2347 = arith.muli %parallel_loop3A_373, %parallel_loop3A_2346 : i32
        %parallel_loop3A_2348 = arith.constant 2 : i32
        %parallel_loop3A_2349 = arith.addi %parallel_loop3A_2347, %parallel_loop3A_2348 : i32
        %parallel_loop3A_2350 = arith.index_cast %select_n3A_226 : i32 to index
        %parallel_loop3A_2351 = arith.index_cast %parallel_loop3A_2349 : i32 to index
        %parallel_loop3A_2352 = arith.constant 128 : index
        %parallel_loop3A_2353 = tpu.vector_load %arg5[%parallel_loop3A_2350, %parallel_loop3A_2351, %parallel_loop3A_2352] {strides = array<i32>} : memref<2x32x176xf32, #tpu.memory_space<vmem>>, vector<1x1x16xf32>,
        %parallel_loop3A_2354 = vector.shape_cast %parallel_loop3A_2353 : vector<1x1x16xf32> to vector<16xf32>
        %parallel_loop3A_2355 = arith.constant 8 : i32
        %parallel_loop3A_2356 = arith.constant 0 : i32
        %parallel_loop3A_2357 = arith.index_cast %select_n3A_263 : i32 to index
        %parallel_loop3A_2358 = arith.index_cast %parallel_loop3A_2355 : i32 to index
        %parallel_loop3A_2359 = arith.index_cast %parallel_loop3A_2356 : i32 to index
        %parallel_loop3A_2360 = arith.index_cast %parallel_loop3A_373 : i32 to index
        %parallel_loop3A_2361 = arith.constant 64 : index
        %parallel_loop3A_2362 = tpu.vector_load %arg6[%parallel_loop3A_2357, %parallel_loop3A_2358, %parallel_loop3A_2359, %parallel_loop3A_2360, %parallel_loop3A_2361] {strides = array<i32>} : memref<2x10x1x8x128xf32, #tpu.memory_space<vmem>>, vector<1x1x1x1x16xf32>,
        %parallel_loop3A_2363 = vector.shape_cast %parallel_loop3A_2362 : vector<1x1x1x1x16xf32> to vector<16xf32>
        %parallel_loop3A_2364 = arith.addf %parallel_loop3A_2354, %parallel_loop3A_2363 : vector<16xf32>
        %parallel_loop3A_2365 = arith.constant 8 : i32
        %parallel_loop3A_2366 = arith.constant 0 : i32
        %parallel_loop3A_2367 = arith.index_cast %select_n3A_226 : i32 to index
        %parallel_loop3A_2368 = arith.index_cast %parallel_loop3A_2365 : i32 to index
        %parallel_loop3A_2369 = arith.index_cast %parallel_loop3A_2366 : i32 to index
        %parallel_loop3A_2370 = arith.index_cast %parallel_loop3A_373 : i32 to index
        %parallel_loop3A_2371 = arith.constant 64 : index
        %parallel_loop3A_2372 = tpu.vector_load %arg7[%parallel_loop3A_2367, %parallel_loop3A_2368, %parallel_loop3A_2369, %parallel_loop3A_2370, %parallel_loop3A_2371] {strides = array<i32>} : memref<2x10x1x8x128xf32, #tpu.memory_space<vmem>>, vector<1x1x1x1x16xf32>,
        %parallel_loop3A_2373 = vector.shape_cast %parallel_loop3A_2372 : vector<1x1x1x1x16xf32> to vector<16xf32>
        %parallel_loop3A_2374 = vector.shape_cast %parallel_loop3A_2364 : vector<16xf32> to vector<1x1x1x1x16xf32>
        tpu.vector_store %arg7[%parallel_loop3A_2367, %parallel_loop3A_2368, %parallel_loop3A_2369, %parallel_loop3A_2370, %parallel_loop3A_2371], %parallel_loop3A_2374 {strides = array<i32>} : memref<2x10x1x8x128xf32, #tpu.memory_space<vmem>>, vector<1x1x1x1x16xf32>,
        %parallel_loop3A_2375 = arith.constant 4 : i32
        %parallel_loop3A_2376 = arith.muli %parallel_loop3A_373, %parallel_loop3A_2375 : i32
        %parallel_loop3A_2377 = arith.constant 2 : i32
        %parallel_loop3A_2378 = arith.addi %parallel_loop3A_2376, %parallel_loop3A_2377 : i32
        %parallel_loop3A_2379 = arith.index_cast %select_n3A_226 : i32 to index
        %parallel_loop3A_2380 = arith.index_cast %parallel_loop3A_2378 : i32 to index
        %parallel_loop3A_2381 = arith.constant 144 : index
        %parallel_loop3A_2382 = tpu.vector_load %arg5[%parallel_loop3A_2379, %parallel_loop3A_2380, %parallel_loop3A_2381] {strides = array<i32>} : memref<2x32x176xf32, #tpu.memory_space<vmem>>, vector<1x1x16xf32>,
        %parallel_loop3A_2383 = vector.shape_cast %parallel_loop3A_2382 : vector<1x1x16xf32> to vector<16xf32>
        %parallel_loop3A_2384 = arith.constant 8 : i32
        %parallel_loop3A_2385 = arith.constant 0 : i32
        %parallel_loop3A_2386 = arith.index_cast %select_n3A_263 : i32 to index
        %parallel_loop3A_2387 = arith.index_cast %parallel_loop3A_2384 : i32 to index
        %parallel_loop3A_2388 = arith.index_cast %parallel_loop3A_2385 : i32 to index
        %parallel_loop3A_2389 = arith.index_cast %parallel_loop3A_373 : i32 to index
        %parallel_loop3A_2390 = arith.constant 80 : index
        %parallel_loop3A_2391 = tpu.vector_load %arg6[%parallel_loop3A_2386, %parallel_loop3A_2387, %parallel_loop3A_2388, %parallel_loop3A_2389, %parallel_loop3A_2390] {strides = array<i32>} : memref<2x10x1x8x128xf32, #tpu.memory_space<vmem>>, vector<1x1x1x1x16xf32>,
        %parallel_loop3A_2392 = vector.shape_cast %parallel_loop3A_2391 : vector<1x1x1x1x16xf32> to vector<16xf32>
        %parallel_loop3A_2393 = arith.addf %parallel_loop3A_2383, %parallel_loop3A_2392 : vector<16xf32>
        %parallel_loop3A_2394 = arith.constant 8 : i32
        %parallel_loop3A_2395 = arith.constant 0 : i32
        %parallel_loop3A_2396 = arith.index_cast %select_n3A_226 : i32 to index
        %parallel_loop3A_2397 = arith.index_cast %parallel_loop3A_2394 : i32 to index
        %parallel_loop3A_2398 = arith.index_cast %parallel_loop3A_2395 : i32 to index
        %parallel_loop3A_2399 = arith.index_cast %parallel_loop3A_373 : i32 to index
        %parallel_loop3A_2400 = arith.constant 80 : index
        %parallel_loop3A_2401 = tpu.vector_load %arg7[%parallel_loop3A_2396, %parallel_loop3A_2397, %parallel_loop3A_2398, %parallel_loop3A_2399, %parallel_loop3A_2400] {strides = array<i32>} : memref<2x10x1x8x128xf32, #tpu.memory_space<vmem>>, vector<1x1x1x1x16xf32>,
        %parallel_loop3A_2402 = vector.shape_cast %parallel_loop3A_2401 : vector<1x1x1x1x16xf32> to vector<16xf32>
        %parallel_loop3A_2403 = vector.shape_cast %parallel_loop3A_2393 : vector<16xf32> to vector<1x1x1x1x16xf32>
        tpu.vector_store %arg7[%parallel_loop3A_2396, %parallel_loop3A_2397, %parallel_loop3A_2398, %parallel_loop3A_2399, %parallel_loop3A_2400], %parallel_loop3A_2403 {strides = array<i32>} : memref<2x10x1x8x128xf32, #tpu.memory_space<vmem>>, vector<1x1x1x1x16xf32>,
        %parallel_loop3A_2404 = arith.constant 4 : i32
        %parallel_loop3A_2405 = arith.muli %parallel_loop3A_373, %parallel_loop3A_2404 : i32
        %parallel_loop3A_2406 = arith.constant 3 : i32
        %parallel_loop3A_2407 = arith.addi %parallel_loop3A_2405, %parallel_loop3A_2406 : i32
        %parallel_loop3A_2408 = arith.index_cast %select_n3A_226 : i32 to index
        %parallel_loop3A_2409 = arith.index_cast %parallel_loop3A_2407 : i32 to index
        %parallel_loop3A_2410 = arith.constant 128 : index
        %parallel_loop3A_2411 = tpu.vector_load %arg5[%parallel_loop3A_2408, %parallel_loop3A_2409, %parallel_loop3A_2410] {strides = array<i32>} : memref<2x32x176xf32, #tpu.memory_space<vmem>>, vector<1x1x16xf32>,
        %parallel_loop3A_2412 = vector.shape_cast %parallel_loop3A_2411 : vector<1x1x16xf32> to vector<16xf32>
        %parallel_loop3A_2413 = arith.constant 8 : i32
        %parallel_loop3A_2414 = arith.constant 0 : i32
        %parallel_loop3A_2415 = arith.index_cast %select_n3A_263 : i32 to index
        %parallel_loop3A_2416 = arith.index_cast %parallel_loop3A_2413 : i32 to index
        %parallel_loop3A_2417 = arith.index_cast %parallel_loop3A_2414 : i32 to index
        %parallel_loop3A_2418 = arith.index_cast %parallel_loop3A_373 : i32 to index
        %parallel_loop3A_2419 = arith.constant 96 : index
        %parallel_loop3A_2420 = tpu.vector_load %arg6[%parallel_loop3A_2415, %parallel_loop3A_2416, %parallel_loop3A_2417, %parallel_loop3A_2418, %parallel_loop3A_2419] {strides = array<i32>} : memref<2x10x1x8x128xf32, #tpu.memory_space<vmem>>, vector<1x1x1x1x16xf32>,
        %parallel_loop3A_2421 = vector.shape_cast %parallel_loop3A_2420 : vector<1x1x1x1x16xf32> to vector<16xf32>
        %parallel_loop3A_2422 = arith.addf %parallel_loop3A_2412, %parallel_loop3A_2421 : vector<16xf32>
        %parallel_loop3A_2423 = arith.constant 8 : i32
        %parallel_loop3A_2424 = arith.constant 0 : i32
        %parallel_loop3A_2425 = arith.index_cast %select_n3A_226 : i32 to index
        %parallel_loop3A_2426 = arith.index_cast %parallel_loop3A_2423 : i32 to index
        %parallel_loop3A_2427 = arith.index_cast %parallel_loop3A_2424 : i32 to index
        %parallel_loop3A_2428 = arith.index_cast %parallel_loop3A_373 : i32 to index
        %parallel_loop3A_2429 = arith.constant 96 : index
        %parallel_loop3A_2430 = tpu.vector_load %arg7[%parallel_loop3A_2425, %parallel_loop3A_2426, %parallel_loop3A_2427, %parallel_loop3A_2428, %parallel_loop3A_2429] {strides = array<i32>} : memref<2x10x1x8x128xf32, #tpu.memory_space<vmem>>, vector<1x1x1x1x16xf32>,
        %parallel_loop3A_2431 = vector.shape_cast %parallel_loop3A_2430 : vector<1x1x1x1x16xf32> to vector<16xf32>
        %parallel_loop3A_2432 = vector.shape_cast %parallel_loop3A_2422 : vector<16xf32> to vector<1x1x1x1x16xf32>
        tpu.vector_store %arg7[%parallel_loop3A_2425, %parallel_loop3A_2426, %parallel_loop3A_2427, %parallel_loop3A_2428, %parallel_loop3A_2429], %parallel_loop3A_2432 {strides = array<i32>} : memref<2x10x1x8x128xf32, #tpu.memory_space<vmem>>, vector<1x1x1x1x16xf32>,
        %parallel_loop3A_2433 = arith.constant 4 : i32
        %parallel_loop3A_2434 = arith.muli %parallel_loop3A_373, %parallel_loop3A_2433 : i32
        %parallel_loop3A_2435 = arith.constant 3 : i32
        %parallel_loop3A_2436 = arith.addi %parallel_loop3A_2434, %parallel_loop3A_2435 : i32
        %parallel_loop3A_2437 = arith.index_cast %select_n3A_226 : i32 to index
        %parallel_loop3A_2438 = arith.index_cast %parallel_loop3A_2436 : i32 to index
        %parallel_loop3A_2439 = arith.constant 144 : index
        %parallel_loop3A_2440 = tpu.vector_load %arg5[%parallel_loop3A_2437, %parallel_loop3A_2438, %parallel_loop3A_2439] {strides = array<i32>} : memref<2x32x176xf32, #tpu.memory_space<vmem>>, vector<1x1x16xf32>,
        %parallel_loop3A_2441 = vector.shape_cast %parallel_loop3A_2440 : vector<1x1x16xf32> to vector<16xf32>
        %parallel_loop3A_2442 = arith.constant 8 : i32
        %parallel_loop3A_2443 = arith.constant 0 : i32
        %parallel_loop3A_2444 = arith.index_cast %select_n3A_263 : i32 to index
        %parallel_loop3A_2445 = arith.index_cast %parallel_loop3A_2442 : i32 to index
        %parallel_loop3A_2446 = arith.index_cast %parallel_loop3A_2443 : i32 to index
        %parallel_loop3A_2447 = arith.index_cast %parallel_loop3A_373 : i32 to index
        %parallel_loop3A_2448 = arith.constant 112 : index
        %parallel_loop3A_2449 = tpu.vector_load %arg6[%parallel_loop3A_2444, %parallel_loop3A_2445, %parallel_loop3A_2446, %parallel_loop3A_2447, %parallel_loop3A_2448] {strides = array<i32>} : memref<2x10x1x8x128xf32, #tpu.memory_space<vmem>>, vector<1x1x1x1x16xf32>,
        %parallel_loop3A_2450 = vector.shape_cast %parallel_loop3A_2449 : vector<1x1x1x1x16xf32> to vector<16xf32>
        %parallel_loop3A_2451 = arith.addf %parallel_loop3A_2441, %parallel_loop3A_2450 : vector<16xf32>
        %parallel_loop3A_2452 = arith.constant 8 : i32
        %parallel_loop3A_2453 = arith.constant 0 : i32
        %parallel_loop3A_2454 = arith.index_cast %select_n3A_226 : i32 to index
        %parallel_loop3A_2455 = arith.index_cast %parallel_loop3A_2452 : i32 to index
        %parallel_loop3A_2456 = arith.index_cast %parallel_loop3A_2453 : i32 to index
        %parallel_loop3A_2457 = arith.index_cast %parallel_loop3A_373 : i32 to index
        %parallel_loop3A_2458 = arith.constant 112 : index
        %parallel_loop3A_2459 = tpu.vector_load %arg7[%parallel_loop3A_2454, %parallel_loop3A_2455, %parallel_loop3A_2456, %parallel_loop3A_2457, %parallel_loop3A_2458] {strides = array<i32>} : memref<2x10x1x8x128xf32, #tpu.memory_space<vmem>>, vector<1x1x1x1x16xf32>,
        %parallel_loop3A_2460 = vector.shape_cast %parallel_loop3A_2459 : vector<1x1x1x1x16xf32> to vector<16xf32>
        %parallel_loop3A_2461 = vector.shape_cast %parallel_loop3A_2451 : vector<16xf32> to vector<1x1x1x1x16xf32>
        tpu.vector_store %arg7[%parallel_loop3A_2454, %parallel_loop3A_2455, %parallel_loop3A_2456, %parallel_loop3A_2457, %parallel_loop3A_2458], %parallel_loop3A_2461 {strides = array<i32>} : memref<2x10x1x8x128xf32, #tpu.memory_space<vmem>>, vector<1x1x1x1x16xf32>,
        %parallel_loop3A_2462 = arith.constant 4 : i32
        %parallel_loop3A_2463 = arith.muli %parallel_loop3A_373, %parallel_loop3A_2462 : i32
        %parallel_loop3A_2464 = arith.constant 0 : i32
        %parallel_loop3A_2465 = arith.addi %parallel_loop3A_2463, %parallel_loop3A_2464 : i32
        %parallel_loop3A_2466 = arith.index_cast %select_n3A_226 : i32 to index
        %parallel_loop3A_2467 = arith.index_cast %parallel_loop3A_2465 : i32 to index
        %parallel_loop3A_2468 = arith.constant 144 : index
        %parallel_loop3A_2469 = tpu.vector_load %arg5[%parallel_loop3A_2466, %parallel_loop3A_2467, %parallel_loop3A_2468] {strides = array<i32>} : memref<2x32x176xf32, #tpu.memory_space<vmem>>, vector<1x1x16xf32>,
        %parallel_loop3A_2470 = vector.shape_cast %parallel_loop3A_2469 : vector<1x1x16xf32> to vector<16xf32>
        %parallel_loop3A_2471 = arith.constant 9 : i32
        %parallel_loop3A_2472 = arith.constant 0 : i32
        %parallel_loop3A_2473 = arith.index_cast %select_n3A_263 : i32 to index
        %parallel_loop3A_2474 = arith.index_cast %parallel_loop3A_2471 : i32 to index
        %parallel_loop3A_2475 = arith.index_cast %parallel_loop3A_2472 : i32 to index
        %parallel_loop3A_2476 = arith.index_cast %parallel_loop3A_373 : i32 to index
        %parallel_loop3A_2477 = arith.constant 0 : index
        %parallel_loop3A_2478 = tpu.vector_load %arg6[%parallel_loop3A_2473, %parallel_loop3A_2474, %parallel_loop3A_2475, %parallel_loop3A_2476, %parallel_loop3A_2477] {strides = array<i32>} : memref<2x10x1x8x128xf32, #tpu.memory_space<vmem>>, vector<1x1x1x1x16xf32>,
        %parallel_loop3A_2479 = vector.shape_cast %parallel_loop3A_2478 : vector<1x1x1x1x16xf32> to vector<16xf32>
        %parallel_loop3A_2480 = arith.addf %parallel_loop3A_2470, %parallel_loop3A_2479 : vector<16xf32>
        %parallel_loop3A_2481 = arith.constant 9 : i32
        %parallel_loop3A_2482 = arith.constant 0 : i32
        %parallel_loop3A_2483 = arith.index_cast %select_n3A_226 : i32 to index
        %parallel_loop3A_2484 = arith.index_cast %parallel_loop3A_2481 : i32 to index
        %parallel_loop3A_2485 = arith.index_cast %parallel_loop3A_2482 : i32 to index
        %parallel_loop3A_2486 = arith.index_cast %parallel_loop3A_373 : i32 to index
        %parallel_loop3A_2487 = arith.constant 0 : index
        %parallel_loop3A_2488 = tpu.vector_load %arg7[%parallel_loop3A_2483, %parallel_loop3A_2484, %parallel_loop3A_2485, %parallel_loop3A_2486, %parallel_loop3A_2487] {strides = array<i32>} : memref<2x10x1x8x128xf32, #tpu.memory_space<vmem>>, vector<1x1x1x1x16xf32>,
        %parallel_loop3A_2489 = vector.shape_cast %parallel_loop3A_2488 : vector<1x1x1x1x16xf32> to vector<16xf32>
        %parallel_loop3A_2490 = vector.shape_cast %parallel_loop3A_2480 : vector<16xf32> to vector<1x1x1x1x16xf32>
        tpu.vector_store %arg7[%parallel_loop3A_2483, %parallel_loop3A_2484, %parallel_loop3A_2485, %parallel_loop3A_2486, %parallel_loop3A_2487], %parallel_loop3A_2490 {strides = array<i32>} : memref<2x10x1x8x128xf32, #tpu.memory_space<vmem>>, vector<1x1x1x1x16xf32>,
        %parallel_loop3A_2491 = arith.constant 4 : i32
        %parallel_loop3A_2492 = arith.muli %parallel_loop3A_373, %parallel_loop3A_2491 : i32
        %parallel_loop3A_2493 = arith.constant 0 : i32
        %parallel_loop3A_2494 = arith.addi %parallel_loop3A_2492, %parallel_loop3A_2493 : i32
        %parallel_loop3A_2495 = arith.index_cast %select_n3A_226 : i32 to index
        %parallel_loop3A_2496 = arith.index_cast %parallel_loop3A_2494 : i32 to index
        %parallel_loop3A_2497 = arith.constant 160 : index
        %parallel_loop3A_2498 = tpu.vector_load %arg5[%parallel_loop3A_2495, %parallel_loop3A_2496, %parallel_loop3A_2497] {strides = array<i32>} : memref<2x32x176xf32, #tpu.memory_space<vmem>>, vector<1x1x16xf32>,
        %parallel_loop3A_2499 = vector.shape_cast %parallel_loop3A_2498 : vector<1x1x16xf32> to vector<16xf32>
        %parallel_loop3A_2500 = arith.constant 9 : i32
        %parallel_loop3A_2501 = arith.constant 0 : i32
        %parallel_loop3A_2502 = arith.index_cast %select_n3A_263 : i32 to index
        %parallel_loop3A_2503 = arith.index_cast %parallel_loop3A_2500 : i32 to index
        %parallel_loop3A_2504 = arith.index_cast %parallel_loop3A_2501 : i32 to index
        %parallel_loop3A_2505 = arith.index_cast %parallel_loop3A_373 : i32 to index
        %parallel_loop3A_2506 = arith.constant 16 : index
        %parallel_loop3A_2507 = tpu.vector_load %arg6[%parallel_loop3A_2502, %parallel_loop3A_2503, %parallel_loop3A_2504, %parallel_loop3A_2505, %parallel_loop3A_2506] {strides = array<i32>} : memref<2x10x1x8x128xf32, #tpu.memory_space<vmem>>, vector<1x1x1x1x16xf32>,
        %parallel_loop3A_2508 = vector.shape_cast %parallel_loop3A_2507 : vector<1x1x1x1x16xf32> to vector<16xf32>
        %parallel_loop3A_2509 = arith.addf %parallel_loop3A_2499, %parallel_loop3A_2508 : vector<16xf32>
        %parallel_loop3A_2510 = arith.constant 9 : i32
        %parallel_loop3A_2511 = arith.constant 0 : i32
        %parallel_loop3A_2512 = arith.index_cast %select_n3A_226 : i32 to index
        %parallel_loop3A_2513 = arith.index_cast %parallel_loop3A_2510 : i32 to index
        %parallel_loop3A_2514 = arith.index_cast %parallel_loop3A_2511 : i32 to index
        %parallel_loop3A_2515 = arith.index_cast %parallel_loop3A_373 : i32 to index
        %parallel_loop3A_2516 = arith.constant 16 : index
        %parallel_loop3A_2517 = tpu.vector_load %arg7[%parallel_loop3A_2512, %parallel_loop3A_2513, %parallel_loop3A_2514, %parallel_loop3A_2515, %parallel_loop3A_2516] {strides = array<i32>} : memref<2x10x1x8x128xf32, #tpu.memory_space<vmem>>, vector<1x1x1x1x16xf32>,
        %parallel_loop3A_2518 = vector.shape_cast %parallel_loop3A_2517 : vector<1x1x1x1x16xf32> to vector<16xf32>
        %parallel_loop3A_2519 = vector.shape_cast %parallel_loop3A_2509 : vector<16xf32> to vector<1x1x1x1x16xf32>
        tpu.vector_store %arg7[%parallel_loop3A_2512, %parallel_loop3A_2513, %parallel_loop3A_2514, %parallel_loop3A_2515, %parallel_loop3A_2516], %parallel_loop3A_2519 {strides = array<i32>} : memref<2x10x1x8x128xf32, #tpu.memory_space<vmem>>, vector<1x1x1x1x16xf32>,
        %parallel_loop3A_2520 = arith.constant 4 : i32
        %parallel_loop3A_2521 = arith.muli %parallel_loop3A_373, %parallel_loop3A_2520 : i32
        %parallel_loop3A_2522 = arith.constant 1 : i32
        %parallel_loop3A_2523 = arith.addi %parallel_loop3A_2521, %parallel_loop3A_2522 : i32
        %parallel_loop3A_2524 = arith.index_cast %select_n3A_226 : i32 to index
        %parallel_loop3A_2525 = arith.index_cast %parallel_loop3A_2523 : i32 to index
        %parallel_loop3A_2526 = arith.constant 144 : index
        %parallel_loop3A_2527 = tpu.vector_load %arg5[%parallel_loop3A_2524, %parallel_loop3A_2525, %parallel_loop3A_2526] {strides = array<i32>} : memref<2x32x176xf32, #tpu.memory_space<vmem>>, vector<1x1x16xf32>,
        %parallel_loop3A_2528 = vector.shape_cast %parallel_loop3A_2527 : vector<1x1x16xf32> to vector<16xf32>
        %parallel_loop3A_2529 = arith.constant 9 : i32
        %parallel_loop3A_2530 = arith.constant 0 : i32
        %parallel_loop3A_2531 = arith.index_cast %select_n3A_263 : i32 to index
        %parallel_loop3A_2532 = arith.index_cast %parallel_loop3A_2529 : i32 to index
        %parallel_loop3A_2533 = arith.index_cast %parallel_loop3A_2530 : i32 to index
        %parallel_loop3A_2534 = arith.index_cast %parallel_loop3A_373 : i32 to index
        %parallel_loop3A_2535 = arith.constant 32 : index
        %parallel_loop3A_2536 = tpu.vector_load %arg6[%parallel_loop3A_2531, %parallel_loop3A_2532, %parallel_loop3A_2533, %parallel_loop3A_2534, %parallel_loop3A_2535] {strides = array<i32>} : memref<2x10x1x8x128xf32, #tpu.memory_space<vmem>>, vector<1x1x1x1x16xf32>,
        %parallel_loop3A_2537 = vector.shape_cast %parallel_loop3A_2536 : vector<1x1x1x1x16xf32> to vector<16xf32>
        %parallel_loop3A_2538 = arith.addf %parallel_loop3A_2528, %parallel_loop3A_2537 : vector<16xf32>
        %parallel_loop3A_2539 = arith.constant 9 : i32
        %parallel_loop3A_2540 = arith.constant 0 : i32
        %parallel_loop3A_2541 = arith.index_cast %select_n3A_226 : i32 to index
        %parallel_loop3A_2542 = arith.index_cast %parallel_loop3A_2539 : i32 to index
        %parallel_loop3A_2543 = arith.index_cast %parallel_loop3A_2540 : i32 to index
        %parallel_loop3A_2544 = arith.index_cast %parallel_loop3A_373 : i32 to index
        %parallel_loop3A_2545 = arith.constant 32 : index
        %parallel_loop3A_2546 = tpu.vector_load %arg7[%parallel_loop3A_2541, %parallel_loop3A_2542, %parallel_loop3A_2543, %parallel_loop3A_2544, %parallel_loop3A_2545] {strides = array<i32>} : memref<2x10x1x8x128xf32, #tpu.memory_space<vmem>>, vector<1x1x1x1x16xf32>,
        %parallel_loop3A_2547 = vector.shape_cast %parallel_loop3A_2546 : vector<1x1x1x1x16xf32> to vector<16xf32>
        %parallel_loop3A_2548 = vector.shape_cast %parallel_loop3A_2538 : vector<16xf32> to vector<1x1x1x1x16xf32>
        tpu.vector_store %arg7[%parallel_loop3A_2541, %parallel_loop3A_2542, %parallel_loop3A_2543, %parallel_loop3A_2544, %parallel_loop3A_2545], %parallel_loop3A_2548 {strides = array<i32>} : memref<2x10x1x8x128xf32, #tpu.memory_space<vmem>>, vector<1x1x1x1x16xf32>,
        %parallel_loop3A_2549 = arith.constant 4 : i32
        %parallel_loop3A_2550 = arith.muli %parallel_loop3A_373, %parallel_loop3A_2549 : i32
        %parallel_loop3A_2551 = arith.constant 1 : i32
        %parallel_loop3A_2552 = arith.addi %parallel_loop3A_2550, %parallel_loop3A_2551 : i32
        %parallel_loop3A_2553 = arith.index_cast %select_n3A_226 : i32 to index
        %parallel_loop3A_2554 = arith.index_cast %parallel_loop3A_2552 : i32 to index
        %parallel_loop3A_2555 = arith.constant 160 : index
        %parallel_loop3A_2556 = tpu.vector_load %arg5[%parallel_loop3A_2553, %parallel_loop3A_2554, %parallel_loop3A_2555] {strides = array<i32>} : memref<2x32x176xf32, #tpu.memory_space<vmem>>, vector<1x1x16xf32>,
        %parallel_loop3A_2557 = vector.shape_cast %parallel_loop3A_2556 : vector<1x1x16xf32> to vector<16xf32>
        %parallel_loop3A_2558 = arith.constant 9 : i32
        %parallel_loop3A_2559 = arith.constant 0 : i32
        %parallel_loop3A_2560 = arith.index_cast %select_n3A_263 : i32 to index
        %parallel_loop3A_2561 = arith.index_cast %parallel_loop3A_2558 : i32 to index
        %parallel_loop3A_2562 = arith.index_cast %parallel_loop3A_2559 : i32 to index
        %parallel_loop3A_2563 = arith.index_cast %parallel_loop3A_373 : i32 to index
        %parallel_loop3A_2564 = arith.constant 48 : index
        %parallel_loop3A_2565 = tpu.vector_load %arg6[%parallel_loop3A_2560, %parallel_loop3A_2561, %parallel_loop3A_2562, %parallel_loop3A_2563, %parallel_loop3A_2564] {strides = array<i32>} : memref<2x10x1x8x128xf32, #tpu.memory_space<vmem>>, vector<1x1x1x1x16xf32>,
        %parallel_loop3A_2566 = vector.shape_cast %parallel_loop3A_2565 : vector<1x1x1x1x16xf32> to vector<16xf32>
        %parallel_loop3A_2567 = arith.addf %parallel_loop3A_2557, %parallel_loop3A_2566 : vector<16xf32>
        %parallel_loop3A_2568 = arith.constant 9 : i32
        %parallel_loop3A_2569 = arith.constant 0 : i32
        %parallel_loop3A_2570 = arith.index_cast %select_n3A_226 : i32 to index
        %parallel_loop3A_2571 = arith.index_cast %parallel_loop3A_2568 : i32 to index
        %parallel_loop3A_2572 = arith.index_cast %parallel_loop3A_2569 : i32 to index
        %parallel_loop3A_2573 = arith.index_cast %parallel_loop3A_373 : i32 to index
        %parallel_loop3A_2574 = arith.constant 48 : index
        %parallel_loop3A_2575 = tpu.vector_load %arg7[%parallel_loop3A_2570, %parallel_loop3A_2571, %parallel_loop3A_2572, %parallel_loop3A_2573, %parallel_loop3A_2574] {strides = array<i32>} : memref<2x10x1x8x128xf32, #tpu.memory_space<vmem>>, vector<1x1x1x1x16xf32>,
        %parallel_loop3A_2576 = vector.shape_cast %parallel_loop3A_2575 : vector<1x1x1x1x16xf32> to vector<16xf32>
        %parallel_loop3A_2577 = vector.shape_cast %parallel_loop3A_2567 : vector<16xf32> to vector<1x1x1x1x16xf32>
        tpu.vector_store %arg7[%parallel_loop3A_2570, %parallel_loop3A_2571, %parallel_loop3A_2572, %parallel_loop3A_2573, %parallel_loop3A_2574], %parallel_loop3A_2577 {strides = array<i32>} : memref<2x10x1x8x128xf32, #tpu.memory_space<vmem>>, vector<1x1x1x1x16xf32>,
        %parallel_loop3A_2578 = arith.constant 4 : i32
        %parallel_loop3A_2579 = arith.muli %parallel_loop3A_373, %parallel_loop3A_2578 : i32
        %parallel_loop3A_2580 = arith.constant 2 : i32
        %parallel_loop3A_2581 = arith.addi %parallel_loop3A_2579, %parallel_loop3A_2580 : i32
        %parallel_loop3A_2582 = arith.index_cast %select_n3A_226 : i32 to index
        %parallel_loop3A_2583 = arith.index_cast %parallel_loop3A_2581 : i32 to index
        %parallel_loop3A_2584 = arith.constant 144 : index
        %parallel_loop3A_2585 = tpu.vector_load %arg5[%parallel_loop3A_2582, %parallel_loop3A_2583, %parallel_loop3A_2584] {strides = array<i32>} : memref<2x32x176xf32, #tpu.memory_space<vmem>>, vector<1x1x16xf32>,
        %parallel_loop3A_2586 = vector.shape_cast %parallel_loop3A_2585 : vector<1x1x16xf32> to vector<16xf32>
        %parallel_loop3A_2587 = arith.constant 9 : i32
        %parallel_loop3A_2588 = arith.constant 0 : i32
        %parallel_loop3A_2589 = arith.index_cast %select_n3A_263 : i32 to index
        %parallel_loop3A_2590 = arith.index_cast %parallel_loop3A_2587 : i32 to index
        %parallel_loop3A_2591 = arith.index_cast %parallel_loop3A_2588 : i32 to index
        %parallel_loop3A_2592 = arith.index_cast %parallel_loop3A_373 : i32 to index
        %parallel_loop3A_2593 = arith.constant 64 : index
        %parallel_loop3A_2594 = tpu.vector_load %arg6[%parallel_loop3A_2589, %parallel_loop3A_2590, %parallel_loop3A_2591, %parallel_loop3A_2592, %parallel_loop3A_2593] {strides = array<i32>} : memref<2x10x1x8x128xf32, #tpu.memory_space<vmem>>, vector<1x1x1x1x16xf32>,
        %parallel_loop3A_2595 = vector.shape_cast %parallel_loop3A_2594 : vector<1x1x1x1x16xf32> to vector<16xf32>
        %parallel_loop3A_2596 = arith.addf %parallel_loop3A_2586, %parallel_loop3A_2595 : vector<16xf32>
        %parallel_loop3A_2597 = arith.constant 9 : i32
        %parallel_loop3A_2598 = arith.constant 0 : i32
        %parallel_loop3A_2599 = arith.index_cast %select_n3A_226 : i32 to index
        %parallel_loop3A_2600 = arith.index_cast %parallel_loop3A_2597 : i32 to index
        %parallel_loop3A_2601 = arith.index_cast %parallel_loop3A_2598 : i32 to index
        %parallel_loop3A_2602 = arith.index_cast %parallel_loop3A_373 : i32 to index
        %parallel_loop3A_2603 = arith.constant 64 : index
        %parallel_loop3A_2604 = tpu.vector_load %arg7[%parallel_loop3A_2599, %parallel_loop3A_2600, %parallel_loop3A_2601, %parallel_loop3A_2602, %parallel_loop3A_2603] {strides = array<i32>} : memref<2x10x1x8x128xf32, #tpu.memory_space<vmem>>, vector<1x1x1x1x16xf32>,
        %parallel_loop3A_2605 = vector.shape_cast %parallel_loop3A_2604 : vector<1x1x1x1x16xf32> to vector<16xf32>
        %parallel_loop3A_2606 = vector.shape_cast %parallel_loop3A_2596 : vector<16xf32> to vector<1x1x1x1x16xf32>
        tpu.vector_store %arg7[%parallel_loop3A_2599, %parallel_loop3A_2600, %parallel_loop3A_2601, %parallel_loop3A_2602, %parallel_loop3A_2603], %parallel_loop3A_2606 {strides = array<i32>} : memref<2x10x1x8x128xf32, #tpu.memory_space<vmem>>, vector<1x1x1x1x16xf32>,
        %parallel_loop3A_2607 = arith.constant 4 : i32
        %parallel_loop3A_2608 = arith.muli %parallel_loop3A_373, %parallel_loop3A_2607 : i32
        %parallel_loop3A_2609 = arith.constant 2 : i32
        %parallel_loop3A_2610 = arith.addi %parallel_loop3A_2608, %parallel_loop3A_2609 : i32
        %parallel_loop3A_2611 = arith.index_cast %select_n3A_226 : i32 to index
        %parallel_loop3A_2612 = arith.index_cast %parallel_loop3A_2610 : i32 to index
        %parallel_loop3A_2613 = arith.constant 160 : index
        %parallel_loop3A_2614 = tpu.vector_load %arg5[%parallel_loop3A_2611, %parallel_loop3A_2612, %parallel_loop3A_2613] {strides = array<i32>} : memref<2x32x176xf32, #tpu.memory_space<vmem>>, vector<1x1x16xf32>,
        %parallel_loop3A_2615 = vector.shape_cast %parallel_loop3A_2614 : vector<1x1x16xf32> to vector<16xf32>
        %parallel_loop3A_2616 = arith.constant 9 : i32
        %parallel_loop3A_2617 = arith.constant 0 : i32
        %parallel_loop3A_2618 = arith.index_cast %select_n3A_263 : i32 to index
        %parallel_loop3A_2619 = arith.index_cast %parallel_loop3A_2616 : i32 to index
        %parallel_loop3A_2620 = arith.index_cast %parallel_loop3A_2617 : i32 to index
        %parallel_loop3A_2621 = arith.index_cast %parallel_loop3A_373 : i32 to index
        %parallel_loop3A_2622 = arith.constant 80 : index
        %parallel_loop3A_2623 = tpu.vector_load %arg6[%parallel_loop3A_2618, %parallel_loop3A_2619, %parallel_loop3A_2620, %parallel_loop3A_2621, %parallel_loop3A_2622] {strides = array<i32>} : memref<2x10x1x8x128xf32, #tpu.memory_space<vmem>>, vector<1x1x1x1x16xf32>,
        %parallel_loop3A_2624 = vector.shape_cast %parallel_loop3A_2623 : vector<1x1x1x1x16xf32> to vector<16xf32>
        %parallel_loop3A_2625 = arith.addf %parallel_loop3A_2615, %parallel_loop3A_2624 : vector<16xf32>
        %parallel_loop3A_2626 = arith.constant 9 : i32
        %parallel_loop3A_2627 = arith.constant 0 : i32
        %parallel_loop3A_2628 = arith.index_cast %select_n3A_226 : i32 to index
        %parallel_loop3A_2629 = arith.index_cast %parallel_loop3A_2626 : i32 to index
        %parallel_loop3A_2630 = arith.index_cast %parallel_loop3A_2627 : i32 to index
        %parallel_loop3A_2631 = arith.index_cast %parallel_loop3A_373 : i32 to index
        %parallel_loop3A_2632 = arith.constant 80 : index
        %parallel_loop3A_2633 = tpu.vector_load %arg7[%parallel_loop3A_2628, %parallel_loop3A_2629, %parallel_loop3A_2630, %parallel_loop3A_2631, %parallel_loop3A_2632] {strides = array<i32>} : memref<2x10x1x8x128xf32, #tpu.memory_space<vmem>>, vector<1x1x1x1x16xf32>,
        %parallel_loop3A_2634 = vector.shape_cast %parallel_loop3A_2633 : vector<1x1x1x1x16xf32> to vector<16xf32>
        %parallel_loop3A_2635 = vector.shape_cast %parallel_loop3A_2625 : vector<16xf32> to vector<1x1x1x1x16xf32>
        tpu.vector_store %arg7[%parallel_loop3A_2628, %parallel_loop3A_2629, %parallel_loop3A_2630, %parallel_loop3A_2631, %parallel_loop3A_2632], %parallel_loop3A_2635 {strides = array<i32>} : memref<2x10x1x8x128xf32, #tpu.memory_space<vmem>>, vector<1x1x1x1x16xf32>,
        %parallel_loop3A_2636 = arith.constant 4 : i32
        %parallel_loop3A_2637 = arith.muli %parallel_loop3A_373, %parallel_loop3A_2636 : i32
        %parallel_loop3A_2638 = arith.constant 3 : i32
        %parallel_loop3A_2639 = arith.addi %parallel_loop3A_2637, %parallel_loop3A_2638 : i32
        %parallel_loop3A_2640 = arith.index_cast %select_n3A_226 : i32 to index
        %parallel_loop3A_2641 = arith.index_cast %parallel_loop3A_2639 : i32 to index
        %parallel_loop3A_2642 = arith.constant 144 : index
        %parallel_loop3A_2643 = tpu.vector_load %arg5[%parallel_loop3A_2640, %parallel_loop3A_2641, %parallel_loop3A_2642] {strides = array<i32>} : memref<2x32x176xf32, #tpu.memory_space<vmem>>, vector<1x1x16xf32>,
        %parallel_loop3A_2644 = vector.shape_cast %parallel_loop3A_2643 : vector<1x1x16xf32> to vector<16xf32>
        %parallel_loop3A_2645 = arith.constant 9 : i32
        %parallel_loop3A_2646 = arith.constant 0 : i32
        %parallel_loop3A_2647 = arith.index_cast %select_n3A_263 : i32 to index
        %parallel_loop3A_2648 = arith.index_cast %parallel_loop3A_2645 : i32 to index
        %parallel_loop3A_2649 = arith.index_cast %parallel_loop3A_2646 : i32 to index
        %parallel_loop3A_2650 = arith.index_cast %parallel_loop3A_373 : i32 to index
        %parallel_loop3A_2651 = arith.constant 96 : index
        %parallel_loop3A_2652 = tpu.vector_load %arg6[%parallel_loop3A_2647, %parallel_loop3A_2648, %parallel_loop3A_2649, %parallel_loop3A_2650, %parallel_loop3A_2651] {strides = array<i32>} : memref<2x10x1x8x128xf32, #tpu.memory_space<vmem>>, vector<1x1x1x1x16xf32>,
        %parallel_loop3A_2653 = vector.shape_cast %parallel_loop3A_2652 : vector<1x1x1x1x16xf32> to vector<16xf32>
        %parallel_loop3A_2654 = arith.addf %parallel_loop3A_2644, %parallel_loop3A_2653 : vector<16xf32>
        %parallel_loop3A_2655 = arith.constant 9 : i32
        %parallel_loop3A_2656 = arith.constant 0 : i32
        %parallel_loop3A_2657 = arith.index_cast %select_n3A_226 : i32 to index
        %parallel_loop3A_2658 = arith.index_cast %parallel_loop3A_2655 : i32 to index
        %parallel_loop3A_2659 = arith.index_cast %parallel_loop3A_2656 : i32 to index
        %parallel_loop3A_2660 = arith.index_cast %parallel_loop3A_373 : i32 to index
        %parallel_loop3A_2661 = arith.constant 96 : index
        %parallel_loop3A_2662 = tpu.vector_load %arg7[%parallel_loop3A_2657, %parallel_loop3A_2658, %parallel_loop3A_2659, %parallel_loop3A_2660, %parallel_loop3A_2661] {strides = array<i32>} : memref<2x10x1x8x128xf32, #tpu.memory_space<vmem>>, vector<1x1x1x1x16xf32>,
        %parallel_loop3A_2663 = vector.shape_cast %parallel_loop3A_2662 : vector<1x1x1x1x16xf32> to vector<16xf32>
        %parallel_loop3A_2664 = vector.shape_cast %parallel_loop3A_2654 : vector<16xf32> to vector<1x1x1x1x16xf32>
        tpu.vector_store %arg7[%parallel_loop3A_2657, %parallel_loop3A_2658, %parallel_loop3A_2659, %parallel_loop3A_2660, %parallel_loop3A_2661], %parallel_loop3A_2664 {strides = array<i32>} : memref<2x10x1x8x128xf32, #tpu.memory_space<vmem>>, vector<1x1x1x1x16xf32>,
        %parallel_loop3A_2665 = arith.constant 4 : i32
        %parallel_loop3A_2666 = arith.muli %parallel_loop3A_373, %parallel_loop3A_2665 : i32
        %parallel_loop3A_2667 = arith.constant 3 : i32
        %parallel_loop3A_2668 = arith.addi %parallel_loop3A_2666, %parallel_loop3A_2667 : i32
        %parallel_loop3A_2669 = arith.index_cast %select_n3A_226 : i32 to index
        %parallel_loop3A_2670 = arith.index_cast %parallel_loop3A_2668 : i32 to index
        %parallel_loop3A_2671 = arith.constant 160 : index
        %parallel_loop3A_2672 = tpu.vector_load %arg5[%parallel_loop3A_2669, %parallel_loop3A_2670, %parallel_loop3A_2671] {strides = array<i32>} : memref<2x32x176xf32, #tpu.memory_space<vmem>>, vector<1x1x16xf32>,
        %parallel_loop3A_2673 = vector.shape_cast %parallel_loop3A_2672 : vector<1x1x16xf32> to vector<16xf32>
        %parallel_loop3A_2674 = arith.constant 9 : i32
        %parallel_loop3A_2675 = arith.constant 0 : i32
        %parallel_loop3A_2676 = arith.index_cast %select_n3A_263 : i32 to index
        %parallel_loop3A_2677 = arith.index_cast %parallel_loop3A_2674 : i32 to index
        %parallel_loop3A_2678 = arith.index_cast %parallel_loop3A_2675 : i32 to index
        %parallel_loop3A_2679 = arith.index_cast %parallel_loop3A_373 : i32 to index
        %parallel_loop3A_2680 = arith.constant 112 : index
        %parallel_loop3A_2681 = tpu.vector_load %arg6[%parallel_loop3A_2676, %parallel_loop3A_2677, %parallel_loop3A_2678, %parallel_loop3A_2679, %parallel_loop3A_2680] {strides = array<i32>} : memref<2x10x1x8x128xf32, #tpu.memory_space<vmem>>, vector<1x1x1x1x16xf32>,
        %parallel_loop3A_2682 = vector.shape_cast %parallel_loop3A_2681 : vector<1x1x1x1x16xf32> to vector<16xf32>
        %parallel_loop3A_2683 = arith.addf %parallel_loop3A_2673, %parallel_loop3A_2682 : vector<16xf32>
        %parallel_loop3A_2684 = arith.constant 9 : i32
        %parallel_loop3A_2685 = arith.constant 0 : i32
        %parallel_loop3A_2686 = arith.index_cast %select_n3A_226 : i32 to index
        %parallel_loop3A_2687 = arith.index_cast %parallel_loop3A_2684 : i32 to index
        %parallel_loop3A_2688 = arith.index_cast %parallel_loop3A_2685 : i32 to index
        %parallel_loop3A_2689 = arith.index_cast %parallel_loop3A_373 : i32 to index
        %parallel_loop3A_2690 = arith.constant 112 : index
        %parallel_loop3A_2691 = tpu.vector_load %arg7[%parallel_loop3A_2686, %parallel_loop3A_2687, %parallel_loop3A_2688, %parallel_loop3A_2689, %parallel_loop3A_2690] {strides = array<i32>} : memref<2x10x1x8x128xf32, #tpu.memory_space<vmem>>, vector<1x1x1x1x16xf32>,
        %parallel_loop3A_2692 = vector.shape_cast %parallel_loop3A_2691 : vector<1x1x1x1x16xf32> to vector<16xf32>
        %parallel_loop3A_2693 = vector.shape_cast %parallel_loop3A_2683 : vector<16xf32> to vector<1x1x1x1x16xf32>
        tpu.vector_store %arg7[%parallel_loop3A_2686, %parallel_loop3A_2687, %parallel_loop3A_2688, %parallel_loop3A_2689, %parallel_loop3A_2690], %parallel_loop3A_2693 {strides = array<i32>} : memref<2x10x1x8x128xf32, #tpu.memory_space<vmem>>, vector<1x1x1x1x16xf32>,
      } {sc.loop_unroll_factor = 2 : i64, sc.parallel_access}
      %jit3A_266 = arith.constant 2 : i32
      %div3A_267 = arith.divsi %scan3A_113, %jit3A_266 : i32
      %sign3A_268 = arith.constant 0 : i32
      %sign3A_269 = arith.cmpi sgt, %scan3A_113, %sign3A_268 : i32
      %sign3A_270 = arith.extui %sign3A_269 : i1 to i32
      %sign3A_271 = arith.constant 0 : i32
      %sign3A_272 = arith.cmpi slt, %scan3A_113, %sign3A_271 : i32
      %sign3A_273 = arith.extui %sign3A_272 : i1 to i32
      %sign3A_274 = arith.subi %sign3A_270, %sign3A_273 : i32
      %sign3A_275 = arith.constant 0 : i32
      %sign3A_276 = arith.cmpi sgt, %jit3A_266, %sign3A_275 : i32
      %sign3A_277 = arith.extui %sign3A_276 : i1 to i32
      %sign3A_278 = arith.constant 0 : i32
      %sign3A_279 = arith.cmpi slt, %jit3A_266, %sign3A_278 : i32
      %sign3A_280 = arith.extui %sign3A_279 : i1 to i32
      %sign3A_281 = arith.subi %sign3A_277, %sign3A_280 : i32
      %ne3A_282 = arith.cmpi ne, %sign3A_274, %sign3A_281 : i32
      %rem3A_283 = arith.remsi %scan3A_113, %jit3A_266 : i32
      %ne3A_284 = arith.constant 0 : i32
      %ne3A_285 = arith.cmpi ne, %rem3A_283, %ne3A_284 : i32
      %and3A_286 = arith.andi %ne3A_282, %ne3A_285 : i1
      %sub3A_287 = arith.constant 1 : i32
      %sub3A_288 = arith.subi %div3A_267, %sub3A_287 : i32
      %select_n3A_289 = arith.select %and3A_286, %sub3A_288, %div3A_267 : i32
      %mul3A_290 = arith.constant 2 : i32
      %mul3A_291 = arith.muli %mul3A_290, %add3A : i32
      %jit3A_292 = arith.constant 2 : i32
      %eq3A_293 = arith.constant 0 : i32
      %eq3A_294 = arith.cmpi eq, %jit3A_292, %eq3A_293 : i32
      %jit3A_295 = arith.constant 1 : i32
      %select_n3A_296 = arith.select %eq3A_294, %jit3A_295, %jit3A_292 : i32
      %rem3A_297 = arith.remsi %scan3A_113, %select_n3A_296 : i32
      %ne3A_298 = arith.constant 0 : i32
      %ne3A_299 = arith.cmpi ne, %rem3A_297, %ne3A_298 : i32
      %lt3A_300 = arith.constant 0 : i32
      %lt3A_301 = arith.cmpi slt, %rem3A_297, %lt3A_300 : i32
      %lt3A_302 = arith.constant 0 : i32
      %lt3A_303 = arith.cmpi slt, %select_n3A_296, %lt3A_302 : i32
      %ne3A_304 = arith.xori %lt3A_301, %lt3A_303 : i1
      %and3A_305 = arith.andi %ne3A_304, %ne3A_299 : i1
      %add3A_306 = arith.addi %rem3A_297, %select_n3A_296 : i32
      %select_n3A_307 = arith.select %and3A_305, %add3A_306, %rem3A_297 : i32
      %add3A_308 = arith.addi %mul3A_291, %select_n3A_307 : i32
      %jit3A_309 = arith.constant 10 : i32
      %div3A_310 = arith.divsi %select_n3A_289, %jit3A_309 : i32
      %sign3A_311 = arith.constant 0 : i32
      %sign3A_312 = arith.cmpi sgt, %select_n3A_289, %sign3A_311 : i32
      %sign3A_313 = arith.extui %sign3A_312 : i1 to i32
      %sign3A_314 = arith.constant 0 : i32
      %sign3A_315 = arith.cmpi slt, %select_n3A_289, %sign3A_314 : i32
      %sign3A_316 = arith.extui %sign3A_315 : i1 to i32
      %sign3A_317 = arith.subi %sign3A_313, %sign3A_316 : i32
      %sign3A_318 = arith.constant 0 : i32
      %sign3A_319 = arith.cmpi sgt, %jit3A_309, %sign3A_318 : i32
      %sign3A_320 = arith.extui %sign3A_319 : i1 to i32
      %sign3A_321 = arith.constant 0 : i32
      %sign3A_322 = arith.cmpi slt, %jit3A_309, %sign3A_321 : i32
      %sign3A_323 = arith.extui %sign3A_322 : i1 to i32
      %sign3A_324 = arith.subi %sign3A_320, %sign3A_323 : i32
      %ne3A_325 = arith.cmpi ne, %sign3A_317, %sign3A_324 : i32
      %rem3A_326 = arith.remsi %select_n3A_289, %jit3A_309 : i32
      %ne3A_327 = arith.constant 0 : i32
      %ne3A_328 = arith.cmpi ne, %rem3A_326, %ne3A_327 : i32
      %and3A_329 = arith.andi %ne3A_325, %ne3A_328 : i1
      %sub3A_330 = arith.constant 1 : i32
      %sub3A_331 = arith.subi %div3A_310, %sub3A_330 : i32
      %select_n3A_332 = arith.select %and3A_329, %sub3A_331, %div3A_310 : i32
      %jit3A_333 = arith.constant 10 : i32
      %eq3A_334 = arith.constant 0 : i32
      %eq3A_335 = arith.cmpi eq, %jit3A_333, %eq3A_334 : i32
      %jit3A_336 = arith.constant 1 : i32
      %select_n3A_337 = arith.select %eq3A_335, %jit3A_336, %jit3A_333 : i32
      %rem3A_338 = arith.remsi %select_n3A_289, %select_n3A_337 : i32
      %ne3A_339 = arith.constant 0 : i32
      %ne3A_340 = arith.cmpi ne, %rem3A_338, %ne3A_339 : i32
      %lt3A_341 = arith.constant 0 : i32
      %lt3A_342 = arith.cmpi slt, %rem3A_338, %lt3A_341 : i32
      %lt3A_343 = arith.constant 0 : i32
      %lt3A_344 = arith.cmpi slt, %select_n3A_337, %lt3A_343 : i32
      %ne3A_345 = arith.xori %lt3A_342, %lt3A_344 : i1
      %and3A_346 = arith.andi %ne3A_345, %ne3A_340 : i1
      %add3A_347 = arith.addi %rem3A_338, %select_n3A_337 : i32
      %select_n3A_348 = arith.select %and3A_346, %add3A_347, %rem3A_338 : i32
      %mul3A_349 = arith.constant 10 : i32
      %mul3A_350 = arith.muli %mul3A_349, %select_n3A_348 : i32
      %dma_start3A_351 = arith.constant 0 : i32
      %dma_start3A_352 = arith.constant 0 : i32
      %dma_start3A_353 = arith.constant 0 : i32
      %dma_start3A_354 = arith.constant 0 : i32
      %dma_start3A_355 = tpu.memref_slice %arg7[%select_n3A_226, %dma_start3A_351, %dma_start3A_352, %dma_start3A_353, %dma_start3A_354] : memref<2x10x1x8x128xf32, #tpu.memory_space<vmem>> -> memref<1x10x1x8x128xf32, #tpu.memory_space<vmem>>
      %dma_start3A_356 = tpu.memref_squeeze %dma_start3A_355 : memref<1x10x1x8x128xf32, #tpu.memory_space<vmem>> -> memref<10x1x8x128xf32, #tpu.memory_space<vmem>>
      %dma_start3A_357 = arith.constant 0 : i32
      %dma_start3A_358 = arith.constant 0 : i32
      %dma_start3A_359 = tpu.memref_slice %arg4[%add3A_308, %mul3A_350, %select_n3A_332, %dma_start3A_357, %dma_start3A_358] : memref<64x100x3x8x128xf32, #tpu.memory_space<hbm>> -> memref<1x10x1x8x128xf32, #tpu.memory_space<hbm>>
      %dma_start3A_360 = tpu.memref_squeeze %dma_start3A_359 : memref<1x10x1x8x128xf32, #tpu.memory_space<hbm>> -> memref<10x1x8x128xf32, #tpu.memory_space<hbm>>
      %dma_start3A_361 = tpu.memref_slice %arg10[%select_n3A_226] : memref<2x!tpu.dma_semaphore, #tpu.memory_space<semaphore_mem>> -> memref<1x!tpu.dma_semaphore, #tpu.memory_space<semaphore_mem>>
      %dma_start3A_362 = tpu.memref_squeeze %dma_start3A_361 : memref<1x!tpu.dma_semaphore, #tpu.memory_space<semaphore_mem>> -> memref<!tpu.dma_semaphore, #tpu.memory_space<semaphore_mem>>
      %dma_start3A_363 = arith.constant 0 : i32
      %dma_start3A_364 = arith.constant 0 : i32
      %dma_start3A_365 = tpu.memref_slice %arg4[%add3A_308, %mul3A_350, %select_n3A_332, %dma_start3A_363, %dma_start3A_364] : memref<64x100x3x8x128xf32, #tpu.memory_space<hbm>> -> memref<1x10x1x8x128xf32, #tpu.memory_space<hbm>>
      %dma_start3A_366 = tpu.memref_squeeze %dma_start3A_365 : memref<1x10x1x8x128xf32, #tpu.memory_space<hbm>> -> memref<10x1x8x128xf32, #tpu.memory_space<hbm>>
      %dma_start3A_367 = arith.constant 0 : i32
      %dma_start3A_368 = arith.constant 0 : i32
      %dma_start3A_369 = arith.constant 0 : i32
      %dma_start3A_370 = arith.constant 0 : i32
      %dma_start3A_371 = tpu.memref_slice %arg7[%select_n3A_226, %dma_start3A_367, %dma_start3A_368, %dma_start3A_369, %dma_start3A_370] : memref<2x10x1x8x128xf32, #tpu.memory_space<vmem>> -> memref<1x10x1x8x128xf32, #tpu.memory_space<vmem>>
      %dma_start3A_372 = tpu.memref_squeeze %dma_start3A_371 : memref<1x10x1x8x128xf32, #tpu.memory_space<vmem>> -> memref<10x1x8x128xf32, #tpu.memory_space<vmem>>
      tpu.enqueue_dma source(%dma_start3A_372 : memref<10x1x8x128xf32, #tpu.memory_space<vmem>>) target(%dma_start3A_366 : memref<10x1x8x128xf32, #tpu.memory_space<hbm>>) target_semaphore(%dma_start3A_362 : memref<!tpu.dma_semaphore, #tpu.memory_space<semaphore_mem>>)
    }
    %scan3A_55 = arith.constant 60 : i32
    %dma_wait3A = arith.constant 0 : i32
    %dma_wait3A_56 = arith.constant 0 : i32
    %dma_wait3A_57 = arith.constant 0 : i32
    %dma_wait3A_58 = arith.constant 0 : i32
    %dma_wait3A_59 = arith.constant 0 : i32
    %dma_wait3A_60 = arith.constant 0 : i32
    %dma_wait3A_61 = arith.constant 0 : i32
    %dma_wait3A_62 = tpu.memref_slice %arg7[%dma_wait3A, %dma_wait3A_58, %dma_wait3A_59, %dma_wait3A_60, %dma_wait3A_61] : memref<2x10x1x8x128xf32, #tpu.memory_space<vmem>> -> memref<1x10x1x8x128xf32, #tpu.memory_space<vmem>>
    %dma_wait3A_63 = tpu.memref_squeeze %dma_wait3A_62 : memref<1x10x1x8x128xf32, #tpu.memory_space<vmem>> -> memref<10x1x8x128xf32, #tpu.memory_space<vmem>>
    %dma_wait3A_64 = arith.constant 0 : i32
    %dma_wait3A_65 = arith.constant 0 : i32
    %dma_wait3A_66 = arith.constant 0 : i32
    %dma_wait3A_67 = arith.constant 0 : i32
    %dma_wait3A_68 = tpu.memref_slice %arg4[%dma_wait3A_56, %dma_wait3A_64, %dma_wait3A_65, %dma_wait3A_66, %dma_wait3A_67] : memref<64x100x3x8x128xf32, #tpu.memory_space<hbm>> -> memref<1x10x1x8x128xf32, #tpu.memory_space<hbm>>
    %dma_wait3A_69 = tpu.memref_squeeze %dma_wait3A_68 : memref<1x10x1x8x128xf32, #tpu.memory_space<hbm>> -> memref<10x1x8x128xf32, #tpu.memory_space<hbm>>
    %dma_wait3A_70 = tpu.memref_slice %arg10[%dma_wait3A_57] : memref<2x!tpu.dma_semaphore, #tpu.memory_space<semaphore_mem>> -> memref<1x!tpu.dma_semaphore, #tpu.memory_space<semaphore_mem>>
    %dma_wait3A_71 = tpu.memref_squeeze %dma_wait3A_70 : memref<1x!tpu.dma_semaphore, #tpu.memory_space<semaphore_mem>> -> memref<!tpu.dma_semaphore, #tpu.memory_space<semaphore_mem>>
    %dma_wait3A_72 = arith.constant 0 : i32
    %dma_wait3A_73 = arith.constant 0 : i32
    %dma_wait3A_74 = arith.constant 0 : i32
    %dma_wait3A_75 = arith.constant 0 : i32
    %dma_wait3A_76 = tpu.memref_slice %arg4[%dma_wait3A_56, %dma_wait3A_72, %dma_wait3A_73, %dma_wait3A_74, %dma_wait3A_75] : memref<64x100x3x8x128xf32, #tpu.memory_space<hbm>> -> memref<1x10x1x8x128xf32, #tpu.memory_space<hbm>>
    %dma_wait3A_77 = tpu.memref_squeeze %dma_wait3A_76 : memref<1x10x1x8x128xf32, #tpu.memory_space<hbm>> -> memref<10x1x8x128xf32, #tpu.memory_space<hbm>>
    %dma_wait3A_78 = arith.constant 0 : i32
    %dma_wait3A_79 = arith.constant 0 : i32
    %dma_wait3A_80 = arith.constant 0 : i32
    %dma_wait3A_81 = arith.constant 0 : i32
    %dma_wait3A_82 = tpu.memref_slice %arg7[%dma_wait3A, %dma_wait3A_78, %dma_wait3A_79, %dma_wait3A_80, %dma_wait3A_81] : memref<2x10x1x8x128xf32, #tpu.memory_space<vmem>> -> memref<1x10x1x8x128xf32, #tpu.memory_space<vmem>>
    %dma_wait3A_83 = tpu.memref_squeeze %dma_wait3A_82 : memref<1x10x1x8x128xf32, #tpu.memory_space<vmem>> -> memref<10x1x8x128xf32, #tpu.memory_space<vmem>>
    tpu.wait_dma2 semaphore(%dma_wait3A_71 : memref<!tpu.dma_semaphore, #tpu.memory_space<semaphore_mem>>) src(%dma_wait3A_83 : memref<10x1x8x128xf32, #tpu.memory_space<vmem>>) dst(%dma_wait3A_77 : memref<10x1x8x128xf32, #tpu.memory_space<hbm>>)
    %dma_wait3A_84 = arith.constant 1 : i32
    %dma_wait3A_85 = arith.constant 0 : i32
    %dma_wait3A_86 = arith.constant 1 : i32
    %dma_wait3A_87 = arith.constant 0 : i32
    %dma_wait3A_88 = arith.constant 0 : i32
    %dma_wait3A_89 = arith.constant 0 : i32
    %dma_wait3A_90 = arith.constant 0 : i32
    %dma_wait3A_91 = tpu.memref_slice %arg7[%dma_wait3A_84, %dma_wait3A_87, %dma_wait3A_88, %dma_wait3A_89, %dma_wait3A_90] : memref<2x10x1x8x128xf32, #tpu.memory_space<vmem>> -> memref<1x10x1x8x128xf32, #tpu.memory_space<vmem>>
    %dma_wait3A_92 = tpu.memref_squeeze %dma_wait3A_91 : memref<1x10x1x8x128xf32, #tpu.memory_space<vmem>> -> memref<10x1x8x128xf32, #tpu.memory_space<vmem>>
    %dma_wait3A_93 = arith.constant 0 : i32
    %dma_wait3A_94 = arith.constant 0 : i32
    %dma_wait3A_95 = arith.constant 0 : i32
    %dma_wait3A_96 = arith.constant 0 : i32
    %dma_wait3A_97 = tpu.memref_slice %arg4[%dma_wait3A_85, %dma_wait3A_93, %dma_wait3A_94, %dma_wait3A_95, %dma_wait3A_96] : memref<64x100x3x8x128xf32, #tpu.memory_space<hbm>> -> memref<1x10x1x8x128xf32, #tpu.memory_space<hbm>>
    %dma_wait3A_98 = tpu.memref_squeeze %dma_wait3A_97 : memref<1x10x1x8x128xf32, #tpu.memory_space<hbm>> -> memref<10x1x8x128xf32, #tpu.memory_space<hbm>>
    %dma_wait3A_99 = tpu.memref_slice %arg10[%dma_wait3A_86] : memref<2x!tpu.dma_semaphore, #tpu.memory_space<semaphore_mem>> -> memref<1x!tpu.dma_semaphore, #tpu.memory_space<semaphore_mem>>
    %dma_wait3A_100 = tpu.memref_squeeze %dma_wait3A_99 : memref<1x!tpu.dma_semaphore, #tpu.memory_space<semaphore_mem>> -> memref<!tpu.dma_semaphore, #tpu.memory_space<semaphore_mem>>
    %dma_wait3A_101 = arith.constant 0 : i32
    %dma_wait3A_102 = arith.constant 0 : i32
    %dma_wait3A_103 = arith.constant 0 : i32
    %dma_wait3A_104 = arith.constant 0 : i32
    %dma_wait3A_105 = tpu.memref_slice %arg4[%dma_wait3A_85, %dma_wait3A_101, %dma_wait3A_102, %dma_wait3A_103, %dma_wait3A_104] : memref<64x100x3x8x128xf32, #tpu.memory_space<hbm>> -> memref<1x10x1x8x128xf32, #tpu.memory_space<hbm>>
    %dma_wait3A_106 = tpu.memref_squeeze %dma_wait3A_105 : memref<1x10x1x8x128xf32, #tpu.memory_space<hbm>> -> memref<10x1x8x128xf32, #tpu.memory_space<hbm>>
    %dma_wait3A_107 = arith.constant 0 : i32
    %dma_wait3A_108 = arith.constant 0 : i32
    %dma_wait3A_109 = arith.constant 0 : i32
    %dma_wait3A_110 = arith.constant 0 : i32
    %dma_wait3A_111 = tpu.memref_slice %arg7[%dma_wait3A_84, %dma_wait3A_107, %dma_wait3A_108, %dma_wait3A_109, %dma_wait3A_110] : memref<2x10x1x8x128xf32, #tpu.memory_space<vmem>> -> memref<1x10x1x8x128xf32, #tpu.memory_space<vmem>>
    %dma_wait3A_112 = tpu.memref_squeeze %dma_wait3A_111 : memref<1x10x1x8x128xf32, #tpu.memory_space<vmem>> -> memref<10x1x8x128xf32, #tpu.memory_space<vmem>>
    tpu.wait_dma2 semaphore(%dma_wait3A_100 : memref<!tpu.dma_semaphore, #tpu.memory_space<semaphore_mem>>) src(%dma_wait3A_112 : memref<10x1x8x128xf32, #tpu.memory_space<vmem>>) dst(%dma_wait3A_106 : memref<10x1x8x128xf32, #tpu.memory_space<hbm>>)
    return
  }
}

</mosaic_0001>

<sc_bundles>
// kernel: kernel.3.cloned.1.call-start
scs
__scs_entry_jumppad:
0x0: {  	(pc) =	sbr.rel $0x88, $3  }
0x1: {  	(tag) =	ssettag $0x0;
	lr =	simm.s32 $0x1  }
0x2: {  	[smem:$0x3F9F] =	sst lr;
	_ =	strace $0xD0000000  }
0x3: {  	_ = 	snop  }
0x4: {  	_ = 	snop  }
0x5: {  	_ = 	snop  }
0x6: {  	_ = 	snop  }
0x7: {  	_ = 	snop  }
__scs_overlays_trampoline_lowered:
0x8: {  	[smem:$0x3FAE] =	sst s0  }
0x9: {  	[smem:$0x3FAF] =	sst s1  }
0xa: {  	[smem:$0x3FB0] =	sst s2  }
0xb: {  	[smem:$0x3FB1] =	sst s3  }
0xc: {  	[smem:$0x3FB2] =	sst s4  }
0xd: {  	[smem:$0x3FB3] =	sst s5  }
0xe: {  	[smem:$0x3FB4] =	sst s6  }
0xf: {  	[smem:$0x3FB5] =	sst s7  }
0x10: {  	[smem:$0x3FB6] =	sst s8  }
0x11: {  	[smem:$0x3FB7] =	sst s9;
	s0 =	simm.s32 @!p0 $0x0  }
0x12: {  	s1 =	sld [smem:$0x3F9D];
	s0 =	simm.s32 @p0 $0x1  }
0x13: {  	[smem:$0x3FB8] =	sst s0;
	s0 =	simm.s32 @!p1 $0x0  }
0x14: {  	s2 =	sld [smem:$0x3F9C];
	s0 =	simm.s32 @p1 $0x1  }
0x15: {  	[smem:$0x3FB9] =	sst s0;
	s0 =	simm.s32 @!p2 $0x0  }
0x16: {  	s3 =	sld [smem:$0x3FDB];
	s0 =	simm.s32 @p2 $0x1  }
0x17: {  	s4 =	simm.s32 $0x1BF5;
	[smem:$0x3FBB] =	sst s0  }
0x18: {  	s0 =	sld [smem:$0x3F9E];
	_ =	swait.ge [sflag:s4], $0x0  }
0x19: {  	s7 =	sld [smem:$0x3F9F]  }
0x1a: {  	s8 =	sadd.s32 $0xFFFFE003, lr  }
0x1b: {  	s9 =	sadd.s32 $0xFFFFFEF7, lr;
	s5 =	simm.s32 $0xFFFFFFFF;
	p2 =	slt.u32 s8, $0xFFFFF086  }
0x1c: {  	p1 =	slt.u32 s9, $0xF7A;
	s5 =	simm.s32 @!p2 $0x0  }
0x1d: {  	s5 =	simm.s32 @p1 $0x1;
	p0 =	seq.s32 s7, s2  }
0x1e: {  	s7 =	smul.u32 @!p0 $0xF7A, s2;
	p2 =	seq.s32 @!p0 s5, $0x0  }
0x1f: {  	s9 =	smul.u32 $0xF7A, s1;
	s8 =	simm.s32 @!p0 $0x1BF5;
	p2 =	por !p2, p0  }
0x20: {  	[sflag:s8] =	ssyncset.s32 @!p0 $0xFFFFF086;
	s6 =	sadd.s32 @!p0 s3, s7;
	s7 =	simm.s32 @!p0 $0x108  }
0x21: {  	s3 =	sadd.s32 s3, s9;
	s6 =	sadd.s32 @!p0 $0x88, s6;
	s7 =	simm.s32 @p2 $0x1082  }
0x22: {  	[simem:s7], [sflag:s8] =	dma.local @!p0 [hbm:s6], $0xF7A  }
0x23: {  	s9 =	sor.u32 $0xD0000000, s2;
	s6 =	simm.s32 $0x108;
	_ =	swait.ge @!p0 [sflag:s8], $0x0  }
0x24: {  	s3 =	sadd.s32 $0x88, s3;
	s6 =	simm.s32 @!p1 $0x1082;
	[sflag:s4] =	ssyncset.s32 $0xFFFFF086  }
0x25: {  	[simem:s6], [sflag:s4] =	dma.local [hbm:s3], $0xF7A  }
0x26: {  	[smem:$0x3F9F] =	sst s1;
	(tag) =	ssettag s2;
	_ =	strace s9  }
0x27: {  	s1 =	sld [smem:$0x3FAF]  }
0x28: {  	s2 =	sld [smem:$0x3FB0]  }
0x29: {  	s4 =	sld [smem:$0x3FB2]  }
0x2a: {  	p0 =	seq.s32 s5, $0x0;
	s5 =	sld [smem:$0x3FB3]  }
0x2b: {  	s6 =	sld [smem:$0x3FB4]  }
0x2c: {  	s7 =	sld [smem:$0x3FB5]  }
0x2d: {  	s3 =	simm.s32 $0x108;
	s8 =	sld [smem:$0x3FB6]  }
0x2e: {  	s3 =	simm.s32 @!p0 $0x1082;
	s9 =	sld [smem:$0x3FB7]  }
0x2f: {  	lr =	sadd.s32 s0, s3;
	s0 =	sld [smem:$0x3FAE]  }
0x30: {  	s3 =	sld [smem:$0x3FB1]  }
0x31: {  	[smem:$0x3FBA] =	sst s10  }
0x32: {  	s10 =	sld [smem:$0x3FB8];
	_ =	sdelay $0x3  }
0x33: {  	p0 =	seq.s32 s10, $0x1;
	s10 =	sld [smem:$0x3FBA];
	_ =	sdelay $0x3  }
0x34: {  	[smem:$0x3FBA] =	sst s10  }
0x35: {  	s10 =	sld [smem:$0x3FB9];
	_ =	sdelay $0x3  }
0x36: {  	p1 =	seq.s32 s10, $0x1;
	s10 =	sld [smem:$0x3FBA];
	_ =	sdelay $0x3  }
0x37: {  	[smem:$0x3FBA] =	sst s10  }
0x38: {  	s10 =	sld [smem:$0x3FBB]  }
0x39: {  	_ = 	snop;
	(pc) =	sbr.ind lr, $3  }
0x3a: {  	_ = 	snop  }
0x3b: {  	_ = 	snop  }
0x3c: {  	p2 =	seq.s32 s10, $0x1;
	s10 =	sld [smem:$0x3FBA]  }
0x3d: {  	_ =	shalt  }
0x3e: {  	_ =	shalt  }
0x3f: {  	_ =	shalt  }
0x40: {  	_ =	shalt  }
0x41: {  	_ =	shalt  }
0x42: {  	_ =	shalt  }
0x43: {  	_ =	shalt  }
0x44: {  	_ =	shalt  }
0x45: {  	_ =	shalt  }
0x46: {  	_ =	shalt  }
0x47: {  	_ =	shalt  }
0x48: {  	_ =	shalt  }
0x49: {  	_ =	shalt  }
0x4a: {  	_ =	shalt  }
0x4b: {  	_ =	shalt  }
0x4c: {  	_ =	shalt  }
0x4d: {  	_ =	shalt  }
0x4e: {  	_ =	shalt  }
0x4f: {  	_ =	shalt  }
0x50: {  	_ =	shalt  }
0x51: {  	_ =	shalt  }
0x52: {  	_ =	shalt  }
0x53: {  	_ =	shalt  }
0x54: {  	_ =	shalt  }
0x55: {  	_ =	shalt  }
0x56: {  	_ =	shalt  }
0x57: {  	_ =	shalt  }
0x58: {  	_ =	shalt  }
0x59: {  	_ =	shalt  }
0x5a: {  	_ =	shalt  }
0x5b: {  	_ =	shalt  }
0x5c: {  	_ =	shalt  }
0x5d: {  	_ =	shalt  }
0x5e: {  	_ =	shalt  }
0x5f: {  	_ =	shalt  }
0x60: {  	_ =	shalt  }
0x61: {  	_ =	shalt  }
0x62: {  	_ =	shalt  }
0x63: {  	_ =	shalt  }
0x64: {  	_ =	shalt  }
0x65: {  	_ =	shalt  }
0x66: {  	_ =	shalt  }
0x67: {  	_ =	shalt  }
0x68: {  	_ =	shalt  }
0x69: {  	_ =	shalt  }
0x6a: {  	_ =	shalt  }
0x6b: {  	_ =	shalt  }
0x6c: {  	_ =	shalt  }
0x6d: {  	_ =	shalt  }
0x6e: {  	_ =	shalt  }
0x6f: {  	_ =	shalt  }
0x70: {  	_ =	shalt  }
0x71: {  	_ =	shalt  }
0x72: {  	_ =	shalt  }
0x73: {  	_ =	shalt  }
0x74: {  	_ =	shalt  }
0x75: {  	_ =	shalt  }
0x76: {  	_ =	shalt  }
0x77: {  	_ =	shalt  }
0x78: {  	_ =	shalt  }
0x79: {  	_ =	shalt  }
0x7a: {  	_ =	shalt  }
0x7b: {  	_ =	shalt  }
0x7c: {  	_ =	shalt  }
0x7d: {  	_ =	shalt  }
0x7e: {  	_ =	shalt  }
0x7f: {  	_ =	shalt  }
0x80: {  	_ =	shalt  }
0x81: {  	_ =	shalt  }
0x82: {  	_ =	shalt  }
0x83: {  	_ =	shalt  }
0x84: {  	_ =	shalt  }
0x85: {  	_ =	shalt  }
0x86: {  	_ =	shalt  }
0x87: {  	_ =	shalt  }
.Lfunc_end0:
.L_simem_size_0:
called_computation_lowered:
.L_overlay_start_0:
0x88: {  	s2 =	sld [smem:$0x3FD9]  }
0x89: {  	s3 =	sld [smem:$0x3FFE];
	_ =	sdelay $0x1  }
0x8a: {  	s1 =	srdreg.scid  }
0x8b: {  	s0 =	sand.u32 $0x1, s1  }
0x8c: {  	s17 =	sshll.u32 s0, $0xA;
	s2 =	sadd.s32 s3, s2  }
0x8d: {  	s2 =	sadd.s32 s2, s17  }
0x8e: {  	[smem:$0x3FC6] =	sst s2  }
0x8f: {  	_ = 	snop  }
0x90: {  	s2 =	sld [smem:$0x3FC9]  }
0x91: {  	s18 =	sld [smem:$0x3FC8];
	(tm) =	ssettm $0x1  }
0x92: {  	s4 =	sld [smem:$0x3FFB];
	_ =	sdelay $0x3  }
0x93: {  	_ =	strace s4  }
0x94: {  	s4 =	sld [smem:$0x3FFC];
	_ =	sdelay $0x3  }
0x95: {  	_ =	strace s4  }
0x96: {  	s4 =	sld [smem:$0x3FFD];
	_ =	sdelay $0x3  }
0x97: {  	_ =	strace s4  }
0x98: {  	_ =	strace $0x8FFFFFFF  }
0x99: {  	s19 =	sld [smem:$0x3FDB];
	_ =	sdelay $0x1  }
0x9a: {  	s5 =	simm.s32 $_scs_section_size  }
0x9b: {  	s6 =	simm.s32 $_size__tile_overlayer_lowered;
	s7 =	simm.s32 $_tile_overlayer_lowered  }
0x9c: {  	s22 =	simm.s32 $0x1BFF;
	s21 =	sshll.u32 s7, $0x1;
	s4 =	sadd.s32 s5, s19  }
0x9d: {  	s8 =	simm.s32 $0x0;
	s20 =	sshll.u32 s6, $0x1;
	s6 =	sadd.s32 s21, s4  }
0x9e: {  	[timem:s8], [sflag:s22] =	dma.local [hbm:s6], s20  }
0x9f: {  	_ =	swait.ge [sflag:s22], s20  }
0xa0: {  	s5 =	ssub.s32 $0x0, s20;
	[sflag:s22] =	ssyncset.done $0x0  }
0xa1: {  	[sflag:s22] =	ssyncadd.s32 s5;
	_ =	sdelay $0x1  }
0xa2: {  	s23 =	simm.s32 $0x1B8B  }
0xa3: {  	_ =	swait.ge [sflag:s23], $0x1  }
0xa4: {  	[sflag:s23] =	ssyncset.done $0x0  }
0xa5: {  	s25 =	simm.s32 $0x1B8E;
	s24 =	sld [smem:$0x3FFE];
	[sflag:s23] =	ssyncadd.s32 $0xFFFFFFFF  }
0xa6: {  	s26 =	simm.s32 $execute0_lowered;
	[smem:$0x3FD2] =	sst s25  }
0xa7: {  	s6 =	sshll.u32 s26, $0x1;
	_ =	strace $0x80000046;
	[dreg:$0x1] =	wrdreg $0xFFFFFFFF  }
0xa8: {  	s28 =	simm.s32 $_size_execute0_lowered;
	s4 =	sadd.s32 s4, s6;
	[dreg:$0x0] =	wrdreg $0x0  }
0xa9: {  	s6 =	sshll.u32 s28, $0x1;
	[dreg:$0x2] =	wrdreg s4  }
0xaa: {  	[dreg:$0x3] =	wrdreg s6  }
0xab: {  	[dreg:$0x4] =	wrdreg $0xC0  }
0xac: {  	_ =	task [dreg:s8], $0x5FFFF  }
0xad: {  	[dreg:$0x1] =	wrdreg $0xFFFFFFFF  }
0xae: {  	[dreg:$0x0] =	wrdreg $0x60  }
0xaf: {  	[dreg:$0x2] =	wrdreg s2  }
0xb0: {  	[dreg:$0x3] =	wrdreg s18  }
0xb1: {  	[dreg:$0x4] =	wrdreg s24  }
0xb2: {  	[dreg:$0x5] =	wrdreg $0x9  }
0xb3: {  	_ =	task.clear_ibuf [dreg:s8], $0x6FFFF;
	_ =	strace $0x90000046  }
0xb4: {  	s29 =	simm.s32 $0x9;
	_ =	strace $0x80000048  }
0xb5: {  	_ =	swait.ge [sflag:s29], $0x1  }
0xb6: {  	[sflag:s29] =	ssyncadd.s32 $0xFFFFFFFF  }
0xb7: {  	_ =	strace $0x90000048  }
0xb8: {  	_ =	sfence  }
0xb9: {  	s30 =	sld [smem:$0x0];
	_ =	sdelay $0x2  }
0xba: {  	s31 =	sshll.u32 s1, $0xD;
	s1 =	sshrl.u32 s1, $0x2  }
0xbb: {  	s3 =	sand.u32 $0x4000, s31;
	s1 =	sadd.s32 s1, s30  }
0xbc: {  	s0 =	sor.u32 s3, s0;
	s1 =	sshll.u32 s1, $0x11  }
0xbd: {  	s0 =	sor.u32 s1, s0  }
0xbe: {  	s0 =	sadd.s32 $0x8F2B, s0  }
0xbf: {  	[sflag:s0] =	ssyncadd.remote.s32 $0x1  }
0xc0: {  	_ =	sfence.sel $0xFFFF  }
0xc1: {  	[dreg:$0x0] =	wrdreg $0xFFFFFFFF;
	(pc) =	sbr.abs _section_cstart, $3  }
0xc2: {  	[dreg:$0x1] =	wrdreg $0xFFFFFFFF  }
0xc3: {  	_ =	task.clear_ibuf [dreg:s8], $0x2FFFF;
	_ =	strace $0x9FFFFFFF  }
0xc4: {  	(tm) =	ssettm $0x7FFFFFFF  }
0xc5: {  	_ =	shalt  }
tec
execute0_lowered:
.L_overlay_start_1:
0x0: {  	(tag) =	ssettag $0x1  }
0x1: {  	s2 =	rddreg [dreg:$0x0]  }
0x2: {  	s3 =	rddreg [dreg:$0x1];
	s0 =	srdreg.scid  }
0x3: {  	s6 =	rddreg [dreg:$0x2];
	s1 =	stileid.u32  }
0x4: {  	s4 =	simm.s32 $0x0;
	s10 =	simm.s32 $0xC00;
	s11 =	simm.s32 $0x4000  }
0x5: {  	s12 =	simm.s32 $0x5;
	s13 =	simm.s32 $0x6;
	s5 =	sand.u32 $0x1, s0  }
0x6: {  	s14 =	simm.s32 $0x0;
	s7 =	sshll.u32 s1, $0x2;
	s8 =	sshll.u32 s5, $0x1  }
0x7: {  	s0 =	rddreg [dreg:$0x3];
	s9 =	ssub.s32 $0x2, s5;
	s5 =	sor.u32 s8, s7  }
0x8: {  	[smem:$0x7FF] =	sst s4;
	s31 =	sshrl.u32 s9, $0x1;
	s8 =	smul.u32 $0x4200, s5  }
0x9: {  	s6 =	sadd.s32 $0x400, s6;
	_ =	strace $0x80000047;
	s9 =	ssub.s32 s9, s31  }
0xa: {  	s7 =	sadd.s32 s2, s8;
	s8 =	smax.u32 s9, $0x1;
	s9 =	simm.s32 $0x400  }
.LBB2_1:
0xb: {  	[tilespmem:s11], [sflag:$0x3] =	stream.strided.gather [hbm4b:s3+s9], $0x2800, s10, s9, $0x38;
	[tilespmem:$0xE000] =	vst v63  }
0xc: {  	s15 =	simm.s32 $0x0  }
0xd: {  	[tilespmem:s4], [sflag:$0x1] =	stream.linear.gather [hbm4b:s7+s4], $0x2000, $0x38;
	[tilespmem:$0xE000] =	vst v63  }
.LBB2_2:
0xe: {  	p0 =	seq.s32 s15, $0x3B  }
0xf: {  	s16 =	sadd.s32 @!p0 $0x1, s15  }
0x10: {  	s17 =	sshrl.u32 @!p0 s16, $0x1  }
0x11: {  	s18 =	smul.u32 @!p0 $0xCD, s17;
	_ =	sdelay $0x1  }
0x12: {  	s19 =	smul.u32 @!p0 $0xCD, s16;
	s18 =	sshrl.u32 @!p0 s18, $0xB  }
0x13: {  	s16 =	sand.u32 @!p0 $0x1, s16;
	s18 =	sand.u32 @!p0 $0x1F, s18  }
0x14: {  	s20 =	sor.u32 @!p0 s5, s16;
	s19 =	sshrl.u32 @!p0 s19, $0xC;
	s18 =	smul.u32 @!p0 $0xA, s18  }
0x15: {  	s20 =	smul.u32 @!p0 $0x21000, s20;
	s19 =	sand.u32 @!p0 $0xF, s19  }
0x16: {  	s21 =	smul.u32 @!p0 $0xB000, s19;
	s18 =	ssub.s32 @!p0 s17, s18  }
0x17: {  	s18 =	sand.u32 @!p0 $0xFF, s18  }
0x18: {  	s20 =	sadd.s32 @!p0 s20, s21;
	s21 =	sshll.u32 @!p0 s18, $0xC  }
0x19: {  	s20 =	sadd.s32 @!p0 s21, s20  }
0x1a: {  	s22 =	simm.s32 @!p0 $0x0;
	s20 =	sshrl.u32 @!p0 s20, $0x3  }
0x1b: {  	s21 =	sshll.u32 @!p0 s16, $0xD;
	s16 =	sadd.s32 @!p0 $0x1, s16;
	s20 =	sadd.s32 @!p0 s2, s20  }
0x1c: {  	[tilespmem:s21], [sflag:s16] =	stream.linear.gather @!p0 [hbm4b:s20+s22], $0x2000, $0x38;
	[tilespmem:$0xE000] =	vst v63  }
0x1d: {  	s16 =	sand.u32 @!p0 $0x1, s15  }
0x1e: {  	p1 =	seq.s32 @!p0 s16, $0x0  }
0x1f: {  	p1 =	por p1, p0  }
0x20: {  	s18 =	smul.u32 @!p1 $0x7800, s18;
	s17 =	sand.u32 @!p1 $0x1, s17  }
0x21: {  	s19 =	sshll.u32 @!p1 s19, $0xA;
	s20 =	smul.u32 @!p1 $0xA000, s17  }
0x22: {  	s16 =	simm.s32 @p0 $0x1;
	s21 =	simm.s32 @!p1 $0xC00;
	s18 =	sadd.s32 @!p1 s19, s18  }
0x23: {  	s17 =	sadd.s32 @!p1 $0x3, s17;
	s19 =	sshrl.u32 @!p1 s20, $0x2;
	s18 =	sshrl.u32 @!p1 s18, $0x3  }
0x24: {  	s20 =	simm.s32 @!p1 $0x400;
	s19 =	sor.u32 @!p1 $0x4000, s19;
	s18 =	sadd.s32 @!p1 s3, s18  }
0x25: {  	[tilespmem:s19], [sflag:s17] =	stream.strided.gather @!p1 [hbm4b:s18+s20], $0x2800, s21, s20, $0x38;
	[tilespmem:$0xE000] =	vst v63  }
0x26: {  	s25 =	simm.s32 $0x2800;
	p0 =	sne.s32 s16, $0x0;
	s21 =	sadd.s32 $0x1, s16  }
0x27: {  	s18 =	sshrl.u32 @!p0 s15, $0x1;
	s17 =	sshrl.u32 s15, $0x1;
	_ =	swait.ge [sflag:s21], $0x2000  }
0x28: {  	s18 =	sand.u32 @!p0 $0x1, s18;
	s22 =	sand.u32 $0x1, s17;
	[sflag:s21] =	ssyncset.done $0x0  }
0x29: {  	s18 =	sadd.s32 @!p0 $0x3, s18;
	p1 =	seq.s32 s22, $0x1;
	[sflag:s21] =	ssyncadd.s32 $0xFFFFE000  }
0x2a: {  	s23 =	sshll.u32 s16, $0xD;
	s25 =	simm.s32 @!p1 $0x0;
	_ =	swait.ge @!p0 [sflag:s18], $0x2800  }
0x2b: {  	v0 =	vmov s23;
	p1 =	slt.u32 s15, $0x2;
	s24 =	sor.u32 $0x4000, s25;
	[sflag:s18] =	ssyncset.done @!p0 $0x0  }
0x2c: {  	v1 =	vmov s24;
	[sflag:s18] =	ssyncadd.s32 @!p0 $0xFFFFD800;
	s18 =	sadd.s32 @!p1 $0x5, s16  }
0x2d: {  	_ =	swait.ge @!p1 [sflag:s18], $0x2800  }
0x2e: {  	s26 =	simm.s32 $0x0;
	s28 =	smul.u32 $0xA000, s16;
	[sflag:s18] =	ssyncset.done @!p1 $0x0  }
0x2f: {  	s19 =	simm.s32 $0x0;
	s21 =	sand.u32 $0x3FFFFC00, s26;
	[sflag:s18] =	ssyncadd.s32 @!p1 $0xFFFFD800  }
0x30: {  	s20 =	sor.u32 $0x80, s19;
	v3 =	vld.idx.msk [tilespmem:v0+s21+$0x200 ss:$0x1], $0xffff  }
0x31: {  	s26 =	sshrl.u32 s28, $0x2;
	v4 =	vld.idx.msk [tilespmem:v1+s20+$0x0 ss:$0x1], $0xffff  }
0x32: {  	s18 =	sadd.s32 $0x9000, s26;
	v5 =	vld.idx.msk [tilespmem:v1+s19+$0x0 ss:$0x1], $0xffff  }
0x33: {  	v2 =	vmov s18;
	v6 =	vld.idx.msk [tilespmem:v0+s21+$0x0 ss:$0x1], $0xffff;
	_ =	sdelay $0x2  }
0x34: {  	v3 =	vadd.f32 v4, v3;
	_ =	sdelay $0x1  }
0x35: {  	[tilespmem:v2+s20+$0x0 ss:$0x1] =	vst.idx.msk $0xffff, v3;
	v3 =	vadd.f32 v5, v6  }
0x36: {  	v4 =	vld.idx.msk [tilespmem:v0+s21+$0x210 ss:$0x1], $0xffff  }
0x37: {  	v5 =	vld.idx.msk [tilespmem:v1+s20+$0x10 ss:$0x1], $0xffff;
	[tilespmem:v2+s19+$0x0 ss:$0x1] =	vst.idx.msk $0xffff, v3  }
0x38: {  	v3 =	vld.idx.msk [tilespmem:v0+s21+$0x10 ss:$0x1], $0xffff  }
0x39: {  	v6 =	vld.idx.msk [tilespmem:v1+s19+$0x10 ss:$0x1], $0xffff;
	_ =	sdelay $0x2  }
0x3a: {  	v4 =	vadd.f32 v5, v4;
	_ =	sdelay $0x1  }
0x3b: {  	[tilespmem:v2+s20+$0x10 ss:$0x1] =	vst.idx.msk $0xffff, v4;
	v3 =	vadd.f32 v6, v3  }
0x3c: {  	v4 =	vld.idx.msk [tilespmem:v0+s21+$0x280 ss:$0x1], $0xffff  }
0x3d: {  	v5 =	vld.idx.msk [tilespmem:v1+s20+$0x20 ss:$0x1], $0xffff;
	[tilespmem:v2+s19+$0x10 ss:$0x1] =	vst.idx.msk $0xffff, v3  }
0x3e: {  	v3 =	vld.idx.msk [tilespmem:v0+s21+$0x80 ss:$0x1], $0xffff  }
0x3f: {  	v6 =	vld.idx.msk [tilespmem:v1+s19+$0x20 ss:$0x1], $0xffff;
	_ =	sdelay $0x2  }
0x40: {  	v4 =	vadd.f32 v5, v4;
	_ =	sdelay $0x1  }
0x41: {  	[tilespmem:v2+s20+$0x20 ss:$0x1] =	vst.idx.msk $0xffff, v4;
	v3 =	vadd.f32 v6, v3  }
0x42: {  	v4 =	vld.idx.msk [tilespmem:v0+s21+$0x290 ss:$0x1], $0xffff  }
0x43: {  	v5 =	vld.idx.msk [tilespmem:v1+s20+$0x30 ss:$0x1], $0xffff;
	[tilespmem:v2+s19+$0x20 ss:$0x1] =	vst.idx.msk $0xffff, v3  }
0x44: {  	v3 =	vld.idx.msk [tilespmem:v0+s21+$0x90 ss:$0x1], $0xffff  }
0x45: {  	v6 =	vld.idx.msk [tilespmem:v1+s19+$0x30 ss:$0x1], $0xffff;
	_ =	sdelay $0x2  }
0x46: {  	v4 =	vadd.f32 v5, v4;
	_ =	sdelay $0x1  }
0x47: {  	[tilespmem:v2+s20+$0x30 ss:$0x1] =	vst.idx.msk $0xffff, v4;
	v3 =	vadd.f32 v6, v3  }
0x48: {  	v4 =	vld.idx.msk [tilespmem:v0+s21+$0x300 ss:$0x1], $0xffff  }
0x49: {  	v5 =	vld.idx.msk [tilespmem:v1+s20+$0x40 ss:$0x1], $0xffff;
	[tilespmem:v2+s19+$0x30 ss:$0x1] =	vst.idx.msk $0xffff, v3  }
0x4a: {  	v3 =	vld.idx.msk [tilespmem:v0+s21+$0x100 ss:$0x1], $0xffff  }
0x4b: {  	v6 =	vld.idx.msk [tilespmem:v1+s19+$0x40 ss:$0x1], $0xffff;
	_ =	sdelay $0x2  }
0x4c: {  	v4 =	vadd.f32 v5, v4;
	_ =	sdelay $0x1  }
0x4d: {  	[tilespmem:v2+s20+$0x40 ss:$0x1] =	vst.idx.msk $0xffff, v4;
	v3 =	vadd.f32 v6, v3  }
0x4e: {  	v4 =	vld.idx.msk [tilespmem:v0+s21+$0x310 ss:$0x1], $0xffff  }
0x4f: {  	v5 =	vld.idx.msk [tilespmem:v1+s20+$0x50 ss:$0x1], $0xffff;
	[tilespmem:v2+s19+$0x40 ss:$0x1] =	vst.idx.msk $0xffff, v3  }
0x50: {  	v3 =	vld.idx.msk [tilespmem:v0+s21+$0x110 ss:$0x1], $0xffff  }
0x51: {  	v6 =	vld.idx.msk [tilespmem:v1+s19+$0x50 ss:$0x1], $0xffff;
	_ =	sdelay $0x2  }
0x52: {  	v4 =	vadd.f32 v5, v4;
	_ =	sdelay $0x1  }
0x53: {  	[tilespmem:v2+s20+$0x50 ss:$0x1] =	vst.idx.msk $0xffff, v4;
	v3 =	vadd.f32 v6, v3  }
0x54: {  	v4 =	vld.idx.msk [tilespmem:v0+s21+$0x380 ss:$0x1], $0xffff  }
0x55: {  	v5 =	vld.idx.msk [tilespmem:v1+s20+$0x60 ss:$0x1], $0xffff;
	[tilespmem:v2+s19+$0x50 ss:$0x1] =	vst.idx.msk $0xffff, v3  }
0x56: {  	v3 =	vld.idx.msk [tilespmem:v0+s21+$0x180 ss:$0x1], $0xffff  }
0x57: {  	v6 =	vld.idx.msk [tilespmem:v1+s19+$0x60 ss:$0x1], $0xffff;
	_ =	sdelay $0x2  }
0x58: {  	v4 =	vadd.f32 v5, v4;
	_ =	sdelay $0x1  }
0x59: {  	[tilespmem:v2+s20+$0x60 ss:$0x1] =	vst.idx.msk $0xffff, v4;
	v3 =	vadd.f32 v6, v3  }
0x5a: {  	v4 =	vld.idx.msk [tilespmem:v0+s21+$0x390 ss:$0x1], $0xffff  }
0x5b: {  	v5 =	vld.idx.msk [tilespmem:v1+s20+$0x70 ss:$0x1], $0xffff;
	[tilespmem:v2+s19+$0x60 ss:$0x1] =	vst.idx.msk $0xffff, v3  }
0x5c: {  	v6 =	vld.idx.msk [tilespmem:v0+s21+$0x190 ss:$0x1], $0xffff  }
0x5d: {  	v7 =	vld.idx.msk [tilespmem:v1+s19+$0x70 ss:$0x1], $0xffff  }
0x5e: {  	s29 =	sor.u32 $0x4400, s25  }
0x5f: {  	v3 =	vmov s29  }
0x60: {  	v4 =	vadd.f32 v5, v4;
	_ =	sdelay $0x1  }
0x61: {  	[tilespmem:v2+s20+$0x70 ss:$0x1] =	vst.idx.msk $0xffff, v4;
	v4 =	vadd.f32 v7, v6  }
0x62: {  	v5 =	vld.idx.msk [tilespmem:v0+s21+$0x210 ss:$0x1], $0xffff  }
0x63: {  	v6 =	vld.idx.msk [tilespmem:v3+s20+$0x0 ss:$0x1], $0xffff;
	[tilespmem:v2+s19+$0x70 ss:$0x1] =	vst.idx.msk $0xffff, v4  }
0x64: {  	s30 =	sadd.s32 $0x9400, s26;
	v7 =	vld.idx.msk [tilespmem:v0+s21+$0x10 ss:$0x1], $0xffff  }
0x65: {  	v4 =	vmov s30;
	v8 =	vld.idx.msk [tilespmem:v3+s19+$0x0 ss:$0x1], $0xffff;
	_ =	sdelay $0x2  }
0x66: {  	v5 =	vadd.f32 v6, v5;
	_ =	sdelay $0x1  }
0x67: {  	[tilespmem:v4+s20+$0x0 ss:$0x1] =	vst.idx.msk $0xffff, v5;
	v5 =	vadd.f32 v8, v7  }
0x68: {  	v6 =	vld.idx.msk [tilespmem:v0+s21+$0x220 ss:$0x1], $0xffff  }
0x69: {  	v7 =	vld.idx.msk [tilespmem:v3+s20+$0x10 ss:$0x1], $0xffff;
	[tilespmem:v4+s19+$0x0 ss:$0x1] =	vst.idx.msk $0xffff, v5  }
0x6a: {  	v5 =	vld.idx.msk [tilespmem:v0+s21+$0x20 ss:$0x1], $0xffff  }
0x6b: {  	v8 =	vld.idx.msk [tilespmem:v3+s19+$0x10 ss:$0x1], $0xffff;
	_ =	sdelay $0x2  }
0x6c: {  	v6 =	vadd.f32 v7, v6;
	_ =	sdelay $0x1  }
0x6d: {  	[tilespmem:v4+s20+$0x10 ss:$0x1] =	vst.idx.msk $0xffff, v6;
	v5 =	vadd.f32 v8, v5  }
0x6e: {  	v6 =	vld.idx.msk [tilespmem:v0+s21+$0x290 ss:$0x1], $0xffff  }
0x6f: {  	v7 =	vld.idx.msk [tilespmem:v3+s20+$0x20 ss:$0x1], $0xffff;
	[tilespmem:v4+s19+$0x10 ss:$0x1] =	vst.idx.msk $0xffff, v5  }
0x70: {  	v5 =	vld.idx.msk [tilespmem:v0+s21+$0x90 ss:$0x1], $0xffff  }
0x71: {  	v8 =	vld.idx.msk [tilespmem:v3+s19+$0x20 ss:$0x1], $0xffff;
	_ =	sdelay $0x2  }
0x72: {  	v6 =	vadd.f32 v7, v6;
	_ =	sdelay $0x1  }
0x73: {  	[tilespmem:v4+s20+$0x20 ss:$0x1] =	vst.idx.msk $0xffff, v6;
	v5 =	vadd.f32 v8, v5  }
0x74: {  	v6 =	vld.idx.msk [tilespmem:v0+s21+$0x2A0 ss:$0x1], $0xffff  }
0x75: {  	v7 =	vld.idx.msk [tilespmem:v3+s20+$0x30 ss:$0x1], $0xffff;
	[tilespmem:v4+s19+$0x20 ss:$0x1] =	vst.idx.msk $0xffff, v5  }
0x76: {  	v5 =	vld.idx.msk [tilespmem:v0+s21+$0xA0 ss:$0x1], $0xffff  }
0x77: {  	v8 =	vld.idx.msk [tilespmem:v3+s19+$0x30 ss:$0x1], $0xffff;
	_ =	sdelay $0x4  }
0x78: {  	v5 =	vadd.f32 v8, v5;
	_ =	sdelay $0x1  }
0x79: {  	[tilespmem:v4+s19+$0x30 ss:$0x1] =	vst.idx.msk $0xffff, v5  }
0x7a: {  	v5 =	vld.idx.msk [tilespmem:v0+s21+$0x110 ss:$0x1], $0xffff  }
0x7b: {  	v8 =	vld.idx.msk [tilespmem:v3+s19+$0x40 ss:$0x1], $0xffff  }
0x7c: {  	v6 =	vadd.f32 v7, v6;
	_ =	sdelay $0x1  }
0x7d: {  	[tilespmem:v4+s20+$0x30 ss:$0x1] =	vst.idx.msk $0xffff, v6  }
0x7e: {  	v6 =	vld.idx.msk [tilespmem:v0+s21+$0x310 ss:$0x1], $0xffff  }
0x7f: {  	v7 =	vld.idx.msk [tilespmem:v3+s20+$0x40 ss:$0x1], $0xffff;
	v5 =	vadd.f32 v8, v5;
	_ =	sdelay $0x1  }
0x80: {  	[tilespmem:v4+s19+$0x40 ss:$0x1] =	vst.idx.msk $0xffff, v5  }
0x81: {  	v5 =	vld.idx.msk [tilespmem:v0+s21+$0x120 ss:$0x1], $0xffff  }
0x82: {  	v8 =	vld.idx.msk [tilespmem:v3+s19+$0x50 ss:$0x1], $0xffff  }
0x83: {  	v6 =	vadd.f32 v7, v6;
	_ =	sdelay $0x1  }
0x84: {  	[tilespmem:v4+s20+$0x40 ss:$0x1] =	vst.idx.msk $0xffff, v6  }
0x85: {  	v6 =	vld.idx.msk [tilespmem:v0+s21+$0x320 ss:$0x1], $0xffff  }
0x86: {  	v7 =	vld.idx.msk [tilespmem:v3+s20+$0x50 ss:$0x1], $0xffff;
	v5 =	vadd.f32 v8, v5;
	_ =	sdelay $0x1  }
0x87: {  	[tilespmem:v4+s19+$0x50 ss:$0x1] =	vst.idx.msk $0xffff, v5  }
0x88: {  	v5 =	vld.idx.msk [tilespmem:v0+s21+$0x190 ss:$0x1], $0xffff  }
0x89: {  	v8 =	vld.idx.msk [tilespmem:v3+s19+$0x60 ss:$0x1], $0xffff  }
0x8a: {  	v6 =	vadd.f32 v7, v6;
	_ =	sdelay $0x1  }
0x8b: {  	[tilespmem:v4+s20+$0x50 ss:$0x1] =	vst.idx.msk $0xffff, v6  }
0x8c: {  	v6 =	vld.idx.msk [tilespmem:v0+s21+$0x390 ss:$0x1], $0xffff  }
0x8d: {  	v7 =	vld.idx.msk [tilespmem:v3+s20+$0x60 ss:$0x1], $0xffff;
	v5 =	vadd.f32 v8, v5;
	_ =	sdelay $0x1  }
0x8e: {  	[tilespmem:v4+s19+$0x60 ss:$0x1] =	vst.idx.msk $0xffff, v5  }
0x8f: {  	v8 =	vld.idx.msk [tilespmem:v0+s21+$0x1A0 ss:$0x1], $0xffff  }
0x90: {  	v9 =	vld.idx.msk [tilespmem:v3+s19+$0x70 ss:$0x1], $0xffff  }
0x91: {  	v5 =	vadd.f32 v7, v6;
	_ =	sdelay $0x1  }
0x92: {  	s31 =	sadd.s32 $0x4800, s25;
	[tilespmem:v4+s20+$0x60 ss:$0x1] =	vst.idx.msk $0xffff, v5  }
0x93: {  	v5 =	vmov s31;
	v6 =	vld.idx.msk [tilespmem:v0+s21+$0x3A0 ss:$0x1], $0xffff  }
0x94: {  	v7 =	vld.idx.msk [tilespmem:v3+s20+$0x70 ss:$0x1], $0xffff;
	v8 =	vadd.f32 v9, v8;
	_ =	sdelay $0x1  }
0x95: {  	[tilespmem:v4+s19+$0x70 ss:$0x1] =	vst.idx.msk $0xffff, v8  }
0x96: {  	v8 =	vld.idx.msk [tilespmem:v0+s21+$0x20 ss:$0x1], $0xffff  }
0x97: {  	v9 =	vld.idx.msk [tilespmem:v5+s19+$0x0 ss:$0x1], $0xffff  }
0x98: {  	s23 =	sadd.s32 $0x9800, s26;
	v7 =	vadd.f32 v7, v6  }
0x99: {  	v6 =	vmov s23  }
0x9a: {  	[tilespmem:v4+s20+$0x70 ss:$0x1] =	vst.idx.msk $0xffff, v7  }
0x9b: {  	v7 =	vld.idx.msk [tilespmem:v0+s21+$0x220 ss:$0x1], $0xffff  }
0x9c: {  	v10 =	vld.idx.msk [tilespmem:v5+s20+$0x0 ss:$0x1], $0xffff;
	v8 =	vadd.f32 v9, v8;
	_ =	sdelay $0x1  }
0x9d: {  	[tilespmem:v6+s19+$0x0 ss:$0x1] =	vst.idx.msk $0xffff, v8  }
0x9e: {  	v8 =	vld.idx.msk [tilespmem:v0+s21+$0x30 ss:$0x1], $0xffff  }
0x9f: {  	v9 =	vld.idx.msk [tilespmem:v5+s19+$0x10 ss:$0x1], $0xffff  }
0xa0: {  	v7 =	vadd.f32 v10, v7;
	_ =	sdelay $0x1  }
0xa1: {  	[tilespmem:v6+s20+$0x0 ss:$0x1] =	vst.idx.msk $0xffff, v7  }
0xa2: {  	v7 =	vld.idx.msk [tilespmem:v0+s21+$0x230 ss:$0x1], $0xffff  }
0xa3: {  	v10 =	vld.idx.msk [tilespmem:v5+s20+$0x10 ss:$0x1], $0xffff;
	v8 =	vadd.f32 v9, v8;
	_ =	sdelay $0x1  }
0xa4: {  	[tilespmem:v6+s19+$0x10 ss:$0x1] =	vst.idx.msk $0xffff, v8  }
0xa5: {  	v8 =	vld.idx.msk [tilespmem:v0+s21+$0xA0 ss:$0x1], $0xffff  }
0xa6: {  	v9 =	vld.idx.msk [tilespmem:v5+s19+$0x20 ss:$0x1], $0xffff  }
0xa7: {  	v7 =	vadd.f32 v10, v7;
	_ =	sdelay $0x1  }
0xa8: {  	[tilespmem:v6+s20+$0x10 ss:$0x1] =	vst.idx.msk $0xffff, v7  }
0xa9: {  	v7 =	vld.idx.msk [tilespmem:v0+s21+$0x2A0 ss:$0x1], $0xffff  }
0xaa: {  	v10 =	vld.idx.msk [tilespmem:v5+s20+$0x20 ss:$0x1], $0xffff;
	v8 =	vadd.f32 v9, v8;
	_ =	sdelay $0x1  }
0xab: {  	[tilespmem:v6+s19+$0x20 ss:$0x1] =	vst.idx.msk $0xffff, v8  }
0xac: {  	v8 =	vld.idx.msk [tilespmem:v0+s21+$0xB0 ss:$0x1], $0xffff  }
0xad: {  	v9 =	vld.idx.msk [tilespmem:v5+s19+$0x30 ss:$0x1], $0xffff  }
0xae: {  	v7 =	vadd.f32 v10, v7;
	_ =	sdelay $0x1  }
0xaf: {  	[tilespmem:v6+s20+$0x20 ss:$0x1] =	vst.idx.msk $0xffff, v7  }
0xb0: {  	v7 =	vld.idx.msk [tilespmem:v0+s21+$0x2B0 ss:$0x1], $0xffff  }
0xb1: {  	v10 =	vld.idx.msk [tilespmem:v5+s20+$0x30 ss:$0x1], $0xffff;
	v8 =	vadd.f32 v9, v8;
	_ =	sdelay $0x1  }
0xb2: {  	[tilespmem:v6+s19+$0x30 ss:$0x1] =	vst.idx.msk $0xffff, v8  }
0xb3: {  	v8 =	vld.idx.msk [tilespmem:v0+s21+$0x120 ss:$0x1], $0xffff  }
0xb4: {  	v9 =	vld.idx.msk [tilespmem:v5+s19+$0x40 ss:$0x1], $0xffff  }
0xb5: {  	v7 =	vadd.f32 v10, v7;
	_ =	sdelay $0x1  }
0xb6: {  	[tilespmem:v6+s20+$0x30 ss:$0x1] =	vst.idx.msk $0xffff, v7  }
0xb7: {  	v7 =	vld.idx.msk [tilespmem:v0+s21+$0x320 ss:$0x1], $0xffff  }
0xb8: {  	v10 =	vld.idx.msk [tilespmem:v5+s20+$0x40 ss:$0x1], $0xffff;
	v8 =	vadd.f32 v9, v8;
	_ =	sdelay $0x1  }
0xb9: {  	[tilespmem:v6+s19+$0x40 ss:$0x1] =	vst.idx.msk $0xffff, v8  }
0xba: {  	v8 =	vld.idx.msk [tilespmem:v0+s21+$0x130 ss:$0x1], $0xffff  }
0xbb: {  	v9 =	vld.idx.msk [tilespmem:v5+s19+$0x50 ss:$0x1], $0xffff  }
0xbc: {  	v7 =	vadd.f32 v10, v7;
	_ =	sdelay $0x1  }
0xbd: {  	[tilespmem:v6+s20+$0x40 ss:$0x1] =	vst.idx.msk $0xffff, v7  }
0xbe: {  	v7 =	vld.idx.msk [tilespmem:v0+s21+$0x330 ss:$0x1], $0xffff  }
0xbf: {  	v10 =	vld.idx.msk [tilespmem:v5+s20+$0x50 ss:$0x1], $0xffff;
	v8 =	vadd.f32 v9, v8;
	_ =	sdelay $0x1  }
0xc0: {  	[tilespmem:v6+s19+$0x50 ss:$0x1] =	vst.idx.msk $0xffff, v8  }
0xc1: {  	v8 =	vld.idx.msk [tilespmem:v0+s21+$0x1A0 ss:$0x1], $0xffff  }
0xc2: {  	v9 =	vld.idx.msk [tilespmem:v5+s19+$0x60 ss:$0x1], $0xffff  }
0xc3: {  	v7 =	vadd.f32 v10, v7;
	_ =	sdelay $0x1  }
0xc4: {  	[tilespmem:v6+s20+$0x50 ss:$0x1] =	vst.idx.msk $0xffff, v7  }
0xc5: {  	v7 =	vld.idx.msk [tilespmem:v0+s21+$0x3A0 ss:$0x1], $0xffff  }
0xc6: {  	v10 =	vld.idx.msk [tilespmem:v5+s20+$0x60 ss:$0x1], $0xffff;
	v8 =	vadd.f32 v9, v8;
	_ =	sdelay $0x1  }
0xc7: {  	[tilespmem:v6+s19+$0x60 ss:$0x1] =	vst.idx.msk $0xffff, v8  }
0xc8: {  	v8 =	vld.idx.msk [tilespmem:v0+s21+$0x1B0 ss:$0x1], $0xffff  }
0xc9: {  	v9 =	vld.idx.msk [tilespmem:v5+s19+$0x70 ss:$0x1], $0xffff  }
0xca: {  	v7 =	vadd.f32 v10, v7;
	_ =	sdelay $0x1  }
0xcb: {  	s24 =	sadd.s32 $0x4C00, s25;
	[tilespmem:v6+s20+$0x60 ss:$0x1] =	vst.idx.msk $0xffff, v7  }
0xcc: {  	v7 =	vmov s24;
	v10 =	vld.idx.msk [tilespmem:v0+s21+$0x3B0 ss:$0x1], $0xffff  }
0xcd: {  	v11 =	vld.idx.msk [tilespmem:v5+s20+$0x70 ss:$0x1], $0xffff;
	v8 =	vadd.f32 v9, v8;
	_ =	sdelay $0x1  }
0xce: {  	[tilespmem:v6+s19+$0x70 ss:$0x1] =	vst.idx.msk $0xffff, v8  }
0xcf: {  	v9 =	vld.idx.msk [tilespmem:v0+s21+$0x30 ss:$0x1], $0xffff  }
0xd0: {  	v12 =	vld.idx.msk [tilespmem:v7+s19+$0x0 ss:$0x1], $0xffff  }
0xd1: {  	s28 =	sadd.s32 $0x9C00, s26;
	v10 =	vadd.f32 v11, v10  }
0xd2: {  	v8 =	vmov s28  }
0xd3: {  	[tilespmem:v6+s20+$0x70 ss:$0x1] =	vst.idx.msk $0xffff, v10  }
0xd4: {  	v10 =	vld.idx.msk [tilespmem:v0+s21+$0x230 ss:$0x1], $0xffff  }
0xd5: {  	v11 =	vld.idx.msk [tilespmem:v7+s20+$0x0 ss:$0x1], $0xffff;
	v9 =	vadd.f32 v12, v9;
	_ =	sdelay $0x1  }
0xd6: {  	[tilespmem:v8+s19+$0x0 ss:$0x1] =	vst.idx.msk $0xffff, v9  }
0xd7: {  	v9 =	vld.idx.msk [tilespmem:v0+s21+$0x40 ss:$0x1], $0xffff  }
0xd8: {  	v12 =	vld.idx.msk [tilespmem:v7+s19+$0x10 ss:$0x1], $0xffff  }
0xd9: {  	v10 =	vadd.f32 v11, v10;
	_ =	sdelay $0x1  }
0xda: {  	[tilespmem:v8+s20+$0x0 ss:$0x1] =	vst.idx.msk $0xffff, v10  }
0xdb: {  	v10 =	vld.idx.msk [tilespmem:v0+s21+$0x240 ss:$0x1], $0xffff  }
0xdc: {  	v11 =	vld.idx.msk [tilespmem:v7+s20+$0x10 ss:$0x1], $0xffff;
	v9 =	vadd.f32 v12, v9;
	_ =	sdelay $0x1  }
0xdd: {  	[tilespmem:v8+s19+$0x10 ss:$0x1] =	vst.idx.msk $0xffff, v9  }
0xde: {  	v9 =	vld.idx.msk [tilespmem:v0+s21+$0xB0 ss:$0x1], $0xffff  }
0xdf: {  	v12 =	vld.idx.msk [tilespmem:v7+s19+$0x20 ss:$0x1], $0xffff  }
0xe0: {  	v10 =	vadd.f32 v11, v10;
	_ =	sdelay $0x1  }
0xe1: {  	[tilespmem:v8+s20+$0x10 ss:$0x1] =	vst.idx.msk $0xffff, v10  }
0xe2: {  	v10 =	vld.idx.msk [tilespmem:v0+s21+$0x2B0 ss:$0x1], $0xffff  }
0xe3: {  	v11 =	vld.idx.msk [tilespmem:v7+s20+$0x20 ss:$0x1], $0xffff;
	v9 =	vadd.f32 v12, v9;
	_ =	sdelay $0x1  }
0xe4: {  	[tilespmem:v8+s19+$0x20 ss:$0x1] =	vst.idx.msk $0xffff, v9  }
0xe5: {  	v9 =	vld.idx.msk [tilespmem:v0+s21+$0xC0 ss:$0x1], $0xffff  }
0xe6: {  	v12 =	vld.idx.msk [tilespmem:v7+s19+$0x30 ss:$0x1], $0xffff  }
0xe7: {  	v10 =	vadd.f32 v11, v10;
	_ =	sdelay $0x1  }
0xe8: {  	[tilespmem:v8+s20+$0x20 ss:$0x1] =	vst.idx.msk $0xffff, v10  }
0xe9: {  	v10 =	vld.idx.msk [tilespmem:v0+s21+$0x2C0 ss:$0x1], $0xffff  }
0xea: {  	v11 =	vld.idx.msk [tilespmem:v7+s20+$0x30 ss:$0x1], $0xffff;
	v9 =	vadd.f32 v12, v9;
	_ =	sdelay $0x1  }
0xeb: {  	[tilespmem:v8+s19+$0x30 ss:$0x1] =	vst.idx.msk $0xffff, v9  }
0xec: {  	v9 =	vld.idx.msk [tilespmem:v0+s21+$0x130 ss:$0x1], $0xffff  }
0xed: {  	v12 =	vld.idx.msk [tilespmem:v7+s19+$0x40 ss:$0x1], $0xffff  }
0xee: {  	v10 =	vadd.f32 v11, v10;
	_ =	sdelay $0x1  }
0xef: {  	[tilespmem:v8+s20+$0x30 ss:$0x1] =	vst.idx.msk $0xffff, v10  }
0xf0: {  	v10 =	vld.idx.msk [tilespmem:v0+s21+$0x330 ss:$0x1], $0xffff  }
0xf1: {  	v11 =	vld.idx.msk [tilespmem:v7+s20+$0x40 ss:$0x1], $0xffff;
	v9 =	vadd.f32 v12, v9;
	_ =	sdelay $0x1  }
0xf2: {  	[tilespmem:v8+s19+$0x40 ss:$0x1] =	vst.idx.msk $0xffff, v9  }
0xf3: {  	v9 =	vld.idx.msk [tilespmem:v0+s21+$0x140 ss:$0x1], $0xffff  }
0xf4: {  	v12 =	vld.idx.msk [tilespmem:v7+s19+$0x50 ss:$0x1], $0xffff  }
0xf5: {  	v10 =	vadd.f32 v11, v10;
	_ =	sdelay $0x1  }
0xf6: {  	[tilespmem:v8+s20+$0x40 ss:$0x1] =	vst.idx.msk $0xffff, v10  }
0xf7: {  	v10 =	vld.idx.msk [tilespmem:v0+s21+$0x340 ss:$0x1], $0xffff  }
0xf8: {  	v11 =	vld.idx.msk [tilespmem:v7+s20+$0x50 ss:$0x1], $0xffff;
	v9 =	vadd.f32 v12, v9;
	_ =	sdelay $0x1  }
0xf9: {  	[tilespmem:v8+s19+$0x50 ss:$0x1] =	vst.idx.msk $0xffff, v9  }
0xfa: {  	v9 =	vld.idx.msk [tilespmem:v0+s21+$0x1B0 ss:$0x1], $0xffff  }
0xfb: {  	v12 =	vld.idx.msk [tilespmem:v7+s19+$0x60 ss:$0x1], $0xffff  }
0xfc: {  	v10 =	vadd.f32 v11, v10;
	_ =	sdelay $0x1  }
0xfd: {  	[tilespmem:v8+s20+$0x50 ss:$0x1] =	vst.idx.msk $0xffff, v10  }
0xfe: {  	v10 =	vld.idx.msk [tilespmem:v0+s21+$0x3B0 ss:$0x1], $0xffff  }
0xff: {  	v11 =	vld.idx.msk [tilespmem:v7+s20+$0x60 ss:$0x1], $0xffff;
	v9 =	vadd.f32 v12, v9;
	_ =	sdelay $0x1  }
0x100: {  	[tilespmem:v8+s19+$0x60 ss:$0x1] =	vst.idx.msk $0xffff, v9  }
0x101: {  	v12 =	vld.idx.msk [tilespmem:v0+s21+$0x1C0 ss:$0x1], $0xffff  }
0x102: {  	s29 =	simm.s32 $0x800;
	v13 =	vld.idx.msk [tilespmem:v7+s19+$0x70 ss:$0x1], $0xffff  }
0x103: {  	s22 =	simm.s32 $0x100;
	s24 =	sand.u32 $0x3FFFFC00, s29;
	v9 =	vadd.f32 v11, v10  }
0x104: {  	s23 =	sor.u32 $0x80, s22;
	v10 =	vld.idx.msk [tilespmem:v0+s24+$0x200 ss:$0x1], $0xffff  }
0x105: {  	s28 =	sor.u32 $0x5000, s25;
	v11 =	vld.idx.msk [tilespmem:v1+s23+$0x0 ss:$0x1], $0xffff;
	[tilespmem:v8+s20+$0x60 ss:$0x1] =	vst.idx.msk $0xffff, v9  }
0x106: {  	v9 =	vmov s28;
	v14 =	vld.idx.msk [tilespmem:v0+s21+$0x3C0 ss:$0x1], $0xffff  }
0x107: {  	v15 =	vld.idx.msk [tilespmem:v7+s20+$0x70 ss:$0x1], $0xffff;
	v12 =	vadd.f32 v13, v12  }
0x108: {  	v13 =	vld.idx.msk [tilespmem:v1+s22+$0x0 ss:$0x1], $0xffff  }
0x109: {  	[tilespmem:v8+s19+$0x70 ss:$0x1] =	vst.idx.msk $0xffff, v12;
	v12 =	vld.idx.msk [tilespmem:v0+s24+$0x0 ss:$0x1], $0xffff  }
0x10a: {  	v10 =	vadd.f32 v11, v10;
	v16 =	vld.idx.msk [tilespmem:v0+s21+$0x40 ss:$0x1], $0xffff  }
0x10b: {  	v11 =	vld.idx.msk [tilespmem:v9+s19+$0x0 ss:$0x1], $0xffff  }
0x10c: {  	s30 =	sadd.s32 $0xA000, s26;
	[tilespmem:v2+s23+$0x0 ss:$0x1] =	vst.idx.msk $0xffff, v10;
	v14 =	vadd.f32 v15, v14  }
0x10d: {  	v10 =	vmov s30;
	v15 =	vld.idx.msk [tilespmem:v0+s24+$0x210 ss:$0x1], $0xffff  }
0x10e: {  	[tilespmem:v8+s20+$0x70 ss:$0x1] =	vst.idx.msk $0xffff, v14;
	v12 =	vadd.f32 v13, v12;
	v13 =	vld.idx.msk [tilespmem:v1+s23+$0x10 ss:$0x1], $0xffff  }
0x10f: {  	v14 =	vld.idx.msk [tilespmem:v0+s21+$0x240 ss:$0x1], $0xffff  }
0x110: {  	v17 =	vld.idx.msk [tilespmem:v9+s20+$0x0 ss:$0x1], $0xffff;
	v11 =	vadd.f32 v11, v16;
	[tilespmem:v2+s22+$0x0 ss:$0x1] =	vst.idx.msk $0xffff, v12  }
0x111: {  	v12 =	vld.idx.msk [tilespmem:v0+s24+$0x10 ss:$0x1], $0xffff  }
0x112: {  	[tilespmem:v10+s19+$0x0 ss:$0x1] =	vst.idx.msk $0xffff, v11;
	v11 =	vld.idx.msk [tilespmem:v1+s22+$0x10 ss:$0x1], $0xffff  }
0x113: {  	v16 =	vld.idx.msk [tilespmem:v9+s19+$0x10 ss:$0x1], $0xffff;
	v13 =	vadd.f32 v13, v15  }
0x114: {  	v15 =	vld.idx.msk [tilespmem:v0+s21+$0x50 ss:$0x1], $0xffff  }
0x115: {  	v14 =	vadd.f32 v17, v14;
	[tilespmem:v2+s23+$0x10 ss:$0x1] =	vst.idx.msk $0xffff, v13  }
0x116: {  	v13 =	vld.idx.msk [tilespmem:v0+s24+$0x280 ss:$0x1], $0xffff  }
0x117: {  	[tilespmem:v10+s20+$0x0 ss:$0x1] =	vst.idx.msk $0xffff, v14;
	v14 =	vld.idx.msk [tilespmem:v1+s23+$0x20 ss:$0x1], $0xffff;
	v11 =	vadd.f32 v11, v12  }
0x118: {  	v17 =	vld.idx.msk [tilespmem:v9+s20+$0x10 ss:$0x1], $0xffff  }
0x119: {  	v12 =	vld.idx.msk [tilespmem:v0+s21+$0x250 ss:$0x1], $0xffff;
	[tilespmem:v2+s22+$0x10 ss:$0x1] =	vst.idx.msk $0xffff, v11;
	v11 =	vadd.f32 v16, v15  }
0x11a: {  	v15 =	vld.idx.msk [tilespmem:v0+s24+$0x80 ss:$0x1], $0xffff  }
0x11b: {  	v16 =	vld.idx.msk [tilespmem:v1+s22+$0x20 ss:$0x1], $0xffff;
	[tilespmem:v10+s19+$0x10 ss:$0x1] =	vst.idx.msk $0xffff, v11  }
0x11c: {  	v11 =	vadd.f32 v14, v13;
	v13 =	vld.idx.msk [tilespmem:v0+s21+$0xC0 ss:$0x1], $0xffff  }
0x11d: {  	v14 =	vld.idx.msk [tilespmem:v9+s19+$0x20 ss:$0x1], $0xffff  }
0x11e: {  	v12 =	vadd.f32 v17, v12;
	[tilespmem:v2+s23+$0x20 ss:$0x1] =	vst.idx.msk $0xffff, v11  }
0x11f: {  	v11 =	vld.idx.msk [tilespmem:v0+s24+$0x290 ss:$0x1], $0xffff  }
0x120: {  	[tilespmem:v10+s20+$0x10 ss:$0x1] =	vst.idx.msk $0xffff, v12;
	v12 =	vld.idx.msk [tilespmem:v1+s23+$0x30 ss:$0x1], $0xffff;
	v15 =	vadd.f32 v16, v15  }
0x121: {  	v16 =	vld.idx.msk [tilespmem:v0+s21+$0x2C0 ss:$0x1], $0xffff  }
0x122: {  	v17 =	vld.idx.msk [tilespmem:v9+s20+$0x20 ss:$0x1], $0xffff;
	[tilespmem:v2+s22+$0x20 ss:$0x1] =	vst.idx.msk $0xffff, v15;
	v13 =	vadd.f32 v14, v13  }
0x123: {  	v14 =	vld.idx.msk [tilespmem:v0+s24+$0x90 ss:$0x1], $0xffff  }
0x124: {  	v15 =	vld.idx.msk [tilespmem:v1+s22+$0x30 ss:$0x1], $0xffff;
	[tilespmem:v10+s19+$0x20 ss:$0x1] =	vst.idx.msk $0xffff, v13  }
0x125: {  	v11 =	vadd.f32 v12, v11;
	v12 =	vld.idx.msk [tilespmem:v0+s21+$0xD0 ss:$0x1], $0xffff  }
0x126: {  	v13 =	vld.idx.msk [tilespmem:v9+s19+$0x30 ss:$0x1], $0xffff  }
0x127: {  	v16 =	vadd.f32 v17, v16;
	[tilespmem:v2+s23+$0x30 ss:$0x1] =	vst.idx.msk $0xffff, v11  }
0x128: {  	v11 =	vld.idx.msk [tilespmem:v0+s24+$0x300 ss:$0x1], $0xffff  }
0x129: {  	[tilespmem:v10+s20+$0x20 ss:$0x1] =	vst.idx.msk $0xffff, v16;
	v16 =	vld.idx.msk [tilespmem:v1+s23+$0x40 ss:$0x1], $0xffff;
	v14 =	vadd.f32 v15, v14  }
0x12a: {  	v15 =	vld.idx.msk [tilespmem:v0+s21+$0x2D0 ss:$0x1], $0xffff  }
0x12b: {  	v17 =	vld.idx.msk [tilespmem:v9+s20+$0x30 ss:$0x1], $0xffff;
	[tilespmem:v2+s22+$0x30 ss:$0x1] =	vst.idx.msk $0xffff, v14;
	v12 =	vadd.f32 v13, v12  }
0x12c: {  	v13 =	vld.idx.msk [tilespmem:v0+s24+$0x100 ss:$0x1], $0xffff  }
0x12d: {  	v14 =	vld.idx.msk [tilespmem:v1+s22+$0x40 ss:$0x1], $0xffff;
	[tilespmem:v10+s19+$0x30 ss:$0x1] =	vst.idx.msk $0xffff, v12  }
0x12e: {  	v11 =	vadd.f32 v16, v11;
	v12 =	vld.idx.msk [tilespmem:v0+s21+$0x140 ss:$0x1], $0xffff  }
0x12f: {  	v16 =	vld.idx.msk [tilespmem:v9+s19+$0x40 ss:$0x1], $0xffff  }
0x130: {  	v15 =	vadd.f32 v17, v15;
	[tilespmem:v2+s23+$0x40 ss:$0x1] =	vst.idx.msk $0xffff, v11  }
0x131: {  	v11 =	vld.idx.msk [tilespmem:v0+s24+$0x310 ss:$0x1], $0xffff  }
0x132: {  	[tilespmem:v10+s20+$0x30 ss:$0x1] =	vst.idx.msk $0xffff, v15;
	v15 =	vld.idx.msk [tilespmem:v1+s23+$0x50 ss:$0x1], $0xffff;
	v13 =	vadd.f32 v14, v13  }
0x133: {  	v14 =	vld.idx.msk [tilespmem:v0+s21+$0x340 ss:$0x1], $0xffff  }
0x134: {  	v17 =	vld.idx.msk [tilespmem:v9+s20+$0x40 ss:$0x1], $0xffff;
	[tilespmem:v2+s22+$0x40 ss:$0x1] =	vst.idx.msk $0xffff, v13;
	v12 =	vadd.f32 v16, v12  }
0x135: {  	v13 =	vld.idx.msk [tilespmem:v0+s24+$0x110 ss:$0x1], $0xffff  }
0x136: {  	v16 =	vld.idx.msk [tilespmem:v1+s22+$0x50 ss:$0x1], $0xffff;
	[tilespmem:v10+s19+$0x40 ss:$0x1] =	vst.idx.msk $0xffff, v12  }
0x137: {  	v11 =	vadd.f32 v15, v11;
	v12 =	vld.idx.msk [tilespmem:v0+s21+$0x150 ss:$0x1], $0xffff  }
0x138: {  	v15 =	vld.idx.msk [tilespmem:v9+s19+$0x50 ss:$0x1], $0xffff  }
0x139: {  	v14 =	vadd.f32 v17, v14;
	[tilespmem:v2+s23+$0x50 ss:$0x1] =	vst.idx.msk $0xffff, v11  }
0x13a: {  	v11 =	vld.idx.msk [tilespmem:v0+s24+$0x380 ss:$0x1], $0xffff  }
0x13b: {  	[tilespmem:v10+s20+$0x40 ss:$0x1] =	vst.idx.msk $0xffff, v14;
	v14 =	vld.idx.msk [tilespmem:v1+s23+$0x60 ss:$0x1], $0xffff;
	v13 =	vadd.f32 v16, v13  }
0x13c: {  	v16 =	vld.idx.msk [tilespmem:v0+s21+$0x350 ss:$0x1], $0xffff  }
0x13d: {  	v17 =	vld.idx.msk [tilespmem:v9+s20+$0x50 ss:$0x1], $0xffff;
	[tilespmem:v2+s22+$0x50 ss:$0x1] =	vst.idx.msk $0xffff, v13;
	v12 =	vadd.f32 v15, v12  }
0x13e: {  	v13 =	vld.idx.msk [tilespmem:v0+s24+$0x180 ss:$0x1], $0xffff  }
0x13f: {  	v15 =	vld.idx.msk [tilespmem:v1+s22+$0x60 ss:$0x1], $0xffff;
	[tilespmem:v10+s19+$0x50 ss:$0x1] =	vst.idx.msk $0xffff, v12  }
0x140: {  	v11 =	vadd.f32 v14, v11;
	v12 =	vld.idx.msk [tilespmem:v0+s21+$0x1C0 ss:$0x1], $0xffff  }
0x141: {  	v14 =	vld.idx.msk [tilespmem:v9+s19+$0x60 ss:$0x1], $0xffff  }
0x142: {  	v16 =	vadd.f32 v17, v16;
	[tilespmem:v2+s23+$0x60 ss:$0x1] =	vst.idx.msk $0xffff, v11  }
0x143: {  	v11 =	vld.idx.msk [tilespmem:v0+s24+$0x390 ss:$0x1], $0xffff  }
0x144: {  	[tilespmem:v10+s20+$0x50 ss:$0x1] =	vst.idx.msk $0xffff, v16;
	v16 =	vld.idx.msk [tilespmem:v1+s23+$0x70 ss:$0x1], $0xffff;
	v13 =	vadd.f32 v15, v13  }
0x145: {  	v15 =	vld.idx.msk [tilespmem:v0+s21+$0x3C0 ss:$0x1], $0xffff  }
0x146: {  	v17 =	vld.idx.msk [tilespmem:v9+s20+$0x60 ss:$0x1], $0xffff;
	[tilespmem:v2+s22+$0x60 ss:$0x1] =	vst.idx.msk $0xffff, v13;
	v12 =	vadd.f32 v14, v12  }
0x147: {  	v13 =	vld.idx.msk [tilespmem:v0+s24+$0x190 ss:$0x1], $0xffff  }
0x148: {  	v14 =	vld.idx.msk [tilespmem:v1+s22+$0x70 ss:$0x1], $0xffff;
	[tilespmem:v10+s19+$0x60 ss:$0x1] =	vst.idx.msk $0xffff, v12  }
0x149: {  	v11 =	vadd.f32 v16, v11;
	v16 =	vld.idx.msk [tilespmem:v0+s21+$0x1D0 ss:$0x1], $0xffff  }
0x14a: {  	v18 =	vld.idx.msk [tilespmem:v9+s19+$0x70 ss:$0x1], $0xffff  }
0x14b: {  	v12 =	vadd.f32 v17, v15;
	[tilespmem:v2+s23+$0x70 ss:$0x1] =	vst.idx.msk $0xffff, v11  }
0x14c: {  	v11 =	vld.idx.msk [tilespmem:v0+s24+$0x210 ss:$0x1], $0xffff  }
0x14d: {  	s31 =	sor.u32 $0x5400, s25;
	[tilespmem:v10+s20+$0x60 ss:$0x1] =	vst.idx.msk $0xffff, v12;
	v15 =	vld.idx.msk [tilespmem:v3+s23+$0x0 ss:$0x1], $0xffff;
	v13 =	vadd.f32 v14, v13  }
0x14e: {  	v12 =	vmov s31;
	v14 =	vld.idx.msk [tilespmem:v0+s21+$0x3D0 ss:$0x1], $0xffff  }
0x14f: {  	v17 =	vld.idx.msk [tilespmem:v9+s20+$0x70 ss:$0x1], $0xffff;
	[tilespmem:v2+s22+$0x70 ss:$0x1] =	vst.idx.msk $0xffff, v13;
	v13 =	vadd.f32 v18, v16  }
0x150: {  	v16 =	vld.idx.msk [tilespmem:v0+s24+$0x10 ss:$0x1], $0xffff  }
0x151: {  	v18 =	vld.idx.msk [tilespmem:v3+s22+$0x0 ss:$0x1], $0xffff;
	[tilespmem:v10+s19+$0x70 ss:$0x1] =	vst.idx.msk $0xffff, v13  }
0x152: {  	v11 =	vadd.f32 v15, v11;
	v13 =	vld.idx.msk [tilespmem:v0+s21+$0x50 ss:$0x1], $0xffff  }
0x153: {  	v15 =	vld.idx.msk [tilespmem:v12+s19+$0x0 ss:$0x1], $0xffff  }
0x154: {  	s29 =	sadd.s32 $0xA400, s26;
	v17 =	vadd.f32 v17, v14;
	[tilespmem:v4+s23+$0x0 ss:$0x1] =	vst.idx.msk $0xffff, v11  }
0x155: {  	v14 =	vmov s29;
	v11 =	vld.idx.msk [tilespmem:v0+s24+$0x220 ss:$0x1], $0xffff  }
0x156: {  	[tilespmem:v10+s20+$0x70 ss:$0x1] =	vst.idx.msk $0xffff, v17;
	v17 =	vld.idx.msk [tilespmem:v3+s23+$0x10 ss:$0x1], $0xffff;
	v16 =	vadd.f32 v18, v16  }
0x157: {  	v18 =	vld.idx.msk [tilespmem:v0+s21+$0x250 ss:$0x1], $0xffff  }
0x158: {  	v19 =	vld.idx.msk [tilespmem:v12+s20+$0x0 ss:$0x1], $0xffff;
	[tilespmem:v4+s22+$0x0 ss:$0x1] =	vst.idx.msk $0xffff, v16;
	v13 =	vadd.f32 v15, v13  }
0x159: {  	v15 =	vld.idx.msk [tilespmem:v0+s24+$0x20 ss:$0x1], $0xffff  }
0x15a: {  	v16 =	vld.idx.msk [tilespmem:v3+s22+$0x10 ss:$0x1], $0xffff;
	[tilespmem:v14+s19+$0x0 ss:$0x1] =	vst.idx.msk $0xffff, v13  }
0x15b: {  	v11 =	vadd.f32 v17, v11;
	v13 =	vld.idx.msk [tilespmem:v0+s21+$0x60 ss:$0x1], $0xffff  }
0x15c: {  	v17 =	vld.idx.msk [tilespmem:v12+s19+$0x10 ss:$0x1], $0xffff  }
0x15d: {  	v18 =	vadd.f32 v19, v18;
	[tilespmem:v4+s23+$0x10 ss:$0x1] =	vst.idx.msk $0xffff, v11  }
0x15e: {  	v11 =	vld.idx.msk [tilespmem:v0+s24+$0x290 ss:$0x1], $0xffff  }
0x15f: {  	[tilespmem:v14+s20+$0x0 ss:$0x1] =	vst.idx.msk $0xffff, v18;
	v18 =	vld.idx.msk [tilespmem:v3+s23+$0x20 ss:$0x1], $0xffff;
	v15 =	vadd.f32 v16, v15  }
0x160: {  	v16 =	vld.idx.msk [tilespmem:v0+s21+$0x260 ss:$0x1], $0xffff  }
0x161: {  	v19 =	vld.idx.msk [tilespmem:v12+s20+$0x10 ss:$0x1], $0xffff;
	[tilespmem:v4+s22+$0x10 ss:$0x1] =	vst.idx.msk $0xffff, v15;
	v13 =	vadd.f32 v17, v13  }
0x162: {  	v15 =	vld.idx.msk [tilespmem:v0+s24+$0x90 ss:$0x1], $0xffff  }
0x163: {  	v17 =	vld.idx.msk [tilespmem:v3+s22+$0x20 ss:$0x1], $0xffff;
	[tilespmem:v14+s19+$0x10 ss:$0x1] =	vst.idx.msk $0xffff, v13  }
0x164: {  	v11 =	vadd.f32 v18, v11;
	v13 =	vld.idx.msk [tilespmem:v0+s21+$0xD0 ss:$0x1], $0xffff  }
0x165: {  	v18 =	vld.idx.msk [tilespmem:v12+s19+$0x20 ss:$0x1], $0xffff  }
0x166: {  	v16 =	vadd.f32 v19, v16;
	[tilespmem:v4+s23+$0x20 ss:$0x1] =	vst.idx.msk $0xffff, v11  }
0x167: {  	v11 =	vld.idx.msk [tilespmem:v0+s24+$0x2A0 ss:$0x1], $0xffff  }
0x168: {  	[tilespmem:v14+s20+$0x10 ss:$0x1] =	vst.idx.msk $0xffff, v16;
	v16 =	vld.idx.msk [tilespmem:v3+s23+$0x30 ss:$0x1], $0xffff;
	v15 =	vadd.f32 v17, v15  }
0x169: {  	v17 =	vld.idx.msk [tilespmem:v0+s21+$0x2D0 ss:$0x1], $0xffff  }
0x16a: {  	v19 =	vld.idx.msk [tilespmem:v12+s20+$0x20 ss:$0x1], $0xffff;
	[tilespmem:v4+s22+$0x20 ss:$0x1] =	vst.idx.msk $0xffff, v15;
	v13 =	vadd.f32 v18, v13  }
0x16b: {  	v15 =	vld.idx.msk [tilespmem:v0+s24+$0xA0 ss:$0x1], $0xffff  }
0x16c: {  	v18 =	vld.idx.msk [tilespmem:v3+s22+$0x30 ss:$0x1], $0xffff;
	[tilespmem:v14+s19+$0x20 ss:$0x1] =	vst.idx.msk $0xffff, v13  }
0x16d: {  	v11 =	vadd.f32 v16, v11;
	v13 =	vld.idx.msk [tilespmem:v0+s21+$0xE0 ss:$0x1], $0xffff  }
0x16e: {  	v16 =	vld.idx.msk [tilespmem:v12+s19+$0x30 ss:$0x1], $0xffff  }
0x16f: {  	v17 =	vadd.f32 v19, v17;
	[tilespmem:v4+s23+$0x30 ss:$0x1] =	vst.idx.msk $0xffff, v11  }
0x170: {  	v11 =	vld.idx.msk [tilespmem:v0+s24+$0x310 ss:$0x1], $0xffff  }
0x171: {  	[tilespmem:v14+s20+$0x20 ss:$0x1] =	vst.idx.msk $0xffff, v17;
	v17 =	vld.idx.msk [tilespmem:v3+s23+$0x40 ss:$0x1], $0xffff;
	v15 =	vadd.f32 v18, v15  }
0x172: {  	v18 =	vld.idx.msk [tilespmem:v0+s21+$0x2E0 ss:$0x1], $0xffff  }
0x173: {  	v19 =	vld.idx.msk [tilespmem:v12+s20+$0x30 ss:$0x1], $0xffff;
	[tilespmem:v4+s22+$0x30 ss:$0x1] =	vst.idx.msk $0xffff, v15;
	v13 =	vadd.f32 v16, v13  }
0x174: {  	v15 =	vld.idx.msk [tilespmem:v0+s24+$0x110 ss:$0x1], $0xffff  }
0x175: {  	v16 =	vld.idx.msk [tilespmem:v3+s22+$0x40 ss:$0x1], $0xffff;
	[tilespmem:v14+s19+$0x30 ss:$0x1] =	vst.idx.msk $0xffff, v13  }
0x176: {  	v11 =	vadd.f32 v17, v11;
	v13 =	vld.idx.msk [tilespmem:v0+s21+$0x150 ss:$0x1], $0xffff  }
0x177: {  	v17 =	vld.idx.msk [tilespmem:v12+s19+$0x40 ss:$0x1], $0xffff  }
0x178: {  	v18 =	vadd.f32 v19, v18;
	[tilespmem:v4+s23+$0x40 ss:$0x1] =	vst.idx.msk $0xffff, v11  }
0x179: {  	v11 =	vld.idx.msk [tilespmem:v0+s24+$0x320 ss:$0x1], $0xffff  }
0x17a: {  	[tilespmem:v14+s20+$0x30 ss:$0x1] =	vst.idx.msk $0xffff, v18;
	v18 =	vld.idx.msk [tilespmem:v3+s23+$0x50 ss:$0x1], $0xffff;
	v15 =	vadd.f32 v16, v15  }
0x17b: {  	v16 =	vld.idx.msk [tilespmem:v0+s21+$0x350 ss:$0x1], $0xffff  }
0x17c: {  	v19 =	vld.idx.msk [tilespmem:v12+s20+$0x40 ss:$0x1], $0xffff;
	[tilespmem:v4+s22+$0x40 ss:$0x1] =	vst.idx.msk $0xffff, v15;
	v13 =	vadd.f32 v17, v13  }
0x17d: {  	v15 =	vld.idx.msk [tilespmem:v0+s24+$0x120 ss:$0x1], $0xffff  }
0x17e: {  	v17 =	vld.idx.msk [tilespmem:v3+s22+$0x50 ss:$0x1], $0xffff;
	[tilespmem:v14+s19+$0x40 ss:$0x1] =	vst.idx.msk $0xffff, v13  }
0x17f: {  	v11 =	vadd.f32 v18, v11;
	v13 =	vld.idx.msk [tilespmem:v0+s21+$0x160 ss:$0x1], $0xffff  }
0x180: {  	v18 =	vld.idx.msk [tilespmem:v12+s19+$0x50 ss:$0x1], $0xffff  }
0x181: {  	v16 =	vadd.f32 v19, v16;
	[tilespmem:v4+s23+$0x50 ss:$0x1] =	vst.idx.msk $0xffff, v11  }
0x182: {  	v11 =	vld.idx.msk [tilespmem:v0+s24+$0x390 ss:$0x1], $0xffff  }
0x183: {  	[tilespmem:v14+s20+$0x40 ss:$0x1] =	vst.idx.msk $0xffff, v16;
	v16 =	vld.idx.msk [tilespmem:v3+s23+$0x60 ss:$0x1], $0xffff;
	v15 =	vadd.f32 v17, v15  }
0x184: {  	v17 =	vld.idx.msk [tilespmem:v0+s21+$0x360 ss:$0x1], $0xffff  }
0x185: {  	v19 =	vld.idx.msk [tilespmem:v12+s20+$0x50 ss:$0x1], $0xffff;
	[tilespmem:v4+s22+$0x50 ss:$0x1] =	vst.idx.msk $0xffff, v15;
	v13 =	vadd.f32 v18, v13  }
0x186: {  	v15 =	vld.idx.msk [tilespmem:v0+s24+$0x190 ss:$0x1], $0xffff  }
0x187: {  	v18 =	vld.idx.msk [tilespmem:v3+s22+$0x60 ss:$0x1], $0xffff;
	[tilespmem:v14+s19+$0x50 ss:$0x1] =	vst.idx.msk $0xffff, v13  }
0x188: {  	v11 =	vadd.f32 v16, v11;
	v13 =	vld.idx.msk [tilespmem:v0+s21+$0x1D0 ss:$0x1], $0xffff  }
0x189: {  	v16 =	vld.idx.msk [tilespmem:v12+s19+$0x60 ss:$0x1], $0xffff  }
0x18a: {  	v17 =	vadd.f32 v19, v17;
	[tilespmem:v4+s23+$0x60 ss:$0x1] =	vst.idx.msk $0xffff, v11  }
0x18b: {  	v11 =	vld.idx.msk [tilespmem:v0+s24+$0x3A0 ss:$0x1], $0xffff  }
0x18c: {  	[tilespmem:v14+s20+$0x50 ss:$0x1] =	vst.idx.msk $0xffff, v17;
	v17 =	vld.idx.msk [tilespmem:v3+s23+$0x70 ss:$0x1], $0xffff;
	v15 =	vadd.f32 v18, v15  }
0x18d: {  	v18 =	vld.idx.msk [tilespmem:v0+s21+$0x3D0 ss:$0x1], $0xffff  }
0x18e: {  	v19 =	vld.idx.msk [tilespmem:v12+s20+$0x60 ss:$0x1], $0xffff;
	[tilespmem:v4+s22+$0x60 ss:$0x1] =	vst.idx.msk $0xffff, v15;
	v13 =	vadd.f32 v16, v13  }
0x18f: {  	v15 =	vld.idx.msk [tilespmem:v0+s24+$0x1A0 ss:$0x1], $0xffff  }
0x190: {  	v16 =	vld.idx.msk [tilespmem:v3+s22+$0x70 ss:$0x1], $0xffff;
	[tilespmem:v14+s19+$0x60 ss:$0x1] =	vst.idx.msk $0xffff, v13  }
0x191: {  	v11 =	vadd.f32 v17, v11;
	v13 =	vld.idx.msk [tilespmem:v0+s21+$0x1E0 ss:$0x1], $0xffff  }
0x192: {  	v17 =	vld.idx.msk [tilespmem:v12+s19+$0x70 ss:$0x1], $0xffff  }
0x193: {  	v18 =	vadd.f32 v19, v18;
	[tilespmem:v4+s23+$0x70 ss:$0x1] =	vst.idx.msk $0xffff, v11  }
0x194: {  	v11 =	vld.idx.msk [tilespmem:v0+s24+$0x220 ss:$0x1], $0xffff  }
0x195: {  	s30 =	sadd.s32 $0x5800, s25;
	[tilespmem:v14+s20+$0x60 ss:$0x1] =	vst.idx.msk $0xffff, v18;
	v18 =	vld.idx.msk [tilespmem:v5+s23+$0x0 ss:$0x1], $0xffff;
	v16 =	vadd.f32 v16, v15  }
0x196: {  	v15 =	vmov s30;
	v19 =	vld.idx.msk [tilespmem:v0+s21+$0x3E0 ss:$0x1], $0xffff  }
0x197: {  	v20 =	vld.idx.msk [tilespmem:v12+s20+$0x70 ss:$0x1], $0xffff;
	[tilespmem:v4+s22+$0x70 ss:$0x1] =	vst.idx.msk $0xffff, v16;
	v13 =	vadd.f32 v17, v13  }
0x198: {  	v17 =	vld.idx.msk [tilespmem:v0+s24+$0x20 ss:$0x1], $0xffff  }
0x199: {  	v21 =	vld.idx.msk [tilespmem:v5+s22+$0x0 ss:$0x1], $0xffff;
	[tilespmem:v14+s19+$0x70 ss:$0x1] =	vst.idx.msk $0xffff, v13  }
0x19a: {  	v11 =	vadd.f32 v18, v11;
	v13 =	vld.idx.msk [tilespmem:v0+s21+$0x60 ss:$0x1], $0xffff  }
0x19b: {  	v18 =	vld.idx.msk [tilespmem:v15+s19+$0x0 ss:$0x1], $0xffff  }
0x19c: {  	s31 =	sadd.s32 $0xA800, s26;
	v19 =	vadd.f32 v20, v19;
	[tilespmem:v6+s23+$0x0 ss:$0x1] =	vst.idx.msk $0xffff, v11  }
0x19d: {  	v16 =	vmov s31;
	v11 =	vld.idx.msk [tilespmem:v0+s24+$0x230 ss:$0x1], $0xffff  }
0x19e: {  	[tilespmem:v14+s20+$0x70 ss:$0x1] =	vst.idx.msk $0xffff, v19;
	v19 =	vld.idx.msk [tilespmem:v5+s23+$0x10 ss:$0x1], $0xffff;
	v17 =	vadd.f32 v21, v17  }
0x19f: {  	v20 =	vld.idx.msk [tilespmem:v0+s21+$0x260 ss:$0x1], $0xffff  }
0x1a0: {  	v21 =	vld.idx.msk [tilespmem:v15+s20+$0x0 ss:$0x1], $0xffff;
	[tilespmem:v6+s22+$0x0 ss:$0x1] =	vst.idx.msk $0xffff, v17;
	v13 =	vadd.f32 v18, v13  }
0x1a1: {  	v17 =	vld.idx.msk [tilespmem:v0+s24+$0x30 ss:$0x1], $0xffff  }
0x1a2: {  	v18 =	vld.idx.msk [tilespmem:v5+s22+$0x10 ss:$0x1], $0xffff;
	[tilespmem:v16+s19+$0x0 ss:$0x1] =	vst.idx.msk $0xffff, v13  }
0x1a3: {  	v11 =	vadd.f32 v19, v11;
	v13 =	vld.idx.msk [tilespmem:v0+s21+$0x70 ss:$0x1], $0xffff  }
0x1a4: {  	v19 =	vld.idx.msk [tilespmem:v15+s19+$0x10 ss:$0x1], $0xffff  }
0x1a5: {  	v20 =	vadd.f32 v21, v20;
	[tilespmem:v6+s23+$0x10 ss:$0x1] =	vst.idx.msk $0xffff, v11  }
0x1a6: {  	v11 =	vld.idx.msk [tilespmem:v0+s24+$0x2A0 ss:$0x1], $0xffff  }
0x1a7: {  	[tilespmem:v16+s20+$0x0 ss:$0x1] =	vst.idx.msk $0xffff, v20;
	v20 =	vld.idx.msk [tilespmem:v5+s23+$0x20 ss:$0x1], $0xffff;
	v17 =	vadd.f32 v18, v17  }
0x1a8: {  	v18 =	vld.idx.msk [tilespmem:v0+s21+$0x270 ss:$0x1], $0xffff  }
0x1a9: {  	v21 =	vld.idx.msk [tilespmem:v15+s20+$0x10 ss:$0x1], $0xffff;
	[tilespmem:v6+s22+$0x10 ss:$0x1] =	vst.idx.msk $0xffff, v17;
	v13 =	vadd.f32 v19, v13  }
0x1aa: {  	v17 =	vld.idx.msk [tilespmem:v0+s24+$0xA0 ss:$0x1], $0xffff  }
0x1ab: {  	v19 =	vld.idx.msk [tilespmem:v5+s22+$0x20 ss:$0x1], $0xffff;
	[tilespmem:v16+s19+$0x10 ss:$0x1] =	vst.idx.msk $0xffff, v13  }
0x1ac: {  	v11 =	vadd.f32 v20, v11;
	v13 =	vld.idx.msk [tilespmem:v0+s21+$0xE0 ss:$0x1], $0xffff  }
0x1ad: {  	v20 =	vld.idx.msk [tilespmem:v15+s19+$0x20 ss:$0x1], $0xffff  }
0x1ae: {  	v18 =	vadd.f32 v21, v18;
	[tilespmem:v6+s23+$0x20 ss:$0x1] =	vst.idx.msk $0xffff, v11  }
0x1af: {  	v11 =	vld.idx.msk [tilespmem:v0+s24+$0x2B0 ss:$0x1], $0xffff  }
0x1b0: {  	[tilespmem:v16+s20+$0x10 ss:$0x1] =	vst.idx.msk $0xffff, v18;
	v18 =	vld.idx.msk [tilespmem:v5+s23+$0x30 ss:$0x1], $0xffff;
	v17 =	vadd.f32 v19, v17  }
0x1b1: {  	v19 =	vld.idx.msk [tilespmem:v0+s21+$0x2E0 ss:$0x1], $0xffff  }
0x1b2: {  	v21 =	vld.idx.msk [tilespmem:v15+s20+$0x20 ss:$0x1], $0xffff;
	[tilespmem:v6+s22+$0x20 ss:$0x1] =	vst.idx.msk $0xffff, v17;
	v13 =	vadd.f32 v20, v13  }
0x1b3: {  	v17 =	vld.idx.msk [tilespmem:v0+s24+$0xB0 ss:$0x1], $0xffff  }
0x1b4: {  	v20 =	vld.idx.msk [tilespmem:v5+s22+$0x30 ss:$0x1], $0xffff;
	[tilespmem:v16+s19+$0x20 ss:$0x1] =	vst.idx.msk $0xffff, v13  }
0x1b5: {  	v11 =	vadd.f32 v18, v11;
	v13 =	vld.idx.msk [tilespmem:v0+s21+$0xF0 ss:$0x1], $0xffff  }
0x1b6: {  	v18 =	vld.idx.msk [tilespmem:v15+s19+$0x30 ss:$0x1], $0xffff  }
0x1b7: {  	v19 =	vadd.f32 v21, v19;
	[tilespmem:v6+s23+$0x30 ss:$0x1] =	vst.idx.msk $0xffff, v11  }
0x1b8: {  	v11 =	vld.idx.msk [tilespmem:v0+s24+$0x320 ss:$0x1], $0xffff  }
0x1b9: {  	[tilespmem:v16+s20+$0x20 ss:$0x1] =	vst.idx.msk $0xffff, v19;
	v19 =	vld.idx.msk [tilespmem:v5+s23+$0x40 ss:$0x1], $0xffff;
	v17 =	vadd.f32 v20, v17  }
0x1ba: {  	v20 =	vld.idx.msk [tilespmem:v0+s21+$0x2F0 ss:$0x1], $0xffff  }
0x1bb: {  	v21 =	vld.idx.msk [tilespmem:v15+s20+$0x30 ss:$0x1], $0xffff;
	[tilespmem:v6+s22+$0x30 ss:$0x1] =	vst.idx.msk $0xffff, v17;
	v13 =	vadd.f32 v18, v13  }
0x1bc: {  	v17 =	vld.idx.msk [tilespmem:v0+s24+$0x120 ss:$0x1], $0xffff  }
0x1bd: {  	v18 =	vld.idx.msk [tilespmem:v5+s22+$0x40 ss:$0x1], $0xffff;
	[tilespmem:v16+s19+$0x30 ss:$0x1] =	vst.idx.msk $0xffff, v13  }
0x1be: {  	v11 =	vadd.f32 v19, v11;
	v13 =	vld.idx.msk [tilespmem:v0+s21+$0x160 ss:$0x1], $0xffff  }
0x1bf: {  	v19 =	vld.idx.msk [tilespmem:v15+s19+$0x40 ss:$0x1], $0xffff  }
0x1c0: {  	[tilespmem:v6+s23+$0x40 ss:$0x1] =	vst.idx.msk $0xffff, v11;
	v11 =	vadd.f32 v21, v20  }
0x1c1: {  	v20 =	vld.idx.msk [tilespmem:v0+s24+$0x330 ss:$0x1], $0xffff  }
0x1c2: {  	v21 =	vld.idx.msk [tilespmem:v5+s23+$0x50 ss:$0x1], $0xffff;
	[tilespmem:v16+s20+$0x30 ss:$0x1] =	vst.idx.msk $0xffff, v11;
	v11 =	vadd.f32 v18, v17  }
0x1c3: {  	v17 =	vld.idx.msk [tilespmem:v0+s21+$0x360 ss:$0x1], $0xffff  }
0x1c4: {  	v18 =	vld.idx.msk [tilespmem:v15+s20+$0x40 ss:$0x1], $0xffff;
	[tilespmem:v6+s22+$0x40 ss:$0x1] =	vst.idx.msk $0xffff, v11;
	v11 =	vadd.f32 v19, v13  }
0x1c5: {  	v13 =	vld.idx.msk [tilespmem:v0+s24+$0x130 ss:$0x1], $0xffff  }
0x1c6: {  	v19 =	vld.idx.msk [tilespmem:v5+s22+$0x50 ss:$0x1], $0xffff;
	[tilespmem:v16+s19+$0x40 ss:$0x1] =	vst.idx.msk $0xffff, v11  }
0x1c7: {  	v11 =	vadd.f32 v21, v20;
	v20 =	vld.idx.msk [tilespmem:v0+s21+$0x170 ss:$0x1], $0xffff  }
0x1c8: {  	v21 =	vld.idx.msk [tilespmem:v15+s19+$0x50 ss:$0x1], $0xffff  }
0x1c9: {  	[tilespmem:v6+s23+$0x50 ss:$0x1] =	vst.idx.msk $0xffff, v11;
	v11 =	vadd.f32 v18, v17  }
0x1ca: {  	v17 =	vld.idx.msk [tilespmem:v0+s24+$0x3A0 ss:$0x1], $0xffff  }
0x1cb: {  	v18 =	vld.idx.msk [tilespmem:v5+s23+$0x60 ss:$0x1], $0xffff;
	[tilespmem:v16+s20+$0x40 ss:$0x1] =	vst.idx.msk $0xffff, v11;
	v11 =	vadd.f32 v19, v13  }
0x1cc: {  	v13 =	vld.idx.msk [tilespmem:v0+s21+$0x370 ss:$0x1], $0xffff  }
0x1cd: {  	v19 =	vld.idx.msk [tilespmem:v15+s20+$0x50 ss:$0x1], $0xffff;
	[tilespmem:v6+s22+$0x50 ss:$0x1] =	vst.idx.msk $0xffff, v11;
	v11 =	vadd.f32 v21, v20  }
0x1ce: {  	v20 =	vld.idx.msk [tilespmem:v0+s24+$0x1A0 ss:$0x1], $0xffff  }
0x1cf: {  	v21 =	vld.idx.msk [tilespmem:v5+s22+$0x60 ss:$0x1], $0xffff;
	[tilespmem:v16+s19+$0x50 ss:$0x1] =	vst.idx.msk $0xffff, v11  }
0x1d0: {  	v11 =	vadd.f32 v18, v17;
	v17 =	vld.idx.msk [tilespmem:v0+s21+$0x1E0 ss:$0x1], $0xffff  }
0x1d1: {  	v18 =	vld.idx.msk [tilespmem:v15+s19+$0x60 ss:$0x1], $0xffff  }
0x1d2: {  	[tilespmem:v6+s23+$0x60 ss:$0x1] =	vst.idx.msk $0xffff, v11;
	v11 =	vadd.f32 v19, v13  }
0x1d3: {  	v13 =	vld.idx.msk [tilespmem:v0+s24+$0x3B0 ss:$0x1], $0xffff  }
0x1d4: {  	v19 =	vld.idx.msk [tilespmem:v5+s23+$0x70 ss:$0x1], $0xffff;
	[tilespmem:v16+s20+$0x50 ss:$0x1] =	vst.idx.msk $0xffff, v11;
	v11 =	vadd.f32 v21, v20  }
0x1d5: {  	v20 =	vld.idx.msk [tilespmem:v0+s21+$0x3E0 ss:$0x1], $0xffff  }
0x1d6: {  	v21 =	vld.idx.msk [tilespmem:v15+s20+$0x60 ss:$0x1], $0xffff;
	[tilespmem:v6+s22+$0x60 ss:$0x1] =	vst.idx.msk $0xffff, v11;
	v11 =	vadd.f32 v18, v17  }
0x1d7: {  	v17 =	vld.idx.msk [tilespmem:v0+s24+$0x1B0 ss:$0x1], $0xffff  }
0x1d8: {  	v18 =	vld.idx.msk [tilespmem:v5+s22+$0x70 ss:$0x1], $0xffff;
	[tilespmem:v16+s19+$0x60 ss:$0x1] =	vst.idx.msk $0xffff, v11  }
0x1d9: {  	v11 =	vadd.f32 v19, v13;
	v13 =	vld.idx.msk [tilespmem:v0+s21+$0x1F0 ss:$0x1], $0xffff  }
0x1da: {  	v22 =	vld.idx.msk [tilespmem:v15+s19+$0x70 ss:$0x1], $0xffff  }
0x1db: {  	[tilespmem:v6+s23+$0x70 ss:$0x1] =	vst.idx.msk $0xffff, v11;
	v11 =	vadd.f32 v21, v20  }
0x1dc: {  	v20 =	vld.idx.msk [tilespmem:v0+s24+$0x230 ss:$0x1], $0xffff  }
0x1dd: {  	s29 =	sadd.s32 $0x5C00, s25;
	v21 =	vld.idx.msk [tilespmem:v7+s23+$0x0 ss:$0x1], $0xffff;
	[tilespmem:v16+s20+$0x60 ss:$0x1] =	vst.idx.msk $0xffff, v11;
	v11 =	vadd.f32 v18, v17  }
0x1de: {  	v19 =	vmov s29;
	v17 =	vld.idx.msk [tilespmem:v0+s21+$0x3F0 ss:$0x1], $0xffff  }
0x1df: {  	v18 =	vld.idx.msk [tilespmem:v15+s20+$0x70 ss:$0x1], $0xffff;
	[tilespmem:v6+s22+$0x70 ss:$0x1] =	vst.idx.msk $0xffff, v11;
	v11 =	vadd.f32 v22, v13  }
0x1e0: {  	v13 =	vld.idx.msk [tilespmem:v0+s24+$0x30 ss:$0x1], $0xffff  }
0x1e1: {  	v22 =	vld.idx.msk [tilespmem:v7+s22+$0x0 ss:$0x1], $0xffff;
	[tilespmem:v16+s19+$0x70 ss:$0x1] =	vst.idx.msk $0xffff, v11  }
0x1e2: {  	v11 =	vadd.f32 v21, v20;
	v21 =	vld.idx.msk [tilespmem:v0+s21+$0x70 ss:$0x1], $0xffff  }
0x1e3: {  	v23 =	vld.idx.msk [tilespmem:v19+s19+$0x0 ss:$0x1], $0xffff  }
0x1e4: {  	s30 =	sadd.s32 $0xAC00, s26;
	[tilespmem:v8+s23+$0x0 ss:$0x1] =	vst.idx.msk $0xffff, v11;
	v11 =	vadd.f32 v18, v17  }
0x1e5: {  	v20 =	vmov s30;
	v17 =	vld.idx.msk [tilespmem:v0+s24+$0x240 ss:$0x1], $0xffff  }
0x1e6: {  	v18 =	vld.idx.msk [tilespmem:v7+s23+$0x10 ss:$0x1], $0xffff;
	[tilespmem:v16+s20+$0x70 ss:$0x1] =	vst.idx.msk $0xffff, v11;
	v11 =	vadd.f32 v22, v13  }
0x1e7: {  	v13 =	vld.idx.msk [tilespmem:v0+s21+$0x270 ss:$0x1], $0xffff  }
0x1e8: {  	v22 =	vld.idx.msk [tilespmem:v19+s20+$0x0 ss:$0x1], $0xffff;
	[tilespmem:v8+s22+$0x0 ss:$0x1] =	vst.idx.msk $0xffff, v11;
	v11 =	vadd.f32 v23, v21  }
0x1e9: {  	v21 =	vld.idx.msk [tilespmem:v0+s24+$0x40 ss:$0x1], $0xffff  }
0x1ea: {  	v23 =	vld.idx.msk [tilespmem:v7+s22+$0x10 ss:$0x1], $0xffff;
	[tilespmem:v20+s19+$0x0 ss:$0x1] =	vst.idx.msk $0xffff, v11  }
0x1eb: {  	v11 =	vadd.f32 v18, v17;
	v17 =	vld.idx.msk [tilespmem:v0+s21+$0x400 ss:$0x1], $0xffff  }
0x1ec: {  	v18 =	vld.idx.msk [tilespmem:v19+s19+$0x10 ss:$0x1], $0xffff  }
0x1ed: {  	[tilespmem:v8+s23+$0x10 ss:$0x1] =	vst.idx.msk $0xffff, v11;
	v11 =	vadd.f32 v22, v13  }
0x1ee: {  	v13 =	vld.idx.msk [tilespmem:v0+s24+$0x2B0 ss:$0x1], $0xffff  }
0x1ef: {  	v22 =	vld.idx.msk [tilespmem:v7+s23+$0x20 ss:$0x1], $0xffff;
	[tilespmem:v20+s20+$0x0 ss:$0x1] =	vst.idx.msk $0xffff, v11;
	v11 =	vadd.f32 v23, v21  }
0x1f0: {  	v21 =	vld.idx.msk [tilespmem:v0+s21+$0x600 ss:$0x1], $0xffff  }
0x1f1: {  	v23 =	vld.idx.msk [tilespmem:v19+s20+$0x10 ss:$0x1], $0xffff;
	[tilespmem:v8+s22+$0x10 ss:$0x1] =	vst.idx.msk $0xffff, v11;
	v11 =	vadd.f32 v18, v17  }
0x1f2: {  	v17 =	vld.idx.msk [tilespmem:v0+s24+$0xB0 ss:$0x1], $0xffff  }
0x1f3: {  	v18 =	vld.idx.msk [tilespmem:v7+s22+$0x20 ss:$0x1], $0xffff;
	[tilespmem:v20+s19+$0x10 ss:$0x1] =	vst.idx.msk $0xffff, v11  }
0x1f4: {  	v11 =	vadd.f32 v22, v13;
	v13 =	vld.idx.msk [tilespmem:v0+s21+$0xF0 ss:$0x1], $0xffff  }
0x1f5: {  	v22 =	vld.idx.msk [tilespmem:v19+s19+$0x20 ss:$0x1], $0xffff  }
0x1f6: {  	[tilespmem:v8+s23+$0x20 ss:$0x1] =	vst.idx.msk $0xffff, v11;
	v11 =	vadd.f32 v23, v21  }
0x1f7: {  	v21 =	vld.idx.msk [tilespmem:v0+s24+$0x2C0 ss:$0x1], $0xffff  }
0x1f8: {  	v23 =	vld.idx.msk [tilespmem:v7+s23+$0x30 ss:$0x1], $0xffff;
	[tilespmem:v20+s20+$0x10 ss:$0x1] =	vst.idx.msk $0xffff, v11;
	v11 =	vadd.f32 v18, v17  }
0x1f9: {  	v17 =	vld.idx.msk [tilespmem:v19+s20+$0x20 ss:$0x1], $0xffff  }
0x1fa: {  	v18 =	vld.idx.msk [tilespmem:v0+s21+$0x2F0 ss:$0x1], $0xffff;
	[tilespmem:v8+s22+$0x20 ss:$0x1] =	vst.idx.msk $0xffff, v11;
	v11 =	vadd.f32 v22, v13  }
0x1fb: {  	v13 =	vld.idx.msk [tilespmem:v0+s24+$0xC0 ss:$0x1], $0xffff  }
0x1fc: {  	v22 =	vld.idx.msk [tilespmem:v7+s22+$0x30 ss:$0x1], $0xffff;
	[tilespmem:v20+s19+$0x20 ss:$0x1] =	vst.idx.msk $0xffff, v11  }
0x1fd: {  	v11 =	vadd.f32 v23, v21;
	v21 =	vld.idx.msk [tilespmem:v0+s21+$0x480 ss:$0x1], $0xffff  }
0x1fe: {  	v23 =	vld.idx.msk [tilespmem:v19+s19+$0x30 ss:$0x1], $0xffff  }
0x1ff: {  	[tilespmem:v8+s23+$0x30 ss:$0x1] =	vst.idx.msk $0xffff, v11;
	v11 =	vadd.f32 v17, v18  }
0x200: {  	v17 =	vld.idx.msk [tilespmem:v0+s24+$0x330 ss:$0x1], $0xffff  }
0x201: {  	v18 =	vld.idx.msk [tilespmem:v7+s23+$0x40 ss:$0x1], $0xffff;
	[tilespmem:v20+s20+$0x20 ss:$0x1] =	vst.idx.msk $0xffff, v11;
	v11 =	vadd.f32 v22, v13  }
0x202: {  	v13 =	vld.idx.msk [tilespmem:v0+s21+$0x680 ss:$0x1], $0xffff  }
0x203: {  	v22 =	vld.idx.msk [tilespmem:v19+s20+$0x30 ss:$0x1], $0xffff;
	[tilespmem:v8+s22+$0x30 ss:$0x1] =	vst.idx.msk $0xffff, v11;
	v11 =	vadd.f32 v23, v21  }
0x204: {  	v21 =	vld.idx.msk [tilespmem:v0+s24+$0x130 ss:$0x1], $0xffff  }
0x205: {  	v23 =	vld.idx.msk [tilespmem:v7+s22+$0x40 ss:$0x1], $0xffff;
	[tilespmem:v20+s19+$0x30 ss:$0x1] =	vst.idx.msk $0xffff, v11  }
0x206: {  	v11 =	vadd.f32 v18, v17;
	v17 =	vld.idx.msk [tilespmem:v0+s21+$0x170 ss:$0x1], $0xffff  }
0x207: {  	v18 =	vld.idx.msk [tilespmem:v19+s19+$0x40 ss:$0x1], $0xffff  }
0x208: {  	[tilespmem:v8+s23+$0x40 ss:$0x1] =	vst.idx.msk $0xffff, v11;
	v11 =	vadd.f32 v22, v13  }
0x209: {  	v13 =	vld.idx.msk [tilespmem:v0+s24+$0x340 ss:$0x1], $0xffff  }
0x20a: {  	v22 =	vld.idx.msk [tilespmem:v7+s23+$0x50 ss:$0x1], $0xffff;
	[tilespmem:v20+s20+$0x30 ss:$0x1] =	vst.idx.msk $0xffff, v11;
	v11 =	vadd.f32 v23, v21  }
0x20b: {  	v21 =	vld.idx.msk [tilespmem:v0+s21+$0x370 ss:$0x1], $0xffff  }
0x20c: {  	v23 =	vld.idx.msk [tilespmem:v19+s20+$0x40 ss:$0x1], $0xffff;
	[tilespmem:v8+s22+$0x40 ss:$0x1] =	vst.idx.msk $0xffff, v11;
	v11 =	vadd.f32 v18, v17  }
0x20d: {  	v17 =	vld.idx.msk [tilespmem:v0+s24+$0x140 ss:$0x1], $0xffff  }
0x20e: {  	v18 =	vld.idx.msk [tilespmem:v7+s22+$0x50 ss:$0x1], $0xffff;
	[tilespmem:v20+s19+$0x40 ss:$0x1] =	vst.idx.msk $0xffff, v11  }
0x20f: {  	v11 =	vadd.f32 v22, v13;
	v13 =	vld.idx.msk [tilespmem:v0+s21+$0x500 ss:$0x1], $0xffff  }
0x210: {  	v22 =	vld.idx.msk [tilespmem:v19+s19+$0x50 ss:$0x1], $0xffff  }
0x211: {  	[tilespmem:v8+s23+$0x50 ss:$0x1] =	vst.idx.msk $0xffff, v11;
	v11 =	vadd.f32 v23, v21  }
0x212: {  	v21 =	vld.idx.msk [tilespmem:v0+s24+$0x3B0 ss:$0x1], $0xffff  }
0x213: {  	v23 =	vld.idx.msk [tilespmem:v7+s23+$0x60 ss:$0x1], $0xffff;
	[tilespmem:v20+s20+$0x40 ss:$0x1] =	vst.idx.msk $0xffff, v11;
	v11 =	vadd.f32 v18, v17  }
0x214: {  	v17 =	vld.idx.msk [tilespmem:v0+s21+$0x700 ss:$0x1], $0xffff  }
0x215: {  	v18 =	vld.idx.msk [tilespmem:v19+s20+$0x50 ss:$0x1], $0xffff;
	[tilespmem:v8+s22+$0x50 ss:$0x1] =	vst.idx.msk $0xffff, v11;
	v11 =	vadd.f32 v22, v13  }
0x216: {  	v13 =	vld.idx.msk [tilespmem:v0+s24+$0x1B0 ss:$0x1], $0xffff  }
0x217: {  	v22 =	vld.idx.msk [tilespmem:v7+s22+$0x60 ss:$0x1], $0xffff;
	[tilespmem:v20+s19+$0x50 ss:$0x1] =	vst.idx.msk $0xffff, v11  }
0x218: {  	v11 =	vadd.f32 v23, v21;
	v23 =	vld.idx.msk [tilespmem:v0+s21+$0x1F0 ss:$0x1], $0xffff  }
0x219: {  	v24 =	vld.idx.msk [tilespmem:v19+s19+$0x60 ss:$0x1], $0xffff  }
0x21a: {  	[tilespmem:v8+s23+$0x60 ss:$0x1] =	vst.idx.msk $0xffff, v11;
	v11 =	vadd.f32 v18, v17  }
0x21b: {  	v26 =	vld.idx.msk [tilespmem:v0+s24+$0x3C0 ss:$0x1], $0xffff  }
0x21c: {  	v27 =	vld.idx.msk [tilespmem:v7+s23+$0x70 ss:$0x1], $0xffff;
	[tilespmem:v20+s20+$0x50 ss:$0x1] =	vst.idx.msk $0xffff, v11;
	v11 =	vadd.f32 v22, v13  }
0x21d: {  	v21 =	vld.idx.msk [tilespmem:v0+s21+$0x3F0 ss:$0x1], $0xffff  }
0x21e: {  	v22 =	vld.idx.msk [tilespmem:v19+s20+$0x60 ss:$0x1], $0xffff;
	[tilespmem:v8+s22+$0x60 ss:$0x1] =	vst.idx.msk $0xffff, v11;
	v11 =	vadd.f32 v24, v23  }
0x21f: {  	s31 =	sadd.s32 $0x6000, s25;
	s29 =	sadd.s32 $0xB000, s26;
	v24 =	vld.idx.msk [tilespmem:v0+s24+$0x1C0 ss:$0x1], $0xffff  }
0x220: {  	s25 =	sadd.s32 $0x6400, s25;
	s26 =	sadd.s32 $0xB400, s26;
	v18 =	vmov s31;
	v17 =	vmov s29;
	v25 =	vld.idx.msk [tilespmem:v7+s22+$0x70 ss:$0x1], $0xffff;
	[tilespmem:v20+s19+$0x60 ss:$0x1] =	vst.idx.msk $0xffff, v11  }
0x221: {  	v13 =	vmov s25;
	s25 =	simm.s32 $0x4;
	v11 =	vmov s26;
	v26 =	vadd.f32 v27, v26;
	v23 =	vld.idx.msk [tilespmem:v0+s21+$0x580 ss:$0x1], $0xffff  }
.LBB2_3:
0x222: {  	s26 =	sshll.u32 s25, $0xA  }
0x223: {  	p0 =	slt.u32 s25, $0x6;
	[tilespmem:v8+s23+$0x70 ss:$0x1] =	vst.idx.msk $0xffff, v26;
	v26 =	vld.idx.msk [tilespmem:v19+s19+$0x70 ss:$0x1], $0xffff;
	s29 =	smov.u32 s25;
	s25 =	sadd.s32 $0x2, s25  }
0x224: {  	s28 =	sand.u32 $0x3FFFFC00, s26;
	s26 =	sshll.u32 s29, $0x7;
	v27 =	vld.idx.msk [tilespmem:v0+s24+$0x240 ss:$0x1], $0xffff  }
0x225: {  	v28 =	vld.idx.msk [tilespmem:v0+s28+$0x200 ss:$0x1], $0xffff  }
0x226: {  	v21 =	vadd.f32 v22, v21;
	s29 =	sor.u32 $0x80, s26;
	v29 =	vld.idx.msk [tilespmem:v1+s26+$0x0 ss:$0x1], $0xffff  }
0x227: {  	v24 =	vadd.f32 v25, v24;
	v22 =	vld.idx.msk [tilespmem:v1+s29+$0x0 ss:$0x1], $0xffff  }
0x228: {  	v25 =	vld.idx.msk [tilespmem:v9+s23+$0x0 ss:$0x1], $0xffff;
	[tilespmem:v20+s20+$0x60 ss:$0x1] =	vst.idx.msk $0xffff, v21  }
0x229: {  	v21 =	vadd.f32 v26, v23;
	[tilespmem:v8+s22+$0x70 ss:$0x1] =	vst.idx.msk $0xffff, v24;
	v23 =	vld.idx.msk [tilespmem:v0+s21+$0x780 ss:$0x1], $0xffff  }
0x22a: {  	v24 =	vld.idx.msk [tilespmem:v19+s20+$0x70 ss:$0x1], $0xffff  }
0x22b: {  	v26 =	vld.idx.msk [tilespmem:v0+s28+$0x0 ss:$0x1], $0xffff;
	[tilespmem:v20+s19+$0x70 ss:$0x1] =	vst.idx.msk $0xffff, v21  }
0x22c: {  	v21 =	vld.idx.msk [tilespmem:v0+s24+$0x40 ss:$0x1], $0xffff  }
0x22d: {  	v22 =	vadd.f32 v22, v28;
	v28 =	vld.idx.msk [tilespmem:v9+s22+$0x0 ss:$0x1], $0xffff  }
0x22e: {  	v25 =	vadd.f32 v25, v27;
	v27 =	vld.idx.msk [tilespmem:v0+s21+$0x400 ss:$0x1], $0xffff  }
0x22f: {  	[tilespmem:v2+s29+$0x0 ss:$0x1] =	vst.idx.msk $0xffff, v22;
	v22 =	vld.idx.msk [tilespmem:v18+s19+$0x0 ss:$0x1], $0xffff  }
0x230: {  	v23 =	vadd.f32 v24, v23;
	v30 =	vld.idx.msk [tilespmem:v0+s28+$0x210 ss:$0x1], $0xffff;
	[tilespmem:v10+s23+$0x0 ss:$0x1] =	vst.idx.msk $0xffff, v25  }
0x231: {  	v24 =	vadd.f32 v29, v26;
	v25 =	vld.idx.msk [tilespmem:v1+s29+$0x10 ss:$0x1], $0xffff  }
0x232: {  	v26 =	vld.idx.msk [tilespmem:v0+s24+$0x250 ss:$0x1], $0xffff;
	[tilespmem:v20+s20+$0x70 ss:$0x1] =	vst.idx.msk $0xffff, v23  }
0x233: {  	v21 =	vadd.f32 v28, v21;
	v23 =	vld.idx.msk [tilespmem:v9+s23+$0x10 ss:$0x1], $0xffff  }
0x234: {  	v28 =	vld.idx.msk [tilespmem:v0+s21+$0x600 ss:$0x1], $0xffff  }
0x235: {  	v22 =	vadd.f32 v22, v27;
	[tilespmem:v2+s26+$0x0 ss:$0x1] =	vst.idx.msk $0xffff, v24;
	v24 =	vld.idx.msk [tilespmem:v18+s20+$0x0 ss:$0x1], $0xffff  }
0x236: {  	v27 =	vld.idx.msk [tilespmem:v0+s28+$0x10 ss:$0x1], $0xffff;
	[tilespmem:v10+s22+$0x0 ss:$0x1] =	vst.idx.msk $0xffff, v21  }
0x237: {  	v25 =	vadd.f32 v25, v30;
	v21 =	vld.idx.msk [tilespmem:v1+s26+$0x10 ss:$0x1], $0xffff;
	[tilespmem:v17+s19+$0x0 ss:$0x1] =	vst.idx.msk $0xffff, v22  }
0x238: {  	v22 =	vld.idx.msk [tilespmem:v0+s24+$0x50 ss:$0x1], $0xffff  }
0x239: {  	v23 =	vadd.f32 v23, v26;
	[tilespmem:v2+s29+$0x10 ss:$0x1] =	vst.idx.msk $0xffff, v25;
	v25 =	vld.idx.msk [tilespmem:v9+s22+$0x10 ss:$0x1], $0xffff  }
0x23a: {  	v26 =	vld.idx.msk [tilespmem:v0+s28+$0x280 ss:$0x1], $0xffff  }
0x23b: {  	v29 =	vld.idx.msk [tilespmem:v1+s29+$0x20 ss:$0x1], $0xffff;
	[tilespmem:v10+s23+$0x10 ss:$0x1] =	vst.idx.msk $0xffff, v23;
	v23 =	vadd.f32 v24, v28  }
0x23c: {  	v24 =	vld.idx.msk [tilespmem:v0+s24+$0x2C0 ss:$0x1], $0xffff  }
0x23d: {  	v21 =	vadd.f32 v21, v27;
	v27 =	vld.idx.msk [tilespmem:v9+s23+$0x20 ss:$0x1], $0xffff;
	[tilespmem:v17+s20+$0x0 ss:$0x1] =	vst.idx.msk $0xffff, v23  }
0x23e: {  	v23 =	vld.idx.msk [tilespmem:v18+s20+$0x10 ss:$0x1], $0xffff  }
0x23f: {  	[tilespmem:v2+s26+$0x10 ss:$0x1] =	vst.idx.msk $0xffff, v21;
	v21 =	vadd.f32 v25, v22;
	v22 =	vld.idx.msk [tilespmem:v0+s21+$0x610 ss:$0x1], $0xffff  }
0x240: {  	v25 =	vld.idx.msk [tilespmem:v0+s28+$0x80 ss:$0x1], $0xffff  }
0x241: {  	v26 =	vadd.f32 v29, v26;
	v28 =	vld.idx.msk [tilespmem:v1+s26+$0x20 ss:$0x1], $0xffff;
	[tilespmem:v10+s22+$0x10 ss:$0x1] =	vst.idx.msk $0xffff, v21  }
0x242: {  	v21 =	vld.idx.msk [tilespmem:v0+s24+$0xC0 ss:$0x1], $0xffff  }
0x243: {  	v24 =	vadd.f32 v27, v24;
	[tilespmem:v2+s29+$0x20 ss:$0x1] =	vst.idx.msk $0xffff, v26;
	v26 =	vld.idx.msk [tilespmem:v9+s22+$0x20 ss:$0x1], $0xffff  }
0x244: {  	v27 =	vld.idx.msk [tilespmem:v0+s28+$0x290 ss:$0x1], $0xffff  }
0x245: {  	v22 =	vadd.f32 v23, v22;
	v29 =	vld.idx.msk [tilespmem:v1+s29+$0x30 ss:$0x1], $0xffff;
	[tilespmem:v10+s23+$0x20 ss:$0x1] =	vst.idx.msk $0xffff, v24  }
0x246: {  	v23 =	vld.idx.msk [tilespmem:v0+s24+$0x2D0 ss:$0x1], $0xffff  }
0x247: {  	v24 =	vadd.f32 v28, v25;
	v25 =	vld.idx.msk [tilespmem:v9+s23+$0x30 ss:$0x1], $0xffff;
	[tilespmem:v17+s20+$0x10 ss:$0x1] =	vst.idx.msk $0xffff, v22  }
0x248: {  	v28 =	vld.idx.msk [tilespmem:v18+s20+$0x20 ss:$0x1], $0xffff  }
0x249: {  	v22 =	vadd.f32 v26, v21;
	[tilespmem:v2+s26+$0x20 ss:$0x1] =	vst.idx.msk $0xffff, v24;
	v21 =	vld.idx.msk [tilespmem:v18+s19+$0x10 ss:$0x1], $0xffff  }
0x24a: {  	v24 =	vld.idx.msk [tilespmem:v0+s28+$0x90 ss:$0x1], $0xffff  }
0x24b: {  	v27 =	vadd.f32 v29, v27;
	v26 =	vld.idx.msk [tilespmem:v1+s26+$0x30 ss:$0x1], $0xffff;
	[tilespmem:v10+s22+$0x20 ss:$0x1] =	vst.idx.msk $0xffff, v22  }
0x24c: {  	v22 =	vld.idx.msk [tilespmem:v0+s24+$0xD0 ss:$0x1], $0xffff  }
0x24d: {  	v23 =	vadd.f32 v25, v23;
	[tilespmem:v2+s29+$0x30 ss:$0x1] =	vst.idx.msk $0xffff, v27;
	v27 =	vld.idx.msk [tilespmem:v9+s22+$0x30 ss:$0x1], $0xffff  }
0x24e: {  	v25 =	vld.idx.msk [tilespmem:v0+s28+$0x300 ss:$0x1], $0xffff  }
0x24f: {  	v29 =	vld.idx.msk [tilespmem:v1+s29+$0x40 ss:$0x1], $0xffff;
	[tilespmem:v10+s23+$0x30 ss:$0x1] =	vst.idx.msk $0xffff, v23  }
0x250: {  	v23 =	vld.idx.msk [tilespmem:v0+s24+$0x340 ss:$0x1], $0xffff  }
0x251: {  	v24 =	vadd.f32 v26, v24;
	v26 =	vld.idx.msk [tilespmem:v9+s23+$0x40 ss:$0x1], $0xffff  }
0x252: {  	v30 =	vld.idx.msk [tilespmem:v0+s21+$0x680 ss:$0x1], $0xffff  }
0x253: {  	[tilespmem:v2+s26+$0x30 ss:$0x1] =	vst.idx.msk $0xffff, v24;
	v24 =	vadd.f32 v27, v22;
	v22 =	vld.idx.msk [tilespmem:v0+s21+$0x410 ss:$0x1], $0xffff  }
0x254: {  	v27 =	vld.idx.msk [tilespmem:v0+s28+$0x100 ss:$0x1], $0xffff  }
0x255: {  	v25 =	vadd.f32 v29, v25;
	v31 =	vld.idx.msk [tilespmem:v1+s26+$0x40 ss:$0x1], $0xffff;
	[tilespmem:v10+s22+$0x30 ss:$0x1] =	vst.idx.msk $0xffff, v24  }
0x256: {  	v24 =	vld.idx.msk [tilespmem:v0+s24+$0x140 ss:$0x1], $0xffff  }
0x257: {  	v23 =	vadd.f32 v26, v23;
	[tilespmem:v2+s29+$0x40 ss:$0x1] =	vst.idx.msk $0xffff, v25;
	v25 =	vld.idx.msk [tilespmem:v9+s22+$0x40 ss:$0x1], $0xffff  }
0x258: {  	v28 =	vadd.f32 v28, v30;
	v26 =	vld.idx.msk [tilespmem:v0+s28+$0x310 ss:$0x1], $0xffff  }
0x259: {  	v29 =	vld.idx.msk [tilespmem:v1+s29+$0x50 ss:$0x1], $0xffff;
	[tilespmem:v10+s23+$0x40 ss:$0x1] =	vst.idx.msk $0xffff, v23  }
0x25a: {  	v23 =	vld.idx.msk [tilespmem:v0+s24+$0x350 ss:$0x1], $0xffff;
	[tilespmem:v17+s20+$0x20 ss:$0x1] =	vst.idx.msk $0xffff, v28  }
0x25b: {  	v27 =	vadd.f32 v31, v27;
	v28 =	vld.idx.msk [tilespmem:v9+s23+$0x50 ss:$0x1], $0xffff  }
0x25c: {  	v30 =	vld.idx.msk [tilespmem:v0+s21+$0x690 ss:$0x1], $0xffff  }
0x25d: {  	v24 =	vadd.f32 v25, v24;
	[tilespmem:v2+s26+$0x40 ss:$0x1] =	vst.idx.msk $0xffff, v27;
	v25 =	vld.idx.msk [tilespmem:v18+s20+$0x30 ss:$0x1], $0xffff  }
0x25e: {  	v27 =	vld.idx.msk [tilespmem:v0+s28+$0x110 ss:$0x1], $0xffff  }
0x25f: {  	v26 =	vadd.f32 v29, v26;
	v31 =	vld.idx.msk [tilespmem:v1+s26+$0x50 ss:$0x1], $0xffff;
	[tilespmem:v10+s22+$0x40 ss:$0x1] =	vst.idx.msk $0xffff, v24  }
0x260: {  	v24 =	vld.idx.msk [tilespmem:v0+s24+$0x150 ss:$0x1], $0xffff  }
0x261: {  	v23 =	vadd.f32 v28, v23;
	[tilespmem:v2+s29+$0x50 ss:$0x1] =	vst.idx.msk $0xffff, v26;
	v26 =	vld.idx.msk [tilespmem:v9+s22+$0x50 ss:$0x1], $0xffff  }
0x262: {  	v28 =	vld.idx.msk [tilespmem:v0+s28+$0x380 ss:$0x1], $0xffff  }
0x263: {  	v29 =	vld.idx.msk [tilespmem:v1+s29+$0x60 ss:$0x1], $0xffff;
	[tilespmem:v10+s23+$0x50 ss:$0x1] =	vst.idx.msk $0xffff, v23;
	v23 =	vadd.f32 v25, v30  }
0x264: {  	v25 =	vld.idx.msk [tilespmem:v0+s24+$0x3C0 ss:$0x1], $0xffff  }
0x265: {  	v27 =	vadd.f32 v31, v27;
	v30 =	vld.idx.msk [tilespmem:v9+s23+$0x60 ss:$0x1], $0xffff;
	[tilespmem:v17+s20+$0x30 ss:$0x1] =	vst.idx.msk $0xffff, v23  }
0x266: {  	v23 =	vld.idx.msk [tilespmem:v0+s21+$0x700 ss:$0x1], $0xffff  }
0x267: {  	v24 =	vadd.f32 v26, v24;
	[tilespmem:v2+s26+$0x50 ss:$0x1] =	vst.idx.msk $0xffff, v27;
	v26 =	vld.idx.msk [tilespmem:v18+s20+$0x40 ss:$0x1], $0xffff  }
0x268: {  	v27 =	vld.idx.msk [tilespmem:v0+s28+$0x180 ss:$0x1], $0xffff  }
0x269: {  	v28 =	vadd.f32 v29, v28;
	v31 =	vld.idx.msk [tilespmem:v1+s26+$0x60 ss:$0x1], $0xffff;
	[tilespmem:v10+s22+$0x50 ss:$0x1] =	vst.idx.msk $0xffff, v24  }
0x26a: {  	v24 =	vld.idx.msk [tilespmem:v0+s24+$0x1C0 ss:$0x1], $0xffff  }
0x26b: {  	v25 =	vadd.f32 v30, v25;
	[tilespmem:v2+s29+$0x60 ss:$0x1] =	vst.idx.msk $0xffff, v28;
	v28 =	vld.idx.msk [tilespmem:v9+s22+$0x60 ss:$0x1], $0xffff  }
0x26c: {  	v29 =	vld.idx.msk [tilespmem:v0+s28+$0x390 ss:$0x1], $0xffff  }
0x26d: {  	v23 =	vadd.f32 v26, v23;
	v30 =	vld.idx.msk [tilespmem:v1+s29+$0x70 ss:$0x1], $0xffff;
	[tilespmem:v10+s23+$0x60 ss:$0x1] =	vst.idx.msk $0xffff, v25  }
0x26e: {  	v25 =	vld.idx.msk [tilespmem:v0+s24+$0x3D0 ss:$0x1], $0xffff  }
0x26f: {  	v26 =	vadd.f32 v31, v27;
	v27 =	vld.idx.msk [tilespmem:v9+s23+$0x70 ss:$0x1], $0xffff;
	[tilespmem:v17+s20+$0x40 ss:$0x1] =	vst.idx.msk $0xffff, v23  }
0x270: {  	v23 =	vld.idx.msk [tilespmem:v0+s21+$0x710 ss:$0x1], $0xffff  }
0x271: {  	v24 =	vadd.f32 v28, v24;
	[tilespmem:v2+s26+$0x60 ss:$0x1] =	vst.idx.msk $0xffff, v26;
	v26 =	vld.idx.msk [tilespmem:v18+s20+$0x50 ss:$0x1], $0xffff  }
0x272: {  	v28 =	vld.idx.msk [tilespmem:v0+s28+$0x190 ss:$0x1], $0xffff  }
0x273: {  	v29 =	vadd.f32 v30, v29;
	v31 =	vld.idx.msk [tilespmem:v1+s26+$0x70 ss:$0x1], $0xffff;
	[tilespmem:v10+s22+$0x60 ss:$0x1] =	vst.idx.msk $0xffff, v24  }
0x274: {  	v24 =	vld.idx.msk [tilespmem:v0+s24+$0x1D0 ss:$0x1], $0xffff  }
0x275: {  	v25 =	vadd.f32 v27, v25;
	[tilespmem:v2+s29+$0x70 ss:$0x1] =	vst.idx.msk $0xffff, v29;
	v29 =	vld.idx.msk [tilespmem:v9+s22+$0x70 ss:$0x1], $0xffff  }
0x276: {  	v27 =	vld.idx.msk [tilespmem:v0+s28+$0x210 ss:$0x1], $0xffff  }
0x277: {  	v23 =	vadd.f32 v26, v23;
	v30 =	vld.idx.msk [tilespmem:v3+s29+$0x0 ss:$0x1], $0xffff;
	[tilespmem:v10+s23+$0x70 ss:$0x1] =	vst.idx.msk $0xffff, v25  }
0x278: {  	v25 =	vld.idx.msk [tilespmem:v0+s24+$0x250 ss:$0x1], $0xffff  }
0x279: {  	v26 =	vadd.f32 v31, v28;
	v28 =	vld.idx.msk [tilespmem:v12+s23+$0x0 ss:$0x1], $0xffff;
	[tilespmem:v17+s20+$0x50 ss:$0x1] =	vst.idx.msk $0xffff, v23  }
0x27a: {  	v23 =	vld.idx.msk [tilespmem:v0+s21+$0x780 ss:$0x1], $0xffff  }
0x27b: {  	v24 =	vadd.f32 v29, v24;
	[tilespmem:v2+s26+$0x70 ss:$0x1] =	vst.idx.msk $0xffff, v26;
	v26 =	vld.idx.msk [tilespmem:v18+s20+$0x60 ss:$0x1], $0xffff  }
0x27c: {  	v29 =	vld.idx.msk [tilespmem:v0+s28+$0x10 ss:$0x1], $0xffff  }
0x27d: {  	v27 =	vadd.f32 v30, v27;
	v31 =	vld.idx.msk [tilespmem:v3+s26+$0x0 ss:$0x1], $0xffff;
	[tilespmem:v10+s22+$0x70 ss:$0x1] =	vst.idx.msk $0xffff, v24  }
0x27e: {  	v24 =	vld.idx.msk [tilespmem:v0+s24+$0x50 ss:$0x1], $0xffff  }
0x27f: {  	v25 =	vadd.f32 v28, v25;
	[tilespmem:v4+s29+$0x0 ss:$0x1] =	vst.idx.msk $0xffff, v27;
	v27 =	vld.idx.msk [tilespmem:v12+s22+$0x0 ss:$0x1], $0xffff  }
0x280: {  	v28 =	vld.idx.msk [tilespmem:v0+s28+$0x220 ss:$0x1], $0xffff  }
0x281: {  	v23 =	vadd.f32 v26, v23;
	v30 =	vld.idx.msk [tilespmem:v3+s29+$0x10 ss:$0x1], $0xffff;
	[tilespmem:v14+s23+$0x0 ss:$0x1] =	vst.idx.msk $0xffff, v25  }
0x282: {  	v25 =	vld.idx.msk [tilespmem:v0+s24+$0x260 ss:$0x1], $0xffff  }
0x283: {  	v26 =	vadd.f32 v31, v29;
	v29 =	vld.idx.msk [tilespmem:v12+s23+$0x10 ss:$0x1], $0xffff;
	[tilespmem:v17+s20+$0x60 ss:$0x1] =	vst.idx.msk $0xffff, v23  }
0x284: {  	v23 =	vld.idx.msk [tilespmem:v0+s21+$0x790 ss:$0x1], $0xffff  }
0x285: {  	v24 =	vadd.f32 v27, v24;
	[tilespmem:v4+s26+$0x0 ss:$0x1] =	vst.idx.msk $0xffff, v26;
	v26 =	vld.idx.msk [tilespmem:v18+s20+$0x70 ss:$0x1], $0xffff  }
0x286: {  	v27 =	vld.idx.msk [tilespmem:v0+s28+$0x20 ss:$0x1], $0xffff  }
0x287: {  	v28 =	vadd.f32 v30, v28;
	v31 =	vld.idx.msk [tilespmem:v3+s26+$0x10 ss:$0x1], $0xffff;
	[tilespmem:v14+s22+$0x0 ss:$0x1] =	vst.idx.msk $0xffff, v24  }
0x288: {  	v24 =	vld.idx.msk [tilespmem:v0+s24+$0x60 ss:$0x1], $0xffff  }
0x289: {  	v25 =	vadd.f32 v29, v25;
	[tilespmem:v4+s29+$0x10 ss:$0x1] =	vst.idx.msk $0xffff, v28;
	v28 =	vld.idx.msk [tilespmem:v12+s22+$0x10 ss:$0x1], $0xffff  }
0x28a: {  	v29 =	vld.idx.msk [tilespmem:v0+s28+$0x290 ss:$0x1], $0xffff  }
0x28b: {  	v23 =	vadd.f32 v26, v23;
	v30 =	vld.idx.msk [tilespmem:v3+s29+$0x20 ss:$0x1], $0xffff;
	[tilespmem:v14+s23+$0x10 ss:$0x1] =	vst.idx.msk $0xffff, v25  }
0x28c: {  	v25 =	vld.idx.msk [tilespmem:v0+s24+$0x2D0 ss:$0x1], $0xffff  }
0x28d: {  	v26 =	vadd.f32 v31, v27;
	v27 =	vld.idx.msk [tilespmem:v12+s23+$0x20 ss:$0x1], $0xffff;
	[tilespmem:v17+s20+$0x70 ss:$0x1] =	vst.idx.msk $0xffff, v23  }
0x28e: {  	v23 =	vld.idx.msk [tilespmem:v0+s21+$0x610 ss:$0x1], $0xffff  }
0x28f: {  	v24 =	vadd.f32 v28, v24;
	[tilespmem:v4+s26+$0x10 ss:$0x1] =	vst.idx.msk $0xffff, v26;
	v26 =	vld.idx.msk [tilespmem:v13+s20+$0x0 ss:$0x1], $0xffff  }
0x290: {  	v28 =	vld.idx.msk [tilespmem:v0+s28+$0x90 ss:$0x1], $0xffff  }
0x291: {  	v29 =	vadd.f32 v30, v29;
	v31 =	vld.idx.msk [tilespmem:v3+s26+$0x20 ss:$0x1], $0xffff;
	[tilespmem:v14+s22+$0x10 ss:$0x1] =	vst.idx.msk $0xffff, v24  }
0x292: {  	v24 =	vld.idx.msk [tilespmem:v0+s24+$0xD0 ss:$0x1], $0xffff  }
0x293: {  	v25 =	vadd.f32 v27, v25;
	[tilespmem:v4+s29+$0x20 ss:$0x1] =	vst.idx.msk $0xffff, v29;
	v29 =	vld.idx.msk [tilespmem:v12+s22+$0x20 ss:$0x1], $0xffff  }
0x294: {  	v27 =	vld.idx.msk [tilespmem:v0+s28+$0x2A0 ss:$0x1], $0xffff  }
0x295: {  	v23 =	vadd.f32 v26, v23;
	v30 =	vld.idx.msk [tilespmem:v3+s29+$0x30 ss:$0x1], $0xffff;
	[tilespmem:v14+s23+$0x20 ss:$0x1] =	vst.idx.msk $0xffff, v25  }
0x296: {  	v25 =	vld.idx.msk [tilespmem:v0+s24+$0x2E0 ss:$0x1], $0xffff  }
0x297: {  	v26 =	vadd.f32 v31, v28;
	v28 =	vld.idx.msk [tilespmem:v12+s23+$0x30 ss:$0x1], $0xffff;
	[tilespmem:v11+s20+$0x0 ss:$0x1] =	vst.idx.msk $0xffff, v23  }
0x298: {  	v23 =	vld.idx.msk [tilespmem:v0+s21+$0x620 ss:$0x1], $0xffff  }
0x299: {  	v24 =	vadd.f32 v29, v24;
	[tilespmem:v4+s26+$0x20 ss:$0x1] =	vst.idx.msk $0xffff, v26;
	v26 =	vld.idx.msk [tilespmem:v13+s20+$0x10 ss:$0x1], $0xffff  }
0x29a: {  	v29 =	vld.idx.msk [tilespmem:v0+s28+$0xA0 ss:$0x1], $0xffff  }
0x29b: {  	v27 =	vadd.f32 v30, v27;
	v31 =	vld.idx.msk [tilespmem:v3+s26+$0x30 ss:$0x1], $0xffff;
	[tilespmem:v14+s22+$0x20 ss:$0x1] =	vst.idx.msk $0xffff, v24  }
0x29c: {  	v24 =	vld.idx.msk [tilespmem:v0+s24+$0xE0 ss:$0x1], $0xffff  }
0x29d: {  	v25 =	vadd.f32 v28, v25;
	[tilespmem:v4+s29+$0x30 ss:$0x1] =	vst.idx.msk $0xffff, v27;
	v27 =	vld.idx.msk [tilespmem:v12+s22+$0x30 ss:$0x1], $0xffff  }
0x29e: {  	v28 =	vld.idx.msk [tilespmem:v0+s28+$0x310 ss:$0x1], $0xffff  }
0x29f: {  	v23 =	vadd.f32 v26, v23;
	v30 =	vld.idx.msk [tilespmem:v3+s29+$0x40 ss:$0x1], $0xffff;
	[tilespmem:v14+s23+$0x30 ss:$0x1] =	vst.idx.msk $0xffff, v25  }
0x2a0: {  	v25 =	vld.idx.msk [tilespmem:v0+s24+$0x350 ss:$0x1], $0xffff  }
0x2a1: {  	v26 =	vadd.f32 v31, v29;
	v29 =	vld.idx.msk [tilespmem:v12+s23+$0x40 ss:$0x1], $0xffff;
	[tilespmem:v11+s20+$0x10 ss:$0x1] =	vst.idx.msk $0xffff, v23  }
0x2a2: {  	v23 =	vld.idx.msk [tilespmem:v0+s21+$0x690 ss:$0x1], $0xffff  }
0x2a3: {  	v24 =	vadd.f32 v27, v24;
	[tilespmem:v4+s26+$0x30 ss:$0x1] =	vst.idx.msk $0xffff, v26;
	v26 =	vld.idx.msk [tilespmem:v13+s20+$0x20 ss:$0x1], $0xffff  }
0x2a4: {  	v27 =	vld.idx.msk [tilespmem:v0+s28+$0x110 ss:$0x1], $0xffff  }
0x2a5: {  	v28 =	vadd.f32 v30, v28;
	v31 =	vld.idx.msk [tilespmem:v3+s26+$0x40 ss:$0x1], $0xffff;
	[tilespmem:v14+s22+$0x30 ss:$0x1] =	vst.idx.msk $0xffff, v24  }
0x2a6: {  	v24 =	vld.idx.msk [tilespmem:v0+s24+$0x150 ss:$0x1], $0xffff  }
0x2a7: {  	v25 =	vadd.f32 v29, v25;
	[tilespmem:v4+s29+$0x40 ss:$0x1] =	vst.idx.msk $0xffff, v28;
	v28 =	vld.idx.msk [tilespmem:v12+s22+$0x40 ss:$0x1], $0xffff  }
0x2a8: {  	v29 =	vld.idx.msk [tilespmem:v0+s28+$0x320 ss:$0x1], $0xffff  }
0x2a9: {  	v23 =	vadd.f32 v26, v23;
	v30 =	vld.idx.msk [tilespmem:v3+s29+$0x50 ss:$0x1], $0xffff;
	[tilespmem:v14+s23+$0x40 ss:$0x1] =	vst.idx.msk $0xffff, v25  }
0x2aa: {  	v25 =	vld.idx.msk [tilespmem:v0+s24+$0x360 ss:$0x1], $0xffff  }
0x2ab: {  	v26 =	vadd.f32 v31, v27;
	v27 =	vld.idx.msk [tilespmem:v12+s23+$0x50 ss:$0x1], $0xffff;
	[tilespmem:v11+s20+$0x20 ss:$0x1] =	vst.idx.msk $0xffff, v23  }
0x2ac: {  	v23 =	vld.idx.msk [tilespmem:v0+s21+$0x6A0 ss:$0x1], $0xffff  }
0x2ad: {  	v24 =	vadd.f32 v28, v24;
	[tilespmem:v4+s26+$0x40 ss:$0x1] =	vst.idx.msk $0xffff, v26;
	v26 =	vld.idx.msk [tilespmem:v13+s20+$0x30 ss:$0x1], $0xffff  }
0x2ae: {  	v28 =	vld.idx.msk [tilespmem:v0+s28+$0x120 ss:$0x1], $0xffff  }
0x2af: {  	v29 =	vadd.f32 v30, v29;
	v31 =	vld.idx.msk [tilespmem:v3+s26+$0x50 ss:$0x1], $0xffff;
	[tilespmem:v14+s22+$0x40 ss:$0x1] =	vst.idx.msk $0xffff, v24  }
0x2b0: {  	v24 =	vld.idx.msk [tilespmem:v0+s24+$0x160 ss:$0x1], $0xffff  }
0x2b1: {  	v25 =	vadd.f32 v27, v25;
	[tilespmem:v4+s29+$0x50 ss:$0x1] =	vst.idx.msk $0xffff, v29;
	v29 =	vld.idx.msk [tilespmem:v12+s22+$0x50 ss:$0x1], $0xffff  }
0x2b2: {  	v27 =	vld.idx.msk [tilespmem:v0+s28+$0x390 ss:$0x1], $0xffff  }
0x2b3: {  	v23 =	vadd.f32 v26, v23;
	v30 =	vld.idx.msk [tilespmem:v3+s29+$0x60 ss:$0x1], $0xffff;
	[tilespmem:v14+s23+$0x50 ss:$0x1] =	vst.idx.msk $0xffff, v25  }
0x2b4: {  	v25 =	vld.idx.msk [tilespmem:v0+s24+$0x3D0 ss:$0x1], $0xffff  }
0x2b5: {  	v26 =	vadd.f32 v31, v28;
	v28 =	vld.idx.msk [tilespmem:v12+s23+$0x60 ss:$0x1], $0xffff;
	[tilespmem:v11+s20+$0x30 ss:$0x1] =	vst.idx.msk $0xffff, v23  }
0x2b6: {  	v23 =	vld.idx.msk [tilespmem:v0+s21+$0x710 ss:$0x1], $0xffff  }
0x2b7: {  	v24 =	vadd.f32 v29, v24;
	[tilespmem:v4+s26+$0x50 ss:$0x1] =	vst.idx.msk $0xffff, v26;
	v26 =	vld.idx.msk [tilespmem:v13+s20+$0x40 ss:$0x1], $0xffff  }
0x2b8: {  	v29 =	vld.idx.msk [tilespmem:v0+s28+$0x190 ss:$0x1], $0xffff  }
0x2b9: {  	v27 =	vadd.f32 v30, v27;
	v31 =	vld.idx.msk [tilespmem:v3+s26+$0x60 ss:$0x1], $0xffff;
	[tilespmem:v14+s22+$0x50 ss:$0x1] =	vst.idx.msk $0xffff, v24  }
0x2ba: {  	v24 =	vld.idx.msk [tilespmem:v0+s24+$0x1D0 ss:$0x1], $0xffff  }
0x2bb: {  	v25 =	vadd.f32 v28, v25;
	[tilespmem:v4+s29+$0x60 ss:$0x1] =	vst.idx.msk $0xffff, v27;
	v27 =	vld.idx.msk [tilespmem:v12+s22+$0x60 ss:$0x1], $0xffff  }
0x2bc: {  	v28 =	vld.idx.msk [tilespmem:v0+s28+$0x3A0 ss:$0x1], $0xffff  }
0x2bd: {  	v23 =	vadd.f32 v26, v23;
	v30 =	vld.idx.msk [tilespmem:v3+s29+$0x70 ss:$0x1], $0xffff;
	[tilespmem:v14+s23+$0x60 ss:$0x1] =	vst.idx.msk $0xffff, v25  }
0x2be: {  	v25 =	vld.idx.msk [tilespmem:v0+s24+$0x3E0 ss:$0x1], $0xffff  }
0x2bf: {  	v26 =	vadd.f32 v31, v29;
	v29 =	vld.idx.msk [tilespmem:v12+s23+$0x70 ss:$0x1], $0xffff;
	[tilespmem:v11+s20+$0x40 ss:$0x1] =	vst.idx.msk $0xffff, v23  }
0x2c0: {  	v23 =	vld.idx.msk [tilespmem:v0+s21+$0x720 ss:$0x1], $0xffff  }
0x2c1: {  	v24 =	vadd.f32 v27, v24;
	[tilespmem:v4+s26+$0x60 ss:$0x1] =	vst.idx.msk $0xffff, v26;
	v26 =	vld.idx.msk [tilespmem:v13+s20+$0x50 ss:$0x1], $0xffff  }
0x2c2: {  	v27 =	vld.idx.msk [tilespmem:v0+s28+$0x1A0 ss:$0x1], $0xffff  }
0x2c3: {  	v28 =	vadd.f32 v30, v28;
	v31 =	vld.idx.msk [tilespmem:v3+s26+$0x70 ss:$0x1], $0xffff;
	[tilespmem:v14+s22+$0x60 ss:$0x1] =	vst.idx.msk $0xffff, v24  }
0x2c4: {  	v24 =	vld.idx.msk [tilespmem:v0+s24+$0x1E0 ss:$0x1], $0xffff  }
0x2c5: {  	v25 =	vadd.f32 v29, v25;
	[tilespmem:v4+s29+$0x70 ss:$0x1] =	vst.idx.msk $0xffff, v28;
	v28 =	vld.idx.msk [tilespmem:v12+s22+$0x70 ss:$0x1], $0xffff  }
0x2c6: {  	v29 =	vld.idx.msk [tilespmem:v0+s28+$0x220 ss:$0x1], $0xffff  }
0x2c7: {  	v23 =	vadd.f32 v26, v23;
	v30 =	vld.idx.msk [tilespmem:v5+s29+$0x0 ss:$0x1], $0xffff;
	[tilespmem:v14+s23+$0x70 ss:$0x1] =	vst.idx.msk $0xffff, v25  }
0x2c8: {  	v25 =	vld.idx.msk [tilespmem:v0+s24+$0x260 ss:$0x1], $0xffff  }
0x2c9: {  	v26 =	vadd.f32 v31, v27;
	v27 =	vld.idx.msk [tilespmem:v15+s23+$0x0 ss:$0x1], $0xffff;
	[tilespmem:v11+s20+$0x50 ss:$0x1] =	vst.idx.msk $0xffff, v23  }
0x2ca: {  	v23 =	vld.idx.msk [tilespmem:v13+s20+$0x60 ss:$0x1], $0xffff  }
0x2cb: {  	v24 =	vadd.f32 v28, v24;
	[tilespmem:v4+s26+$0x70 ss:$0x1] =	vst.idx.msk $0xffff, v26;
	v26 =	vld.idx.msk [tilespmem:v0+s21+$0x790 ss:$0x1], $0xffff  }
0x2cc: {  	v28 =	vld.idx.msk [tilespmem:v0+s28+$0x20 ss:$0x1], $0xffff  }
0x2cd: {  	v29 =	vadd.f32 v30, v29;
	v31 =	vld.idx.msk [tilespmem:v5+s26+$0x0 ss:$0x1], $0xffff;
	[tilespmem:v14+s22+$0x70 ss:$0x1] =	vst.idx.msk $0xffff, v24  }
0x2ce: {  	v24 =	vld.idx.msk [tilespmem:v0+s24+$0x60 ss:$0x1], $0xffff  }
0x2cf: {  	v25 =	vadd.f32 v27, v25;
	[tilespmem:v6+s29+$0x0 ss:$0x1] =	vst.idx.msk $0xffff, v29;
	v29 =	vld.idx.msk [tilespmem:v15+s22+$0x0 ss:$0x1], $0xffff  }
0x2d0: {  	v21 =	vadd.f32 v21, v22;
	v27 =	vld.idx.msk [tilespmem:v0+s28+$0x230 ss:$0x1], $0xffff  }
0x2d1: {  	v23 =	vadd.f32 v23, v26;
	v22 =	vld.idx.msk [tilespmem:v5+s29+$0x10 ss:$0x1], $0xffff;
	[tilespmem:v16+s23+$0x0 ss:$0x1] =	vst.idx.msk $0xffff, v25  }
0x2d2: {  	v25 =	vld.idx.msk [tilespmem:v0+s24+$0x270 ss:$0x1], $0xffff;
	[tilespmem:v17+s19+$0x10 ss:$0x1] =	vst.idx.msk $0xffff, v21  }
0x2d3: {  	v21 =	vadd.f32 v31, v28;
	v26 =	vld.idx.msk [tilespmem:v0+s21+$0x480 ss:$0x1], $0xffff;
	[tilespmem:v11+s20+$0x60 ss:$0x1] =	vst.idx.msk $0xffff, v23  }
0x2d4: {  	v23 =	vld.idx.msk [tilespmem:v15+s23+$0x10 ss:$0x1], $0xffff  }
0x2d5: {  	[tilespmem:v6+s26+$0x0 ss:$0x1] =	vst.idx.msk $0xffff, v21;
	v21 =	vadd.f32 v29, v24;
	v24 =	vld.idx.msk [tilespmem:v18+s19+$0x20 ss:$0x1], $0xffff  }
0x2d6: {  	v28 =	vld.idx.msk [tilespmem:v0+s28+$0x30 ss:$0x1], $0xffff  }
0x2d7: {  	v22 =	vadd.f32 v22, v27;
	v29 =	vld.idx.msk [tilespmem:v5+s26+$0x10 ss:$0x1], $0xffff;
	[tilespmem:v16+s22+$0x0 ss:$0x1] =	vst.idx.msk $0xffff, v21  }
0x2d8: {  	v21 =	vld.idx.msk [tilespmem:v0+s24+$0x70 ss:$0x1], $0xffff  }
0x2d9: {  	[tilespmem:v6+s29+$0x10 ss:$0x1] =	vst.idx.msk $0xffff, v22;
	v22 =	vld.idx.msk [tilespmem:v15+s22+$0x10 ss:$0x1], $0xffff  }
0x2da: {  	v23 =	vadd.f32 v23, v25;
	v27 =	vld.idx.msk [tilespmem:v0+s28+$0x2A0 ss:$0x1], $0xffff  }
0x2db: {  	v24 =	vadd.f32 v24, v26;
	v25 =	vld.idx.msk [tilespmem:v5+s29+$0x20 ss:$0x1], $0xffff  }
0x2dc: {  	[tilespmem:v16+s23+$0x10 ss:$0x1] =	vst.idx.msk $0xffff, v23;
	v23 =	vld.idx.msk [tilespmem:v0+s21+$0x7A0 ss:$0x1], $0xffff  }
0x2dd: {  	v26 =	vadd.f32 v29, v28;
	v28 =	vld.idx.msk [tilespmem:v0+s24+$0x2E0 ss:$0x1], $0xffff;
	[tilespmem:v17+s19+$0x20 ss:$0x1] =	vst.idx.msk $0xffff, v24  }
0x2de: {  	v24 =	vld.idx.msk [tilespmem:v0+s21+$0x490 ss:$0x1], $0xffff  }
0x2df: {  	v21 =	vadd.f32 v22, v21;
	[tilespmem:v6+s26+$0x10 ss:$0x1] =	vst.idx.msk $0xffff, v26;
	v22 =	vld.idx.msk [tilespmem:v18+s19+$0x30 ss:$0x1], $0xffff  }
0x2e0: {  	v26 =	vld.idx.msk [tilespmem:v0+s28+$0xA0 ss:$0x1], $0xffff  }
0x2e1: {  	v25 =	vadd.f32 v25, v27;
	v29 =	vld.idx.msk [tilespmem:v5+s26+$0x20 ss:$0x1], $0xffff;
	[tilespmem:v16+s22+$0x10 ss:$0x1] =	vst.idx.msk $0xffff, v21  }
0x2e2: {  	v21 =	vld.idx.msk [tilespmem:v0+s24+$0xE0 ss:$0x1], $0xffff  }
0x2e3: {  	[tilespmem:v6+s29+$0x20 ss:$0x1] =	vst.idx.msk $0xffff, v25;
	v25 =	vld.idx.msk [tilespmem:v15+s22+$0x20 ss:$0x1], $0xffff  }
0x2e4: {  	v27 =	vld.idx.msk [tilespmem:v0+s28+$0x2B0 ss:$0x1], $0xffff  }
0x2e5: {  	v22 =	vadd.f32 v22, v24;
	v30 =	vld.idx.msk [tilespmem:v5+s29+$0x30 ss:$0x1], $0xffff  }
0x2e6: {  	v24 =	vld.idx.msk [tilespmem:v15+s23+$0x20 ss:$0x1], $0xffff  }
0x2e7: {  	v26 =	vadd.f32 v29, v26;
	[tilespmem:v17+s19+$0x30 ss:$0x1] =	vst.idx.msk $0xffff, v22;
	v22 =	vld.idx.msk [tilespmem:v13+s20+$0x70 ss:$0x1], $0xffff  }
0x2e8: {  	v29 =	vld.idx.msk [tilespmem:v0+s21+$0x500 ss:$0x1], $0xffff  }
0x2e9: {  	v21 =	vadd.f32 v25, v21;
	[tilespmem:v6+s26+$0x20 ss:$0x1] =	vst.idx.msk $0xffff, v26;
	v25 =	vld.idx.msk [tilespmem:v18+s19+$0x40 ss:$0x1], $0xffff  }
0x2ea: {  	v26 =	vld.idx.msk [tilespmem:v0+s28+$0xB0 ss:$0x1], $0xffff  }
0x2eb: {  	v27 =	vadd.f32 v30, v27;
	v31 =	vld.idx.msk [tilespmem:v5+s26+$0x30 ss:$0x1], $0xffff;
	[tilespmem:v16+s22+$0x20 ss:$0x1] =	vst.idx.msk $0xffff, v21  }
0x2ec: {  	v24 =	vadd.f32 v24, v28;
	v21 =	vld.idx.msk [tilespmem:v0+s24+$0xF0 ss:$0x1], $0xffff  }
0x2ed: {  	v22 =	vadd.f32 v22, v23;
	[tilespmem:v6+s29+$0x30 ss:$0x1] =	vst.idx.msk $0xffff, v27;
	v27 =	vld.idx.msk [tilespmem:v15+s22+$0x30 ss:$0x1], $0xffff  }
0x2ee: {  	v23 =	vld.idx.msk [tilespmem:v0+s28+$0x320 ss:$0x1], $0xffff;
	[tilespmem:v16+s23+$0x20 ss:$0x1] =	vst.idx.msk $0xffff, v24  }
0x2ef: {  	v25 =	vadd.f32 v25, v29;
	v24 =	vld.idx.msk [tilespmem:v5+s29+$0x40 ss:$0x1], $0xffff;
	[tilespmem:v11+s20+$0x70 ss:$0x1] =	vst.idx.msk $0xffff, v22;
	s20 =	smov.u32 s23;
	s23 =	smov.u32 s29  }
0x2f0: {  	v22 =	vld.idx.msk [tilespmem:v0+s24+$0x2F0 ss:$0x1], $0xffff  }
0x2f1: {  	v26 =	vadd.f32 v31, v26;
	v28 =	vld.idx.msk [tilespmem:v15+s20+$0x30 ss:$0x1], $0xffff;
	[tilespmem:v17+s19+$0x40 ss:$0x1] =	vst.idx.msk $0xffff, v25  }
0x2f2: {  	v25 =	vld.idx.msk [tilespmem:v0+s21+$0x510 ss:$0x1], $0xffff  }
0x2f3: {  	v21 =	vadd.f32 v27, v21;
	[tilespmem:v6+s26+$0x30 ss:$0x1] =	vst.idx.msk $0xffff, v26;
	v26 =	vld.idx.msk [tilespmem:v18+s19+$0x50 ss:$0x1], $0xffff  }
0x2f4: {  	v27 =	vld.idx.msk [tilespmem:v0+s28+$0x120 ss:$0x1], $0xffff  }
0x2f5: {  	v23 =	vadd.f32 v24, v23;
	v29 =	vld.idx.msk [tilespmem:v5+s26+$0x40 ss:$0x1], $0xffff;
	[tilespmem:v16+s22+$0x30 ss:$0x1] =	vst.idx.msk $0xffff, v21  }
0x2f6: {  	v21 =	vld.idx.msk [tilespmem:v0+s24+$0x160 ss:$0x1], $0xffff  }
0x2f7: {  	v22 =	vadd.f32 v28, v22;
	[tilespmem:v6+s23+$0x40 ss:$0x1] =	vst.idx.msk $0xffff, v23;
	v23 =	vld.idx.msk [tilespmem:v15+s22+$0x40 ss:$0x1], $0xffff  }
0x2f8: {  	v24 =	vld.idx.msk [tilespmem:v0+s28+$0x330 ss:$0x1], $0xffff  }
0x2f9: {  	v28 =	vld.idx.msk [tilespmem:v5+s23+$0x50 ss:$0x1], $0xffff;
	[tilespmem:v16+s20+$0x30 ss:$0x1] =	vst.idx.msk $0xffff, v22;
	v22 =	vadd.f32 v26, v25  }
0x2fa: {  	v25 =	vld.idx.msk [tilespmem:v0+s24+$0x360 ss:$0x1], $0xffff  }
0x2fb: {  	v26 =	vadd.f32 v29, v27;
	v27 =	vld.idx.msk [tilespmem:v15+s20+$0x40 ss:$0x1], $0xffff;
	[tilespmem:v17+s19+$0x50 ss:$0x1] =	vst.idx.msk $0xffff, v22  }
0x2fc: {  	v22 =	vld.idx.msk [tilespmem:v0+s21+$0x580 ss:$0x1], $0xffff  }
0x2fd: {  	v21 =	vadd.f32 v23, v21;
	[tilespmem:v6+s26+$0x40 ss:$0x1] =	vst.idx.msk $0xffff, v26;
	v23 =	vld.idx.msk [tilespmem:v18+s19+$0x60 ss:$0x1], $0xffff  }
0x2fe: {  	v26 =	vld.idx.msk [tilespmem:v0+s28+$0x130 ss:$0x1], $0xffff  }
0x2ff: {  	v24 =	vadd.f32 v28, v24;
	v29 =	vld.idx.msk [tilespmem:v5+s26+$0x50 ss:$0x1], $0xffff;
	[tilespmem:v16+s22+$0x40 ss:$0x1] =	vst.idx.msk $0xffff, v21  }
0x300: {  	v21 =	vld.idx.msk [tilespmem:v0+s24+$0x170 ss:$0x1], $0xffff  }
0x301: {  	v25 =	vadd.f32 v27, v25;
	[tilespmem:v6+s23+$0x50 ss:$0x1] =	vst.idx.msk $0xffff, v24;
	v24 =	vld.idx.msk [tilespmem:v15+s22+$0x50 ss:$0x1], $0xffff  }
0x302: {  	v27 =	vld.idx.msk [tilespmem:v0+s28+$0x3A0 ss:$0x1], $0xffff  }
0x303: {  	v22 =	vadd.f32 v23, v22;
	v28 =	vld.idx.msk [tilespmem:v5+s23+$0x60 ss:$0x1], $0xffff;
	[tilespmem:v16+s20+$0x40 ss:$0x1] =	vst.idx.msk $0xffff, v25  }
0x304: {  	v23 =	vld.idx.msk [tilespmem:v0+s24+$0x370 ss:$0x1], $0xffff  }
0x305: {  	v25 =	vadd.f32 v29, v26;
	v26 =	vld.idx.msk [tilespmem:v15+s20+$0x50 ss:$0x1], $0xffff;
	[tilespmem:v17+s19+$0x60 ss:$0x1] =	vst.idx.msk $0xffff, v22  }
0x306: {  	v22 =	vld.idx.msk [tilespmem:v0+s21+$0x590 ss:$0x1], $0xffff  }
0x307: {  	v21 =	vadd.f32 v24, v21;
	[tilespmem:v6+s26+$0x50 ss:$0x1] =	vst.idx.msk $0xffff, v25;
	v24 =	vld.idx.msk [tilespmem:v18+s19+$0x70 ss:$0x1], $0xffff  }
0x308: {  	v25 =	vld.idx.msk [tilespmem:v0+s28+$0x1A0 ss:$0x1], $0xffff  }
0x309: {  	v27 =	vadd.f32 v28, v27;
	v29 =	vld.idx.msk [tilespmem:v5+s26+$0x60 ss:$0x1], $0xffff;
	[tilespmem:v16+s22+$0x50 ss:$0x1] =	vst.idx.msk $0xffff, v21  }
0x30a: {  	v21 =	vld.idx.msk [tilespmem:v0+s24+$0x1E0 ss:$0x1], $0xffff  }
0x30b: {  	v23 =	vadd.f32 v26, v23;
	[tilespmem:v6+s23+$0x60 ss:$0x1] =	vst.idx.msk $0xffff, v27;
	v27 =	vld.idx.msk [tilespmem:v15+s22+$0x60 ss:$0x1], $0xffff  }
0x30c: {  	v26 =	vld.idx.msk [tilespmem:v0+s28+$0x3B0 ss:$0x1], $0xffff  }
0x30d: {  	v22 =	vadd.f32 v24, v22;
	v28 =	vld.idx.msk [tilespmem:v5+s23+$0x70 ss:$0x1], $0xffff;
	[tilespmem:v16+s20+$0x50 ss:$0x1] =	vst.idx.msk $0xffff, v23  }
0x30e: {  	v23 =	vld.idx.msk [tilespmem:v0+s24+$0x3E0 ss:$0x1], $0xffff  }
0x30f: {  	v24 =	vadd.f32 v29, v25;
	v25 =	vld.idx.msk [tilespmem:v15+s20+$0x60 ss:$0x1], $0xffff;
	[tilespmem:v17+s19+$0x70 ss:$0x1] =	vst.idx.msk $0xffff, v22  }
0x310: {  	v22 =	vld.idx.msk [tilespmem:v0+s21+$0x410 ss:$0x1], $0xffff  }
0x311: {  	v21 =	vadd.f32 v27, v21;
	[tilespmem:v6+s26+$0x60 ss:$0x1] =	vst.idx.msk $0xffff, v24;
	v24 =	vld.idx.msk [tilespmem:v13+s19+$0x0 ss:$0x1], $0xffff  }
0x312: {  	v27 =	vld.idx.msk [tilespmem:v0+s28+$0x1B0 ss:$0x1], $0xffff  }
0x313: {  	v26 =	vadd.f32 v28, v26;
	v29 =	vld.idx.msk [tilespmem:v5+s26+$0x70 ss:$0x1], $0xffff;
	[tilespmem:v16+s22+$0x60 ss:$0x1] =	vst.idx.msk $0xffff, v21  }
0x314: {  	v21 =	vld.idx.msk [tilespmem:v0+s24+$0x1F0 ss:$0x1], $0xffff  }
0x315: {  	v23 =	vadd.f32 v25, v23;
	[tilespmem:v6+s23+$0x70 ss:$0x1] =	vst.idx.msk $0xffff, v26;
	v26 =	vld.idx.msk [tilespmem:v15+s22+$0x70 ss:$0x1], $0xffff  }
0x316: {  	v25 =	vld.idx.msk [tilespmem:v0+s28+$0x230 ss:$0x1], $0xffff  }
0x317: {  	v22 =	vadd.f32 v24, v22;
	v28 =	vld.idx.msk [tilespmem:v7+s23+$0x0 ss:$0x1], $0xffff;
	[tilespmem:v16+s20+$0x60 ss:$0x1] =	vst.idx.msk $0xffff, v23  }
0x318: {  	v23 =	vld.idx.msk [tilespmem:v0+s24+$0x3F0 ss:$0x1], $0xffff  }
0x319: {  	v24 =	vadd.f32 v29, v27;
	v27 =	vld.idx.msk [tilespmem:v15+s20+$0x70 ss:$0x1], $0xffff;
	[tilespmem:v11+s19+$0x0 ss:$0x1] =	vst.idx.msk $0xffff, v22  }
0x31a: {  	v22 =	vld.idx.msk [tilespmem:v0+s21+$0x420 ss:$0x1], $0xffff  }
0x31b: {  	v21 =	vadd.f32 v26, v21;
	[tilespmem:v6+s26+$0x70 ss:$0x1] =	vst.idx.msk $0xffff, v24;
	v24 =	vld.idx.msk [tilespmem:v13+s19+$0x10 ss:$0x1], $0xffff  }
0x31c: {  	v26 =	vld.idx.msk [tilespmem:v0+s28+$0x30 ss:$0x1], $0xffff  }
0x31d: {  	v25 =	vadd.f32 v28, v25;
	v29 =	vld.idx.msk [tilespmem:v7+s26+$0x0 ss:$0x1], $0xffff;
	[tilespmem:v16+s22+$0x70 ss:$0x1] =	vst.idx.msk $0xffff, v21  }
0x31e: {  	v21 =	vld.idx.msk [tilespmem:v0+s24+$0x70 ss:$0x1], $0xffff  }
0x31f: {  	v23 =	vadd.f32 v27, v23;
	[tilespmem:v8+s23+$0x0 ss:$0x1] =	vst.idx.msk $0xffff, v25;
	v25 =	vld.idx.msk [tilespmem:v19+s22+$0x0 ss:$0x1], $0xffff  }
0x320: {  	v27 =	vld.idx.msk [tilespmem:v0+s28+$0x240 ss:$0x1], $0xffff  }
0x321: {  	v22 =	vadd.f32 v24, v22;
	v28 =	vld.idx.msk [tilespmem:v7+s23+$0x10 ss:$0x1], $0xffff;
	[tilespmem:v16+s20+$0x70 ss:$0x1] =	vst.idx.msk $0xffff, v23  }
0x322: {  	v23 =	vld.idx.msk [tilespmem:v0+s24+$0x270 ss:$0x1], $0xffff  }
0x323: {  	v24 =	vadd.f32 v29, v26;
	v26 =	vld.idx.msk [tilespmem:v19+s20+$0x0 ss:$0x1], $0xffff;
	[tilespmem:v11+s19+$0x10 ss:$0x1] =	vst.idx.msk $0xffff, v22  }
0x324: {  	v22 =	vld.idx.msk [tilespmem:v0+s21+$0x490 ss:$0x1], $0xffff  }
0x325: {  	v21 =	vadd.f32 v25, v21;
	[tilespmem:v8+s26+$0x0 ss:$0x1] =	vst.idx.msk $0xffff, v24;
	v24 =	vld.idx.msk [tilespmem:v13+s19+$0x20 ss:$0x1], $0xffff  }
0x326: {  	v25 =	vld.idx.msk [tilespmem:v0+s28+$0x40 ss:$0x1], $0xffff  }
0x327: {  	v27 =	vadd.f32 v28, v27;
	v29 =	vld.idx.msk [tilespmem:v7+s26+$0x10 ss:$0x1], $0xffff;
	[tilespmem:v20+s22+$0x0 ss:$0x1] =	vst.idx.msk $0xffff, v21  }
0x328: {  	v21 =	vld.idx.msk [tilespmem:v0+s24+$0x400 ss:$0x1], $0xffff  }
0x329: {  	v23 =	vadd.f32 v26, v23;
	[tilespmem:v8+s23+$0x10 ss:$0x1] =	vst.idx.msk $0xffff, v27;
	v27 =	vld.idx.msk [tilespmem:v19+s22+$0x10 ss:$0x1], $0xffff  }
0x32a: {  	v26 =	vld.idx.msk [tilespmem:v0+s28+$0x2B0 ss:$0x1], $0xffff  }
0x32b: {  	v22 =	vadd.f32 v24, v22;
	v28 =	vld.idx.msk [tilespmem:v7+s23+$0x20 ss:$0x1], $0xffff;
	[tilespmem:v20+s20+$0x0 ss:$0x1] =	vst.idx.msk $0xffff, v23  }
0x32c: {  	v23 =	vld.idx.msk [tilespmem:v0+s24+$0x600 ss:$0x1], $0xffff  }
0x32d: {  	v24 =	vadd.f32 v29, v25;
	v25 =	vld.idx.msk [tilespmem:v19+s20+$0x10 ss:$0x1], $0xffff;
	[tilespmem:v11+s19+$0x20 ss:$0x1] =	vst.idx.msk $0xffff, v22  }
0x32e: {  	v22 =	vld.idx.msk [tilespmem:v0+s21+$0x4A0 ss:$0x1], $0xffff  }
0x32f: {  	v21 =	vadd.f32 v27, v21;
	[tilespmem:v8+s26+$0x10 ss:$0x1] =	vst.idx.msk $0xffff, v24;
	v24 =	vld.idx.msk [tilespmem:v13+s19+$0x30 ss:$0x1], $0xffff  }
0x330: {  	v27 =	vld.idx.msk [tilespmem:v0+s28+$0xB0 ss:$0x1], $0xffff  }
0x331: {  	v26 =	vadd.f32 v28, v26;
	v29 =	vld.idx.msk [tilespmem:v7+s26+$0x20 ss:$0x1], $0xffff;
	[tilespmem:v20+s22+$0x10 ss:$0x1] =	vst.idx.msk $0xffff, v21  }
0x332: {  	v21 =	vld.idx.msk [tilespmem:v0+s24+$0xF0 ss:$0x1], $0xffff  }
0x333: {  	v23 =	vadd.f32 v25, v23;
	[tilespmem:v8+s23+$0x20 ss:$0x1] =	vst.idx.msk $0xffff, v26;
	v26 =	vld.idx.msk [tilespmem:v19+s22+$0x20 ss:$0x1], $0xffff  }
0x334: {  	v25 =	vld.idx.msk [tilespmem:v0+s28+$0x2C0 ss:$0x1], $0xffff  }
0x335: {  	v22 =	vadd.f32 v24, v22;
	v28 =	vld.idx.msk [tilespmem:v7+s23+$0x30 ss:$0x1], $0xffff;
	[tilespmem:v20+s20+$0x10 ss:$0x1] =	vst.idx.msk $0xffff, v23  }
0x336: {  	v23 =	vld.idx.msk [tilespmem:v19+s20+$0x20 ss:$0x1], $0xffff  }
0x337: {  	v24 =	vadd.f32 v29, v27;
	v27 =	vld.idx.msk [tilespmem:v0+s24+$0x2F0 ss:$0x1], $0xffff;
	[tilespmem:v11+s19+$0x30 ss:$0x1] =	vst.idx.msk $0xffff, v22  }
0x338: {  	v22 =	vld.idx.msk [tilespmem:v0+s21+$0x510 ss:$0x1], $0xffff  }
0x339: {  	v21 =	vadd.f32 v26, v21;
	[tilespmem:v8+s26+$0x20 ss:$0x1] =	vst.idx.msk $0xffff, v24;
	v24 =	vld.idx.msk [tilespmem:v13+s19+$0x40 ss:$0x1], $0xffff  }
0x33a: {  	v26 =	vld.idx.msk [tilespmem:v0+s28+$0xC0 ss:$0x1], $0xffff  }
0x33b: {  	v25 =	vadd.f32 v28, v25;
	v29 =	vld.idx.msk [tilespmem:v7+s26+$0x30 ss:$0x1], $0xffff;
	[tilespmem:v20+s22+$0x20 ss:$0x1] =	vst.idx.msk $0xffff, v21  }
0x33c: {  	v21 =	vld.idx.msk [tilespmem:v0+s24+$0x480 ss:$0x1], $0xffff  }
0x33d: {  	v23 =	vadd.f32 v23, v27;
	[tilespmem:v8+s23+$0x30 ss:$0x1] =	vst.idx.msk $0xffff, v25;
	v25 =	vld.idx.msk [tilespmem:v19+s22+$0x30 ss:$0x1], $0xffff  }
0x33e: {  	v27 =	vld.idx.msk [tilespmem:v0+s28+$0x330 ss:$0x1], $0xffff  }
0x33f: {  	v22 =	vadd.f32 v24, v22;
	v28 =	vld.idx.msk [tilespmem:v7+s23+$0x40 ss:$0x1], $0xffff;
	[tilespmem:v20+s20+$0x20 ss:$0x1] =	vst.idx.msk $0xffff, v23  }
0x340: {  	v23 =	vld.idx.msk [tilespmem:v0+s24+$0x680 ss:$0x1], $0xffff  }
0x341: {  	v24 =	vadd.f32 v29, v26;
	v26 =	vld.idx.msk [tilespmem:v19+s20+$0x30 ss:$0x1], $0xffff;
	[tilespmem:v11+s19+$0x40 ss:$0x1] =	vst.idx.msk $0xffff, v22  }
0x342: {  	v22 =	vld.idx.msk [tilespmem:v0+s21+$0x520 ss:$0x1], $0xffff  }
0x343: {  	v21 =	vadd.f32 v25, v21;
	[tilespmem:v8+s26+$0x30 ss:$0x1] =	vst.idx.msk $0xffff, v24;
	v24 =	vld.idx.msk [tilespmem:v13+s19+$0x50 ss:$0x1], $0xffff  }
0x344: {  	v25 =	vld.idx.msk [tilespmem:v0+s28+$0x130 ss:$0x1], $0xffff  }
0x345: {  	v27 =	vadd.f32 v28, v27;
	v29 =	vld.idx.msk [tilespmem:v7+s26+$0x40 ss:$0x1], $0xffff;
	[tilespmem:v20+s22+$0x30 ss:$0x1] =	vst.idx.msk $0xffff, v21  }
0x346: {  	v21 =	vld.idx.msk [tilespmem:v0+s24+$0x170 ss:$0x1], $0xffff  }
0x347: {  	v23 =	vadd.f32 v26, v23;
	[tilespmem:v8+s23+$0x40 ss:$0x1] =	vst.idx.msk $0xffff, v27;
	v27 =	vld.idx.msk [tilespmem:v19+s22+$0x40 ss:$0x1], $0xffff  }
0x348: {  	v26 =	vld.idx.msk [tilespmem:v0+s28+$0x340 ss:$0x1], $0xffff  }
0x349: {  	v22 =	vadd.f32 v24, v22;
	v28 =	vld.idx.msk [tilespmem:v7+s23+$0x50 ss:$0x1], $0xffff;
	[tilespmem:v20+s20+$0x30 ss:$0x1] =	vst.idx.msk $0xffff, v23  }
0x34a: {  	v23 =	vld.idx.msk [tilespmem:v0+s24+$0x370 ss:$0x1], $0xffff  }
0x34b: {  	v24 =	vadd.f32 v29, v25;
	v25 =	vld.idx.msk [tilespmem:v19+s20+$0x40 ss:$0x1], $0xffff;
	[tilespmem:v11+s19+$0x50 ss:$0x1] =	vst.idx.msk $0xffff, v22  }
0x34c: {  	v22 =	vld.idx.msk [tilespmem:v0+s21+$0x590 ss:$0x1], $0xffff  }
0x34d: {  	v21 =	vadd.f32 v27, v21;
	[tilespmem:v8+s26+$0x40 ss:$0x1] =	vst.idx.msk $0xffff, v24;
	v24 =	vld.idx.msk [tilespmem:v13+s19+$0x60 ss:$0x1], $0xffff  }
0x34e: {  	v27 =	vld.idx.msk [tilespmem:v0+s28+$0x140 ss:$0x1], $0xffff  }
0x34f: {  	v26 =	vadd.f32 v28, v26;
	v29 =	vld.idx.msk [tilespmem:v7+s26+$0x50 ss:$0x1], $0xffff;
	[tilespmem:v20+s22+$0x40 ss:$0x1] =	vst.idx.msk $0xffff, v21  }
0x350: {  	v21 =	vld.idx.msk [tilespmem:v0+s24+$0x500 ss:$0x1], $0xffff  }
0x351: {  	v23 =	vadd.f32 v25, v23;
	[tilespmem:v8+s23+$0x50 ss:$0x1] =	vst.idx.msk $0xffff, v26;
	v26 =	vld.idx.msk [tilespmem:v19+s22+$0x50 ss:$0x1], $0xffff  }
0x352: {  	v25 =	vld.idx.msk [tilespmem:v0+s28+$0x3B0 ss:$0x1], $0xffff  }
0x353: {  	v22 =	vadd.f32 v24, v22;
	v28 =	vld.idx.msk [tilespmem:v7+s23+$0x60 ss:$0x1], $0xffff;
	[tilespmem:v20+s20+$0x40 ss:$0x1] =	vst.idx.msk $0xffff, v23  }
0x354: {  	v23 =	vld.idx.msk [tilespmem:v0+s24+$0x700 ss:$0x1], $0xffff  }
0x355: {  	v24 =	vadd.f32 v29, v27;
	v27 =	vld.idx.msk [tilespmem:v19+s20+$0x50 ss:$0x1], $0xffff;
	[tilespmem:v11+s19+$0x60 ss:$0x1] =	vst.idx.msk $0xffff, v22  }
0x356: {  	v22 =	vld.idx.msk [tilespmem:v0+s21+$0x5A0 ss:$0x1], $0xffff;
	s21 =	smov.u32 s24;
	s24 =	smov.u32 s28  }
0x357: {  	v21 =	vadd.f32 v26, v21;
	[tilespmem:v8+s26+$0x50 ss:$0x1] =	vst.idx.msk $0xffff, v24;
	v24 =	vld.idx.msk [tilespmem:v13+s19+$0x70 ss:$0x1], $0xffff  }
0x358: {  	v26 =	vld.idx.msk [tilespmem:v0+s24+$0x1B0 ss:$0x1], $0xffff  }
0x359: {  	v25 =	vadd.f32 v28, v25;
	v29 =	vld.idx.msk [tilespmem:v7+s26+$0x60 ss:$0x1], $0xffff;
	[tilespmem:v20+s22+$0x50 ss:$0x1] =	vst.idx.msk $0xffff, v21  }
0x35a: {  	v28 =	vld.idx.msk [tilespmem:v0+s21+$0x1F0 ss:$0x1], $0xffff  }
0x35b: {  	v21 =	vadd.f32 v27, v23;
	[tilespmem:v8+s23+$0x60 ss:$0x1] =	vst.idx.msk $0xffff, v25;
	v25 =	vld.idx.msk [tilespmem:v19+s22+$0x60 ss:$0x1], $0xffff  }
0x35c: {  	v23 =	vld.idx.msk [tilespmem:v0+s24+$0x3C0 ss:$0x1], $0xffff  }
0x35d: {  	v24 =	vadd.f32 v24, v22;
	v27 =	vld.idx.msk [tilespmem:v7+s23+$0x70 ss:$0x1], $0xffff;
	[tilespmem:v20+s20+$0x50 ss:$0x1] =	vst.idx.msk $0xffff, v21  }
0x35e: {  	v21 =	vld.idx.msk [tilespmem:v0+s21+$0x3F0 ss:$0x1], $0xffff  }
0x35f: {  	v26 =	vadd.f32 v29, v26;
	v22 =	vld.idx.msk [tilespmem:v19+s20+$0x60 ss:$0x1], $0xffff;
	[tilespmem:v11+s19+$0x70 ss:$0x1] =	vst.idx.msk $0xffff, v24;
	s19 =	smov.u32 s22;
	s22 =	smov.u32 s26  }
.Ltmp0:
0x360: {  	(pc) =	sbr.rel @p0 .LBB2_3-.Ltmp0, $4  }
0x361: {  	v28 =	vadd.f32 v25, v28;
	[tilespmem:v8+s22+$0x60 ss:$0x1] =	vst.idx.msk $0xffff, v26  }
0x362: {  	v24 =	vld.idx.msk [tilespmem:v0+s24+$0x1C0 ss:$0x1], $0xffff  }
0x363: {  	v26 =	vadd.f32 v27, v23;
	v25 =	vld.idx.msk [tilespmem:v7+s22+$0x70 ss:$0x1], $0xffff;
	[tilespmem:v20+s19+$0x60 ss:$0x1] =	vst.idx.msk $0xffff, v28  }
0x364: {  	v23 =	vld.idx.msk [tilespmem:v0+s21+$0x580 ss:$0x1], $0xffff  }
0x365: {  	_ =	sdelay $0x3  }
0x366: {  	[tilespmem:v8+s23+$0x70 ss:$0x1] =	vst.idx.msk $0xffff, v26;
	v1 =	vadd.f32 v25, v24  }
0x367: {  	v2 =	vld.idx.msk [tilespmem:v0+s24+$0x240 ss:$0x1], $0xffff  }
0x368: {  	v3 =	vld.idx.msk [tilespmem:v9+s23+$0x0 ss:$0x1], $0xffff;
	[tilespmem:v8+s22+$0x70 ss:$0x1] =	vst.idx.msk $0xffff, v1  }
0x369: {  	v1 =	vld.idx.msk [tilespmem:v0+s24+$0x40 ss:$0x1], $0xffff  }
0x36a: {  	v4 =	vld.idx.msk [tilespmem:v9+s22+$0x0 ss:$0x1], $0xffff;
	_ =	sdelay $0x2  }
0x36b: {  	v2 =	vadd.f32 v3, v2;
	_ =	sdelay $0x1  }
0x36c: {  	[tilespmem:v10+s23+$0x0 ss:$0x1] =	vst.idx.msk $0xffff, v2;
	v1 =	vadd.f32 v4, v1  }
0x36d: {  	v2 =	vld.idx.msk [tilespmem:v0+s24+$0x250 ss:$0x1], $0xffff  }
0x36e: {  	v44 =	vld.idx.msk [tilespmem:v9+s23+$0x10 ss:$0x1], $0xffff;
	[tilespmem:v10+s22+$0x0 ss:$0x1] =	vst.idx.msk $0xffff, v1  }
0x36f: {  	v1 =	vld.idx.msk [tilespmem:v0+s24+$0x50 ss:$0x1], $0xffff  }
0x370: {  	v45 =	vld.idx.msk [tilespmem:v9+s22+$0x10 ss:$0x1], $0xffff;
	_ =	sdelay $0x2  }
0x371: {  	v2 =	vadd.f32 v44, v2;
	_ =	sdelay $0x1  }
0x372: {  	[tilespmem:v10+s23+$0x10 ss:$0x1] =	vst.idx.msk $0xffff, v2;
	v1 =	vadd.f32 v45, v1  }
0x373: {  	v2 =	vld.idx.msk [tilespmem:v0+s24+$0x2C0 ss:$0x1], $0xffff  }
0x374: {  	v46 =	vld.idx.msk [tilespmem:v9+s23+$0x20 ss:$0x1], $0xffff;
	[tilespmem:v10+s22+$0x10 ss:$0x1] =	vst.idx.msk $0xffff, v1  }
0x375: {  	v1 =	vld.idx.msk [tilespmem:v0+s24+$0xC0 ss:$0x1], $0xffff  }
0x376: {  	v47 =	vld.idx.msk [tilespmem:v9+s22+$0x20 ss:$0x1], $0xffff;
	_ =	sdelay $0x2  }
0x377: {  	v2 =	vadd.f32 v46, v2;
	_ =	sdelay $0x1  }
0x378: {  	[tilespmem:v10+s23+$0x20 ss:$0x1] =	vst.idx.msk $0xffff, v2;
	v1 =	vadd.f32 v47, v1  }
0x379: {  	v2 =	vld.idx.msk [tilespmem:v0+s24+$0x2D0 ss:$0x1], $0xffff  }
0x37a: {  	v48 =	vld.idx.msk [tilespmem:v9+s23+$0x30 ss:$0x1], $0xffff;
	[tilespmem:v10+s22+$0x20 ss:$0x1] =	vst.idx.msk $0xffff, v1  }
0x37b: {  	v1 =	vld.idx.msk [tilespmem:v0+s24+$0xD0 ss:$0x1], $0xffff  }
0x37c: {  	v49 =	vld.idx.msk [tilespmem:v9+s22+$0x30 ss:$0x1], $0xffff;
	_ =	sdelay $0x2  }
0x37d: {  	v2 =	vadd.f32 v48, v2;
	_ =	sdelay $0x1  }
0x37e: {  	[tilespmem:v10+s23+$0x30 ss:$0x1] =	vst.idx.msk $0xffff, v2;
	v1 =	vadd.f32 v49, v1  }
0x37f: {  	v2 =	vld.idx.msk [tilespmem:v0+s24+$0x340 ss:$0x1], $0xffff  }
0x380: {  	v50 =	vld.idx.msk [tilespmem:v9+s23+$0x40 ss:$0x1], $0xffff;
	[tilespmem:v10+s22+$0x30 ss:$0x1] =	vst.idx.msk $0xffff, v1  }
0x381: {  	v1 =	vld.idx.msk [tilespmem:v0+s24+$0x140 ss:$0x1], $0xffff  }
0x382: {  	v51 =	vld.idx.msk [tilespmem:v9+s22+$0x40 ss:$0x1], $0xffff;
	_ =	sdelay $0x2  }
0x383: {  	v2 =	vadd.f32 v50, v2;
	_ =	sdelay $0x1  }
0x384: {  	[tilespmem:v10+s23+$0x40 ss:$0x1] =	vst.idx.msk $0xffff, v2;
	v1 =	vadd.f32 v51, v1  }
0x385: {  	v2 =	vld.idx.msk [tilespmem:v0+s24+$0x350 ss:$0x1], $0xffff  }
0x386: {  	v52 =	vld.idx.msk [tilespmem:v9+s23+$0x50 ss:$0x1], $0xffff;
	[tilespmem:v10+s22+$0x40 ss:$0x1] =	vst.idx.msk $0xffff, v1  }
0x387: {  	v1 =	vld.idx.msk [tilespmem:v0+s24+$0x150 ss:$0x1], $0xffff  }
0x388: {  	v53 =	vld.idx.msk [tilespmem:v9+s22+$0x50 ss:$0x1], $0xffff;
	_ =	sdelay $0x2  }
0x389: {  	v2 =	vadd.f32 v52, v2;
	_ =	sdelay $0x1  }
0x38a: {  	[tilespmem:v10+s23+$0x50 ss:$0x1] =	vst.idx.msk $0xffff, v2;
	v1 =	vadd.f32 v53, v1  }
0x38b: {  	v2 =	vld.idx.msk [tilespmem:v0+s24+$0x3C0 ss:$0x1], $0xffff  }
0x38c: {  	v54 =	vld.idx.msk [tilespmem:v9+s23+$0x60 ss:$0x1], $0xffff;
	[tilespmem:v10+s22+$0x50 ss:$0x1] =	vst.idx.msk $0xffff, v1  }
0x38d: {  	v1 =	vld.idx.msk [tilespmem:v0+s24+$0x1C0 ss:$0x1], $0xffff  }
0x38e: {  	v55 =	vld.idx.msk [tilespmem:v9+s22+$0x60 ss:$0x1], $0xffff;
	_ =	sdelay $0x2  }
0x38f: {  	v2 =	vadd.f32 v54, v2;
	_ =	sdelay $0x1  }
0x390: {  	[tilespmem:v10+s23+$0x60 ss:$0x1] =	vst.idx.msk $0xffff, v2;
	v1 =	vadd.f32 v55, v1  }
0x391: {  	v2 =	vld.idx.msk [tilespmem:v0+s24+$0x3D0 ss:$0x1], $0xffff  }
0x392: {  	v56 =	vld.idx.msk [tilespmem:v9+s23+$0x70 ss:$0x1], $0xffff;
	[tilespmem:v10+s22+$0x60 ss:$0x1] =	vst.idx.msk $0xffff, v1  }
0x393: {  	v1 =	vld.idx.msk [tilespmem:v0+s24+$0x1D0 ss:$0x1], $0xffff  }
0x394: {  	v57 =	vld.idx.msk [tilespmem:v9+s22+$0x70 ss:$0x1], $0xffff;
	_ =	sdelay $0x2  }
0x395: {  	v2 =	vadd.f32 v56, v2;
	_ =	sdelay $0x1  }
0x396: {  	[tilespmem:v10+s23+$0x70 ss:$0x1] =	vst.idx.msk $0xffff, v2;
	v1 =	vadd.f32 v57, v1  }
0x397: {  	v2 =	vld.idx.msk [tilespmem:v0+s24+$0x250 ss:$0x1], $0xffff  }
0x398: {  	v58 =	vld.idx.msk [tilespmem:v12+s23+$0x0 ss:$0x1], $0xffff;
	[tilespmem:v10+s22+$0x70 ss:$0x1] =	vst.idx.msk $0xffff, v1  }
0x399: {  	v1 =	vld.idx.msk [tilespmem:v0+s24+$0x50 ss:$0x1], $0xffff  }
0x39a: {  	v59 =	vld.idx.msk [tilespmem:v12+s22+$0x0 ss:$0x1], $0xffff;
	_ =	sdelay $0x2  }
0x39b: {  	v2 =	vadd.f32 v58, v2;
	_ =	sdelay $0x1  }
0x39c: {  	[tilespmem:v14+s23+$0x0 ss:$0x1] =	vst.idx.msk $0xffff, v2;
	v1 =	vadd.f32 v59, v1  }
0x39d: {  	v2 =	vld.idx.msk [tilespmem:v0+s24+$0x260 ss:$0x1], $0xffff  }
0x39e: {  	v60 =	vld.idx.msk [tilespmem:v12+s23+$0x10 ss:$0x1], $0xffff;
	[tilespmem:v14+s22+$0x0 ss:$0x1] =	vst.idx.msk $0xffff, v1  }
0x39f: {  	v1 =	vld.idx.msk [tilespmem:v0+s24+$0x60 ss:$0x1], $0xffff  }
0x3a0: {  	v61 =	vld.idx.msk [tilespmem:v12+s22+$0x10 ss:$0x1], $0xffff;
	_ =	sdelay $0x2  }
0x3a1: {  	v2 =	vadd.f32 v60, v2;
	_ =	sdelay $0x1  }
0x3a2: {  	[tilespmem:v14+s23+$0x10 ss:$0x1] =	vst.idx.msk $0xffff, v2;
	v1 =	vadd.f32 v61, v1  }
0x3a3: {  	v2 =	vld.idx.msk [tilespmem:v0+s24+$0x2D0 ss:$0x1], $0xffff  }
0x3a4: {  	v62 =	vld.idx.msk [tilespmem:v12+s23+$0x20 ss:$0x1], $0xffff;
	[tilespmem:v14+s22+$0x10 ss:$0x1] =	vst.idx.msk $0xffff, v1  }
0x3a5: {  	v1 =	vld.idx.msk [tilespmem:v0+s24+$0xD0 ss:$0x1], $0xffff  }
0x3a6: {  	v63 =	vld.idx.msk [tilespmem:v12+s22+$0x20 ss:$0x1], $0xffff;
	_ =	sdelay $0x2  }
0x3a7: {  	v2 =	vadd.f32 v62, v2;
	_ =	sdelay $0x1  }
0x3a8: {  	[tilespmem:v14+s23+$0x20 ss:$0x1] =	vst.idx.msk $0xffff, v2;
	v1 =	vadd.f32 v63, v1  }
0x3a9: {  	v2 =	vld.idx.msk [tilespmem:v0+s24+$0x2E0 ss:$0x1], $0xffff  }
0x3aa: {  	v8 =	vld.idx.msk [tilespmem:v12+s23+$0x30 ss:$0x1], $0xffff;
	[tilespmem:v14+s22+$0x20 ss:$0x1] =	vst.idx.msk $0xffff, v1  }
0x3ab: {  	v1 =	vld.idx.msk [tilespmem:v0+s24+$0xE0 ss:$0x1], $0xffff  }
0x3ac: {  	v9 =	vld.idx.msk [tilespmem:v12+s22+$0x30 ss:$0x1], $0xffff;
	_ =	sdelay $0x2  }
0x3ad: {  	v2 =	vadd.f32 v8, v2;
	_ =	sdelay $0x1  }
0x3ae: {  	[tilespmem:v14+s23+$0x30 ss:$0x1] =	vst.idx.msk $0xffff, v2;
	v1 =	vadd.f32 v9, v1  }
0x3af: {  	v2 =	vld.idx.msk [tilespmem:v0+s24+$0x350 ss:$0x1], $0xffff  }
0x3b0: {  	v10 =	vld.idx.msk [tilespmem:v12+s23+$0x40 ss:$0x1], $0xffff;
	[tilespmem:v14+s22+$0x30 ss:$0x1] =	vst.idx.msk $0xffff, v1  }
0x3b1: {  	v1 =	vld.idx.msk [tilespmem:v0+s24+$0x150 ss:$0x1], $0xffff  }
0x3b2: {  	v24 =	vld.idx.msk [tilespmem:v12+s22+$0x40 ss:$0x1], $0xffff;
	_ =	sdelay $0x2  }
0x3b3: {  	v2 =	vadd.f32 v10, v2;
	_ =	sdelay $0x1  }
0x3b4: {  	[tilespmem:v14+s23+$0x40 ss:$0x1] =	vst.idx.msk $0xffff, v2;
	v1 =	vadd.f32 v24, v1  }
0x3b5: {  	v2 =	vld.idx.msk [tilespmem:v0+s24+$0x360 ss:$0x1], $0xffff  }
0x3b6: {  	v25 =	vld.idx.msk [tilespmem:v12+s23+$0x50 ss:$0x1], $0xffff;
	[tilespmem:v14+s22+$0x40 ss:$0x1] =	vst.idx.msk $0xffff, v1  }
0x3b7: {  	v1 =	vld.idx.msk [tilespmem:v0+s24+$0x160 ss:$0x1], $0xffff  }
0x3b8: {  	v26 =	vld.idx.msk [tilespmem:v12+s22+$0x50 ss:$0x1], $0xffff;
	_ =	sdelay $0x2  }
0x3b9: {  	v2 =	vadd.f32 v25, v2;
	_ =	sdelay $0x1  }
0x3ba: {  	[tilespmem:v14+s23+$0x50 ss:$0x1] =	vst.idx.msk $0xffff, v2;
	v1 =	vadd.f32 v26, v1  }
0x3bb: {  	v2 =	vld.idx.msk [tilespmem:v0+s24+$0x3D0 ss:$0x1], $0xffff  }
0x3bc: {  	v27 =	vld.idx.msk [tilespmem:v12+s23+$0x60 ss:$0x1], $0xffff;
	[tilespmem:v14+s22+$0x50 ss:$0x1] =	vst.idx.msk $0xffff, v1  }
0x3bd: {  	v1 =	vld.idx.msk [tilespmem:v0+s24+$0x1D0 ss:$0x1], $0xffff  }
0x3be: {  	v28 =	vld.idx.msk [tilespmem:v12+s22+$0x60 ss:$0x1], $0xffff;
	_ =	sdelay $0x2  }
0x3bf: {  	v2 =	vadd.f32 v27, v2;
	_ =	sdelay $0x1  }
0x3c0: {  	[tilespmem:v14+s23+$0x60 ss:$0x1] =	vst.idx.msk $0xffff, v2;
	v1 =	vadd.f32 v28, v1  }
0x3c1: {  	v2 =	vld.idx.msk [tilespmem:v0+s24+$0x3E0 ss:$0x1], $0xffff  }
0x3c2: {  	v29 =	vld.idx.msk [tilespmem:v12+s23+$0x70 ss:$0x1], $0xffff;
	[tilespmem:v14+s22+$0x60 ss:$0x1] =	vst.idx.msk $0xffff, v1  }
0x3c3: {  	v1 =	vld.idx.msk [tilespmem:v0+s24+$0x1E0 ss:$0x1], $0xffff  }
0x3c4: {  	v30 =	vld.idx.msk [tilespmem:v12+s22+$0x70 ss:$0x1], $0xffff;
	_ =	sdelay $0x2  }
0x3c5: {  	v2 =	vadd.f32 v29, v2;
	_ =	sdelay $0x1  }
0x3c6: {  	[tilespmem:v14+s23+$0x70 ss:$0x1] =	vst.idx.msk $0xffff, v2;
	v1 =	vadd.f32 v30, v1  }
0x3c7: {  	v2 =	vld.idx.msk [tilespmem:v0+s24+$0x260 ss:$0x1], $0xffff  }
0x3c8: {  	v31 =	vld.idx.msk [tilespmem:v15+s23+$0x0 ss:$0x1], $0xffff;
	[tilespmem:v14+s22+$0x70 ss:$0x1] =	vst.idx.msk $0xffff, v1  }
0x3c9: {  	v1 =	vld.idx.msk [tilespmem:v0+s24+$0x60 ss:$0x1], $0xffff  }
0x3ca: {  	v32 =	vld.idx.msk [tilespmem:v15+s22+$0x0 ss:$0x1], $0xffff;
	_ =	sdelay $0x2  }
0x3cb: {  	v2 =	vadd.f32 v31, v2;
	_ =	sdelay $0x1  }
0x3cc: {  	[tilespmem:v16+s23+$0x0 ss:$0x1] =	vst.idx.msk $0xffff, v2;
	v1 =	vadd.f32 v32, v1  }
0x3cd: {  	v2 =	vld.idx.msk [tilespmem:v0+s24+$0x270 ss:$0x1], $0xffff  }
0x3ce: {  	v33 =	vld.idx.msk [tilespmem:v15+s23+$0x10 ss:$0x1], $0xffff;
	[tilespmem:v16+s22+$0x0 ss:$0x1] =	vst.idx.msk $0xffff, v1  }
0x3cf: {  	v1 =	vld.idx.msk [tilespmem:v0+s24+$0x70 ss:$0x1], $0xffff  }
0x3d0: {  	v34 =	vld.idx.msk [tilespmem:v15+s22+$0x10 ss:$0x1], $0xffff;
	_ =	sdelay $0x2  }
0x3d1: {  	v2 =	vadd.f32 v33, v2;
	_ =	sdelay $0x1  }
0x3d2: {  	[tilespmem:v16+s23+$0x10 ss:$0x1] =	vst.idx.msk $0xffff, v2;
	v1 =	vadd.f32 v34, v1  }
0x3d3: {  	v2 =	vld.idx.msk [tilespmem:v0+s24+$0x2E0 ss:$0x1], $0xffff  }
0x3d4: {  	v35 =	vld.idx.msk [tilespmem:v15+s23+$0x20 ss:$0x1], $0xffff;
	[tilespmem:v16+s22+$0x10 ss:$0x1] =	vst.idx.msk $0xffff, v1  }
0x3d5: {  	v36 =	vld.idx.msk [tilespmem:v0+s24+$0xE0 ss:$0x1], $0xffff  }
0x3d6: {  	v37 =	vld.idx.msk [tilespmem:v15+s22+$0x20 ss:$0x1], $0xffff;
	_ =	sdelay $0x2  }
0x3d7: {  	v1 =	vadd.f32 v35, v2;
	_ =	sdelay $0x1  }
0x3d8: {  	[tilespmem:v16+s23+$0x20 ss:$0x1] =	vst.idx.msk $0xffff, v1;
	v38 =	vadd.f32 v37, v36  }
0x3d9: {  	v1 =	vld.idx.msk [tilespmem:v0+s24+$0x2F0 ss:$0x1], $0xffff  }
0x3da: {  	v39 =	vld.idx.msk [tilespmem:v15+s23+$0x30 ss:$0x1], $0xffff;
	[tilespmem:v16+s22+$0x20 ss:$0x1] =	vst.idx.msk $0xffff, v38  }
0x3db: {  	v40 =	vld.idx.msk [tilespmem:v0+s24+$0xF0 ss:$0x1], $0xffff  }
0x3dc: {  	v41 =	vld.idx.msk [tilespmem:v15+s22+$0x30 ss:$0x1], $0xffff;
	_ =	sdelay $0x2  }
0x3dd: {  	v1 =	vadd.f32 v39, v1;
	_ =	sdelay $0x1  }
0x3de: {  	[tilespmem:v16+s23+$0x30 ss:$0x1] =	vst.idx.msk $0xffff, v1;
	v42 =	vadd.f32 v41, v40  }
0x3df: {  	v1 =	vld.idx.msk [tilespmem:v0+s24+$0x360 ss:$0x1], $0xffff  }
0x3e0: {  	v43 =	vld.idx.msk [tilespmem:v15+s23+$0x40 ss:$0x1], $0xffff;
	[tilespmem:v16+s22+$0x30 ss:$0x1] =	vst.idx.msk $0xffff, v42  }
0x3e1: {  	v44 =	vld.idx.msk [tilespmem:v0+s24+$0x160 ss:$0x1], $0xffff  }
0x3e2: {  	v45 =	vld.idx.msk [tilespmem:v15+s22+$0x40 ss:$0x1], $0xffff;
	_ =	sdelay $0x2  }
0x3e3: {  	v1 =	vadd.f32 v43, v1;
	_ =	sdelay $0x1  }
0x3e4: {  	[tilespmem:v16+s23+$0x40 ss:$0x1] =	vst.idx.msk $0xffff, v1;
	v46 =	vadd.f32 v45, v44  }
0x3e5: {  	v1 =	vld.idx.msk [tilespmem:v0+s24+$0x370 ss:$0x1], $0xffff  }
0x3e6: {  	v47 =	vld.idx.msk [tilespmem:v15+s23+$0x50 ss:$0x1], $0xffff;
	[tilespmem:v16+s22+$0x40 ss:$0x1] =	vst.idx.msk $0xffff, v46  }
0x3e7: {  	v48 =	vld.idx.msk [tilespmem:v0+s24+$0x170 ss:$0x1], $0xffff  }
0x3e8: {  	v49 =	vld.idx.msk [tilespmem:v15+s22+$0x50 ss:$0x1], $0xffff;
	_ =	sdelay $0x2  }
0x3e9: {  	v1 =	vadd.f32 v47, v1;
	_ =	sdelay $0x1  }
0x3ea: {  	[tilespmem:v16+s23+$0x50 ss:$0x1] =	vst.idx.msk $0xffff, v1;
	v50 =	vadd.f32 v49, v48  }
0x3eb: {  	v1 =	vld.idx.msk [tilespmem:v0+s24+$0x3E0 ss:$0x1], $0xffff  }
0x3ec: {  	v51 =	vld.idx.msk [tilespmem:v15+s23+$0x60 ss:$0x1], $0xffff;
	[tilespmem:v16+s22+$0x50 ss:$0x1] =	vst.idx.msk $0xffff, v50  }
0x3ed: {  	v52 =	vld.idx.msk [tilespmem:v0+s24+$0x1E0 ss:$0x1], $0xffff  }
0x3ee: {  	v53 =	vld.idx.msk [tilespmem:v15+s22+$0x60 ss:$0x1], $0xffff;
	_ =	sdelay $0x2  }
0x3ef: {  	v1 =	vadd.f32 v51, v1;
	_ =	sdelay $0x1  }
0x3f0: {  	[tilespmem:v16+s23+$0x60 ss:$0x1] =	vst.idx.msk $0xffff, v1;
	v54 =	vadd.f32 v53, v52  }
0x3f1: {  	v1 =	vld.idx.msk [tilespmem:v0+s24+$0x3F0 ss:$0x1], $0xffff  }
0x3f2: {  	v55 =	vld.idx.msk [tilespmem:v15+s23+$0x70 ss:$0x1], $0xffff;
	[tilespmem:v16+s22+$0x60 ss:$0x1] =	vst.idx.msk $0xffff, v54  }
0x3f3: {  	v56 =	vld.idx.msk [tilespmem:v0+s24+$0x1F0 ss:$0x1], $0xffff  }
0x3f4: {  	v57 =	vld.idx.msk [tilespmem:v15+s22+$0x70 ss:$0x1], $0xffff;
	_ =	sdelay $0x2  }
0x3f5: {  	v1 =	vadd.f32 v55, v1;
	_ =	sdelay $0x1  }
0x3f6: {  	[tilespmem:v16+s23+$0x70 ss:$0x1] =	vst.idx.msk $0xffff, v1;
	v58 =	vadd.f32 v57, v56  }
0x3f7: {  	v1 =	vld.idx.msk [tilespmem:v0+s24+$0x270 ss:$0x1], $0xffff  }
0x3f8: {  	v59 =	vld.idx.msk [tilespmem:v19+s23+$0x0 ss:$0x1], $0xffff;
	[tilespmem:v16+s22+$0x70 ss:$0x1] =	vst.idx.msk $0xffff, v58  }
0x3f9: {  	v60 =	vld.idx.msk [tilespmem:v0+s24+$0x70 ss:$0x1], $0xffff  }
0x3fa: {  	v61 =	vld.idx.msk [tilespmem:v19+s22+$0x0 ss:$0x1], $0xffff;
	_ =	sdelay $0x2  }
0x3fb: {  	v1 =	vadd.f32 v59, v1;
	_ =	sdelay $0x1  }
0x3fc: {  	[tilespmem:v20+s23+$0x0 ss:$0x1] =	vst.idx.msk $0xffff, v1;
	v62 =	vadd.f32 v61, v60  }
0x3fd: {  	v1 =	vld.idx.msk [tilespmem:v0+s24+$0x600 ss:$0x1], $0xffff  }
0x3fe: {  	v63 =	vld.idx.msk [tilespmem:v19+s23+$0x10 ss:$0x1], $0xffff;
	[tilespmem:v20+s22+$0x0 ss:$0x1] =	vst.idx.msk $0xffff, v62  }
0x3ff: {  	v8 =	vld.idx.msk [tilespmem:v0+s24+$0x400 ss:$0x1], $0xffff  }
0x400: {  	v9 =	vld.idx.msk [tilespmem:v19+s22+$0x10 ss:$0x1], $0xffff;
	_ =	sdelay $0x2  }
0x401: {  	v1 =	vadd.f32 v63, v1;
	_ =	sdelay $0x1  }
0x402: {  	[tilespmem:v20+s23+$0x10 ss:$0x1] =	vst.idx.msk $0xffff, v1;
	v10 =	vadd.f32 v9, v8  }
0x403: {  	v1 =	vld.idx.msk [tilespmem:v19+s23+$0x20 ss:$0x1], $0xffff  }
0x404: {  	v12 =	vld.idx.msk [tilespmem:v0+s24+$0x2F0 ss:$0x1], $0xffff;
	[tilespmem:v20+s22+$0x10 ss:$0x1] =	vst.idx.msk $0xffff, v10  }
0x405: {  	v14 =	vld.idx.msk [tilespmem:v0+s24+$0xF0 ss:$0x1], $0xffff  }
0x406: {  	v15 =	vld.idx.msk [tilespmem:v19+s22+$0x20 ss:$0x1], $0xffff;
	_ =	sdelay $0x2  }
0x407: {  	v1 =	vadd.f32 v1, v12;
	_ =	sdelay $0x1  }
0x408: {  	[tilespmem:v20+s23+$0x20 ss:$0x1] =	vst.idx.msk $0xffff, v1;
	v16 =	vadd.f32 v15, v14  }
0x409: {  	v1 =	vld.idx.msk [tilespmem:v0+s24+$0x680 ss:$0x1], $0xffff  }
0x40a: {  	v24 =	vld.idx.msk [tilespmem:v19+s23+$0x30 ss:$0x1], $0xffff;
	[tilespmem:v20+s22+$0x20 ss:$0x1] =	vst.idx.msk $0xffff, v16  }
0x40b: {  	v25 =	vld.idx.msk [tilespmem:v0+s24+$0x480 ss:$0x1], $0xffff  }
0x40c: {  	v26 =	vld.idx.msk [tilespmem:v19+s22+$0x30 ss:$0x1], $0xffff;
	_ =	sdelay $0x2  }
0x40d: {  	v1 =	vadd.f32 v24, v1;
	_ =	sdelay $0x1  }
0x40e: {  	[tilespmem:v20+s23+$0x30 ss:$0x1] =	vst.idx.msk $0xffff, v1;
	v27 =	vadd.f32 v26, v25  }
0x40f: {  	v1 =	vld.idx.msk [tilespmem:v0+s24+$0x370 ss:$0x1], $0xffff  }
0x410: {  	v28 =	vld.idx.msk [tilespmem:v19+s23+$0x40 ss:$0x1], $0xffff;
	[tilespmem:v20+s22+$0x30 ss:$0x1] =	vst.idx.msk $0xffff, v27  }
0x411: {  	v29 =	vld.idx.msk [tilespmem:v0+s24+$0x170 ss:$0x1], $0xffff  }
0x412: {  	v30 =	vld.idx.msk [tilespmem:v19+s22+$0x40 ss:$0x1], $0xffff;
	_ =	sdelay $0x2  }
0x413: {  	v1 =	vadd.f32 v28, v1;
	_ =	sdelay $0x1  }
0x414: {  	[tilespmem:v20+s23+$0x40 ss:$0x1] =	vst.idx.msk $0xffff, v1;
	v31 =	vadd.f32 v30, v29  }
0x415: {  	v1 =	vld.idx.msk [tilespmem:v0+s24+$0x700 ss:$0x1], $0xffff  }
0x416: {  	v32 =	vld.idx.msk [tilespmem:v19+s23+$0x50 ss:$0x1], $0xffff;
	[tilespmem:v20+s22+$0x40 ss:$0x1] =	vst.idx.msk $0xffff, v31  }
0x417: {  	v33 =	vld.idx.msk [tilespmem:v0+s24+$0x500 ss:$0x1], $0xffff  }
0x418: {  	v34 =	vld.idx.msk [tilespmem:v19+s22+$0x50 ss:$0x1], $0xffff;
	_ =	sdelay $0x2  }
0x419: {  	v1 =	vadd.f32 v32, v1;
	_ =	sdelay $0x1  }
0x41a: {  	[tilespmem:v20+s23+$0x50 ss:$0x1] =	vst.idx.msk $0xffff, v1;
	v35 =	vadd.f32 v34, v33  }
0x41b: {  	v1 =	vld.idx.msk [tilespmem:v0+s24+$0x3F0 ss:$0x1], $0xffff  }
0x41c: {  	v36 =	vld.idx.msk [tilespmem:v19+s23+$0x60 ss:$0x1], $0xffff;
	[tilespmem:v20+s22+$0x50 ss:$0x1] =	vst.idx.msk $0xffff, v35  }
0x41d: {  	v37 =	vadd.f32 v22, v21;
	v38 =	vld.idx.msk [tilespmem:v0+s24+$0x1F0 ss:$0x1], $0xffff  }
0x41e: {  	v5 =	vld.idx.msk [tilespmem:v19+s22+$0x60 ss:$0x1], $0xffff  }
0x41f: {  	[tilespmem:v20+s20+$0x60 ss:$0x1] =	vst.idx.msk $0xffff, v37  }
0x420: {  	v3 =	vld.idx.msk [tilespmem:v0+s21+$0x780 ss:$0x1], $0xffff  }
0x421: {  	v6 =	vld.idx.msk [tilespmem:v19+s20+$0x70 ss:$0x1], $0xffff;
	v1 =	vadd.f32 v36, v1;
	_ =	sdelay $0x1  }
0x422: {  	v39 =	vld.idx.msk [tilespmem:v19+s19+$0x70 ss:$0x1], $0xffff;
	[tilespmem:v20+s23+$0x60 ss:$0x1] =	vst.idx.msk $0xffff, v1;
	v4 =	vadd.f32 v5, v38  }
0x423: {  	v1 =	vld.idx.msk [tilespmem:v0+s24+$0x780 ss:$0x1], $0xffff  }
0x424: {  	v40 =	vld.idx.msk [tilespmem:v19+s23+$0x70 ss:$0x1], $0xffff;
	[tilespmem:v20+s22+$0x60 ss:$0x1] =	vst.idx.msk $0xffff, v4  }
0x425: {  	v3 =	vadd.f32 v6, v3;
	v41 =	vld.idx.msk [tilespmem:v0+s24+$0x580 ss:$0x1], $0xffff  }
0x426: {  	v42 =	vld.idx.msk [tilespmem:v19+s22+$0x70 ss:$0x1], $0xffff  }
0x427: {  	v2 =	vadd.f32 v39, v23;
	[tilespmem:v20+s20+$0x70 ss:$0x1] =	vst.idx.msk $0xffff, v3  }
0x428: {  	v3 =	vld.idx.msk [tilespmem:v0+s21+$0x600 ss:$0x1], $0xffff  }
0x429: {  	[tilespmem:v20+s19+$0x70 ss:$0x1] =	vst.idx.msk $0xffff, v2;
	v43 =	vld.idx.msk [tilespmem:v18+s20+$0x0 ss:$0x1], $0xffff;
	v1 =	vadd.f32 v40, v1  }
0x42a: {  	v7 =	vld.idx.msk [tilespmem:v18+s19+$0x0 ss:$0x1], $0xffff  }
0x42b: {  	v44 =	vld.idx.msk [tilespmem:v0+s21+$0x400 ss:$0x1], $0xffff;
	[tilespmem:v20+s23+$0x70 ss:$0x1] =	vst.idx.msk $0xffff, v1;
	v5 =	vadd.f32 v42, v41  }
0x42c: {  	v1 =	vld.idx.msk [tilespmem:v0+s24+$0x600 ss:$0x1], $0xffff  }
0x42d: {  	v45 =	vld.idx.msk [tilespmem:v18+s23+$0x0 ss:$0x1], $0xffff;
	[tilespmem:v20+s22+$0x70 ss:$0x1] =	vst.idx.msk $0xffff, v5  }
0x42e: {  	v2 =	vadd.f32 v43, v3;
	v46 =	vld.idx.msk [tilespmem:v0+s24+$0x400 ss:$0x1], $0xffff  }
0x42f: {  	v47 =	vld.idx.msk [tilespmem:v18+s22+$0x0 ss:$0x1], $0xffff  }
0x430: {  	[tilespmem:v17+s20+$0x0 ss:$0x1] =	vst.idx.msk $0xffff, v2;
	v4 =	vadd.f32 v7, v44  }
0x431: {  	v2 =	vld.idx.msk [tilespmem:v18+s20+$0x10 ss:$0x1], $0xffff  }
0x432: {  	v48 =	vld.idx.msk [tilespmem:v0+s21+$0x610 ss:$0x1], $0xffff;
	[tilespmem:v17+s19+$0x0 ss:$0x1] =	vst.idx.msk $0xffff, v4;
	v1 =	vadd.f32 v45, v1  }
0x433: {  	v49 =	vld.idx.msk [tilespmem:v18+s19+$0x10 ss:$0x1], $0xffff  }
0x434: {  	v50 =	vld.idx.msk [tilespmem:v0+s21+$0x410 ss:$0x1], $0xffff;
	[tilespmem:v17+s23+$0x0 ss:$0x1] =	vst.idx.msk $0xffff, v1;
	v3 =	vadd.f32 v47, v46  }
0x435: {  	v1 =	vld.idx.msk [tilespmem:v18+s23+$0x10 ss:$0x1], $0xffff  }
0x436: {  	v51 =	vld.idx.msk [tilespmem:v0+s24+$0x610 ss:$0x1], $0xffff;
	[tilespmem:v17+s22+$0x0 ss:$0x1] =	vst.idx.msk $0xffff, v3  }
0x437: {  	v2 =	vadd.f32 v2, v48;
	v52 =	vld.idx.msk [tilespmem:v18+s22+$0x10 ss:$0x1], $0xffff  }
0x438: {  	v53 =	vld.idx.msk [tilespmem:v0+s24+$0x410 ss:$0x1], $0xffff  }
0x439: {  	[tilespmem:v17+s20+$0x10 ss:$0x1] =	vst.idx.msk $0xffff, v2;
	v54 =	vadd.f32 v49, v50  }
0x43a: {  	v55 =	vld.idx.msk [tilespmem:v18+s20+$0x20 ss:$0x1], $0xffff  }
0x43b: {  	v56 =	vld.idx.msk [tilespmem:v0+s21+$0x680 ss:$0x1], $0xffff;
	[tilespmem:v17+s19+$0x10 ss:$0x1] =	vst.idx.msk $0xffff, v54;
	v1 =	vadd.f32 v1, v51  }
0x43c: {  	v2 =	vld.idx.msk [tilespmem:v0+s21+$0x480 ss:$0x1], $0xffff  }
0x43d: {  	v57 =	vld.idx.msk [tilespmem:v18+s19+$0x20 ss:$0x1], $0xffff;
	[tilespmem:v17+s23+$0x10 ss:$0x1] =	vst.idx.msk $0xffff, v1;
	v58 =	vadd.f32 v52, v53  }
0x43e: {  	v59 =	vld.idx.msk [tilespmem:v18+s23+$0x20 ss:$0x1], $0xffff  }
0x43f: {  	v60 =	vld.idx.msk [tilespmem:v0+s24+$0x680 ss:$0x1], $0xffff;
	[tilespmem:v17+s22+$0x10 ss:$0x1] =	vst.idx.msk $0xffff, v58  }
0x440: {  	v61 =	vadd.f32 v55, v56;
	v62 =	vld.idx.msk [tilespmem:v0+s24+$0x480 ss:$0x1], $0xffff  }
0x441: {  	v63 =	vld.idx.msk [tilespmem:v18+s22+$0x20 ss:$0x1], $0xffff  }
0x442: {  	[tilespmem:v17+s20+$0x20 ss:$0x1] =	vst.idx.msk $0xffff, v61;
	v8 =	vadd.f32 v57, v2  }
0x443: {  	v9 =	vld.idx.msk [tilespmem:v0+s21+$0x690 ss:$0x1], $0xffff  }
0x444: {  	v10 =	vld.idx.msk [tilespmem:v18+s20+$0x30 ss:$0x1], $0xffff;
	[tilespmem:v17+s19+$0x20 ss:$0x1] =	vst.idx.msk $0xffff, v8;
	v12 =	vadd.f32 v59, v60  }
0x445: {  	v14 =	vld.idx.msk [tilespmem:v0+s21+$0x490 ss:$0x1], $0xffff  }
0x446: {  	v15 =	vld.idx.msk [tilespmem:v18+s19+$0x30 ss:$0x1], $0xffff;
	[tilespmem:v17+s23+$0x20 ss:$0x1] =	vst.idx.msk $0xffff, v12;
	v16 =	vadd.f32 v63, v62  }
0x447: {  	v19 =	vld.idx.msk [tilespmem:v0+s24+$0x690 ss:$0x1], $0xffff  }
0x448: {  	v20 =	vld.idx.msk [tilespmem:v18+s23+$0x30 ss:$0x1], $0xffff;
	[tilespmem:v17+s22+$0x20 ss:$0x1] =	vst.idx.msk $0xffff, v16  }
0x449: {  	v21 =	vadd.f32 v10, v9;
	v22 =	vld.idx.msk [tilespmem:v0+s24+$0x490 ss:$0x1], $0xffff  }
0x44a: {  	v23 =	vld.idx.msk [tilespmem:v18+s22+$0x30 ss:$0x1], $0xffff  }
0x44b: {  	[tilespmem:v17+s20+$0x30 ss:$0x1] =	vst.idx.msk $0xffff, v21;
	v24 =	vadd.f32 v15, v14  }
0x44c: {  	v25 =	vld.idx.msk [tilespmem:v0+s21+$0x700 ss:$0x1], $0xffff  }
0x44d: {  	v26 =	vld.idx.msk [tilespmem:v18+s20+$0x40 ss:$0x1], $0xffff;
	[tilespmem:v17+s19+$0x30 ss:$0x1] =	vst.idx.msk $0xffff, v24;
	v27 =	vadd.f32 v20, v19  }
0x44e: {  	v28 =	vld.idx.msk [tilespmem:v0+s21+$0x500 ss:$0x1], $0xffff  }
0x44f: {  	v29 =	vld.idx.msk [tilespmem:v18+s19+$0x40 ss:$0x1], $0xffff;
	[tilespmem:v17+s23+$0x30 ss:$0x1] =	vst.idx.msk $0xffff, v27;
	v30 =	vadd.f32 v23, v22  }
0x450: {  	v31 =	vld.idx.msk [tilespmem:v0+s24+$0x700 ss:$0x1], $0xffff  }
0x451: {  	v32 =	vld.idx.msk [tilespmem:v18+s23+$0x40 ss:$0x1], $0xffff;
	[tilespmem:v17+s22+$0x30 ss:$0x1] =	vst.idx.msk $0xffff, v30  }
0x452: {  	v33 =	vadd.f32 v26, v25;
	v34 =	vld.idx.msk [tilespmem:v0+s24+$0x500 ss:$0x1], $0xffff  }
0x453: {  	v35 =	vld.idx.msk [tilespmem:v18+s22+$0x40 ss:$0x1], $0xffff  }
0x454: {  	[tilespmem:v17+s20+$0x40 ss:$0x1] =	vst.idx.msk $0xffff, v33;
	v36 =	vadd.f32 v29, v28  }
0x455: {  	v37 =	vld.idx.msk [tilespmem:v0+s21+$0x710 ss:$0x1], $0xffff  }
0x456: {  	v38 =	vld.idx.msk [tilespmem:v18+s20+$0x50 ss:$0x1], $0xffff;
	[tilespmem:v17+s19+$0x40 ss:$0x1] =	vst.idx.msk $0xffff, v36;
	v39 =	vadd.f32 v32, v31  }
0x457: {  	v40 =	vld.idx.msk [tilespmem:v0+s21+$0x510 ss:$0x1], $0xffff  }
0x458: {  	v41 =	vld.idx.msk [tilespmem:v18+s19+$0x50 ss:$0x1], $0xffff;
	[tilespmem:v17+s23+$0x40 ss:$0x1] =	vst.idx.msk $0xffff, v39;
	v42 =	vadd.f32 v35, v34  }
0x459: {  	v43 =	vld.idx.msk [tilespmem:v0+s24+$0x710 ss:$0x1], $0xffff  }
0x45a: {  	v44 =	vld.idx.msk [tilespmem:v18+s23+$0x50 ss:$0x1], $0xffff;
	[tilespmem:v17+s22+$0x40 ss:$0x1] =	vst.idx.msk $0xffff, v42  }
0x45b: {  	v45 =	vadd.f32 v38, v37;
	v46 =	vld.idx.msk [tilespmem:v0+s24+$0x510 ss:$0x1], $0xffff  }
0x45c: {  	v47 =	vld.idx.msk [tilespmem:v18+s22+$0x50 ss:$0x1], $0xffff  }
0x45d: {  	[tilespmem:v17+s20+$0x50 ss:$0x1] =	vst.idx.msk $0xffff, v45;
	v48 =	vadd.f32 v41, v40  }
0x45e: {  	v49 =	vld.idx.msk [tilespmem:v0+s21+$0x780 ss:$0x1], $0xffff  }
0x45f: {  	v50 =	vld.idx.msk [tilespmem:v18+s20+$0x60 ss:$0x1], $0xffff;
	[tilespmem:v17+s19+$0x50 ss:$0x1] =	vst.idx.msk $0xffff, v48;
	v51 =	vadd.f32 v44, v43  }
0x460: {  	v52 =	vld.idx.msk [tilespmem:v0+s21+$0x580 ss:$0x1], $0xffff  }
0x461: {  	v53 =	vld.idx.msk [tilespmem:v18+s19+$0x60 ss:$0x1], $0xffff;
	[tilespmem:v17+s23+$0x50 ss:$0x1] =	vst.idx.msk $0xffff, v51;
	v54 =	vadd.f32 v47, v46  }
0x462: {  	v55 =	vld.idx.msk [tilespmem:v0+s24+$0x780 ss:$0x1], $0xffff  }
0x463: {  	v56 =	vld.idx.msk [tilespmem:v18+s23+$0x60 ss:$0x1], $0xffff;
	[tilespmem:v17+s22+$0x50 ss:$0x1] =	vst.idx.msk $0xffff, v54  }
0x464: {  	v57 =	vadd.f32 v50, v49;
	v58 =	vld.idx.msk [tilespmem:v0+s24+$0x580 ss:$0x1], $0xffff  }
0x465: {  	v59 =	vld.idx.msk [tilespmem:v18+s22+$0x60 ss:$0x1], $0xffff  }
0x466: {  	[tilespmem:v17+s20+$0x60 ss:$0x1] =	vst.idx.msk $0xffff, v57;
	v60 =	vadd.f32 v53, v52  }
0x467: {  	v61 =	vld.idx.msk [tilespmem:v0+s21+$0x790 ss:$0x1], $0xffff  }
0x468: {  	v62 =	vld.idx.msk [tilespmem:v18+s20+$0x70 ss:$0x1], $0xffff;
	[tilespmem:v17+s19+$0x60 ss:$0x1] =	vst.idx.msk $0xffff, v60;
	v63 =	vadd.f32 v56, v55  }
0x469: {  	v9 =	vld.idx.msk [tilespmem:v0+s21+$0x590 ss:$0x1], $0xffff  }
0x46a: {  	v10 =	vld.idx.msk [tilespmem:v18+s19+$0x70 ss:$0x1], $0xffff;
	[tilespmem:v17+s23+$0x60 ss:$0x1] =	vst.idx.msk $0xffff, v63;
	v12 =	vadd.f32 v59, v58  }
0x46b: {  	v14 =	vld.idx.msk [tilespmem:v0+s24+$0x790 ss:$0x1], $0xffff  }
0x46c: {  	v15 =	vld.idx.msk [tilespmem:v18+s23+$0x70 ss:$0x1], $0xffff;
	[tilespmem:v17+s22+$0x60 ss:$0x1] =	vst.idx.msk $0xffff, v12  }
0x46d: {  	v16 =	vadd.f32 v62, v61;
	v19 =	vld.idx.msk [tilespmem:v0+s24+$0x590 ss:$0x1], $0xffff  }
0x46e: {  	v20 =	vld.idx.msk [tilespmem:v18+s22+$0x70 ss:$0x1], $0xffff  }
0x46f: {  	[tilespmem:v17+s20+$0x70 ss:$0x1] =	vst.idx.msk $0xffff, v16;
	v21 =	vadd.f32 v10, v9  }
0x470: {  	v22 =	vld.idx.msk [tilespmem:v0+s21+$0x610 ss:$0x1], $0xffff  }
0x471: {  	v23 =	vld.idx.msk [tilespmem:v13+s20+$0x0 ss:$0x1], $0xffff;
	[tilespmem:v17+s19+$0x70 ss:$0x1] =	vst.idx.msk $0xffff, v21;
	v24 =	vadd.f32 v15, v14  }
0x472: {  	v25 =	vld.idx.msk [tilespmem:v0+s21+$0x410 ss:$0x1], $0xffff  }
0x473: {  	v26 =	vld.idx.msk [tilespmem:v13+s19+$0x0 ss:$0x1], $0xffff;
	[tilespmem:v17+s23+$0x70 ss:$0x1] =	vst.idx.msk $0xffff, v24;
	v27 =	vadd.f32 v20, v19  }
0x474: {  	v28 =	vld.idx.msk [tilespmem:v0+s24+$0x610 ss:$0x1], $0xffff  }
0x475: {  	v29 =	vld.idx.msk [tilespmem:v13+s23+$0x0 ss:$0x1], $0xffff;
	[tilespmem:v17+s22+$0x70 ss:$0x1] =	vst.idx.msk $0xffff, v27  }
0x476: {  	v30 =	vadd.f32 v23, v22;
	v31 =	vld.idx.msk [tilespmem:v0+s24+$0x410 ss:$0x1], $0xffff  }
0x477: {  	v32 =	vld.idx.msk [tilespmem:v13+s22+$0x0 ss:$0x1], $0xffff  }
0x478: {  	[tilespmem:v11+s20+$0x0 ss:$0x1] =	vst.idx.msk $0xffff, v30;
	v33 =	vadd.f32 v26, v25  }
0x479: {  	v34 =	vld.idx.msk [tilespmem:v0+s21+$0x620 ss:$0x1], $0xffff  }
0x47a: {  	v35 =	vld.idx.msk [tilespmem:v13+s20+$0x10 ss:$0x1], $0xffff;
	[tilespmem:v11+s19+$0x0 ss:$0x1] =	vst.idx.msk $0xffff, v33;
	v36 =	vadd.f32 v29, v28  }
0x47b: {  	v37 =	vld.idx.msk [tilespmem:v0+s21+$0x420 ss:$0x1], $0xffff  }
0x47c: {  	v38 =	vld.idx.msk [tilespmem:v13+s19+$0x10 ss:$0x1], $0xffff;
	[tilespmem:v11+s23+$0x0 ss:$0x1] =	vst.idx.msk $0xffff, v36;
	v39 =	vadd.f32 v32, v31  }
0x47d: {  	v40 =	vld.idx.msk [tilespmem:v0+s24+$0x620 ss:$0x1], $0xffff  }
0x47e: {  	v41 =	vld.idx.msk [tilespmem:v13+s23+$0x10 ss:$0x1], $0xffff;
	[tilespmem:v11+s22+$0x0 ss:$0x1] =	vst.idx.msk $0xffff, v39  }
0x47f: {  	v42 =	vadd.f32 v35, v34;
	v43 =	vld.idx.msk [tilespmem:v0+s24+$0x420 ss:$0x1], $0xffff  }
0x480: {  	v44 =	vld.idx.msk [tilespmem:v13+s22+$0x10 ss:$0x1], $0xffff  }
0x481: {  	[tilespmem:v11+s20+$0x10 ss:$0x1] =	vst.idx.msk $0xffff, v42;
	v45 =	vadd.f32 v38, v37  }
0x482: {  	v46 =	vld.idx.msk [tilespmem:v0+s21+$0x690 ss:$0x1], $0xffff  }
0x483: {  	v47 =	vld.idx.msk [tilespmem:v13+s20+$0x20 ss:$0x1], $0xffff;
	[tilespmem:v11+s19+$0x10 ss:$0x1] =	vst.idx.msk $0xffff, v45;
	v48 =	vadd.f32 v41, v40  }
0x484: {  	v49 =	vld.idx.msk [tilespmem:v0+s21+$0x490 ss:$0x1], $0xffff  }
0x485: {  	v50 =	vld.idx.msk [tilespmem:v13+s19+$0x20 ss:$0x1], $0xffff;
	[tilespmem:v11+s23+$0x10 ss:$0x1] =	vst.idx.msk $0xffff, v48;
	v51 =	vadd.f32 v44, v43  }
0x486: {  	v52 =	vld.idx.msk [tilespmem:v0+s24+$0x690 ss:$0x1], $0xffff  }
0x487: {  	v53 =	vld.idx.msk [tilespmem:v13+s23+$0x20 ss:$0x1], $0xffff;
	[tilespmem:v11+s22+$0x10 ss:$0x1] =	vst.idx.msk $0xffff, v51  }
0x488: {  	v54 =	vadd.f32 v47, v46;
	v55 =	vld.idx.msk [tilespmem:v0+s24+$0x490 ss:$0x1], $0xffff  }
0x489: {  	v56 =	vld.idx.msk [tilespmem:v13+s22+$0x20 ss:$0x1], $0xffff  }
0x48a: {  	[tilespmem:v11+s20+$0x20 ss:$0x1] =	vst.idx.msk $0xffff, v54;
	v57 =	vadd.f32 v50, v49  }
0x48b: {  	v58 =	vld.idx.msk [tilespmem:v0+s21+$0x6A0 ss:$0x1], $0xffff  }
0x48c: {  	v59 =	vld.idx.msk [tilespmem:v13+s20+$0x30 ss:$0x1], $0xffff;
	[tilespmem:v11+s19+$0x20 ss:$0x1] =	vst.idx.msk $0xffff, v57;
	v60 =	vadd.f32 v53, v52  }
0x48d: {  	v61 =	vld.idx.msk [tilespmem:v0+s21+$0x4A0 ss:$0x1], $0xffff  }
0x48e: {  	v62 =	vld.idx.msk [tilespmem:v13+s19+$0x30 ss:$0x1], $0xffff;
	[tilespmem:v11+s23+$0x20 ss:$0x1] =	vst.idx.msk $0xffff, v60;
	v63 =	vadd.f32 v56, v55  }
0x48f: {  	v9 =	vld.idx.msk [tilespmem:v0+s24+$0x6A0 ss:$0x1], $0xffff  }
0x490: {  	v10 =	vld.idx.msk [tilespmem:v13+s23+$0x30 ss:$0x1], $0xffff;
	[tilespmem:v11+s22+$0x20 ss:$0x1] =	vst.idx.msk $0xffff, v63  }
0x491: {  	v12 =	vadd.f32 v59, v58;
	v14 =	vld.idx.msk [tilespmem:v0+s24+$0x4A0 ss:$0x1], $0xffff  }
0x492: {  	v15 =	vld.idx.msk [tilespmem:v13+s22+$0x30 ss:$0x1], $0xffff  }
0x493: {  	[tilespmem:v11+s20+$0x30 ss:$0x1] =	vst.idx.msk $0xffff, v12;
	v16 =	vadd.f32 v62, v61  }
0x494: {  	v18 =	vld.idx.msk [tilespmem:v13+s20+$0x40 ss:$0x1], $0xffff  }
0x495: {  	v17 =	vld.idx.msk [tilespmem:v0+s21+$0x710 ss:$0x1], $0xffff;
	[tilespmem:v11+s19+$0x30 ss:$0x1] =	vst.idx.msk $0xffff, v16;
	v19 =	vadd.f32 v10, v9  }
0x496: {  	v20 =	vld.idx.msk [tilespmem:v0+s21+$0x510 ss:$0x1], $0xffff  }
0x497: {  	v21 =	vld.idx.msk [tilespmem:v13+s19+$0x40 ss:$0x1], $0xffff;
	[tilespmem:v11+s23+$0x30 ss:$0x1] =	vst.idx.msk $0xffff, v19;
	v22 =	vadd.f32 v15, v14  }
0x498: {  	v23 =	vld.idx.msk [tilespmem:v0+s24+$0x710 ss:$0x1], $0xffff  }
0x499: {  	v24 =	vld.idx.msk [tilespmem:v13+s23+$0x40 ss:$0x1], $0xffff;
	[tilespmem:v11+s22+$0x30 ss:$0x1] =	vst.idx.msk $0xffff, v22  }
0x49a: {  	v25 =	vadd.f32 v18, v17;
	v26 =	vld.idx.msk [tilespmem:v0+s24+$0x510 ss:$0x1], $0xffff  }
0x49b: {  	v27 =	vld.idx.msk [tilespmem:v13+s22+$0x40 ss:$0x1], $0xffff  }
0x49c: {  	[tilespmem:v11+s20+$0x40 ss:$0x1] =	vst.idx.msk $0xffff, v25;
	v28 =	vadd.f32 v21, v20  }
0x49d: {  	v29 =	vld.idx.msk [tilespmem:v0+s21+$0x720 ss:$0x1], $0xffff  }
0x49e: {  	v30 =	vld.idx.msk [tilespmem:v13+s20+$0x50 ss:$0x1], $0xffff;
	[tilespmem:v11+s19+$0x40 ss:$0x1] =	vst.idx.msk $0xffff, v28;
	v31 =	vadd.f32 v24, v23  }
0x49f: {  	v32 =	vld.idx.msk [tilespmem:v0+s21+$0x520 ss:$0x1], $0xffff  }
0x4a0: {  	v33 =	vld.idx.msk [tilespmem:v13+s19+$0x50 ss:$0x1], $0xffff;
	[tilespmem:v11+s23+$0x40 ss:$0x1] =	vst.idx.msk $0xffff, v31;
	v34 =	vadd.f32 v27, v26  }
0x4a1: {  	v35 =	vld.idx.msk [tilespmem:v0+s24+$0x720 ss:$0x1], $0xffff  }
0x4a2: {  	v36 =	vld.idx.msk [tilespmem:v13+s23+$0x50 ss:$0x1], $0xffff;
	[tilespmem:v11+s22+$0x40 ss:$0x1] =	vst.idx.msk $0xffff, v34  }
0x4a3: {  	v37 =	vadd.f32 v30, v29;
	v38 =	vld.idx.msk [tilespmem:v0+s24+$0x520 ss:$0x1], $0xffff  }
0x4a4: {  	v39 =	vld.idx.msk [tilespmem:v13+s22+$0x50 ss:$0x1], $0xffff  }
0x4a5: {  	[tilespmem:v11+s20+$0x50 ss:$0x1] =	vst.idx.msk $0xffff, v37;
	v40 =	vadd.f32 v33, v32  }
0x4a6: {  	v41 =	vld.idx.msk [tilespmem:v13+s20+$0x60 ss:$0x1], $0xffff  }
0x4a7: {  	v42 =	vld.idx.msk [tilespmem:v0+s21+$0x790 ss:$0x1], $0xffff;
	[tilespmem:v11+s19+$0x50 ss:$0x1] =	vst.idx.msk $0xffff, v40;
	v43 =	vadd.f32 v36, v35  }
0x4a8: {  	v44 =	vld.idx.msk [tilespmem:v0+s21+$0x590 ss:$0x1], $0xffff  }
0x4a9: {  	v45 =	vld.idx.msk [tilespmem:v13+s19+$0x60 ss:$0x1], $0xffff;
	[tilespmem:v11+s23+$0x50 ss:$0x1] =	vst.idx.msk $0xffff, v43;
	v46 =	vadd.f32 v39, v38  }
0x4aa: {  	v47 =	vld.idx.msk [tilespmem:v13+s23+$0x60 ss:$0x1], $0xffff  }
0x4ab: {  	v48 =	vld.idx.msk [tilespmem:v0+s24+$0x790 ss:$0x1], $0xffff;
	[tilespmem:v11+s22+$0x50 ss:$0x1] =	vst.idx.msk $0xffff, v46  }
0x4ac: {  	v49 =	vadd.f32 v41, v42;
	v50 =	vld.idx.msk [tilespmem:v0+s24+$0x590 ss:$0x1], $0xffff  }
0x4ad: {  	v51 =	vld.idx.msk [tilespmem:v13+s22+$0x60 ss:$0x1], $0xffff  }
0x4ae: {  	[tilespmem:v11+s20+$0x60 ss:$0x1] =	vst.idx.msk $0xffff, v49;
	v52 =	vadd.f32 v45, v44  }
0x4af: {  	v53 =	vld.idx.msk [tilespmem:v0+s21+$0x7A0 ss:$0x1], $0xffff  }
0x4b0: {  	v54 =	vld.idx.msk [tilespmem:v13+s20+$0x70 ss:$0x1], $0xffff;
	[tilespmem:v11+s19+$0x60 ss:$0x1] =	vst.idx.msk $0xffff, v52;
	v55 =	vadd.f32 v47, v48  }
0x4b1: {  	v56 =	vld.idx.msk [tilespmem:v0+s21+$0x5A0 ss:$0x1], $0xffff  }
0x4b2: {  	s26 =	smulhi.u32 $0x66666667, s17;
	v57 =	vld.idx.msk [tilespmem:v13+s19+$0x70 ss:$0x1], $0xffff;
	[tilespmem:v11+s23+$0x60 ss:$0x1] =	vst.idx.msk $0xffff, v55;
	v58 =	vadd.f32 v51, v50  }
0x4b3: {  	v59 =	vld.idx.msk [tilespmem:v0+s24+$0x7A0 ss:$0x1], $0xffff  }
0x4b4: {  	s21 =	sshrl.u32 s26, $0x2;
	v60 =	vld.idx.msk [tilespmem:v13+s23+$0x70 ss:$0x1], $0xffff;
	[tilespmem:v11+s22+$0x60 ss:$0x1] =	vst.idx.msk $0xffff, v58  }
0x4b5: {  	s21 =	smul.u32 $0xA, s21;
	v61 =	vld.idx.msk [tilespmem:v0+s24+$0x5A0 ss:$0x1], $0xffff  }
0x4b6: {  	s28 =	smulhi.u32 $0xCCCCCCCD, s15;
	v1 =	vld.idx.msk [tilespmem:v13+s22+$0x70 ss:$0x1], $0xffff  }
0x4b7: {  	s30 =	sor.u32 s5, s16;
	s29 =	ssub.s32 s17, s21  }
0x4b8: {  	s15 =	sadd.s32 $0x1, s15;
	v2 =	vadd.f32 v54, v53;
	s17 =	smul.u32 $0x7800, s29;
	s24 =	sshll.u32 s28, $0x6  }
0x4b9: {  	p0 =	sne.s32 s15, $0x3C;
	s21 =	smul.u32 $0x4B000, s30;
	v62 =	vadd.f32 v57, v56;
	s24 =	sand.u32 $0xFFFFFC00, s24  }
.Ltmp1:
0x4ba: {  	[tilespmem:v11+s20+$0x70 ss:$0x1] =	vst.idx.msk $0xffff, v2;
	v63 =	vadd.f32 v60, v59;
	s17 =	sadd.s32 s24, s17;
	(pc) =	sbr.rel @p0 .LBB2_2-.Ltmp1, $4  }
0x4bb: {  	[tilespmem:v11+s19+$0x70 ss:$0x1] =	vst.idx.msk $0xffff, v62;
	s17 =	sadd.s32 s21, s17;
	v0 =	vadd.f32 v1, v61  }
0x4bc: {  	[tilespmem:v11+s23+$0x70 ss:$0x1] =	vst.idx.msk $0xffff, v63;
	s17 =	sshrl.u32 s17, $0x3  }
0x4bd: {  	s31 =	sadd.s32 $0x5, s16;
	s17 =	sadd.s32 s6, s17;
	[tilespmem:v11+s22+$0x70 ss:$0x1] =	vst.idx.msk $0xffff, v0  }
0x4be: {  	[hbm4b:s17+s9] =	stream.strided.scatter [tilespmem:s18], [sflag:s31], $0x2800, s10, s9, $0x38;
	[tilespmem:$0xE000] =	vst v63  }
0x4bf: {  	s14 =	sadd.s32 $0x1, s14  }
0x4c0: {  	_ =	swait.ge [sflag:s12], $0x2800;
	p0 =	sne.s32 s14, s8  }
.Ltmp2:
0x4c1: {  	[sflag:s12] =	ssyncset.done $0x0;
	(pc) =	sbr.rel @p0 .LBB2_1-.Ltmp2, $4  }
0x4c2: {  	[sflag:s12] =	ssyncadd.s32 $0xFFFFD800  }
0x4c3: {  	_ =	swait.ge [sflag:s13], $0x2800  }
0x4c4: {  	[sflag:s13] =	ssyncset.done $0x0  }
0x4c5: {  	[sflag:s13] =	ssyncadd.s32 $0xFFFFD800  }
0x4c6: {  	_ =	sfence.sel $0x180000  }
0x4c7: {  	[bflag:$0x0] =	sbarrier.arrive $0xFFFF  }
0x4c8: {  	p0 =	sne.s32 s1, $0x0;
	_ =	strace $0x90000047  }
0x4c9: {  	s0 =	sadd.s32 @!p0 $0x100000, s0;
	[bflag:$0x2] =	sbarrier.arrive $0xFFFF  }
0x4ca: {  	[sflag:s0] =	ssyncadd.tile.s32 @!p0 $0x1;
	_ =	shalt  }
.Lfunc_end2:
_tile_overlayer_lowered:
.L_overlay_start_2:
0x4cb: {  	(tag) =	ssettag $0x2  }
0x4cc: {  	s0 =	rddreg [dreg:$0x0];
	s2 =	stileid.u32  }
0x4cd: {  	s1 =	rddreg [dreg:$0x1];
	p0 =	sne.s32 s2, $0x0  }
0x4ce: {  	s3 =	rddreg [dreg:$0x2];
	[bflag:$0x3] =	sbarrier.arrive $0xFFFF;
	s2 =	simm.s32 @!p0 $0x1C07  }
0x4cf: {  	[timem:s3], [sflag:s2] =	dma.local @!p0 [hbm:s0], s1  }
0x4d0: {  	s0 =	simm.s32 @!p0 $0x7  }
0x4d1: {  	_ =	swait.ge @!p0 [sflag:s0], s1  }
0x4d2: {  	s1 =	ssub.s32 @!p0 $0x0, s1;
	[sflag:s0] =	ssyncset.done @!p0 $0x0  }
0x4d3: {  	[sflag:s0] =	ssyncadd.s32 @!p0 s1  }
0x4d4: {  	[bflag:$0x3] =	sbarrier.arrive $0xFFFF  }
0x4d5: {  	_ =	shalt  }

</sc_bundles>
